<compile_context>
chip_gen: v7x
topology: tpu7x:2x2x1
jax: 0.10.2.dev20260603
libtpu: 0.0.44.dev20260713+nightly
codegen_flags: <defaults>
</compile_context>

<pallas_src>
import functools

import jax
import jax.numpy as jnp
from jax import lax
from jax.experimental import pallas as pl
from jax.experimental.pallas import tpu as pltpu
from jax.experimental.pallas import tpu_sc as plsc

_L = 16
_NW = 32
_PB = 128
_BW = 512
_G = _BW // _PB
_LN2 = 0.6931471805599453
_SQRT2 = 1.4142135623730951


def _bcast_last(v):
    idx = jnp.full((_L, 1), _L - 1, jnp.int32)
    dn = lax.GatherDimensionNumbers(
        offset_dims=(), collapsed_slice_dims=(0,), start_index_map=(0,))
    return lax.gather(v, idx, dn, (1,),
                      mode=lax.GatherScatterMode.PROMISE_IN_BOUNDS)


def _neg_log_sigmoid(z):
    sig = 1.0 / (1.0 + jnp.exp(-z))
    t = sig + 1e-10
    bits = lax.bitcast_convert_type(t, jnp.int32)
    e = lax.shift_right_arithmetic(bits, 23) - 127
    m = lax.bitcast_convert_type(
        (bits & 0x007FFFFF) | 0x3F800000, jnp.float32)
    big = m > _SQRT2
    m = jnp.where(big, m * 0.5, m)
    ef = e.astype(jnp.float32) + jnp.where(big, 1.0, 0.0)
    s = (m - 1.0) / (m + 1.0)
    s2 = s * s
    logm = 2.0 * s * (1.0 + s2 * (1.0 / 3.0 + s2 * (0.2 + s2 * (1.0 / 7.0 + s2 / 9.0))))
    return -(ef * _LN2 + logm)


def _entity_body(heads_hbm, et_hbm, out_hbm, ih, eblk, hbuf, sem_e0, sem_e1):
    wid = lax.axis_index("s") * 2 + lax.axis_index("c")
    base = wid * _BW
    lanes = lax.iota(jnp.int32, _L)

    pltpu.sync_copy(heads_hbm.at[pl.ds(base, _BW)], ih)

    sems = (sem_e0, sem_e1)

    def fire(b, bank):
        v = ih[pl.ds(b * _L, _L)]
        for jj in range(_L):
            cb = lax.shift_right_logical(v[jj], 7)
            off = pl.multiple_of(cb * 128, 128)
            pltpu.async_copy(et_hbm.at[:, pl.ds(off, 128)],
                             eblk.at[bank * _L + jj], sems[bank])

    def drain(bank):
        for _ in range(_L):
            pltpu.make_async_copy(
                et_hbm.at[:, pl.ds(0, 128)], eblk.at[0], sems[bank]).wait()

    hhalf = _BW // 2

    def consume(b, bank):
        v = ih[pl.ds(b * _L, _L)]
        for jj in range(_L):
            r = v[jj] & 127
            hj = plsc.load_gather(eblk.at[bank * _L + jj],
                                  [lanes, jnp.zeros((_L,), jnp.int32) + r])
            hbuf[pl.ds(((b % (hhalf // _L)) * _L + jj) * _L, _L)] = hj

    n_b = _BW // _L

    fire(0, 0)

    def pair(i2, carry):
        b0 = i2 * 2
        fire(b0 + 1, 1)
        drain(0)
        consume(b0, 0)

        @pl.when(b0 + 2 < n_b)
        def _():
            fire(b0 + 2, 0)

        drain(1)
        consume(b0 + 1, 1)

        @pl.when(i2 == (n_b // 4) - 1)
        def _():
            pltpu.sync_copy(hbuf, out_hbm.at[pl.ds(base * _L, hhalf * _L)])
        return carry

    lax.fori_loop(0, n_b // 2, pair, 0)
    pltpu.sync_copy(
        hbuf, out_hbm.at[pl.ds((base + hhalf) * _L, hhalf * _L)])


def _score_body(pos_hbm, neg_hbm, hrows_hbm, remb_hbm, out_hbm,
                idx_p, idx_n, hbuf, prows, nrows, out_v, sem):
    wid = lax.axis_index("s") * 2 + lax.axis_index("c")
    base = wid * _BW
    lanes = lax.iota(jnp.int32, _L)

    pltpu.sync_copy(pos_hbm.at[wid], idx_p)
    pltpu.sync_copy(neg_hbm.at[wid], idx_n)

    ch = pltpu.async_copy(hrows_hbm.at[pl.ds(base * _L, _BW * _L)], hbuf, sem)
    half = _BW // 2
    nkh = _G // 2

    def fire_half(h):
        cps = []
        for k in range(nkh):
            dst = pl.ds(k * _PB, _PB)
            cps.append(pltpu.async_copy(
                remb_hbm.at[idx_p.at[h * nkh + k]], prows.at[dst], sem))
            cps.append(pltpu.async_copy(
                remb_hbm.at[idx_n.at[h * nkh + k]], nrows.at[dst], sem))
        return cps

    cps = fire_half(0)
    ch.wait()
    for c in cps:
        c.wait()

    acc = jnp.zeros((_L,), jnp.float32)
    for h in range(2):
        def step(g, acc, _h=h):
            z = jnp.zeros((_L,), jnp.float32)
            for jj in range(_L):
                r = g * _L + jj
                hj = hbuf[pl.ds((_h * half + r) * _L, _L)]
                tot = _bcast_last(plsc.cumsum(hj * (prows[r] - nrows[r])))
                z = jnp.where(lanes == jj, tot, z)
            return acc + _neg_log_sigmoid(z)

        acc = lax.fori_loop(0, half // _L, step, acc)
        if h == 0:
            cps = fire_half(1)
            for c in cps:
                c.wait()
    out_v[...] = acc
    pltpu.sync_copy(out_v, out_hbm.at[wid])


def _tc_mean(x_ref, o_ref, *, inv_b):
    o_ref[0, 0] = jnp.sum(x_ref[...]) * inv_b


def kernel(heads, pos_rels, neg_rels, entity_emb, relation_emb):
    b = heads.shape[0]
    assert b == _NW * _BW

    ih = heads.astype(jnp.int32)
    p3 = pos_rels.astype(jnp.int32).reshape(_NW, _G, _PB)
    n3 = neg_rels.astype(jnp.int32).reshape(_NW, _G, _PB)
    et = entity_emb.T
    remb = relation_emb.astype(jnp.float32)

    mesh = plsc.VectorSubcoreMesh(core_axis_name="c", subcore_axis_name="s")

    entity_k = pl.kernel(
        _entity_body,
        out_type=jax.ShapeDtypeStruct((b * _L,), jnp.float32),
        mesh=mesh,
        compiler_params=pltpu.CompilerParams(needs_layout_passes=False),
        scratch_types=[
            pltpu.VMEM((_BW,), jnp.int32),
            pltpu.VMEM((2 * _L, _L, 128), jnp.float32),
            pltpu.VMEM((_BW * _L // 2,), jnp.float32),
            pltpu.SemaphoreType.DMA,
            pltpu.SemaphoreType.DMA,
        ],
    )
    hrows = entity_k(ih, et)

    score_k = pl.kernel(
        _score_body,
        out_type=jax.ShapeDtypeStruct((_NW, _L), jnp.float32),
        mesh=mesh,
        compiler_params=pltpu.CompilerParams(
            needs_layout_passes=False, use_tc_tiling_on_sc=False),
        scratch_types=[
            pltpu.VMEM((_G, _PB), jnp.int32),
            pltpu.VMEM((_G, _PB), jnp.int32),
            pltpu.VMEM((_BW * _L,), jnp.float32),
            pltpu.VMEM((_BW // 2, _L), jnp.float32),
            pltpu.VMEM((_BW // 2, _L), jnp.float32),
            pltpu.VMEM((_L,), jnp.float32),
            pltpu.SemaphoreType.DMA,
        ],
    )
    partials = score_k(p3, n3, hrows, remb)

    loss = pl.pallas_call(
        functools.partial(_tc_mean, inv_b=1.0 / b),
        out_shape=jax.ShapeDtypeStruct((1, 1), jnp.float32),
        out_specs=pl.BlockSpec(memory_space=pltpu.SMEM),
    )(partials)
    return loss[0, 0]

# --- scband reference (transcript-rebuilt; emitter-appended) ---
"""Pipeline reference for scband-bprmodel-23029614641511 (READ-ONLY COPY).

The authoritative reference and input builder live on the scoring server;
editing this copy changes nothing except your own understanding.
"""

import jax, jax.numpy as jnp
import numpy as np


def setup_inputs(seed: int = 0) -> dict:
    key = jax.random.key(seed)
    k1, k2, k3, k4, k5 = jax.random.split(key, 5)
    num_entities = 1000000
    num_relations = 100000
    d = 16
    B = 16384
    heads = jax.random.randint(k1, (B,), 0, num_entities)
    pos_rels = jax.random.randint(k2, (B,), 0, num_relations)
    neg_rels = jax.random.randint(k3, (B,), 0, num_relations)
    lim_e = float(np.sqrt(6.0 / (num_entities + d)))
    entity_emb = jax.random.uniform(k4, (num_entities, d), minval=-lim_e, maxval=lim_e, dtype=jnp.float32)
    lim_r = float(np.sqrt(6.0 / (num_relations + d)))
    relation_emb = jax.random.uniform(k5, (num_relations, d), minval=-lim_r, maxval=lim_r, dtype=jnp.float32)
    return {"heads": heads, "pos_rels": pos_rels, "neg_rels": neg_rels, "entity_emb": entity_emb, "relation_emb": relation_emb}


def reference(heads, pos_rels, neg_rels, entity_emb, relation_emb):
    # score(h, r) = E[h] . R[r]
    h = jnp.take(entity_emb, heads, axis=0)
    s_pos = (h * jnp.take(relation_emb, pos_rels, axis=0)).sum(axis=-1)
    s_neg = (h * jnp.take(relation_emb, neg_rels, axis=0)).sum(axis=-1)
    # BPR loss
    return -jnp.log(jax.nn.sigmoid(s_pos - s_neg) + 1e-10).mean()

if __name__ == "__main__":
    import jax
    _d = setup_inputs()
    print(jax.jit(kernel)(*tuple(_d.values())))

</pallas_src>

<mosaic_0001>
#map = affine_map<(d0, d1) -> (0, 0, 0)>
#map1 = affine_map<(d0, d1) -> (0)>
#map2 = affine_map<(d0, d1) -> (0, 0)>
module attributes {stable_mosaic.version = 14 : i64} {
  func.func @_score_body(%arg0: i32, %arg1: i32, %arg2: memref<32x4x128xi32, #tpu.memory_space<hbm>>, %arg3: memref<32x4x128xi32, #tpu.memory_space<hbm>>, %arg4: memref<262144xf32, #tpu.memory_space<hbm>>, %arg5: memref<100000x16xf32, #tpu.memory_space<hbm>>, %arg6: memref<32x16xf32, #tpu.memory_space<hbm>>, %arg7: memref<4x128xi32, #tpu.memory_space<vmem>>, %arg8: memref<4x128xi32, #tpu.memory_space<vmem>>, %arg9: memref<8192xf32, #tpu.memory_space<vmem>>, %arg10: memref<256x16xf32, #tpu.memory_space<vmem>>, %arg11: memref<256x16xf32, #tpu.memory_space<vmem>>, %arg12: memref<16xf32, #tpu.memory_space<vmem>>, %arg13: memref<!tpu.dma_semaphore, #tpu.memory_space<semaphore_mem>>) attributes {dimension_semantics = [#tpu.dimension_semantics<core_parallel>, #tpu.dimension_semantics<subcore_parallel>], iteration_bounds = array<i64: 2, 16>, scalar_prefetch = 0 : i64, scratch_operands = 7 : i64, tpu.core_type = #tpu.core_type<sc_vector_subcore>, window_params = [{transform_indices = #map}, {transform_indices = #map}, {transform_indices = #map1}, {transform_indices = #map2}, {transform_indices = #map2}]} {
    %mul3A = arith.constant 2 : i32
    %mul3A_0 = arith.muli %arg1, %mul3A : i32
    %add3A = arith.addi %mul3A_0, %arg0 : i32
    %mul3A_1 = arith.constant 512 : i32
    %mul3A_2 = arith.muli %add3A, %mul3A_1 : i32
    %iota3A = tpu.iota {dimensions = array<i32: 0>} : vector<16xi32>
    "tpu.region"() ({
      %run_scoped3A = tpu.sem_alloc : memref<!tpu.dma_semaphore, #tpu.memory_space<semaphore_mem>>
      %dma_start3A_180 = arith.constant 0 : i32
      %dma_start3A_181 = arith.constant 0 : i32
      %dma_start3A_182 = tpu.memref_slice %arg2[%add3A, %dma_start3A_180, %dma_start3A_181] : memref<32x4x128xi32, #tpu.memory_space<hbm>> -> memref<1x4x128xi32, #tpu.memory_space<hbm>>
      %dma_start3A_183 = tpu.memref_squeeze %dma_start3A_182 : memref<1x4x128xi32, #tpu.memory_space<hbm>> -> memref<4x128xi32, #tpu.memory_space<hbm>>
      %dma_start3A_184 = arith.constant 0 : i32
      %dma_start3A_185 = arith.constant 0 : i32
      %dma_start3A_186 = tpu.memref_slice %arg2[%add3A, %dma_start3A_184, %dma_start3A_185] : memref<32x4x128xi32, #tpu.memory_space<hbm>> -> memref<1x4x128xi32, #tpu.memory_space<hbm>>
      %dma_start3A_187 = tpu.memref_squeeze %dma_start3A_186 : memref<1x4x128xi32, #tpu.memory_space<hbm>> -> memref<4x128xi32, #tpu.memory_space<hbm>>
      tpu.enqueue_dma source(%dma_start3A_187 : memref<4x128xi32, #tpu.memory_space<hbm>>) target(%arg7 : memref<4x128xi32, #tpu.memory_space<vmem>>) target_semaphore(%run_scoped3A : memref<!tpu.dma_semaphore, #tpu.memory_space<semaphore_mem>>)
      %dma_wait3A_188 = arith.constant 0 : i32
      %dma_wait3A_189 = arith.constant 0 : i32
      %dma_wait3A_190 = tpu.memref_slice %arg2[%add3A, %dma_wait3A_188, %dma_wait3A_189] : memref<32x4x128xi32, #tpu.memory_space<hbm>> -> memref<1x4x128xi32, #tpu.memory_space<hbm>>
      %dma_wait3A_191 = tpu.memref_squeeze %dma_wait3A_190 : memref<1x4x128xi32, #tpu.memory_space<hbm>> -> memref<4x128xi32, #tpu.memory_space<hbm>>
      %dma_wait3A_192 = arith.constant 0 : i32
      %dma_wait3A_193 = arith.constant 0 : i32
      %dma_wait3A_194 = tpu.memref_slice %arg2[%add3A, %dma_wait3A_192, %dma_wait3A_193] : memref<32x4x128xi32, #tpu.memory_space<hbm>> -> memref<1x4x128xi32, #tpu.memory_space<hbm>>
      %dma_wait3A_195 = tpu.memref_squeeze %dma_wait3A_194 : memref<1x4x128xi32, #tpu.memory_space<hbm>> -> memref<4x128xi32, #tpu.memory_space<hbm>>
      tpu.wait_dma2 semaphore(%run_scoped3A : memref<!tpu.dma_semaphore, #tpu.memory_space<semaphore_mem>>) src(%dma_wait3A_195 : memref<4x128xi32, #tpu.memory_space<hbm>>) dst(%arg7 : memref<4x128xi32, #tpu.memory_space<vmem>>)
      tpu.yield
    }) : () -> ()
    "tpu.region"() ({
      %run_scoped3A = tpu.sem_alloc : memref<!tpu.dma_semaphore, #tpu.memory_space<semaphore_mem>>
      %dma_start3A_180 = arith.constant 0 : i32
      %dma_start3A_181 = arith.constant 0 : i32
      %dma_start3A_182 = tpu.memref_slice %arg3[%add3A, %dma_start3A_180, %dma_start3A_181] : memref<32x4x128xi32, #tpu.memory_space<hbm>> -> memref<1x4x128xi32, #tpu.memory_space<hbm>>
      %dma_start3A_183 = tpu.memref_squeeze %dma_start3A_182 : memref<1x4x128xi32, #tpu.memory_space<hbm>> -> memref<4x128xi32, #tpu.memory_space<hbm>>
      %dma_start3A_184 = arith.constant 0 : i32
      %dma_start3A_185 = arith.constant 0 : i32
      %dma_start3A_186 = tpu.memref_slice %arg3[%add3A, %dma_start3A_184, %dma_start3A_185] : memref<32x4x128xi32, #tpu.memory_space<hbm>> -> memref<1x4x128xi32, #tpu.memory_space<hbm>>
      %dma_start3A_187 = tpu.memref_squeeze %dma_start3A_186 : memref<1x4x128xi32, #tpu.memory_space<hbm>> -> memref<4x128xi32, #tpu.memory_space<hbm>>
      tpu.enqueue_dma source(%dma_start3A_187 : memref<4x128xi32, #tpu.memory_space<hbm>>) target(%arg8 : memref<4x128xi32, #tpu.memory_space<vmem>>) target_semaphore(%run_scoped3A : memref<!tpu.dma_semaphore, #tpu.memory_space<semaphore_mem>>)
      %dma_wait3A_188 = arith.constant 0 : i32
      %dma_wait3A_189 = arith.constant 0 : i32
      %dma_wait3A_190 = tpu.memref_slice %arg3[%add3A, %dma_wait3A_188, %dma_wait3A_189] : memref<32x4x128xi32, #tpu.memory_space<hbm>> -> memref<1x4x128xi32, #tpu.memory_space<hbm>>
      %dma_wait3A_191 = tpu.memref_squeeze %dma_wait3A_190 : memref<1x4x128xi32, #tpu.memory_space<hbm>> -> memref<4x128xi32, #tpu.memory_space<hbm>>
      %dma_wait3A_192 = arith.constant 0 : i32
      %dma_wait3A_193 = arith.constant 0 : i32
      %dma_wait3A_194 = tpu.memref_slice %arg3[%add3A, %dma_wait3A_192, %dma_wait3A_193] : memref<32x4x128xi32, #tpu.memory_space<hbm>> -> memref<1x4x128xi32, #tpu.memory_space<hbm>>
      %dma_wait3A_195 = tpu.memref_squeeze %dma_wait3A_194 : memref<1x4x128xi32, #tpu.memory_space<hbm>> -> memref<4x128xi32, #tpu.memory_space<hbm>>
      tpu.wait_dma2 semaphore(%run_scoped3A : memref<!tpu.dma_semaphore, #tpu.memory_space<semaphore_mem>>) src(%dma_wait3A_195 : memref<4x128xi32, #tpu.memory_space<hbm>>) dst(%arg8 : memref<4x128xi32, #tpu.memory_space<vmem>>)
      tpu.yield
    }) : () -> ()
    %mul3A_3 = arith.constant 16 : i32
    %mul3A_4 = arith.muli %mul3A_2, %mul3A_3 : i32
    %dma_start3A = tpu.memref_slice %arg4[%mul3A_4] : memref<262144xf32, #tpu.memory_space<hbm>> -> memref<8192xf32, #tpu.memory_space<hbm>>
    %dma_start3A_5 = tpu.memref_slice %arg4[%mul3A_4] : memref<262144xf32, #tpu.memory_space<hbm>> -> memref<8192xf32, #tpu.memory_space<hbm>>
    tpu.enqueue_dma source(%dma_start3A_5 : memref<8192xf32, #tpu.memory_space<hbm>>) target(%arg9 : memref<8192xf32, #tpu.memory_space<vmem>>) target_semaphore(%arg13 : memref<!tpu.dma_semaphore, #tpu.memory_space<semaphore_mem>>)
    %dma_start3A_6 = arith.constant 0 : i32
    %dma_start3A_7 = arith.constant 0 : i32
    %dma_start3A_8 = arith.constant 0 : i32
    %dma_start3A_9 = tpu.memref_slice %arg10[%dma_start3A_7, %dma_start3A_8] : memref<256x16xf32, #tpu.memory_space<vmem>> -> memref<128x16xf32, #tpu.memory_space<vmem>>
    %dma_start3A_10 = arith.constant 0 : i32
    %dma_start3A_11 = tpu.memref_slice %arg7[%dma_start3A_6, %dma_start3A_10] : memref<4x128xi32, #tpu.memory_space<vmem>> -> memref<1x128xi32, #tpu.memory_space<vmem>>
    %dma_start3A_12 = tpu.memref_squeeze %dma_start3A_11 : memref<1x128xi32, #tpu.memory_space<vmem>> -> memref<128xi32, #tpu.memory_space<vmem>>
    %dma_start3A_13 = arith.constant 0 : i32
    %dma_start3A_14 = arith.constant 0 : i32
    %dma_start3A_15 = tpu.memref_slice %arg5[%dma_start3A_13, %dma_start3A_14] : memref<100000x16xf32, #tpu.memory_space<hbm>> -> memref<100000x16xf32, #tpu.memory_space<hbm>>
    tpu.enqueue_indirect_dma source(%dma_start3A_15 : memref<100000x16xf32, #tpu.memory_space<hbm>>) target(%dma_start3A_9 : memref<128x16xf32, #tpu.memory_space<vmem>>) offsets(%dma_start3A_12 : memref<128xi32, #tpu.memory_space<vmem>>) semaphore(%arg13 : memref<!tpu.dma_semaphore, #tpu.memory_space<semaphore_mem>>)
    %dma_start3A_16 = arith.constant 0 : i32
    %dma_start3A_17 = arith.constant 0 : i32
    %dma_start3A_18 = arith.constant 0 : i32
    %dma_start3A_19 = tpu.memref_slice %arg11[%dma_start3A_17, %dma_start3A_18] : memref<256x16xf32, #tpu.memory_space<vmem>> -> memref<128x16xf32, #tpu.memory_space<vmem>>
    %dma_start3A_20 = arith.constant 0 : i32
    %dma_start3A_21 = tpu.memref_slice %arg8[%dma_start3A_16, %dma_start3A_20] : memref<4x128xi32, #tpu.memory_space<vmem>> -> memref<1x128xi32, #tpu.memory_space<vmem>>
    %dma_start3A_22 = tpu.memref_squeeze %dma_start3A_21 : memref<1x128xi32, #tpu.memory_space<vmem>> -> memref<128xi32, #tpu.memory_space<vmem>>
    %dma_start3A_23 = arith.constant 0 : i32
    %dma_start3A_24 = arith.constant 0 : i32
    %dma_start3A_25 = tpu.memref_slice %arg5[%dma_start3A_23, %dma_start3A_24] : memref<100000x16xf32, #tpu.memory_space<hbm>> -> memref<100000x16xf32, #tpu.memory_space<hbm>>
    tpu.enqueue_indirect_dma source(%dma_start3A_25 : memref<100000x16xf32, #tpu.memory_space<hbm>>) target(%dma_start3A_19 : memref<128x16xf32, #tpu.memory_space<vmem>>) offsets(%dma_start3A_22 : memref<128xi32, #tpu.memory_space<vmem>>) semaphore(%arg13 : memref<!tpu.dma_semaphore, #tpu.memory_space<semaphore_mem>>)
    %dma_start3A_26 = arith.constant 1 : i32
    %dma_start3A_27 = arith.constant 128 : i32
    %dma_start3A_28 = arith.constant 0 : i32
    %dma_start3A_29 = tpu.memref_slice %arg10[%dma_start3A_27, %dma_start3A_28] : memref<256x16xf32, #tpu.memory_space<vmem>> -> memref<128x16xf32, #tpu.memory_space<vmem>>
    %dma_start3A_30 = arith.constant 0 : i32
    %dma_start3A_31 = tpu.memref_slice %arg7[%dma_start3A_26, %dma_start3A_30] : memref<4x128xi32, #tpu.memory_space<vmem>> -> memref<1x128xi32, #tpu.memory_space<vmem>>
    %dma_start3A_32 = tpu.memref_squeeze %dma_start3A_31 : memref<1x128xi32, #tpu.memory_space<vmem>> -> memref<128xi32, #tpu.memory_space<vmem>>
    %dma_start3A_33 = arith.constant 0 : i32
    %dma_start3A_34 = arith.constant 0 : i32
    %dma_start3A_35 = tpu.memref_slice %arg5[%dma_start3A_33, %dma_start3A_34] : memref<100000x16xf32, #tpu.memory_space<hbm>> -> memref<100000x16xf32, #tpu.memory_space<hbm>>
    tpu.enqueue_indirect_dma source(%dma_start3A_35 : memref<100000x16xf32, #tpu.memory_space<hbm>>) target(%dma_start3A_29 : memref<128x16xf32, #tpu.memory_space<vmem>>) offsets(%dma_start3A_32 : memref<128xi32, #tpu.memory_space<vmem>>) semaphore(%arg13 : memref<!tpu.dma_semaphore, #tpu.memory_space<semaphore_mem>>)
    %dma_start3A_36 = arith.constant 1 : i32
    %dma_start3A_37 = arith.constant 128 : i32
    %dma_start3A_38 = arith.constant 0 : i32
    %dma_start3A_39 = tpu.memref_slice %arg11[%dma_start3A_37, %dma_start3A_38] : memref<256x16xf32, #tpu.memory_space<vmem>> -> memref<128x16xf32, #tpu.memory_space<vmem>>
    %dma_start3A_40 = arith.constant 0 : i32
    %dma_start3A_41 = tpu.memref_slice %arg8[%dma_start3A_36, %dma_start3A_40] : memref<4x128xi32, #tpu.memory_space<vmem>> -> memref<1x128xi32, #tpu.memory_space<vmem>>
    %dma_start3A_42 = tpu.memref_squeeze %dma_start3A_41 : memref<1x128xi32, #tpu.memory_space<vmem>> -> memref<128xi32, #tpu.memory_space<vmem>>
    %dma_start3A_43 = arith.constant 0 : i32
    %dma_start3A_44 = arith.constant 0 : i32
    %dma_start3A_45 = tpu.memref_slice %arg5[%dma_start3A_43, %dma_start3A_44] : memref<100000x16xf32, #tpu.memory_space<hbm>> -> memref<100000x16xf32, #tpu.memory_space<hbm>>
    tpu.enqueue_indirect_dma source(%dma_start3A_45 : memref<100000x16xf32, #tpu.memory_space<hbm>>) target(%dma_start3A_39 : memref<128x16xf32, #tpu.memory_space<vmem>>) offsets(%dma_start3A_42 : memref<128xi32, #tpu.memory_space<vmem>>) semaphore(%arg13 : memref<!tpu.dma_semaphore, #tpu.memory_space<semaphore_mem>>)
    %dma_wait3A = tpu.memref_slice %arg4[%mul3A_4] : memref<262144xf32, #tpu.memory_space<hbm>> -> memref<8192xf32, #tpu.memory_space<hbm>>
    %dma_wait3A_46 = tpu.memref_slice %arg4[%mul3A_4] : memref<262144xf32, #tpu.memory_space<hbm>> -> memref<8192xf32, #tpu.memory_space<hbm>>
    tpu.wait_dma2 semaphore(%arg13 : memref<!tpu.dma_semaphore, #tpu.memory_space<semaphore_mem>>) src(%dma_wait3A_46 : memref<8192xf32, #tpu.memory_space<hbm>>) dst(%arg9 : memref<8192xf32, #tpu.memory_space<vmem>>)
    %dma_wait3A_47 = arith.constant 0 : i32
    %dma_wait3A_48 = arith.constant 0 : i32
    %dma_wait3A_49 = arith.constant 0 : i32
    %dma_wait3A_50 = tpu.memref_slice %arg10[%dma_wait3A_48, %dma_wait3A_49] : memref<256x16xf32, #tpu.memory_space<vmem>> -> memref<128x16xf32, #tpu.memory_space<vmem>>
    %dma_wait3A_51 = arith.constant 0 : i32
    %dma_wait3A_52 = tpu.memref_slice %arg7[%dma_wait3A_47, %dma_wait3A_51] : memref<4x128xi32, #tpu.memory_space<vmem>> -> memref<1x128xi32, #tpu.memory_space<vmem>>
    %dma_wait3A_53 = tpu.memref_squeeze %dma_wait3A_52 : memref<1x128xi32, #tpu.memory_space<vmem>> -> memref<128xi32, #tpu.memory_space<vmem>>
    %dma_wait3A_54 = arith.constant 0 : i32
    %dma_wait3A_55 = arith.constant 0 : i32
    %dma_wait3A_56 = tpu.memref_slice %arg5[%dma_wait3A_54, %dma_wait3A_55] : memref<100000x16xf32, #tpu.memory_space<hbm>> -> memref<100000x16xf32, #tpu.memory_space<hbm>>
    tpu.wait_indirect_dma semaphore(%arg13 : memref<!tpu.dma_semaphore, #tpu.memory_space<semaphore_mem>>) src(%dma_wait3A_56 : memref<100000x16xf32, #tpu.memory_space<hbm>>) dst(%dma_wait3A_50 : memref<128x16xf32, #tpu.memory_space<vmem>>)
    %dma_wait3A_57 = arith.constant 0 : i32
    %dma_wait3A_58 = arith.constant 0 : i32
    %dma_wait3A_59 = arith.constant 0 : i32
    %dma_wait3A_60 = tpu.memref_slice %arg11[%dma_wait3A_58, %dma_wait3A_59] : memref<256x16xf32, #tpu.memory_space<vmem>> -> memref<128x16xf32, #tpu.memory_space<vmem>>
    %dma_wait3A_61 = arith.constant 0 : i32
    %dma_wait3A_62 = tpu.memref_slice %arg8[%dma_wait3A_57, %dma_wait3A_61] : memref<4x128xi32, #tpu.memory_space<vmem>> -> memref<1x128xi32, #tpu.memory_space<vmem>>
    %dma_wait3A_63 = tpu.memref_squeeze %dma_wait3A_62 : memref<1x128xi32, #tpu.memory_space<vmem>> -> memref<128xi32, #tpu.memory_space<vmem>>
    %dma_wait3A_64 = arith.constant 0 : i32
    %dma_wait3A_65 = arith.constant 0 : i32
    %dma_wait3A_66 = tpu.memref_slice %arg5[%dma_wait3A_64, %dma_wait3A_65] : memref<100000x16xf32, #tpu.memory_space<hbm>> -> memref<100000x16xf32, #tpu.memory_space<hbm>>
    tpu.wait_indirect_dma semaphore(%arg13 : memref<!tpu.dma_semaphore, #tpu.memory_space<semaphore_mem>>) src(%dma_wait3A_66 : memref<100000x16xf32, #tpu.memory_space<hbm>>) dst(%dma_wait3A_60 : memref<128x16xf32, #tpu.memory_space<vmem>>)
    %dma_wait3A_67 = arith.constant 1 : i32
    %dma_wait3A_68 = arith.constant 128 : i32
    %dma_wait3A_69 = arith.constant 0 : i32
    %dma_wait3A_70 = tpu.memref_slice %arg10[%dma_wait3A_68, %dma_wait3A_69] : memref<256x16xf32, #tpu.memory_space<vmem>> -> memref<128x16xf32, #tpu.memory_space<vmem>>
    %dma_wait3A_71 = arith.constant 0 : i32
    %dma_wait3A_72 = tpu.memref_slice %arg7[%dma_wait3A_67, %dma_wait3A_71] : memref<4x128xi32, #tpu.memory_space<vmem>> -> memref<1x128xi32, #tpu.memory_space<vmem>>
    %dma_wait3A_73 = tpu.memref_squeeze %dma_wait3A_72 : memref<1x128xi32, #tpu.memory_space<vmem>> -> memref<128xi32, #tpu.memory_space<vmem>>
    %dma_wait3A_74 = arith.constant 0 : i32
    %dma_wait3A_75 = arith.constant 0 : i32
    %dma_wait3A_76 = tpu.memref_slice %arg5[%dma_wait3A_74, %dma_wait3A_75] : memref<100000x16xf32, #tpu.memory_space<hbm>> -> memref<100000x16xf32, #tpu.memory_space<hbm>>
    tpu.wait_indirect_dma semaphore(%arg13 : memref<!tpu.dma_semaphore, #tpu.memory_space<semaphore_mem>>) src(%dma_wait3A_76 : memref<100000x16xf32, #tpu.memory_space<hbm>>) dst(%dma_wait3A_70 : memref<128x16xf32, #tpu.memory_space<vmem>>)
    %dma_wait3A_77 = arith.constant 1 : i32
    %dma_wait3A_78 = arith.constant 128 : i32
    %dma_wait3A_79 = arith.constant 0 : i32
    %dma_wait3A_80 = tpu.memref_slice %arg11[%dma_wait3A_78, %dma_wait3A_79] : memref<256x16xf32, #tpu.memory_space<vmem>> -> memref<128x16xf32, #tpu.memory_space<vmem>>
    %dma_wait3A_81 = arith.constant 0 : i32
    %dma_wait3A_82 = tpu.memref_slice %arg8[%dma_wait3A_77, %dma_wait3A_81] : memref<4x128xi32, #tpu.memory_space<vmem>> -> memref<1x128xi32, #tpu.memory_space<vmem>>
    %dma_wait3A_83 = tpu.memref_squeeze %dma_wait3A_82 : memref<1x128xi32, #tpu.memory_space<vmem>> -> memref<128xi32, #tpu.memory_space<vmem>>
    %dma_wait3A_84 = arith.constant 0 : i32
    %dma_wait3A_85 = arith.constant 0 : i32
    %dma_wait3A_86 = tpu.memref_slice %arg5[%dma_wait3A_84, %dma_wait3A_85] : memref<100000x16xf32, #tpu.memory_space<hbm>> -> memref<100000x16xf32, #tpu.memory_space<hbm>>
    tpu.wait_indirect_dma semaphore(%arg13 : memref<!tpu.dma_semaphore, #tpu.memory_space<semaphore_mem>>) src(%dma_wait3A_86 : memref<100000x16xf32, #tpu.memory_space<hbm>>) dst(%dma_wait3A_80 : memref<128x16xf32, #tpu.memory_space<vmem>>)
    %broadcast_in_dim3A = arith.constant 0.000000e+00 : f32
    %broadcast_in_dim3A_87 = vector.broadcast %broadcast_in_dim3A : f32 to vector<16xf32>
    %scan3A = arith.constant 0 : i32
    %scan3A_88 = arith.constant 16 : i32
    %scan3A_89 = arith.addi %scan3A, %scan3A_88 : i32
    %scan3A_90 = arith.constant 1 : i32
    %scan3A_91 = scf.for %scan3A_180 = %scan3A to %scan3A_89 step %scan3A_90 iter_args(%scan3A_181 = %broadcast_in_dim3A_87) -> (vector<16xf32>)  : i32 {
      %broadcast_in_dim3A_182 = arith.constant 0.000000e+00 : f32
      %broadcast_in_dim3A_183 = vector.broadcast %broadcast_in_dim3A_182 : f32 to vector<16xf32>
      %mul3A_184 = arith.constant 16 : i32
      %mul3A_185 = arith.muli %scan3A_180, %mul3A_184 : i32
      %add3A_186 = arith.constant 0 : i32
      %add3A_187 = arith.addi %mul3A_185, %add3A_186 : i32
      %add3A_188 = arith.constant 0 : i32
      %add3A_189 = arith.addi %add3A_188, %add3A_187 : i32
      %mul3A_190 = arith.constant 16 : i32
      %mul3A_191 = arith.muli %add3A_189, %mul3A_190 : i32
      %get3A = arith.index_cast %mul3A_191 : i32 to index
      %get3A_192 = tpu.vector_load %arg9[%get3A] {strides = array<i32>} : memref<8192xf32, #tpu.memory_space<vmem>>, vector<16xf32>,
      %get3A_193 = arith.index_cast %add3A_187 : i32 to index
      %get3A_194 = arith.constant 0 : index
      %get3A_195 = tpu.vector_load %arg10[%get3A_193, %get3A_194] {strides = array<i32>} : memref<256x16xf32, #tpu.memory_space<vmem>>, vector<16xf32>,
      %get3A_196 = arith.index_cast %add3A_187 : i32 to index
      %get3A_197 = arith.constant 0 : index
      %get3A_198 = tpu.vector_load %arg11[%get3A_196, %get3A_197] {strides = array<i32>} : memref<256x16xf32, #tpu.memory_space<vmem>>, vector<16xf32>,
      %sub3A = arith.subf %get3A_195, %get3A_198 : vector<16xf32>
      %mul3A_199 = arith.mulf %get3A_192, %sub3A : vector<16xf32>
      %broadcast_in_dim3A_200 = arith.constant true
      %broadcast_in_dim3A_201 = vector.broadcast %broadcast_in_dim3A_200 : i1 to vector<16xi1>
      %masked_cumsum3A = tpu.scan <sum>, %mul3A_199 masked %broadcast_in_dim3A_201 : vector<16xf32>, vector<16xi1> -> vector<16xf32>
      %broadcast_in_dim3A_202 = arith.constant 15 : i32
      %broadcast_in_dim3A_203 = vector.broadcast %broadcast_in_dim3A_202 : i32 to vector<16x1xi32>
      %gather3A = vector.shape_cast %broadcast_in_dim3A_203 : vector<16x1xi32> to vector<16xi32>
      %gather3A_204 = tpu.dynamic_gather %masked_cumsum3A[%gather3A] in [0] : vector<16xf32>, vector<16xi32> -> vector<16xf32>
      %eq3A = arith.constant 0 : i32
      %eq3A_205 = vector.broadcast %eq3A : i32 to vector<16xi32>
      %eq3A_206 = arith.cmpi eq, %iota3A, %eq3A_205 : vector<16xi32>
      %select_n3A = arith.select %eq3A_206, %gather3A_204, %broadcast_in_dim3A_183 : vector<16xi1>, vector<16xf32>
      %mul3A_207 = arith.constant 16 : i32
      %mul3A_208 = arith.muli %scan3A_180, %mul3A_207 : i32
      %add3A_209 = arith.constant 1 : i32
      %add3A_210 = arith.addi %mul3A_208, %add3A_209 : i32
      %add3A_211 = arith.constant 0 : i32
      %add3A_212 = arith.addi %add3A_211, %add3A_210 : i32
      %mul3A_213 = arith.constant 16 : i32
      %mul3A_214 = arith.muli %add3A_212, %mul3A_213 : i32
      %get3A_215 = arith.index_cast %mul3A_214 : i32 to index
      %get3A_216 = tpu.vector_load %arg9[%get3A_215] {strides = array<i32>} : memref<8192xf32, #tpu.memory_space<vmem>>, vector<16xf32>,
      %get3A_217 = arith.index_cast %add3A_210 : i32 to index
      %get3A_218 = arith.constant 0 : index
      %get3A_219 = tpu.vector_load %arg10[%get3A_217, %get3A_218] {strides = array<i32>} : memref<256x16xf32, #tpu.memory_space<vmem>>, vector<16xf32>,
      %get3A_220 = arith.index_cast %add3A_210 : i32 to index
      %get3A_221 = arith.constant 0 : index
      %get3A_222 = tpu.vector_load %arg11[%get3A_220, %get3A_221] {strides = array<i32>} : memref<256x16xf32, #tpu.memory_space<vmem>>, vector<16xf32>,
      %sub3A_223 = arith.subf %get3A_219, %get3A_222 : vector<16xf32>
      %mul3A_224 = arith.mulf %get3A_216, %sub3A_223 : vector<16xf32>
      %broadcast_in_dim3A_225 = arith.constant true
      %broadcast_in_dim3A_226 = vector.broadcast %broadcast_in_dim3A_225 : i1 to vector<16xi1>
      %masked_cumsum3A_227 = tpu.scan <sum>, %mul3A_224 masked %broadcast_in_dim3A_226 : vector<16xf32>, vector<16xi1> -> vector<16xf32>
      %broadcast_in_dim3A_228 = arith.constant 15 : i32
      %broadcast_in_dim3A_229 = vector.broadcast %broadcast_in_dim3A_228 : i32 to vector<16x1xi32>
      %gather3A_230 = vector.shape_cast %broadcast_in_dim3A_229 : vector<16x1xi32> to vector<16xi32>
      %gather3A_231 = tpu.dynamic_gather %masked_cumsum3A_227[%gather3A_230] in [0] : vector<16xf32>, vector<16xi32> -> vector<16xf32>
      %eq3A_232 = arith.constant 1 : i32
      %eq3A_233 = vector.broadcast %eq3A_232 : i32 to vector<16xi32>
      %eq3A_234 = arith.cmpi eq, %iota3A, %eq3A_233 : vector<16xi32>
      %select_n3A_235 = arith.select %eq3A_234, %gather3A_231, %select_n3A : vector<16xi1>, vector<16xf32>
      %mul3A_236 = arith.constant 16 : i32
      %mul3A_237 = arith.muli %scan3A_180, %mul3A_236 : i32
      %add3A_238 = arith.constant 2 : i32
      %add3A_239 = arith.addi %mul3A_237, %add3A_238 : i32
      %add3A_240 = arith.constant 0 : i32
      %add3A_241 = arith.addi %add3A_240, %add3A_239 : i32
      %mul3A_242 = arith.constant 16 : i32
      %mul3A_243 = arith.muli %add3A_241, %mul3A_242 : i32
      %get3A_244 = arith.index_cast %mul3A_243 : i32 to index
      %get3A_245 = tpu.vector_load %arg9[%get3A_244] {strides = array<i32>} : memref<8192xf32, #tpu.memory_space<vmem>>, vector<16xf32>,
      %get3A_246 = arith.index_cast %add3A_239 : i32 to index
      %get3A_247 = arith.constant 0 : index
      %get3A_248 = tpu.vector_load %arg10[%get3A_246, %get3A_247] {strides = array<i32>} : memref<256x16xf32, #tpu.memory_space<vmem>>, vector<16xf32>,
      %get3A_249 = arith.index_cast %add3A_239 : i32 to index
      %get3A_250 = arith.constant 0 : index
      %get3A_251 = tpu.vector_load %arg11[%get3A_249, %get3A_250] {strides = array<i32>} : memref<256x16xf32, #tpu.memory_space<vmem>>, vector<16xf32>,
      %sub3A_252 = arith.subf %get3A_248, %get3A_251 : vector<16xf32>
      %mul3A_253 = arith.mulf %get3A_245, %sub3A_252 : vector<16xf32>
      %broadcast_in_dim3A_254 = arith.constant true
      %broadcast_in_dim3A_255 = vector.broadcast %broadcast_in_dim3A_254 : i1 to vector<16xi1>
      %masked_cumsum3A_256 = tpu.scan <sum>, %mul3A_253 masked %broadcast_in_dim3A_255 : vector<16xf32>, vector<16xi1> -> vector<16xf32>
      %broadcast_in_dim3A_257 = arith.constant 15 : i32
      %broadcast_in_dim3A_258 = vector.broadcast %broadcast_in_dim3A_257 : i32 to vector<16x1xi32>
      %gather3A_259 = vector.shape_cast %broadcast_in_dim3A_258 : vector<16x1xi32> to vector<16xi32>
      %gather3A_260 = tpu.dynamic_gather %masked_cumsum3A_256[%gather3A_259] in [0] : vector<16xf32>, vector<16xi32> -> vector<16xf32>
      %eq3A_261 = arith.constant 2 : i32
      %eq3A_262 = vector.broadcast %eq3A_261 : i32 to vector<16xi32>
      %eq3A_263 = arith.cmpi eq, %iota3A, %eq3A_262 : vector<16xi32>
      %select_n3A_264 = arith.select %eq3A_263, %gather3A_260, %select_n3A_235 : vector<16xi1>, vector<16xf32>
      %mul3A_265 = arith.constant 16 : i32
      %mul3A_266 = arith.muli %scan3A_180, %mul3A_265 : i32
      %add3A_267 = arith.constant 3 : i32
      %add3A_268 = arith.addi %mul3A_266, %add3A_267 : i32
      %add3A_269 = arith.constant 0 : i32
      %add3A_270 = arith.addi %add3A_269, %add3A_268 : i32
      %mul3A_271 = arith.constant 16 : i32
      %mul3A_272 = arith.muli %add3A_270, %mul3A_271 : i32
      %get3A_273 = arith.index_cast %mul3A_272 : i32 to index
      %get3A_274 = tpu.vector_load %arg9[%get3A_273] {strides = array<i32>} : memref<8192xf32, #tpu.memory_space<vmem>>, vector<16xf32>,
      %get3A_275 = arith.index_cast %add3A_268 : i32 to index
      %get3A_276 = arith.constant 0 : index
      %get3A_277 = tpu.vector_load %arg10[%get3A_275, %get3A_276] {strides = array<i32>} : memref<256x16xf32, #tpu.memory_space<vmem>>, vector<16xf32>,
      %get3A_278 = arith.index_cast %add3A_268 : i32 to index
      %get3A_279 = arith.constant 0 : index
      %get3A_280 = tpu.vector_load %arg11[%get3A_278, %get3A_279] {strides = array<i32>} : memref<256x16xf32, #tpu.memory_space<vmem>>, vector<16xf32>,
      %sub3A_281 = arith.subf %get3A_277, %get3A_280 : vector<16xf32>
      %mul3A_282 = arith.mulf %get3A_274, %sub3A_281 : vector<16xf32>
      %broadcast_in_dim3A_283 = arith.constant true
      %broadcast_in_dim3A_284 = vector.broadcast %broadcast_in_dim3A_283 : i1 to vector<16xi1>
      %masked_cumsum3A_285 = tpu.scan <sum>, %mul3A_282 masked %broadcast_in_dim3A_284 : vector<16xf32>, vector<16xi1> -> vector<16xf32>
      %broadcast_in_dim3A_286 = arith.constant 15 : i32
      %broadcast_in_dim3A_287 = vector.broadcast %broadcast_in_dim3A_286 : i32 to vector<16x1xi32>
      %gather3A_288 = vector.shape_cast %broadcast_in_dim3A_287 : vector<16x1xi32> to vector<16xi32>
      %gather3A_289 = tpu.dynamic_gather %masked_cumsum3A_285[%gather3A_288] in [0] : vector<16xf32>, vector<16xi32> -> vector<16xf32>
      %eq3A_290 = arith.constant 3 : i32
      %eq3A_291 = vector.broadcast %eq3A_290 : i32 to vector<16xi32>
      %eq3A_292 = arith.cmpi eq, %iota3A, %eq3A_291 : vector<16xi32>
      %select_n3A_293 = arith.select %eq3A_292, %gather3A_289, %select_n3A_264 : vector<16xi1>, vector<16xf32>
      %mul3A_294 = arith.constant 16 : i32
      %mul3A_295 = arith.muli %scan3A_180, %mul3A_294 : i32
      %add3A_296 = arith.constant 4 : i32
      %add3A_297 = arith.addi %mul3A_295, %add3A_296 : i32
      %add3A_298 = arith.constant 0 : i32
      %add3A_299 = arith.addi %add3A_298, %add3A_297 : i32
      %mul3A_300 = arith.constant 16 : i32
      %mul3A_301 = arith.muli %add3A_299, %mul3A_300 : i32
      %get3A_302 = arith.index_cast %mul3A_301 : i32 to index
      %get3A_303 = tpu.vector_load %arg9[%get3A_302] {strides = array<i32>} : memref<8192xf32, #tpu.memory_space<vmem>>, vector<16xf32>,
      %get3A_304 = arith.index_cast %add3A_297 : i32 to index
      %get3A_305 = arith.constant 0 : index
      %get3A_306 = tpu.vector_load %arg10[%get3A_304, %get3A_305] {strides = array<i32>} : memref<256x16xf32, #tpu.memory_space<vmem>>, vector<16xf32>,
      %get3A_307 = arith.index_cast %add3A_297 : i32 to index
      %get3A_308 = arith.constant 0 : index
      %get3A_309 = tpu.vector_load %arg11[%get3A_307, %get3A_308] {strides = array<i32>} : memref<256x16xf32, #tpu.memory_space<vmem>>, vector<16xf32>,
      %sub3A_310 = arith.subf %get3A_306, %get3A_309 : vector<16xf32>
      %mul3A_311 = arith.mulf %get3A_303, %sub3A_310 : vector<16xf32>
      %broadcast_in_dim3A_312 = arith.constant true
      %broadcast_in_dim3A_313 = vector.broadcast %broadcast_in_dim3A_312 : i1 to vector<16xi1>
      %masked_cumsum3A_314 = tpu.scan <sum>, %mul3A_311 masked %broadcast_in_dim3A_313 : vector<16xf32>, vector<16xi1> -> vector<16xf32>
      %broadcast_in_dim3A_315 = arith.constant 15 : i32
      %broadcast_in_dim3A_316 = vector.broadcast %broadcast_in_dim3A_315 : i32 to vector<16x1xi32>
      %gather3A_317 = vector.shape_cast %broadcast_in_dim3A_316 : vector<16x1xi32> to vector<16xi32>
      %gather3A_318 = tpu.dynamic_gather %masked_cumsum3A_314[%gather3A_317] in [0] : vector<16xf32>, vector<16xi32> -> vector<16xf32>
      %eq3A_319 = arith.constant 4 : i32
      %eq3A_320 = vector.broadcast %eq3A_319 : i32 to vector<16xi32>
      %eq3A_321 = arith.cmpi eq, %iota3A, %eq3A_320 : vector<16xi32>
      %select_n3A_322 = arith.select %eq3A_321, %gather3A_318, %select_n3A_293 : vector<16xi1>, vector<16xf32>
      %mul3A_323 = arith.constant 16 : i32
      %mul3A_324 = arith.muli %scan3A_180, %mul3A_323 : i32
      %add3A_325 = arith.constant 5 : i32
      %add3A_326 = arith.addi %mul3A_324, %add3A_325 : i32
      %add3A_327 = arith.constant 0 : i32
      %add3A_328 = arith.addi %add3A_327, %add3A_326 : i32
      %mul3A_329 = arith.constant 16 : i32
      %mul3A_330 = arith.muli %add3A_328, %mul3A_329 : i32
      %get3A_331 = arith.index_cast %mul3A_330 : i32 to index
      %get3A_332 = tpu.vector_load %arg9[%get3A_331] {strides = array<i32>} : memref<8192xf32, #tpu.memory_space<vmem>>, vector<16xf32>,
      %get3A_333 = arith.index_cast %add3A_326 : i32 to index
      %get3A_334 = arith.constant 0 : index
      %get3A_335 = tpu.vector_load %arg10[%get3A_333, %get3A_334] {strides = array<i32>} : memref<256x16xf32, #tpu.memory_space<vmem>>, vector<16xf32>,
      %get3A_336 = arith.index_cast %add3A_326 : i32 to index
      %get3A_337 = arith.constant 0 : index
      %get3A_338 = tpu.vector_load %arg11[%get3A_336, %get3A_337] {strides = array<i32>} : memref<256x16xf32, #tpu.memory_space<vmem>>, vector<16xf32>,
      %sub3A_339 = arith.subf %get3A_335, %get3A_338 : vector<16xf32>
      %mul3A_340 = arith.mulf %get3A_332, %sub3A_339 : vector<16xf32>
      %broadcast_in_dim3A_341 = arith.constant true
      %broadcast_in_dim3A_342 = vector.broadcast %broadcast_in_dim3A_341 : i1 to vector<16xi1>
      %masked_cumsum3A_343 = tpu.scan <sum>, %mul3A_340 masked %broadcast_in_dim3A_342 : vector<16xf32>, vector<16xi1> -> vector<16xf32>
      %broadcast_in_dim3A_344 = arith.constant 15 : i32
      %broadcast_in_dim3A_345 = vector.broadcast %broadcast_in_dim3A_344 : i32 to vector<16x1xi32>
      %gather3A_346 = vector.shape_cast %broadcast_in_dim3A_345 : vector<16x1xi32> to vector<16xi32>
      %gather3A_347 = tpu.dynamic_gather %masked_cumsum3A_343[%gather3A_346] in [0] : vector<16xf32>, vector<16xi32> -> vector<16xf32>
      %eq3A_348 = arith.constant 5 : i32
      %eq3A_349 = vector.broadcast %eq3A_348 : i32 to vector<16xi32>
      %eq3A_350 = arith.cmpi eq, %iota3A, %eq3A_349 : vector<16xi32>
      %select_n3A_351 = arith.select %eq3A_350, %gather3A_347, %select_n3A_322 : vector<16xi1>, vector<16xf32>
      %mul3A_352 = arith.constant 16 : i32
      %mul3A_353 = arith.muli %scan3A_180, %mul3A_352 : i32
      %add3A_354 = arith.constant 6 : i32
      %add3A_355 = arith.addi %mul3A_353, %add3A_354 : i32
      %add3A_356 = arith.constant 0 : i32
      %add3A_357 = arith.addi %add3A_356, %add3A_355 : i32
      %mul3A_358 = arith.constant 16 : i32
      %mul3A_359 = arith.muli %add3A_357, %mul3A_358 : i32
      %get3A_360 = arith.index_cast %mul3A_359 : i32 to index
      %get3A_361 = tpu.vector_load %arg9[%get3A_360] {strides = array<i32>} : memref<8192xf32, #tpu.memory_space<vmem>>, vector<16xf32>,
      %get3A_362 = arith.index_cast %add3A_355 : i32 to index
      %get3A_363 = arith.constant 0 : index
      %get3A_364 = tpu.vector_load %arg10[%get3A_362, %get3A_363] {strides = array<i32>} : memref<256x16xf32, #tpu.memory_space<vmem>>, vector<16xf32>,
      %get3A_365 = arith.index_cast %add3A_355 : i32 to index
      %get3A_366 = arith.constant 0 : index
      %get3A_367 = tpu.vector_load %arg11[%get3A_365, %get3A_366] {strides = array<i32>} : memref<256x16xf32, #tpu.memory_space<vmem>>, vector<16xf32>,
      %sub3A_368 = arith.subf %get3A_364, %get3A_367 : vector<16xf32>
      %mul3A_369 = arith.mulf %get3A_361, %sub3A_368 : vector<16xf32>
      %broadcast_in_dim3A_370 = arith.constant true
      %broadcast_in_dim3A_371 = vector.broadcast %broadcast_in_dim3A_370 : i1 to vector<16xi1>
      %masked_cumsum3A_372 = tpu.scan <sum>, %mul3A_369 masked %broadcast_in_dim3A_371 : vector<16xf32>, vector<16xi1> -> vector<16xf32>
      %broadcast_in_dim3A_373 = arith.constant 15 : i32
      %broadcast_in_dim3A_374 = vector.broadcast %broadcast_in_dim3A_373 : i32 to vector<16x1xi32>
      %gather3A_375 = vector.shape_cast %broadcast_in_dim3A_374 : vector<16x1xi32> to vector<16xi32>
      %gather3A_376 = tpu.dynamic_gather %masked_cumsum3A_372[%gather3A_375] in [0] : vector<16xf32>, vector<16xi32> -> vector<16xf32>
      %eq3A_377 = arith.constant 6 : i32
      %eq3A_378 = vector.broadcast %eq3A_377 : i32 to vector<16xi32>
      %eq3A_379 = arith.cmpi eq, %iota3A, %eq3A_378 : vector<16xi32>
      %select_n3A_380 = arith.select %eq3A_379, %gather3A_376, %select_n3A_351 : vector<16xi1>, vector<16xf32>
      %mul3A_381 = arith.constant 16 : i32
      %mul3A_382 = arith.muli %scan3A_180, %mul3A_381 : i32
      %add3A_383 = arith.constant 7 : i32
      %add3A_384 = arith.addi %mul3A_382, %add3A_383 : i32
      %add3A_385 = arith.constant 0 : i32
      %add3A_386 = arith.addi %add3A_385, %add3A_384 : i32
      %mul3A_387 = arith.constant 16 : i32
      %mul3A_388 = arith.muli %add3A_386, %mul3A_387 : i32
      %get3A_389 = arith.index_cast %mul3A_388 : i32 to index
      %get3A_390 = tpu.vector_load %arg9[%get3A_389] {strides = array<i32>} : memref<8192xf32, #tpu.memory_space<vmem>>, vector<16xf32>,
      %get3A_391 = arith.index_cast %add3A_384 : i32 to index
      %get3A_392 = arith.constant 0 : index
      %get3A_393 = tpu.vector_load %arg10[%get3A_391, %get3A_392] {strides = array<i32>} : memref<256x16xf32, #tpu.memory_space<vmem>>, vector<16xf32>,
      %get3A_394 = arith.index_cast %add3A_384 : i32 to index
      %get3A_395 = arith.constant 0 : index
      %get3A_396 = tpu.vector_load %arg11[%get3A_394, %get3A_395] {strides = array<i32>} : memref<256x16xf32, #tpu.memory_space<vmem>>, vector<16xf32>,
      %sub3A_397 = arith.subf %get3A_393, %get3A_396 : vector<16xf32>
      %mul3A_398 = arith.mulf %get3A_390, %sub3A_397 : vector<16xf32>
      %broadcast_in_dim3A_399 = arith.constant true
      %broadcast_in_dim3A_400 = vector.broadcast %broadcast_in_dim3A_399 : i1 to vector<16xi1>
      %masked_cumsum3A_401 = tpu.scan <sum>, %mul3A_398 masked %broadcast_in_dim3A_400 : vector<16xf32>, vector<16xi1> -> vector<16xf32>
      %broadcast_in_dim3A_402 = arith.constant 15 : i32
      %broadcast_in_dim3A_403 = vector.broadcast %broadcast_in_dim3A_402 : i32 to vector<16x1xi32>
      %gather3A_404 = vector.shape_cast %broadcast_in_dim3A_403 : vector<16x1xi32> to vector<16xi32>
      %gather3A_405 = tpu.dynamic_gather %masked_cumsum3A_401[%gather3A_404] in [0] : vector<16xf32>, vector<16xi32> -> vector<16xf32>
      %eq3A_406 = arith.constant 7 : i32
      %eq3A_407 = vector.broadcast %eq3A_406 : i32 to vector<16xi32>
      %eq3A_408 = arith.cmpi eq, %iota3A, %eq3A_407 : vector<16xi32>
      %select_n3A_409 = arith.select %eq3A_408, %gather3A_405, %select_n3A_380 : vector<16xi1>, vector<16xf32>
      %mul3A_410 = arith.constant 16 : i32
      %mul3A_411 = arith.muli %scan3A_180, %mul3A_410 : i32
      %add3A_412 = arith.constant 8 : i32
      %add3A_413 = arith.addi %mul3A_411, %add3A_412 : i32
      %add3A_414 = arith.constant 0 : i32
      %add3A_415 = arith.addi %add3A_414, %add3A_413 : i32
      %mul3A_416 = arith.constant 16 : i32
      %mul3A_417 = arith.muli %add3A_415, %mul3A_416 : i32
      %get3A_418 = arith.index_cast %mul3A_417 : i32 to index
      %get3A_419 = tpu.vector_load %arg9[%get3A_418] {strides = array<i32>} : memref<8192xf32, #tpu.memory_space<vmem>>, vector<16xf32>,
      %get3A_420 = arith.index_cast %add3A_413 : i32 to index
      %get3A_421 = arith.constant 0 : index
      %get3A_422 = tpu.vector_load %arg10[%get3A_420, %get3A_421] {strides = array<i32>} : memref<256x16xf32, #tpu.memory_space<vmem>>, vector<16xf32>,
      %get3A_423 = arith.index_cast %add3A_413 : i32 to index
      %get3A_424 = arith.constant 0 : index
      %get3A_425 = tpu.vector_load %arg11[%get3A_423, %get3A_424] {strides = array<i32>} : memref<256x16xf32, #tpu.memory_space<vmem>>, vector<16xf32>,
      %sub3A_426 = arith.subf %get3A_422, %get3A_425 : vector<16xf32>
      %mul3A_427 = arith.mulf %get3A_419, %sub3A_426 : vector<16xf32>
      %broadcast_in_dim3A_428 = arith.constant true
      %broadcast_in_dim3A_429 = vector.broadcast %broadcast_in_dim3A_428 : i1 to vector<16xi1>
      %masked_cumsum3A_430 = tpu.scan <sum>, %mul3A_427 masked %broadcast_in_dim3A_429 : vector<16xf32>, vector<16xi1> -> vector<16xf32>
      %broadcast_in_dim3A_431 = arith.constant 15 : i32
      %broadcast_in_dim3A_432 = vector.broadcast %broadcast_in_dim3A_431 : i32 to vector<16x1xi32>
      %gather3A_433 = vector.shape_cast %broadcast_in_dim3A_432 : vector<16x1xi32> to vector<16xi32>
      %gather3A_434 = tpu.dynamic_gather %masked_cumsum3A_430[%gather3A_433] in [0] : vector<16xf32>, vector<16xi32> -> vector<16xf32>
      %eq3A_435 = arith.constant 8 : i32
      %eq3A_436 = vector.broadcast %eq3A_435 : i32 to vector<16xi32>
      %eq3A_437 = arith.cmpi eq, %iota3A, %eq3A_436 : vector<16xi32>
      %select_n3A_438 = arith.select %eq3A_437, %gather3A_434, %select_n3A_409 : vector<16xi1>, vector<16xf32>
      %mul3A_439 = arith.constant 16 : i32
      %mul3A_440 = arith.muli %scan3A_180, %mul3A_439 : i32
      %add3A_441 = arith.constant 9 : i32
      %add3A_442 = arith.addi %mul3A_440, %add3A_441 : i32
      %add3A_443 = arith.constant 0 : i32
      %add3A_444 = arith.addi %add3A_443, %add3A_442 : i32
      %mul3A_445 = arith.constant 16 : i32
      %mul3A_446 = arith.muli %add3A_444, %mul3A_445 : i32
      %get3A_447 = arith.index_cast %mul3A_446 : i32 to index
      %get3A_448 = tpu.vector_load %arg9[%get3A_447] {strides = array<i32>} : memref<8192xf32, #tpu.memory_space<vmem>>, vector<16xf32>,
      %get3A_449 = arith.index_cast %add3A_442 : i32 to index
      %get3A_450 = arith.constant 0 : index
      %get3A_451 = tpu.vector_load %arg10[%get3A_449, %get3A_450] {strides = array<i32>} : memref<256x16xf32, #tpu.memory_space<vmem>>, vector<16xf32>,
      %get3A_452 = arith.index_cast %add3A_442 : i32 to index
      %get3A_453 = arith.constant 0 : index
      %get3A_454 = tpu.vector_load %arg11[%get3A_452, %get3A_453] {strides = array<i32>} : memref<256x16xf32, #tpu.memory_space<vmem>>, vector<16xf32>,
      %sub3A_455 = arith.subf %get3A_451, %get3A_454 : vector<16xf32>
      %mul3A_456 = arith.mulf %get3A_448, %sub3A_455 : vector<16xf32>
      %broadcast_in_dim3A_457 = arith.constant true
      %broadcast_in_dim3A_458 = vector.broadcast %broadcast_in_dim3A_457 : i1 to vector<16xi1>
      %masked_cumsum3A_459 = tpu.scan <sum>, %mul3A_456 masked %broadcast_in_dim3A_458 : vector<16xf32>, vector<16xi1> -> vector<16xf32>
      %broadcast_in_dim3A_460 = arith.constant 15 : i32
      %broadcast_in_dim3A_461 = vector.broadcast %broadcast_in_dim3A_460 : i32 to vector<16x1xi32>
      %gather3A_462 = vector.shape_cast %broadcast_in_dim3A_461 : vector<16x1xi32> to vector<16xi32>
      %gather3A_463 = tpu.dynamic_gather %masked_cumsum3A_459[%gather3A_462] in [0] : vector<16xf32>, vector<16xi32> -> vector<16xf32>
      %eq3A_464 = arith.constant 9 : i32
      %eq3A_465 = vector.broadcast %eq3A_464 : i32 to vector<16xi32>
      %eq3A_466 = arith.cmpi eq, %iota3A, %eq3A_465 : vector<16xi32>
      %select_n3A_467 = arith.select %eq3A_466, %gather3A_463, %select_n3A_438 : vector<16xi1>, vector<16xf32>
      %mul3A_468 = arith.constant 16 : i32
      %mul3A_469 = arith.muli %scan3A_180, %mul3A_468 : i32
      %add3A_470 = arith.constant 10 : i32
      %add3A_471 = arith.addi %mul3A_469, %add3A_470 : i32
      %add3A_472 = arith.constant 0 : i32
      %add3A_473 = arith.addi %add3A_472, %add3A_471 : i32
      %mul3A_474 = arith.constant 16 : i32
      %mul3A_475 = arith.muli %add3A_473, %mul3A_474 : i32
      %get3A_476 = arith.index_cast %mul3A_475 : i32 to index
      %get3A_477 = tpu.vector_load %arg9[%get3A_476] {strides = array<i32>} : memref<8192xf32, #tpu.memory_space<vmem>>, vector<16xf32>,
      %get3A_478 = arith.index_cast %add3A_471 : i32 to index
      %get3A_479 = arith.constant 0 : index
      %get3A_480 = tpu.vector_load %arg10[%get3A_478, %get3A_479] {strides = array<i32>} : memref<256x16xf32, #tpu.memory_space<vmem>>, vector<16xf32>,
      %get3A_481 = arith.index_cast %add3A_471 : i32 to index
      %get3A_482 = arith.constant 0 : index
      %get3A_483 = tpu.vector_load %arg11[%get3A_481, %get3A_482] {strides = array<i32>} : memref<256x16xf32, #tpu.memory_space<vmem>>, vector<16xf32>,
      %sub3A_484 = arith.subf %get3A_480, %get3A_483 : vector<16xf32>
      %mul3A_485 = arith.mulf %get3A_477, %sub3A_484 : vector<16xf32>
      %broadcast_in_dim3A_486 = arith.constant true
      %broadcast_in_dim3A_487 = vector.broadcast %broadcast_in_dim3A_486 : i1 to vector<16xi1>
      %masked_cumsum3A_488 = tpu.scan <sum>, %mul3A_485 masked %broadcast_in_dim3A_487 : vector<16xf32>, vector<16xi1> -> vector<16xf32>
      %broadcast_in_dim3A_489 = arith.constant 15 : i32
      %broadcast_in_dim3A_490 = vector.broadcast %broadcast_in_dim3A_489 : i32 to vector<16x1xi32>
      %gather3A_491 = vector.shape_cast %broadcast_in_dim3A_490 : vector<16x1xi32> to vector<16xi32>
      %gather3A_492 = tpu.dynamic_gather %masked_cumsum3A_488[%gather3A_491] in [0] : vector<16xf32>, vector<16xi32> -> vector<16xf32>
      %eq3A_493 = arith.constant 10 : i32
      %eq3A_494 = vector.broadcast %eq3A_493 : i32 to vector<16xi32>
      %eq3A_495 = arith.cmpi eq, %iota3A, %eq3A_494 : vector<16xi32>
      %select_n3A_496 = arith.select %eq3A_495, %gather3A_492, %select_n3A_467 : vector<16xi1>, vector<16xf32>
      %mul3A_497 = arith.constant 16 : i32
      %mul3A_498 = arith.muli %scan3A_180, %mul3A_497 : i32
      %add3A_499 = arith.constant 11 : i32
      %add3A_500 = arith.addi %mul3A_498, %add3A_499 : i32
      %add3A_501 = arith.constant 0 : i32
      %add3A_502 = arith.addi %add3A_501, %add3A_500 : i32
      %mul3A_503 = arith.constant 16 : i32
      %mul3A_504 = arith.muli %add3A_502, %mul3A_503 : i32
      %get3A_505 = arith.index_cast %mul3A_504 : i32 to index
      %get3A_506 = tpu.vector_load %arg9[%get3A_505] {strides = array<i32>} : memref<8192xf32, #tpu.memory_space<vmem>>, vector<16xf32>,
      %get3A_507 = arith.index_cast %add3A_500 : i32 to index
      %get3A_508 = arith.constant 0 : index
      %get3A_509 = tpu.vector_load %arg10[%get3A_507, %get3A_508] {strides = array<i32>} : memref<256x16xf32, #tpu.memory_space<vmem>>, vector<16xf32>,
      %get3A_510 = arith.index_cast %add3A_500 : i32 to index
      %get3A_511 = arith.constant 0 : index
      %get3A_512 = tpu.vector_load %arg11[%get3A_510, %get3A_511] {strides = array<i32>} : memref<256x16xf32, #tpu.memory_space<vmem>>, vector<16xf32>,
      %sub3A_513 = arith.subf %get3A_509, %get3A_512 : vector<16xf32>
      %mul3A_514 = arith.mulf %get3A_506, %sub3A_513 : vector<16xf32>
      %broadcast_in_dim3A_515 = arith.constant true
      %broadcast_in_dim3A_516 = vector.broadcast %broadcast_in_dim3A_515 : i1 to vector<16xi1>
      %masked_cumsum3A_517 = tpu.scan <sum>, %mul3A_514 masked %broadcast_in_dim3A_516 : vector<16xf32>, vector<16xi1> -> vector<16xf32>
      %broadcast_in_dim3A_518 = arith.constant 15 : i32
      %broadcast_in_dim3A_519 = vector.broadcast %broadcast_in_dim3A_518 : i32 to vector<16x1xi32>
      %gather3A_520 = vector.shape_cast %broadcast_in_dim3A_519 : vector<16x1xi32> to vector<16xi32>
      %gather3A_521 = tpu.dynamic_gather %masked_cumsum3A_517[%gather3A_520] in [0] : vector<16xf32>, vector<16xi32> -> vector<16xf32>
      %eq3A_522 = arith.constant 11 : i32
      %eq3A_523 = vector.broadcast %eq3A_522 : i32 to vector<16xi32>
      %eq3A_524 = arith.cmpi eq, %iota3A, %eq3A_523 : vector<16xi32>
      %select_n3A_525 = arith.select %eq3A_524, %gather3A_521, %select_n3A_496 : vector<16xi1>, vector<16xf32>
      %mul3A_526 = arith.constant 16 : i32
      %mul3A_527 = arith.muli %scan3A_180, %mul3A_526 : i32
      %add3A_528 = arith.constant 12 : i32
      %add3A_529 = arith.addi %mul3A_527, %add3A_528 : i32
      %add3A_530 = arith.constant 0 : i32
      %add3A_531 = arith.addi %add3A_530, %add3A_529 : i32
      %mul3A_532 = arith.constant 16 : i32
      %mul3A_533 = arith.muli %add3A_531, %mul3A_532 : i32
      %get3A_534 = arith.index_cast %mul3A_533 : i32 to index
      %get3A_535 = tpu.vector_load %arg9[%get3A_534] {strides = array<i32>} : memref<8192xf32, #tpu.memory_space<vmem>>, vector<16xf32>,
      %get3A_536 = arith.index_cast %add3A_529 : i32 to index
      %get3A_537 = arith.constant 0 : index
      %get3A_538 = tpu.vector_load %arg10[%get3A_536, %get3A_537] {strides = array<i32>} : memref<256x16xf32, #tpu.memory_space<vmem>>, vector<16xf32>,
      %get3A_539 = arith.index_cast %add3A_529 : i32 to index
      %get3A_540 = arith.constant 0 : index
      %get3A_541 = tpu.vector_load %arg11[%get3A_539, %get3A_540] {strides = array<i32>} : memref<256x16xf32, #tpu.memory_space<vmem>>, vector<16xf32>,
      %sub3A_542 = arith.subf %get3A_538, %get3A_541 : vector<16xf32>
      %mul3A_543 = arith.mulf %get3A_535, %sub3A_542 : vector<16xf32>
      %broadcast_in_dim3A_544 = arith.constant true
      %broadcast_in_dim3A_545 = vector.broadcast %broadcast_in_dim3A_544 : i1 to vector<16xi1>
      %masked_cumsum3A_546 = tpu.scan <sum>, %mul3A_543 masked %broadcast_in_dim3A_545 : vector<16xf32>, vector<16xi1> -> vector<16xf32>
      %broadcast_in_dim3A_547 = arith.constant 15 : i32
      %broadcast_in_dim3A_548 = vector.broadcast %broadcast_in_dim3A_547 : i32 to vector<16x1xi32>
      %gather3A_549 = vector.shape_cast %broadcast_in_dim3A_548 : vector<16x1xi32> to vector<16xi32>
      %gather3A_550 = tpu.dynamic_gather %masked_cumsum3A_546[%gather3A_549] in [0] : vector<16xf32>, vector<16xi32> -> vector<16xf32>
      %eq3A_551 = arith.constant 12 : i32
      %eq3A_552 = vector.broadcast %eq3A_551 : i32 to vector<16xi32>
      %eq3A_553 = arith.cmpi eq, %iota3A, %eq3A_552 : vector<16xi32>
      %select_n3A_554 = arith.select %eq3A_553, %gather3A_550, %select_n3A_525 : vector<16xi1>, vector<16xf32>
      %mul3A_555 = arith.constant 16 : i32
      %mul3A_556 = arith.muli %scan3A_180, %mul3A_555 : i32
      %add3A_557 = arith.constant 13 : i32
      %add3A_558 = arith.addi %mul3A_556, %add3A_557 : i32
      %add3A_559 = arith.constant 0 : i32
      %add3A_560 = arith.addi %add3A_559, %add3A_558 : i32
      %mul3A_561 = arith.constant 16 : i32
      %mul3A_562 = arith.muli %add3A_560, %mul3A_561 : i32
      %get3A_563 = arith.index_cast %mul3A_562 : i32 to index
      %get3A_564 = tpu.vector_load %arg9[%get3A_563] {strides = array<i32>} : memref<8192xf32, #tpu.memory_space<vmem>>, vector<16xf32>,
      %get3A_565 = arith.index_cast %add3A_558 : i32 to index
      %get3A_566 = arith.constant 0 : index
      %get3A_567 = tpu.vector_load %arg10[%get3A_565, %get3A_566] {strides = array<i32>} : memref<256x16xf32, #tpu.memory_space<vmem>>, vector<16xf32>,
      %get3A_568 = arith.index_cast %add3A_558 : i32 to index
      %get3A_569 = arith.constant 0 : index
      %get3A_570 = tpu.vector_load %arg11[%get3A_568, %get3A_569] {strides = array<i32>} : memref<256x16xf32, #tpu.memory_space<vmem>>, vector<16xf32>,
      %sub3A_571 = arith.subf %get3A_567, %get3A_570 : vector<16xf32>
      %mul3A_572 = arith.mulf %get3A_564, %sub3A_571 : vector<16xf32>
      %broadcast_in_dim3A_573 = arith.constant true
      %broadcast_in_dim3A_574 = vector.broadcast %broadcast_in_dim3A_573 : i1 to vector<16xi1>
      %masked_cumsum3A_575 = tpu.scan <sum>, %mul3A_572 masked %broadcast_in_dim3A_574 : vector<16xf32>, vector<16xi1> -> vector<16xf32>
      %broadcast_in_dim3A_576 = arith.constant 15 : i32
      %broadcast_in_dim3A_577 = vector.broadcast %broadcast_in_dim3A_576 : i32 to vector<16x1xi32>
      %gather3A_578 = vector.shape_cast %broadcast_in_dim3A_577 : vector<16x1xi32> to vector<16xi32>
      %gather3A_579 = tpu.dynamic_gather %masked_cumsum3A_575[%gather3A_578] in [0] : vector<16xf32>, vector<16xi32> -> vector<16xf32>
      %eq3A_580 = arith.constant 13 : i32
      %eq3A_581 = vector.broadcast %eq3A_580 : i32 to vector<16xi32>
      %eq3A_582 = arith.cmpi eq, %iota3A, %eq3A_581 : vector<16xi32>
      %select_n3A_583 = arith.select %eq3A_582, %gather3A_579, %select_n3A_554 : vector<16xi1>, vector<16xf32>
      %mul3A_584 = arith.constant 16 : i32
      %mul3A_585 = arith.muli %scan3A_180, %mul3A_584 : i32
      %add3A_586 = arith.constant 14 : i32
      %add3A_587 = arith.addi %mul3A_585, %add3A_586 : i32
      %add3A_588 = arith.constant 0 : i32
      %add3A_589 = arith.addi %add3A_588, %add3A_587 : i32
      %mul3A_590 = arith.constant 16 : i32
      %mul3A_591 = arith.muli %add3A_589, %mul3A_590 : i32
      %get3A_592 = arith.index_cast %mul3A_591 : i32 to index
      %get3A_593 = tpu.vector_load %arg9[%get3A_592] {strides = array<i32>} : memref<8192xf32, #tpu.memory_space<vmem>>, vector<16xf32>,
      %get3A_594 = arith.index_cast %add3A_587 : i32 to index
      %get3A_595 = arith.constant 0 : index
      %get3A_596 = tpu.vector_load %arg10[%get3A_594, %get3A_595] {strides = array<i32>} : memref<256x16xf32, #tpu.memory_space<vmem>>, vector<16xf32>,
      %get3A_597 = arith.index_cast %add3A_587 : i32 to index
      %get3A_598 = arith.constant 0 : index
      %get3A_599 = tpu.vector_load %arg11[%get3A_597, %get3A_598] {strides = array<i32>} : memref<256x16xf32, #tpu.memory_space<vmem>>, vector<16xf32>,
      %sub3A_600 = arith.subf %get3A_596, %get3A_599 : vector<16xf32>
      %mul3A_601 = arith.mulf %get3A_593, %sub3A_600 : vector<16xf32>
      %broadcast_in_dim3A_602 = arith.constant true
      %broadcast_in_dim3A_603 = vector.broadcast %broadcast_in_dim3A_602 : i1 to vector<16xi1>
      %masked_cumsum3A_604 = tpu.scan <sum>, %mul3A_601 masked %broadcast_in_dim3A_603 : vector<16xf32>, vector<16xi1> -> vector<16xf32>
      %broadcast_in_dim3A_605 = arith.constant 15 : i32
      %broadcast_in_dim3A_606 = vector.broadcast %broadcast_in_dim3A_605 : i32 to vector<16x1xi32>
      %gather3A_607 = vector.shape_cast %broadcast_in_dim3A_606 : vector<16x1xi32> to vector<16xi32>
      %gather3A_608 = tpu.dynamic_gather %masked_cumsum3A_604[%gather3A_607] in [0] : vector<16xf32>, vector<16xi32> -> vector<16xf32>
      %eq3A_609 = arith.constant 14 : i32
      %eq3A_610 = vector.broadcast %eq3A_609 : i32 to vector<16xi32>
      %eq3A_611 = arith.cmpi eq, %iota3A, %eq3A_610 : vector<16xi32>
      %select_n3A_612 = arith.select %eq3A_611, %gather3A_608, %select_n3A_583 : vector<16xi1>, vector<16xf32>
      %mul3A_613 = arith.constant 16 : i32
      %mul3A_614 = arith.muli %scan3A_180, %mul3A_613 : i32
      %add3A_615 = arith.constant 15 : i32
      %add3A_616 = arith.addi %mul3A_614, %add3A_615 : i32
      %add3A_617 = arith.constant 0 : i32
      %add3A_618 = arith.addi %add3A_617, %add3A_616 : i32
      %mul3A_619 = arith.constant 16 : i32
      %mul3A_620 = arith.muli %add3A_618, %mul3A_619 : i32
      %get3A_621 = arith.index_cast %mul3A_620 : i32 to index
      %get3A_622 = tpu.vector_load %arg9[%get3A_621] {strides = array<i32>} : memref<8192xf32, #tpu.memory_space<vmem>>, vector<16xf32>,
      %get3A_623 = arith.index_cast %add3A_616 : i32 to index
      %get3A_624 = arith.constant 0 : index
      %get3A_625 = tpu.vector_load %arg10[%get3A_623, %get3A_624] {strides = array<i32>} : memref<256x16xf32, #tpu.memory_space<vmem>>, vector<16xf32>,
      %get3A_626 = arith.index_cast %add3A_616 : i32 to index
      %get3A_627 = arith.constant 0 : index
      %get3A_628 = tpu.vector_load %arg11[%get3A_626, %get3A_627] {strides = array<i32>} : memref<256x16xf32, #tpu.memory_space<vmem>>, vector<16xf32>,
      %sub3A_629 = arith.subf %get3A_625, %get3A_628 : vector<16xf32>
      %mul3A_630 = arith.mulf %get3A_622, %sub3A_629 : vector<16xf32>
      %broadcast_in_dim3A_631 = arith.constant true
      %broadcast_in_dim3A_632 = vector.broadcast %broadcast_in_dim3A_631 : i1 to vector<16xi1>
      %masked_cumsum3A_633 = tpu.scan <sum>, %mul3A_630 masked %broadcast_in_dim3A_632 : vector<16xf32>, vector<16xi1> -> vector<16xf32>
      %broadcast_in_dim3A_634 = arith.constant 15 : i32
      %broadcast_in_dim3A_635 = vector.broadcast %broadcast_in_dim3A_634 : i32 to vector<16x1xi32>
      %gather3A_636 = vector.shape_cast %broadcast_in_dim3A_635 : vector<16x1xi32> to vector<16xi32>
      %gather3A_637 = tpu.dynamic_gather %masked_cumsum3A_633[%gather3A_636] in [0] : vector<16xf32>, vector<16xi32> -> vector<16xf32>
      %eq3A_638 = arith.constant 15 : i32
      %eq3A_639 = vector.broadcast %eq3A_638 : i32 to vector<16xi32>
      %eq3A_640 = arith.cmpi eq, %iota3A, %eq3A_639 : vector<16xi32>
      %select_n3A_641 = arith.select %eq3A_640, %gather3A_637, %select_n3A_612 : vector<16xi1>, vector<16xf32>
      %neg3A = arith.constant 0.000000e+00 : f32
      %neg3A_642 = vector.broadcast %neg3A : f32 to vector<16xf32>
      %neg3A_643 = arith.subf %neg3A_642, %select_n3A_641 : vector<16xf32>
      %exp3A = math.exp %neg3A_643 : vector<16xf32>
      %add3A_644 = arith.constant 1.000000e+00 : f32
      %add3A_645 = vector.broadcast %add3A_644 : f32 to vector<16xf32>
      %add3A_646 = arith.addf %add3A_645, %exp3A : vector<16xf32>
      %div3A = arith.constant 1.000000e+00 : f32
      %div3A_647 = vector.broadcast %div3A : f32 to vector<16xf32>
      %div3A_648 = arith.divf %div3A_647, %add3A_646 : vector<16xf32>
      %add3A_649 = arith.constant 1.000000e-10 : f32
      %add3A_650 = vector.broadcast %add3A_649 : f32 to vector<16xf32>
      %add3A_651 = arith.addf %div3A_648, %add3A_650 : vector<16xf32>
      %bitcast_convert_type3A = tpu.bitcast %add3A_651 : vector<16xf32> -> vector<16xi32>
      %shift_right_arithmetic3A = arith.constant 23 : i32
      %shift_right_arithmetic3A_652 = vector.broadcast %shift_right_arithmetic3A : i32 to vector<16xi32>
      %shift_right_arithmetic3A_653 = arith.shrsi %bitcast_convert_type3A, %shift_right_arithmetic3A_652 : vector<16xi32>
      %sub3A_654 = arith.constant 127 : i32
      %sub3A_655 = vector.broadcast %sub3A_654 : i32 to vector<16xi32>
      %sub3A_656 = arith.subi %shift_right_arithmetic3A_653, %sub3A_655 : vector<16xi32>
      %and3A = arith.constant 8388607 : i32
      %and3A_657 = vector.broadcast %and3A : i32 to vector<16xi32>
      %and3A_658 = arith.andi %bitcast_convert_type3A, %and3A_657 : vector<16xi32>
      %or3A = arith.constant 1065353216 : i32
      %or3A_659 = vector.broadcast %or3A : i32 to vector<16xi32>
      %or3A_660 = arith.ori %and3A_658, %or3A_659 : vector<16xi32>
      %bitcast_convert_type3A_661 = tpu.bitcast %or3A_660 : vector<16xi32> -> vector<16xf32>
      %gt3A = arith.constant 1.41421354 : f32
      %gt3A_662 = vector.broadcast %gt3A : f32 to vector<16xf32>
      %gt3A_663 = arith.cmpf ogt, %bitcast_convert_type3A_661, %gt3A_662 : vector<16xf32>
      %mul3A_664 = arith.constant 5.000000e-01 : f32
      %mul3A_665 = vector.broadcast %mul3A_664 : f32 to vector<16xf32>
      %mul3A_666 = arith.mulf %bitcast_convert_type3A_661, %mul3A_665 : vector<16xf32>
      %select_n3A_667 = arith.select %gt3A_663, %mul3A_666, %bitcast_convert_type3A_661 : vector<16xi1>, vector<16xf32>
      %convert_element_type3A = arith.sitofp %sub3A_656 : vector<16xi32> to vector<16xf32>
      %jit3A = arith.constant 1.000000e+00 : f32
      %jit3A_668 = arith.constant 0.000000e+00 : f32
      %broadcast_in_dim3A_669 = vector.broadcast %jit3A : f32 to vector<16xf32>
      %broadcast_in_dim3A_670 = vector.broadcast %jit3A_668 : f32 to vector<16xf32>
      %select_n3A_671 = arith.select %gt3A_663, %broadcast_in_dim3A_669, %broadcast_in_dim3A_670 : vector<16xi1>, vector<16xf32>
      %add3A_672 = arith.addf %convert_element_type3A, %select_n3A_671 : vector<16xf32>
      %sub3A_673 = arith.constant 1.000000e+00 : f32
      %sub3A_674 = vector.broadcast %sub3A_673 : f32 to vector<16xf32>
      %sub3A_675 = arith.subf %select_n3A_667, %sub3A_674 : vector<16xf32>
      %add3A_676 = arith.constant 1.000000e+00 : f32
      %add3A_677 = vector.broadcast %add3A_676 : f32 to vector<16xf32>
      %add3A_678 = arith.addf %select_n3A_667, %add3A_677 : vector<16xf32>
      %div3A_679 = arith.divf %sub3A_675, %add3A_678 : vector<16xf32>
      %mul3A_680 = arith.mulf %div3A_679, %div3A_679 : vector<16xf32>
      %mul3A_681 = arith.constant 2.000000e+00 : f32
      %mul3A_682 = vector.broadcast %mul3A_681 : f32 to vector<16xf32>
      %mul3A_683 = arith.mulf %mul3A_682, %div3A_679 : vector<16xf32>
      %div3A_684 = arith.constant 9.000000e+00 : f32
      %div3A_685 = vector.broadcast %div3A_684 : f32 to vector<16xf32>
      %div3A_686 = arith.divf %mul3A_680, %div3A_685 : vector<16xf32>
      %add3A_687 = arith.constant 0.142857149 : f32
      %add3A_688 = vector.broadcast %add3A_687 : f32 to vector<16xf32>
      %add3A_689 = arith.addf %add3A_688, %div3A_686 : vector<16xf32>
      %mul3A_690 = arith.mulf %mul3A_680, %add3A_689 : vector<16xf32>
      %add3A_691 = arith.constant 2.000000e-01 : f32
      %add3A_692 = vector.broadcast %add3A_691 : f32 to vector<16xf32>
      %add3A_693 = arith.addf %add3A_692, %mul3A_690 : vector<16xf32>
      %mul3A_694 = arith.mulf %mul3A_680, %add3A_693 : vector<16xf32>
      %add3A_695 = arith.constant 0.333333343 : f32
      %add3A_696 = vector.broadcast %add3A_695 : f32 to vector<16xf32>
      %add3A_697 = arith.addf %add3A_696, %mul3A_694 : vector<16xf32>
      %mul3A_698 = arith.mulf %mul3A_680, %add3A_697 : vector<16xf32>
      %add3A_699 = arith.constant 1.000000e+00 : f32
      %add3A_700 = vector.broadcast %add3A_699 : f32 to vector<16xf32>
      %add3A_701 = arith.addf %add3A_700, %mul3A_698 : vector<16xf32>
      %mul3A_702 = arith.mulf %mul3A_683, %add3A_701 : vector<16xf32>
      %mul3A_703 = arith.constant 0.693147182 : f32
      %mul3A_704 = vector.broadcast %mul3A_703 : f32 to vector<16xf32>
      %mul3A_705 = arith.mulf %add3A_672, %mul3A_704 : vector<16xf32>
      %add3A_706 = arith.addf %mul3A_705, %mul3A_702 : vector<16xf32>
      %neg3A_707 = arith.constant 0.000000e+00 : f32
      %neg3A_708 = vector.broadcast %neg3A_707 : f32 to vector<16xf32>
      %neg3A_709 = arith.subf %neg3A_708, %add3A_706 : vector<16xf32>
      %add3A_710 = arith.addf %scan3A_181, %neg3A_709 : vector<16xf32>
      scf.yield %add3A_710 : vector<16xf32>
    }
    %scan3A_92 = arith.constant 16 : i32
    %dma_start3A_93 = arith.constant 2 : i32
    %dma_start3A_94 = arith.constant 0 : i32
    %dma_start3A_95 = arith.constant 0 : i32
    %dma_start3A_96 = tpu.memref_slice %arg10[%dma_start3A_94, %dma_start3A_95] : memref<256x16xf32, #tpu.memory_space<vmem>> -> memref<128x16xf32, #tpu.memory_space<vmem>>
    %dma_start3A_97 = arith.constant 0 : i32
    %dma_start3A_98 = tpu.memref_slice %arg7[%dma_start3A_93, %dma_start3A_97] : memref<4x128xi32, #tpu.memory_space<vmem>> -> memref<1x128xi32, #tpu.memory_space<vmem>>
    %dma_start3A_99 = tpu.memref_squeeze %dma_start3A_98 : memref<1x128xi32, #tpu.memory_space<vmem>> -> memref<128xi32, #tpu.memory_space<vmem>>
    %dma_start3A_100 = arith.constant 0 : i32
    %dma_start3A_101 = arith.constant 0 : i32
    %dma_start3A_102 = tpu.memref_slice %arg5[%dma_start3A_100, %dma_start3A_101] : memref<100000x16xf32, #tpu.memory_space<hbm>> -> memref<100000x16xf32, #tpu.memory_space<hbm>>
    tpu.enqueue_indirect_dma source(%dma_start3A_102 : memref<100000x16xf32, #tpu.memory_space<hbm>>) target(%dma_start3A_96 : memref<128x16xf32, #tpu.memory_space<vmem>>) offsets(%dma_start3A_99 : memref<128xi32, #tpu.memory_space<vmem>>) semaphore(%arg13 : memref<!tpu.dma_semaphore, #tpu.memory_space<semaphore_mem>>)
    %dma_start3A_103 = arith.constant 2 : i32
    %dma_start3A_104 = arith.constant 0 : i32
    %dma_start3A_105 = arith.constant 0 : i32
    %dma_start3A_106 = tpu.memref_slice %arg11[%dma_start3A_104, %dma_start3A_105] : memref<256x16xf32, #tpu.memory_space<vmem>> -> memref<128x16xf32, #tpu.memory_space<vmem>>
    %dma_start3A_107 = arith.constant 0 : i32
    %dma_start3A_108 = tpu.memref_slice %arg8[%dma_start3A_103, %dma_start3A_107] : memref<4x128xi32, #tpu.memory_space<vmem>> -> memref<1x128xi32, #tpu.memory_space<vmem>>
    %dma_start3A_109 = tpu.memref_squeeze %dma_start3A_108 : memref<1x128xi32, #tpu.memory_space<vmem>> -> memref<128xi32, #tpu.memory_space<vmem>>
    %dma_start3A_110 = arith.constant 0 : i32
    %dma_start3A_111 = arith.constant 0 : i32
    %dma_start3A_112 = tpu.memref_slice %arg5[%dma_start3A_110, %dma_start3A_111] : memref<100000x16xf32, #tpu.memory_space<hbm>> -> memref<100000x16xf32, #tpu.memory_space<hbm>>
    tpu.enqueue_indirect_dma source(%dma_start3A_112 : memref<100000x16xf32, #tpu.memory_space<hbm>>) target(%dma_start3A_106 : memref<128x16xf32, #tpu.memory_space<vmem>>) offsets(%dma_start3A_109 : memref<128xi32, #tpu.memory_space<vmem>>) semaphore(%arg13 : memref<!tpu.dma_semaphore, #tpu.memory_space<semaphore_mem>>)
    %dma_start3A_113 = arith.constant 3 : i32
    %dma_start3A_114 = arith.constant 128 : i32
    %dma_start3A_115 = arith.constant 0 : i32
    %dma_start3A_116 = tpu.memref_slice %arg10[%dma_start3A_114, %dma_start3A_115] : memref<256x16xf32, #tpu.memory_space<vmem>> -> memref<128x16xf32, #tpu.memory_space<vmem>>
    %dma_start3A_117 = arith.constant 0 : i32
    %dma_start3A_118 = tpu.memref_slice %arg7[%dma_start3A_113, %dma_start3A_117] : memref<4x128xi32, #tpu.memory_space<vmem>> -> memref<1x128xi32, #tpu.memory_space<vmem>>
    %dma_start3A_119 = tpu.memref_squeeze %dma_start3A_118 : memref<1x128xi32, #tpu.memory_space<vmem>> -> memref<128xi32, #tpu.memory_space<vmem>>
    %dma_start3A_120 = arith.constant 0 : i32
    %dma_start3A_121 = arith.constant 0 : i32
    %dma_start3A_122 = tpu.memref_slice %arg5[%dma_start3A_120, %dma_start3A_121] : memref<100000x16xf32, #tpu.memory_space<hbm>> -> memref<100000x16xf32, #tpu.memory_space<hbm>>
    tpu.enqueue_indirect_dma source(%dma_start3A_122 : memref<100000x16xf32, #tpu.memory_space<hbm>>) target(%dma_start3A_116 : memref<128x16xf32, #tpu.memory_space<vmem>>) offsets(%dma_start3A_119 : memref<128xi32, #tpu.memory_space<vmem>>) semaphore(%arg13 : memref<!tpu.dma_semaphore, #tpu.memory_space<semaphore_mem>>)
    %dma_start3A_123 = arith.constant 3 : i32
    %dma_start3A_124 = arith.constant 128 : i32
    %dma_start3A_125 = arith.constant 0 : i32
    %dma_start3A_126 = tpu.memref_slice %arg11[%dma_start3A_124, %dma_start3A_125] : memref<256x16xf32, #tpu.memory_space<vmem>> -> memref<128x16xf32, #tpu.memory_space<vmem>>
    %dma_start3A_127 = arith.constant 0 : i32
    %dma_start3A_128 = tpu.memref_slice %arg8[%dma_start3A_123, %dma_start3A_127] : memref<4x128xi32, #tpu.memory_space<vmem>> -> memref<1x128xi32, #tpu.memory_space<vmem>>
    %dma_start3A_129 = tpu.memref_squeeze %dma_start3A_128 : memref<1x128xi32, #tpu.memory_space<vmem>> -> memref<128xi32, #tpu.memory_space<vmem>>
    %dma_start3A_130 = arith.constant 0 : i32
    %dma_start3A_131 = arith.constant 0 : i32
    %dma_start3A_132 = tpu.memref_slice %arg5[%dma_start3A_130, %dma_start3A_131] : memref<100000x16xf32, #tpu.memory_space<hbm>> -> memref<100000x16xf32, #tpu.memory_space<hbm>>
    tpu.enqueue_indirect_dma source(%dma_start3A_132 : memref<100000x16xf32, #tpu.memory_space<hbm>>) target(%dma_start3A_126 : memref<128x16xf32, #tpu.memory_space<vmem>>) offsets(%dma_start3A_129 : memref<128xi32, #tpu.memory_space<vmem>>) semaphore(%arg13 : memref<!tpu.dma_semaphore, #tpu.memory_space<semaphore_mem>>)
    %dma_wait3A_133 = arith.constant 2 : i32
    %dma_wait3A_134 = arith.constant 0 : i32
    %dma_wait3A_135 = arith.constant 0 : i32
    %dma_wait3A_136 = tpu.memref_slice %arg10[%dma_wait3A_134, %dma_wait3A_135] : memref<256x16xf32, #tpu.memory_space<vmem>> -> memref<128x16xf32, #tpu.memory_space<vmem>>
    %dma_wait3A_137 = arith.constant 0 : i32
    %dma_wait3A_138 = tpu.memref_slice %arg7[%dma_wait3A_133, %dma_wait3A_137] : memref<4x128xi32, #tpu.memory_space<vmem>> -> memref<1x128xi32, #tpu.memory_space<vmem>>
    %dma_wait3A_139 = tpu.memref_squeeze %dma_wait3A_138 : memref<1x128xi32, #tpu.memory_space<vmem>> -> memref<128xi32, #tpu.memory_space<vmem>>
    %dma_wait3A_140 = arith.constant 0 : i32
    %dma_wait3A_141 = arith.constant 0 : i32
    %dma_wait3A_142 = tpu.memref_slice %arg5[%dma_wait3A_140, %dma_wait3A_141] : memref<100000x16xf32, #tpu.memory_space<hbm>> -> memref<100000x16xf32, #tpu.memory_space<hbm>>
    tpu.wait_indirect_dma semaphore(%arg13 : memref<!tpu.dma_semaphore, #tpu.memory_space<semaphore_mem>>) src(%dma_wait3A_142 : memref<100000x16xf32, #tpu.memory_space<hbm>>) dst(%dma_wait3A_136 : memref<128x16xf32, #tpu.memory_space<vmem>>)
    %dma_wait3A_143 = arith.constant 2 : i32
    %dma_wait3A_144 = arith.constant 0 : i32
    %dma_wait3A_145 = arith.constant 0 : i32
    %dma_wait3A_146 = tpu.memref_slice %arg11[%dma_wait3A_144, %dma_wait3A_145] : memref<256x16xf32, #tpu.memory_space<vmem>> -> memref<128x16xf32, #tpu.memory_space<vmem>>
    %dma_wait3A_147 = arith.constant 0 : i32
    %dma_wait3A_148 = tpu.memref_slice %arg8[%dma_wait3A_143, %dma_wait3A_147] : memref<4x128xi32, #tpu.memory_space<vmem>> -> memref<1x128xi32, #tpu.memory_space<vmem>>
    %dma_wait3A_149 = tpu.memref_squeeze %dma_wait3A_148 : memref<1x128xi32, #tpu.memory_space<vmem>> -> memref<128xi32, #tpu.memory_space<vmem>>
    %dma_wait3A_150 = arith.constant 0 : i32
    %dma_wait3A_151 = arith.constant 0 : i32
    %dma_wait3A_152 = tpu.memref_slice %arg5[%dma_wait3A_150, %dma_wait3A_151] : memref<100000x16xf32, #tpu.memory_space<hbm>> -> memref<100000x16xf32, #tpu.memory_space<hbm>>
    tpu.wait_indirect_dma semaphore(%arg13 : memref<!tpu.dma_semaphore, #tpu.memory_space<semaphore_mem>>) src(%dma_wait3A_152 : memref<100000x16xf32, #tpu.memory_space<hbm>>) dst(%dma_wait3A_146 : memref<128x16xf32, #tpu.memory_space<vmem>>)
    %dma_wait3A_153 = arith.constant 3 : i32
    %dma_wait3A_154 = arith.constant 128 : i32
    %dma_wait3A_155 = arith.constant 0 : i32
    %dma_wait3A_156 = tpu.memref_slice %arg10[%dma_wait3A_154, %dma_wait3A_155] : memref<256x16xf32, #tpu.memory_space<vmem>> -> memref<128x16xf32, #tpu.memory_space<vmem>>
    %dma_wait3A_157 = arith.constant 0 : i32
    %dma_wait3A_158 = tpu.memref_slice %arg7[%dma_wait3A_153, %dma_wait3A_157] : memref<4x128xi32, #tpu.memory_space<vmem>> -> memref<1x128xi32, #tpu.memory_space<vmem>>
    %dma_wait3A_159 = tpu.memref_squeeze %dma_wait3A_158 : memref<1x128xi32, #tpu.memory_space<vmem>> -> memref<128xi32, #tpu.memory_space<vmem>>
    %dma_wait3A_160 = arith.constant 0 : i32
    %dma_wait3A_161 = arith.constant 0 : i32
    %dma_wait3A_162 = tpu.memref_slice %arg5[%dma_wait3A_160, %dma_wait3A_161] : memref<100000x16xf32, #tpu.memory_space<hbm>> -> memref<100000x16xf32, #tpu.memory_space<hbm>>
    tpu.wait_indirect_dma semaphore(%arg13 : memref<!tpu.dma_semaphore, #tpu.memory_space<semaphore_mem>>) src(%dma_wait3A_162 : memref<100000x16xf32, #tpu.memory_space<hbm>>) dst(%dma_wait3A_156 : memref<128x16xf32, #tpu.memory_space<vmem>>)
    %dma_wait3A_163 = arith.constant 3 : i32
    %dma_wait3A_164 = arith.constant 128 : i32
    %dma_wait3A_165 = arith.constant 0 : i32
    %dma_wait3A_166 = tpu.memref_slice %arg11[%dma_wait3A_164, %dma_wait3A_165] : memref<256x16xf32, #tpu.memory_space<vmem>> -> memref<128x16xf32, #tpu.memory_space<vmem>>
    %dma_wait3A_167 = arith.constant 0 : i32
    %dma_wait3A_168 = tpu.memref_slice %arg8[%dma_wait3A_163, %dma_wait3A_167] : memref<4x128xi32, #tpu.memory_space<vmem>> -> memref<1x128xi32, #tpu.memory_space<vmem>>
    %dma_wait3A_169 = tpu.memref_squeeze %dma_wait3A_168 : memref<1x128xi32, #tpu.memory_space<vmem>> -> memref<128xi32, #tpu.memory_space<vmem>>
    %dma_wait3A_170 = arith.constant 0 : i32
    %dma_wait3A_171 = arith.constant 0 : i32
    %dma_wait3A_172 = tpu.memref_slice %arg5[%dma_wait3A_170, %dma_wait3A_171] : memref<100000x16xf32, #tpu.memory_space<hbm>> -> memref<100000x16xf32, #tpu.memory_space<hbm>>
    tpu.wait_indirect_dma semaphore(%arg13 : memref<!tpu.dma_semaphore, #tpu.memory_space<semaphore_mem>>) src(%dma_wait3A_172 : memref<100000x16xf32, #tpu.memory_space<hbm>>) dst(%dma_wait3A_166 : memref<128x16xf32, #tpu.memory_space<vmem>>)
    %scan3A_173 = arith.constant 0 : i32
    %scan3A_174 = arith.constant 16 : i32
    %scan3A_175 = arith.addi %scan3A_173, %scan3A_174 : i32
    %scan3A_176 = arith.constant 1 : i32
    %scan3A_177 = scf.for %scan3A_180 = %scan3A_173 to %scan3A_175 step %scan3A_176 iter_args(%scan3A_181 = %scan3A_91) -> (vector<16xf32>)  : i32 {
      %broadcast_in_dim3A_182 = arith.constant 0.000000e+00 : f32
      %broadcast_in_dim3A_183 = vector.broadcast %broadcast_in_dim3A_182 : f32 to vector<16xf32>
      %mul3A_184 = arith.constant 16 : i32
      %mul3A_185 = arith.muli %scan3A_180, %mul3A_184 : i32
      %add3A_186 = arith.constant 0 : i32
      %add3A_187 = arith.addi %mul3A_185, %add3A_186 : i32
      %add3A_188 = arith.constant 256 : i32
      %add3A_189 = arith.addi %add3A_188, %add3A_187 : i32
      %mul3A_190 = arith.constant 16 : i32
      %mul3A_191 = arith.muli %add3A_189, %mul3A_190 : i32
      %get3A = arith.index_cast %mul3A_191 : i32 to index
      %get3A_192 = tpu.vector_load %arg9[%get3A] {strides = array<i32>} : memref<8192xf32, #tpu.memory_space<vmem>>, vector<16xf32>,
      %get3A_193 = arith.index_cast %add3A_187 : i32 to index
      %get3A_194 = arith.constant 0 : index
      %get3A_195 = tpu.vector_load %arg10[%get3A_193, %get3A_194] {strides = array<i32>} : memref<256x16xf32, #tpu.memory_space<vmem>>, vector<16xf32>,
      %get3A_196 = arith.index_cast %add3A_187 : i32 to index
      %get3A_197 = arith.constant 0 : index
      %get3A_198 = tpu.vector_load %arg11[%get3A_196, %get3A_197] {strides = array<i32>} : memref<256x16xf32, #tpu.memory_space<vmem>>, vector<16xf32>,
      %sub3A = arith.subf %get3A_195, %get3A_198 : vector<16xf32>
      %mul3A_199 = arith.mulf %get3A_192, %sub3A : vector<16xf32>
      %broadcast_in_dim3A_200 = arith.constant true
      %broadcast_in_dim3A_201 = vector.broadcast %broadcast_in_dim3A_200 : i1 to vector<16xi1>
      %masked_cumsum3A = tpu.scan <sum>, %mul3A_199 masked %broadcast_in_dim3A_201 : vector<16xf32>, vector<16xi1> -> vector<16xf32>
      %broadcast_in_dim3A_202 = arith.constant 15 : i32
      %broadcast_in_dim3A_203 = vector.broadcast %broadcast_in_dim3A_202 : i32 to vector<16x1xi32>
      %gather3A = vector.shape_cast %broadcast_in_dim3A_203 : vector<16x1xi32> to vector<16xi32>
      %gather3A_204 = tpu.dynamic_gather %masked_cumsum3A[%gather3A] in [0] : vector<16xf32>, vector<16xi32> -> vector<16xf32>
      %eq3A = arith.constant 0 : i32
      %eq3A_205 = vector.broadcast %eq3A : i32 to vector<16xi32>
      %eq3A_206 = arith.cmpi eq, %iota3A, %eq3A_205 : vector<16xi32>
      %select_n3A = arith.select %eq3A_206, %gather3A_204, %broadcast_in_dim3A_183 : vector<16xi1>, vector<16xf32>
      %mul3A_207 = arith.constant 16 : i32
      %mul3A_208 = arith.muli %scan3A_180, %mul3A_207 : i32
      %add3A_209 = arith.constant 1 : i32
      %add3A_210 = arith.addi %mul3A_208, %add3A_209 : i32
      %add3A_211 = arith.constant 256 : i32
      %add3A_212 = arith.addi %add3A_211, %add3A_210 : i32
      %mul3A_213 = arith.constant 16 : i32
      %mul3A_214 = arith.muli %add3A_212, %mul3A_213 : i32
      %get3A_215 = arith.index_cast %mul3A_214 : i32 to index
      %get3A_216 = tpu.vector_load %arg9[%get3A_215] {strides = array<i32>} : memref<8192xf32, #tpu.memory_space<vmem>>, vector<16xf32>,
      %get3A_217 = arith.index_cast %add3A_210 : i32 to index
      %get3A_218 = arith.constant 0 : index
      %get3A_219 = tpu.vector_load %arg10[%get3A_217, %get3A_218] {strides = array<i32>} : memref<256x16xf32, #tpu.memory_space<vmem>>, vector<16xf32>,
      %get3A_220 = arith.index_cast %add3A_210 : i32 to index
      %get3A_221 = arith.constant 0 : index
      %get3A_222 = tpu.vector_load %arg11[%get3A_220, %get3A_221] {strides = array<i32>} : memref<256x16xf32, #tpu.memory_space<vmem>>, vector<16xf32>,
      %sub3A_223 = arith.subf %get3A_219, %get3A_222 : vector<16xf32>
      %mul3A_224 = arith.mulf %get3A_216, %sub3A_223 : vector<16xf32>
      %broadcast_in_dim3A_225 = arith.constant true
      %broadcast_in_dim3A_226 = vector.broadcast %broadcast_in_dim3A_225 : i1 to vector<16xi1>
      %masked_cumsum3A_227 = tpu.scan <sum>, %mul3A_224 masked %broadcast_in_dim3A_226 : vector<16xf32>, vector<16xi1> -> vector<16xf32>
      %broadcast_in_dim3A_228 = arith.constant 15 : i32
      %broadcast_in_dim3A_229 = vector.broadcast %broadcast_in_dim3A_228 : i32 to vector<16x1xi32>
      %gather3A_230 = vector.shape_cast %broadcast_in_dim3A_229 : vector<16x1xi32> to vector<16xi32>
      %gather3A_231 = tpu.dynamic_gather %masked_cumsum3A_227[%gather3A_230] in [0] : vector<16xf32>, vector<16xi32> -> vector<16xf32>
      %eq3A_232 = arith.constant 1 : i32
      %eq3A_233 = vector.broadcast %eq3A_232 : i32 to vector<16xi32>
      %eq3A_234 = arith.cmpi eq, %iota3A, %eq3A_233 : vector<16xi32>
      %select_n3A_235 = arith.select %eq3A_234, %gather3A_231, %select_n3A : vector<16xi1>, vector<16xf32>
      %mul3A_236 = arith.constant 16 : i32
      %mul3A_237 = arith.muli %scan3A_180, %mul3A_236 : i32
      %add3A_238 = arith.constant 2 : i32
      %add3A_239 = arith.addi %mul3A_237, %add3A_238 : i32
      %add3A_240 = arith.constant 256 : i32
      %add3A_241 = arith.addi %add3A_240, %add3A_239 : i32
      %mul3A_242 = arith.constant 16 : i32
      %mul3A_243 = arith.muli %add3A_241, %mul3A_242 : i32
      %get3A_244 = arith.index_cast %mul3A_243 : i32 to index
      %get3A_245 = tpu.vector_load %arg9[%get3A_244] {strides = array<i32>} : memref<8192xf32, #tpu.memory_space<vmem>>, vector<16xf32>,
      %get3A_246 = arith.index_cast %add3A_239 : i32 to index
      %get3A_247 = arith.constant 0 : index
      %get3A_248 = tpu.vector_load %arg10[%get3A_246, %get3A_247] {strides = array<i32>} : memref<256x16xf32, #tpu.memory_space<vmem>>, vector<16xf32>,
      %get3A_249 = arith.index_cast %add3A_239 : i32 to index
      %get3A_250 = arith.constant 0 : index
      %get3A_251 = tpu.vector_load %arg11[%get3A_249, %get3A_250] {strides = array<i32>} : memref<256x16xf32, #tpu.memory_space<vmem>>, vector<16xf32>,
      %sub3A_252 = arith.subf %get3A_248, %get3A_251 : vector<16xf32>
      %mul3A_253 = arith.mulf %get3A_245, %sub3A_252 : vector<16xf32>
      %broadcast_in_dim3A_254 = arith.constant true
      %broadcast_in_dim3A_255 = vector.broadcast %broadcast_in_dim3A_254 : i1 to vector<16xi1>
      %masked_cumsum3A_256 = tpu.scan <sum>, %mul3A_253 masked %broadcast_in_dim3A_255 : vector<16xf32>, vector<16xi1> -> vector<16xf32>
      %broadcast_in_dim3A_257 = arith.constant 15 : i32
      %broadcast_in_dim3A_258 = vector.broadcast %broadcast_in_dim3A_257 : i32 to vector<16x1xi32>
      %gather3A_259 = vector.shape_cast %broadcast_in_dim3A_258 : vector<16x1xi32> to vector<16xi32>
      %gather3A_260 = tpu.dynamic_gather %masked_cumsum3A_256[%gather3A_259] in [0] : vector<16xf32>, vector<16xi32> -> vector<16xf32>
      %eq3A_261 = arith.constant 2 : i32
      %eq3A_262 = vector.broadcast %eq3A_261 : i32 to vector<16xi32>
      %eq3A_263 = arith.cmpi eq, %iota3A, %eq3A_262 : vector<16xi32>
      %select_n3A_264 = arith.select %eq3A_263, %gather3A_260, %select_n3A_235 : vector<16xi1>, vector<16xf32>
      %mul3A_265 = arith.constant 16 : i32
      %mul3A_266 = arith.muli %scan3A_180, %mul3A_265 : i32
      %add3A_267 = arith.constant 3 : i32
      %add3A_268 = arith.addi %mul3A_266, %add3A_267 : i32
      %add3A_269 = arith.constant 256 : i32
      %add3A_270 = arith.addi %add3A_269, %add3A_268 : i32
      %mul3A_271 = arith.constant 16 : i32
      %mul3A_272 = arith.muli %add3A_270, %mul3A_271 : i32
      %get3A_273 = arith.index_cast %mul3A_272 : i32 to index
      %get3A_274 = tpu.vector_load %arg9[%get3A_273] {strides = array<i32>} : memref<8192xf32, #tpu.memory_space<vmem>>, vector<16xf32>,
      %get3A_275 = arith.index_cast %add3A_268 : i32 to index
      %get3A_276 = arith.constant 0 : index
      %get3A_277 = tpu.vector_load %arg10[%get3A_275, %get3A_276] {strides = array<i32>} : memref<256x16xf32, #tpu.memory_space<vmem>>, vector<16xf32>,
      %get3A_278 = arith.index_cast %add3A_268 : i32 to index
      %get3A_279 = arith.constant 0 : index
      %get3A_280 = tpu.vector_load %arg11[%get3A_278, %get3A_279] {strides = array<i32>} : memref<256x16xf32, #tpu.memory_space<vmem>>, vector<16xf32>,
      %sub3A_281 = arith.subf %get3A_277, %get3A_280 : vector<16xf32>
      %mul3A_282 = arith.mulf %get3A_274, %sub3A_281 : vector<16xf32>
      %broadcast_in_dim3A_283 = arith.constant true
      %broadcast_in_dim3A_284 = vector.broadcast %broadcast_in_dim3A_283 : i1 to vector<16xi1>
      %masked_cumsum3A_285 = tpu.scan <sum>, %mul3A_282 masked %broadcast_in_dim3A_284 : vector<16xf32>, vector<16xi1> -> vector<16xf32>
      %broadcast_in_dim3A_286 = arith.constant 15 : i32
      %broadcast_in_dim3A_287 = vector.broadcast %broadcast_in_dim3A_286 : i32 to vector<16x1xi32>
      %gather3A_288 = vector.shape_cast %broadcast_in_dim3A_287 : vector<16x1xi32> to vector<16xi32>
      %gather3A_289 = tpu.dynamic_gather %masked_cumsum3A_285[%gather3A_288] in [0] : vector<16xf32>, vector<16xi32> -> vector<16xf32>
      %eq3A_290 = arith.constant 3 : i32
      %eq3A_291 = vector.broadcast %eq3A_290 : i32 to vector<16xi32>
      %eq3A_292 = arith.cmpi eq, %iota3A, %eq3A_291 : vector<16xi32>
      %select_n3A_293 = arith.select %eq3A_292, %gather3A_289, %select_n3A_264 : vector<16xi1>, vector<16xf32>
      %mul3A_294 = arith.constant 16 : i32
      %mul3A_295 = arith.muli %scan3A_180, %mul3A_294 : i32
      %add3A_296 = arith.constant 4 : i32
      %add3A_297 = arith.addi %mul3A_295, %add3A_296 : i32
      %add3A_298 = arith.constant 256 : i32
      %add3A_299 = arith.addi %add3A_298, %add3A_297 : i32
      %mul3A_300 = arith.constant 16 : i32
      %mul3A_301 = arith.muli %add3A_299, %mul3A_300 : i32
      %get3A_302 = arith.index_cast %mul3A_301 : i32 to index
      %get3A_303 = tpu.vector_load %arg9[%get3A_302] {strides = array<i32>} : memref<8192xf32, #tpu.memory_space<vmem>>, vector<16xf32>,
      %get3A_304 = arith.index_cast %add3A_297 : i32 to index
      %get3A_305 = arith.constant 0 : index
      %get3A_306 = tpu.vector_load %arg10[%get3A_304, %get3A_305] {strides = array<i32>} : memref<256x16xf32, #tpu.memory_space<vmem>>, vector<16xf32>,
      %get3A_307 = arith.index_cast %add3A_297 : i32 to index
      %get3A_308 = arith.constant 0 : index
      %get3A_309 = tpu.vector_load %arg11[%get3A_307, %get3A_308] {strides = array<i32>} : memref<256x16xf32, #tpu.memory_space<vmem>>, vector<16xf32>,
      %sub3A_310 = arith.subf %get3A_306, %get3A_309 : vector<16xf32>
      %mul3A_311 = arith.mulf %get3A_303, %sub3A_310 : vector<16xf32>
      %broadcast_in_dim3A_312 = arith.constant true
      %broadcast_in_dim3A_313 = vector.broadcast %broadcast_in_dim3A_312 : i1 to vector<16xi1>
      %masked_cumsum3A_314 = tpu.scan <sum>, %mul3A_311 masked %broadcast_in_dim3A_313 : vector<16xf32>, vector<16xi1> -> vector<16xf32>
      %broadcast_in_dim3A_315 = arith.constant 15 : i32
      %broadcast_in_dim3A_316 = vector.broadcast %broadcast_in_dim3A_315 : i32 to vector<16x1xi32>
      %gather3A_317 = vector.shape_cast %broadcast_in_dim3A_316 : vector<16x1xi32> to vector<16xi32>
      %gather3A_318 = tpu.dynamic_gather %masked_cumsum3A_314[%gather3A_317] in [0] : vector<16xf32>, vector<16xi32> -> vector<16xf32>
      %eq3A_319 = arith.constant 4 : i32
      %eq3A_320 = vector.broadcast %eq3A_319 : i32 to vector<16xi32>
      %eq3A_321 = arith.cmpi eq, %iota3A, %eq3A_320 : vector<16xi32>
      %select_n3A_322 = arith.select %eq3A_321, %gather3A_318, %select_n3A_293 : vector<16xi1>, vector<16xf32>
      %mul3A_323 = arith.constant 16 : i32
      %mul3A_324 = arith.muli %scan3A_180, %mul3A_323 : i32
      %add3A_325 = arith.constant 5 : i32
      %add3A_326 = arith.addi %mul3A_324, %add3A_325 : i32
      %add3A_327 = arith.constant 256 : i32
      %add3A_328 = arith.addi %add3A_327, %add3A_326 : i32
      %mul3A_329 = arith.constant 16 : i32
      %mul3A_330 = arith.muli %add3A_328, %mul3A_329 : i32
      %get3A_331 = arith.index_cast %mul3A_330 : i32 to index
      %get3A_332 = tpu.vector_load %arg9[%get3A_331] {strides = array<i32>} : memref<8192xf32, #tpu.memory_space<vmem>>, vector<16xf32>,
      %get3A_333 = arith.index_cast %add3A_326 : i32 to index
      %get3A_334 = arith.constant 0 : index
      %get3A_335 = tpu.vector_load %arg10[%get3A_333, %get3A_334] {strides = array<i32>} : memref<256x16xf32, #tpu.memory_space<vmem>>, vector<16xf32>,
      %get3A_336 = arith.index_cast %add3A_326 : i32 to index
      %get3A_337 = arith.constant 0 : index
      %get3A_338 = tpu.vector_load %arg11[%get3A_336, %get3A_337] {strides = array<i32>} : memref<256x16xf32, #tpu.memory_space<vmem>>, vector<16xf32>,
      %sub3A_339 = arith.subf %get3A_335, %get3A_338 : vector<16xf32>
      %mul3A_340 = arith.mulf %get3A_332, %sub3A_339 : vector<16xf32>
      %broadcast_in_dim3A_341 = arith.constant true
      %broadcast_in_dim3A_342 = vector.broadcast %broadcast_in_dim3A_341 : i1 to vector<16xi1>
      %masked_cumsum3A_343 = tpu.scan <sum>, %mul3A_340 masked %broadcast_in_dim3A_342 : vector<16xf32>, vector<16xi1> -> vector<16xf32>
      %broadcast_in_dim3A_344 = arith.constant 15 : i32
      %broadcast_in_dim3A_345 = vector.broadcast %broadcast_in_dim3A_344 : i32 to vector<16x1xi32>
      %gather3A_346 = vector.shape_cast %broadcast_in_dim3A_345 : vector<16x1xi32> to vector<16xi32>
      %gather3A_347 = tpu.dynamic_gather %masked_cumsum3A_343[%gather3A_346] in [0] : vector<16xf32>, vector<16xi32> -> vector<16xf32>
      %eq3A_348 = arith.constant 5 : i32
      %eq3A_349 = vector.broadcast %eq3A_348 : i32 to vector<16xi32>
      %eq3A_350 = arith.cmpi eq, %iota3A, %eq3A_349 : vector<16xi32>
      %select_n3A_351 = arith.select %eq3A_350, %gather3A_347, %select_n3A_322 : vector<16xi1>, vector<16xf32>
      %mul3A_352 = arith.constant 16 : i32
      %mul3A_353 = arith.muli %scan3A_180, %mul3A_352 : i32
      %add3A_354 = arith.constant 6 : i32
      %add3A_355 = arith.addi %mul3A_353, %add3A_354 : i32
      %add3A_356 = arith.constant 256 : i32
      %add3A_357 = arith.addi %add3A_356, %add3A_355 : i32
      %mul3A_358 = arith.constant 16 : i32
      %mul3A_359 = arith.muli %add3A_357, %mul3A_358 : i32
      %get3A_360 = arith.index_cast %mul3A_359 : i32 to index
      %get3A_361 = tpu.vector_load %arg9[%get3A_360] {strides = array<i32>} : memref<8192xf32, #tpu.memory_space<vmem>>, vector<16xf32>,
      %get3A_362 = arith.index_cast %add3A_355 : i32 to index
      %get3A_363 = arith.constant 0 : index
      %get3A_364 = tpu.vector_load %arg10[%get3A_362, %get3A_363] {strides = array<i32>} : memref<256x16xf32, #tpu.memory_space<vmem>>, vector<16xf32>,
      %get3A_365 = arith.index_cast %add3A_355 : i32 to index
      %get3A_366 = arith.constant 0 : index
      %get3A_367 = tpu.vector_load %arg11[%get3A_365, %get3A_366] {strides = array<i32>} : memref<256x16xf32, #tpu.memory_space<vmem>>, vector<16xf32>,
      %sub3A_368 = arith.subf %get3A_364, %get3A_367 : vector<16xf32>
      %mul3A_369 = arith.mulf %get3A_361, %sub3A_368 : vector<16xf32>
      %broadcast_in_dim3A_370 = arith.constant true
      %broadcast_in_dim3A_371 = vector.broadcast %broadcast_in_dim3A_370 : i1 to vector<16xi1>
      %masked_cumsum3A_372 = tpu.scan <sum>, %mul3A_369 masked %broadcast_in_dim3A_371 : vector<16xf32>, vector<16xi1> -> vector<16xf32>
      %broadcast_in_dim3A_373 = arith.constant 15 : i32
      %broadcast_in_dim3A_374 = vector.broadcast %broadcast_in_dim3A_373 : i32 to vector<16x1xi32>
      %gather3A_375 = vector.shape_cast %broadcast_in_dim3A_374 : vector<16x1xi32> to vector<16xi32>
      %gather3A_376 = tpu.dynamic_gather %masked_cumsum3A_372[%gather3A_375] in [0] : vector<16xf32>, vector<16xi32> -> vector<16xf32>
      %eq3A_377 = arith.constant 6 : i32
      %eq3A_378 = vector.broadcast %eq3A_377 : i32 to vector<16xi32>
      %eq3A_379 = arith.cmpi eq, %iota3A, %eq3A_378 : vector<16xi32>
      %select_n3A_380 = arith.select %eq3A_379, %gather3A_376, %select_n3A_351 : vector<16xi1>, vector<16xf32>
      %mul3A_381 = arith.constant 16 : i32
      %mul3A_382 = arith.muli %scan3A_180, %mul3A_381 : i32
      %add3A_383 = arith.constant 7 : i32
      %add3A_384 = arith.addi %mul3A_382, %add3A_383 : i32
      %add3A_385 = arith.constant 256 : i32
      %add3A_386 = arith.addi %add3A_385, %add3A_384 : i32
      %mul3A_387 = arith.constant 16 : i32
      %mul3A_388 = arith.muli %add3A_386, %mul3A_387 : i32
      %get3A_389 = arith.index_cast %mul3A_388 : i32 to index
      %get3A_390 = tpu.vector_load %arg9[%get3A_389] {strides = array<i32>} : memref<8192xf32, #tpu.memory_space<vmem>>, vector<16xf32>,
      %get3A_391 = arith.index_cast %add3A_384 : i32 to index
      %get3A_392 = arith.constant 0 : index
      %get3A_393 = tpu.vector_load %arg10[%get3A_391, %get3A_392] {strides = array<i32>} : memref<256x16xf32, #tpu.memory_space<vmem>>, vector<16xf32>,
      %get3A_394 = arith.index_cast %add3A_384 : i32 to index
      %get3A_395 = arith.constant 0 : index
      %get3A_396 = tpu.vector_load %arg11[%get3A_394, %get3A_395] {strides = array<i32>} : memref<256x16xf32, #tpu.memory_space<vmem>>, vector<16xf32>,
      %sub3A_397 = arith.subf %get3A_393, %get3A_396 : vector<16xf32>
      %mul3A_398 = arith.mulf %get3A_390, %sub3A_397 : vector<16xf32>
      %broadcast_in_dim3A_399 = arith.constant true
      %broadcast_in_dim3A_400 = vector.broadcast %broadcast_in_dim3A_399 : i1 to vector<16xi1>
      %masked_cumsum3A_401 = tpu.scan <sum>, %mul3A_398 masked %broadcast_in_dim3A_400 : vector<16xf32>, vector<16xi1> -> vector<16xf32>
      %broadcast_in_dim3A_402 = arith.constant 15 : i32
      %broadcast_in_dim3A_403 = vector.broadcast %broadcast_in_dim3A_402 : i32 to vector<16x1xi32>
      %gather3A_404 = vector.shape_cast %broadcast_in_dim3A_403 : vector<16x1xi32> to vector<16xi32>
      %gather3A_405 = tpu.dynamic_gather %masked_cumsum3A_401[%gather3A_404] in [0] : vector<16xf32>, vector<16xi32> -> vector<16xf32>
      %eq3A_406 = arith.constant 7 : i32
      %eq3A_407 = vector.broadcast %eq3A_406 : i32 to vector<16xi32>
      %eq3A_408 = arith.cmpi eq, %iota3A, %eq3A_407 : vector<16xi32>
      %select_n3A_409 = arith.select %eq3A_408, %gather3A_405, %select_n3A_380 : vector<16xi1>, vector<16xf32>
      %mul3A_410 = arith.constant 16 : i32
      %mul3A_411 = arith.muli %scan3A_180, %mul3A_410 : i32
      %add3A_412 = arith.constant 8 : i32
      %add3A_413 = arith.addi %mul3A_411, %add3A_412 : i32
      %add3A_414 = arith.constant 256 : i32
      %add3A_415 = arith.addi %add3A_414, %add3A_413 : i32
      %mul3A_416 = arith.constant 16 : i32
      %mul3A_417 = arith.muli %add3A_415, %mul3A_416 : i32
      %get3A_418 = arith.index_cast %mul3A_417 : i32 to index
      %get3A_419 = tpu.vector_load %arg9[%get3A_418] {strides = array<i32>} : memref<8192xf32, #tpu.memory_space<vmem>>, vector<16xf32>,
      %get3A_420 = arith.index_cast %add3A_413 : i32 to index
      %get3A_421 = arith.constant 0 : index
      %get3A_422 = tpu.vector_load %arg10[%get3A_420, %get3A_421] {strides = array<i32>} : memref<256x16xf32, #tpu.memory_space<vmem>>, vector<16xf32>,
      %get3A_423 = arith.index_cast %add3A_413 : i32 to index
      %get3A_424 = arith.constant 0 : index
      %get3A_425 = tpu.vector_load %arg11[%get3A_423, %get3A_424] {strides = array<i32>} : memref<256x16xf32, #tpu.memory_space<vmem>>, vector<16xf32>,
      %sub3A_426 = arith.subf %get3A_422, %get3A_425 : vector<16xf32>
      %mul3A_427 = arith.mulf %get3A_419, %sub3A_426 : vector<16xf32>
      %broadcast_in_dim3A_428 = arith.constant true
      %broadcast_in_dim3A_429 = vector.broadcast %broadcast_in_dim3A_428 : i1 to vector<16xi1>
      %masked_cumsum3A_430 = tpu.scan <sum>, %mul3A_427 masked %broadcast_in_dim3A_429 : vector<16xf32>, vector<16xi1> -> vector<16xf32>
      %broadcast_in_dim3A_431 = arith.constant 15 : i32
      %broadcast_in_dim3A_432 = vector.broadcast %broadcast_in_dim3A_431 : i32 to vector<16x1xi32>
      %gather3A_433 = vector.shape_cast %broadcast_in_dim3A_432 : vector<16x1xi32> to vector<16xi32>
      %gather3A_434 = tpu.dynamic_gather %masked_cumsum3A_430[%gather3A_433] in [0] : vector<16xf32>, vector<16xi32> -> vector<16xf32>
      %eq3A_435 = arith.constant 8 : i32
      %eq3A_436 = vector.broadcast %eq3A_435 : i32 to vector<16xi32>
      %eq3A_437 = arith.cmpi eq, %iota3A, %eq3A_436 : vector<16xi32>
      %select_n3A_438 = arith.select %eq3A_437, %gather3A_434, %select_n3A_409 : vector<16xi1>, vector<16xf32>
      %mul3A_439 = arith.constant 16 : i32
      %mul3A_440 = arith.muli %scan3A_180, %mul3A_439 : i32
      %add3A_441 = arith.constant 9 : i32
      %add3A_442 = arith.addi %mul3A_440, %add3A_441 : i32
      %add3A_443 = arith.constant 256 : i32
      %add3A_444 = arith.addi %add3A_443, %add3A_442 : i32
      %mul3A_445 = arith.constant 16 : i32
      %mul3A_446 = arith.muli %add3A_444, %mul3A_445 : i32
      %get3A_447 = arith.index_cast %mul3A_446 : i32 to index
      %get3A_448 = tpu.vector_load %arg9[%get3A_447] {strides = array<i32>} : memref<8192xf32, #tpu.memory_space<vmem>>, vector<16xf32>,
      %get3A_449 = arith.index_cast %add3A_442 : i32 to index
      %get3A_450 = arith.constant 0 : index
      %get3A_451 = tpu.vector_load %arg10[%get3A_449, %get3A_450] {strides = array<i32>} : memref<256x16xf32, #tpu.memory_space<vmem>>, vector<16xf32>,
      %get3A_452 = arith.index_cast %add3A_442 : i32 to index
      %get3A_453 = arith.constant 0 : index
      %get3A_454 = tpu.vector_load %arg11[%get3A_452, %get3A_453] {strides = array<i32>} : memref<256x16xf32, #tpu.memory_space<vmem>>, vector<16xf32>,
      %sub3A_455 = arith.subf %get3A_451, %get3A_454 : vector<16xf32>
      %mul3A_456 = arith.mulf %get3A_448, %sub3A_455 : vector<16xf32>
      %broadcast_in_dim3A_457 = arith.constant true
      %broadcast_in_dim3A_458 = vector.broadcast %broadcast_in_dim3A_457 : i1 to vector<16xi1>
      %masked_cumsum3A_459 = tpu.scan <sum>, %mul3A_456 masked %broadcast_in_dim3A_458 : vector<16xf32>, vector<16xi1> -> vector<16xf32>
      %broadcast_in_dim3A_460 = arith.constant 15 : i32
      %broadcast_in_dim3A_461 = vector.broadcast %broadcast_in_dim3A_460 : i32 to vector<16x1xi32>
      %gather3A_462 = vector.shape_cast %broadcast_in_dim3A_461 : vector<16x1xi32> to vector<16xi32>
      %gather3A_463 = tpu.dynamic_gather %masked_cumsum3A_459[%gather3A_462] in [0] : vector<16xf32>, vector<16xi32> -> vector<16xf32>
      %eq3A_464 = arith.constant 9 : i32
      %eq3A_465 = vector.broadcast %eq3A_464 : i32 to vector<16xi32>
      %eq3A_466 = arith.cmpi eq, %iota3A, %eq3A_465 : vector<16xi32>
      %select_n3A_467 = arith.select %eq3A_466, %gather3A_463, %select_n3A_438 : vector<16xi1>, vector<16xf32>
      %mul3A_468 = arith.constant 16 : i32
      %mul3A_469 = arith.muli %scan3A_180, %mul3A_468 : i32
      %add3A_470 = arith.constant 10 : i32
      %add3A_471 = arith.addi %mul3A_469, %add3A_470 : i32
      %add3A_472 = arith.constant 256 : i32
      %add3A_473 = arith.addi %add3A_472, %add3A_471 : i32
      %mul3A_474 = arith.constant 16 : i32
      %mul3A_475 = arith.muli %add3A_473, %mul3A_474 : i32
      %get3A_476 = arith.index_cast %mul3A_475 : i32 to index
      %get3A_477 = tpu.vector_load %arg9[%get3A_476] {strides = array<i32>} : memref<8192xf32, #tpu.memory_space<vmem>>, vector<16xf32>,
      %get3A_478 = arith.index_cast %add3A_471 : i32 to index
      %get3A_479 = arith.constant 0 : index
      %get3A_480 = tpu.vector_load %arg10[%get3A_478, %get3A_479] {strides = array<i32>} : memref<256x16xf32, #tpu.memory_space<vmem>>, vector<16xf32>,
      %get3A_481 = arith.index_cast %add3A_471 : i32 to index
      %get3A_482 = arith.constant 0 : index
      %get3A_483 = tpu.vector_load %arg11[%get3A_481, %get3A_482] {strides = array<i32>} : memref<256x16xf32, #tpu.memory_space<vmem>>, vector<16xf32>,
      %sub3A_484 = arith.subf %get3A_480, %get3A_483 : vector<16xf32>
      %mul3A_485 = arith.mulf %get3A_477, %sub3A_484 : vector<16xf32>
      %broadcast_in_dim3A_486 = arith.constant true
      %broadcast_in_dim3A_487 = vector.broadcast %broadcast_in_dim3A_486 : i1 to vector<16xi1>
      %masked_cumsum3A_488 = tpu.scan <sum>, %mul3A_485 masked %broadcast_in_dim3A_487 : vector<16xf32>, vector<16xi1> -> vector<16xf32>
      %broadcast_in_dim3A_489 = arith.constant 15 : i32
      %broadcast_in_dim3A_490 = vector.broadcast %broadcast_in_dim3A_489 : i32 to vector<16x1xi32>
      %gather3A_491 = vector.shape_cast %broadcast_in_dim3A_490 : vector<16x1xi32> to vector<16xi32>
      %gather3A_492 = tpu.dynamic_gather %masked_cumsum3A_488[%gather3A_491] in [0] : vector<16xf32>, vector<16xi32> -> vector<16xf32>
      %eq3A_493 = arith.constant 10 : i32
      %eq3A_494 = vector.broadcast %eq3A_493 : i32 to vector<16xi32>
      %eq3A_495 = arith.cmpi eq, %iota3A, %eq3A_494 : vector<16xi32>
      %select_n3A_496 = arith.select %eq3A_495, %gather3A_492, %select_n3A_467 : vector<16xi1>, vector<16xf32>
      %mul3A_497 = arith.constant 16 : i32
      %mul3A_498 = arith.muli %scan3A_180, %mul3A_497 : i32
      %add3A_499 = arith.constant 11 : i32
      %add3A_500 = arith.addi %mul3A_498, %add3A_499 : i32
      %add3A_501 = arith.constant 256 : i32
      %add3A_502 = arith.addi %add3A_501, %add3A_500 : i32
      %mul3A_503 = arith.constant 16 : i32
      %mul3A_504 = arith.muli %add3A_502, %mul3A_503 : i32
      %get3A_505 = arith.index_cast %mul3A_504 : i32 to index
      %get3A_506 = tpu.vector_load %arg9[%get3A_505] {strides = array<i32>} : memref<8192xf32, #tpu.memory_space<vmem>>, vector<16xf32>,
      %get3A_507 = arith.index_cast %add3A_500 : i32 to index
      %get3A_508 = arith.constant 0 : index
      %get3A_509 = tpu.vector_load %arg10[%get3A_507, %get3A_508] {strides = array<i32>} : memref<256x16xf32, #tpu.memory_space<vmem>>, vector<16xf32>,
      %get3A_510 = arith.index_cast %add3A_500 : i32 to index
      %get3A_511 = arith.constant 0 : index
      %get3A_512 = tpu.vector_load %arg11[%get3A_510, %get3A_511] {strides = array<i32>} : memref<256x16xf32, #tpu.memory_space<vmem>>, vector<16xf32>,
      %sub3A_513 = arith.subf %get3A_509, %get3A_512 : vector<16xf32>
      %mul3A_514 = arith.mulf %get3A_506, %sub3A_513 : vector<16xf32>
      %broadcast_in_dim3A_515 = arith.constant true
      %broadcast_in_dim3A_516 = vector.broadcast %broadcast_in_dim3A_515 : i1 to vector<16xi1>
      %masked_cumsum3A_517 = tpu.scan <sum>, %mul3A_514 masked %broadcast_in_dim3A_516 : vector<16xf32>, vector<16xi1> -> vector<16xf32>
      %broadcast_in_dim3A_518 = arith.constant 15 : i32
      %broadcast_in_dim3A_519 = vector.broadcast %broadcast_in_dim3A_518 : i32 to vector<16x1xi32>
      %gather3A_520 = vector.shape_cast %broadcast_in_dim3A_519 : vector<16x1xi32> to vector<16xi32>
      %gather3A_521 = tpu.dynamic_gather %masked_cumsum3A_517[%gather3A_520] in [0] : vector<16xf32>, vector<16xi32> -> vector<16xf32>
      %eq3A_522 = arith.constant 11 : i32
      %eq3A_523 = vector.broadcast %eq3A_522 : i32 to vector<16xi32>
      %eq3A_524 = arith.cmpi eq, %iota3A, %eq3A_523 : vector<16xi32>
      %select_n3A_525 = arith.select %eq3A_524, %gather3A_521, %select_n3A_496 : vector<16xi1>, vector<16xf32>
      %mul3A_526 = arith.constant 16 : i32
      %mul3A_527 = arith.muli %scan3A_180, %mul3A_526 : i32
      %add3A_528 = arith.constant 12 : i32
      %add3A_529 = arith.addi %mul3A_527, %add3A_528 : i32
      %add3A_530 = arith.constant 256 : i32
      %add3A_531 = arith.addi %add3A_530, %add3A_529 : i32
      %mul3A_532 = arith.constant 16 : i32
      %mul3A_533 = arith.muli %add3A_531, %mul3A_532 : i32
      %get3A_534 = arith.index_cast %mul3A_533 : i32 to index
      %get3A_535 = tpu.vector_load %arg9[%get3A_534] {strides = array<i32>} : memref<8192xf32, #tpu.memory_space<vmem>>, vector<16xf32>,
      %get3A_536 = arith.index_cast %add3A_529 : i32 to index
      %get3A_537 = arith.constant 0 : index
      %get3A_538 = tpu.vector_load %arg10[%get3A_536, %get3A_537] {strides = array<i32>} : memref<256x16xf32, #tpu.memory_space<vmem>>, vector<16xf32>,
      %get3A_539 = arith.index_cast %add3A_529 : i32 to index
      %get3A_540 = arith.constant 0 : index
      %get3A_541 = tpu.vector_load %arg11[%get3A_539, %get3A_540] {strides = array<i32>} : memref<256x16xf32, #tpu.memory_space<vmem>>, vector<16xf32>,
      %sub3A_542 = arith.subf %get3A_538, %get3A_541 : vector<16xf32>
      %mul3A_543 = arith.mulf %get3A_535, %sub3A_542 : vector<16xf32>
      %broadcast_in_dim3A_544 = arith.constant true
      %broadcast_in_dim3A_545 = vector.broadcast %broadcast_in_dim3A_544 : i1 to vector<16xi1>
      %masked_cumsum3A_546 = tpu.scan <sum>, %mul3A_543 masked %broadcast_in_dim3A_545 : vector<16xf32>, vector<16xi1> -> vector<16xf32>
      %broadcast_in_dim3A_547 = arith.constant 15 : i32
      %broadcast_in_dim3A_548 = vector.broadcast %broadcast_in_dim3A_547 : i32 to vector<16x1xi32>
      %gather3A_549 = vector.shape_cast %broadcast_in_dim3A_548 : vector<16x1xi32> to vector<16xi32>
      %gather3A_550 = tpu.dynamic_gather %masked_cumsum3A_546[%gather3A_549] in [0] : vector<16xf32>, vector<16xi32> -> vector<16xf32>
      %eq3A_551 = arith.constant 12 : i32
      %eq3A_552 = vector.broadcast %eq3A_551 : i32 to vector<16xi32>
      %eq3A_553 = arith.cmpi eq, %iota3A, %eq3A_552 : vector<16xi32>
      %select_n3A_554 = arith.select %eq3A_553, %gather3A_550, %select_n3A_525 : vector<16xi1>, vector<16xf32>
      %mul3A_555 = arith.constant 16 : i32
      %mul3A_556 = arith.muli %scan3A_180, %mul3A_555 : i32
      %add3A_557 = arith.constant 13 : i32
      %add3A_558 = arith.addi %mul3A_556, %add3A_557 : i32
      %add3A_559 = arith.constant 256 : i32
      %add3A_560 = arith.addi %add3A_559, %add3A_558 : i32
      %mul3A_561 = arith.constant 16 : i32
      %mul3A_562 = arith.muli %add3A_560, %mul3A_561 : i32
      %get3A_563 = arith.index_cast %mul3A_562 : i32 to index
      %get3A_564 = tpu.vector_load %arg9[%get3A_563] {strides = array<i32>} : memref<8192xf32, #tpu.memory_space<vmem>>, vector<16xf32>,
      %get3A_565 = arith.index_cast %add3A_558 : i32 to index
      %get3A_566 = arith.constant 0 : index
      %get3A_567 = tpu.vector_load %arg10[%get3A_565, %get3A_566] {strides = array<i32>} : memref<256x16xf32, #tpu.memory_space<vmem>>, vector<16xf32>,
      %get3A_568 = arith.index_cast %add3A_558 : i32 to index
      %get3A_569 = arith.constant 0 : index
      %get3A_570 = tpu.vector_load %arg11[%get3A_568, %get3A_569] {strides = array<i32>} : memref<256x16xf32, #tpu.memory_space<vmem>>, vector<16xf32>,
      %sub3A_571 = arith.subf %get3A_567, %get3A_570 : vector<16xf32>
      %mul3A_572 = arith.mulf %get3A_564, %sub3A_571 : vector<16xf32>
      %broadcast_in_dim3A_573 = arith.constant true
      %broadcast_in_dim3A_574 = vector.broadcast %broadcast_in_dim3A_573 : i1 to vector<16xi1>
      %masked_cumsum3A_575 = tpu.scan <sum>, %mul3A_572 masked %broadcast_in_dim3A_574 : vector<16xf32>, vector<16xi1> -> vector<16xf32>
      %broadcast_in_dim3A_576 = arith.constant 15 : i32
      %broadcast_in_dim3A_577 = vector.broadcast %broadcast_in_dim3A_576 : i32 to vector<16x1xi32>
      %gather3A_578 = vector.shape_cast %broadcast_in_dim3A_577 : vector<16x1xi32> to vector<16xi32>
      %gather3A_579 = tpu.dynamic_gather %masked_cumsum3A_575[%gather3A_578] in [0] : vector<16xf32>, vector<16xi32> -> vector<16xf32>
      %eq3A_580 = arith.constant 13 : i32
      %eq3A_581 = vector.broadcast %eq3A_580 : i32 to vector<16xi32>
      %eq3A_582 = arith.cmpi eq, %iota3A, %eq3A_581 : vector<16xi32>
      %select_n3A_583 = arith.select %eq3A_582, %gather3A_579, %select_n3A_554 : vector<16xi1>, vector<16xf32>
      %mul3A_584 = arith.constant 16 : i32
      %mul3A_585 = arith.muli %scan3A_180, %mul3A_584 : i32
      %add3A_586 = arith.constant 14 : i32
      %add3A_587 = arith.addi %mul3A_585, %add3A_586 : i32
      %add3A_588 = arith.constant 256 : i32
      %add3A_589 = arith.addi %add3A_588, %add3A_587 : i32
      %mul3A_590 = arith.constant 16 : i32
      %mul3A_591 = arith.muli %add3A_589, %mul3A_590 : i32
      %get3A_592 = arith.index_cast %mul3A_591 : i32 to index
      %get3A_593 = tpu.vector_load %arg9[%get3A_592] {strides = array<i32>} : memref<8192xf32, #tpu.memory_space<vmem>>, vector<16xf32>,
      %get3A_594 = arith.index_cast %add3A_587 : i32 to index
      %get3A_595 = arith.constant 0 : index
      %get3A_596 = tpu.vector_load %arg10[%get3A_594, %get3A_595] {strides = array<i32>} : memref<256x16xf32, #tpu.memory_space<vmem>>, vector<16xf32>,
      %get3A_597 = arith.index_cast %add3A_587 : i32 to index
      %get3A_598 = arith.constant 0 : index
      %get3A_599 = tpu.vector_load %arg11[%get3A_597, %get3A_598] {strides = array<i32>} : memref<256x16xf32, #tpu.memory_space<vmem>>, vector<16xf32>,
      %sub3A_600 = arith.subf %get3A_596, %get3A_599 : vector<16xf32>
      %mul3A_601 = arith.mulf %get3A_593, %sub3A_600 : vector<16xf32>
      %broadcast_in_dim3A_602 = arith.constant true
      %broadcast_in_dim3A_603 = vector.broadcast %broadcast_in_dim3A_602 : i1 to vector<16xi1>
      %masked_cumsum3A_604 = tpu.scan <sum>, %mul3A_601 masked %broadcast_in_dim3A_603 : vector<16xf32>, vector<16xi1> -> vector<16xf32>
      %broadcast_in_dim3A_605 = arith.constant 15 : i32
      %broadcast_in_dim3A_606 = vector.broadcast %broadcast_in_dim3A_605 : i32 to vector<16x1xi32>
      %gather3A_607 = vector.shape_cast %broadcast_in_dim3A_606 : vector<16x1xi32> to vector<16xi32>
      %gather3A_608 = tpu.dynamic_gather %masked_cumsum3A_604[%gather3A_607] in [0] : vector<16xf32>, vector<16xi32> -> vector<16xf32>
      %eq3A_609 = arith.constant 14 : i32
      %eq3A_610 = vector.broadcast %eq3A_609 : i32 to vector<16xi32>
      %eq3A_611 = arith.cmpi eq, %iota3A, %eq3A_610 : vector<16xi32>
      %select_n3A_612 = arith.select %eq3A_611, %gather3A_608, %select_n3A_583 : vector<16xi1>, vector<16xf32>
      %mul3A_613 = arith.constant 16 : i32
      %mul3A_614 = arith.muli %scan3A_180, %mul3A_613 : i32
      %add3A_615 = arith.constant 15 : i32
      %add3A_616 = arith.addi %mul3A_614, %add3A_615 : i32
      %add3A_617 = arith.constant 256 : i32
      %add3A_618 = arith.addi %add3A_617, %add3A_616 : i32
      %mul3A_619 = arith.constant 16 : i32
      %mul3A_620 = arith.muli %add3A_618, %mul3A_619 : i32
      %get3A_621 = arith.index_cast %mul3A_620 : i32 to index
      %get3A_622 = tpu.vector_load %arg9[%get3A_621] {strides = array<i32>} : memref<8192xf32, #tpu.memory_space<vmem>>, vector<16xf32>,
      %get3A_623 = arith.index_cast %add3A_616 : i32 to index
      %get3A_624 = arith.constant 0 : index
      %get3A_625 = tpu.vector_load %arg10[%get3A_623, %get3A_624] {strides = array<i32>} : memref<256x16xf32, #tpu.memory_space<vmem>>, vector<16xf32>,
      %get3A_626 = arith.index_cast %add3A_616 : i32 to index
      %get3A_627 = arith.constant 0 : index
      %get3A_628 = tpu.vector_load %arg11[%get3A_626, %get3A_627] {strides = array<i32>} : memref<256x16xf32, #tpu.memory_space<vmem>>, vector<16xf32>,
      %sub3A_629 = arith.subf %get3A_625, %get3A_628 : vector<16xf32>
      %mul3A_630 = arith.mulf %get3A_622, %sub3A_629 : vector<16xf32>
      %broadcast_in_dim3A_631 = arith.constant true
      %broadcast_in_dim3A_632 = vector.broadcast %broadcast_in_dim3A_631 : i1 to vector<16xi1>
      %masked_cumsum3A_633 = tpu.scan <sum>, %mul3A_630 masked %broadcast_in_dim3A_632 : vector<16xf32>, vector<16xi1> -> vector<16xf32>
      %broadcast_in_dim3A_634 = arith.constant 15 : i32
      %broadcast_in_dim3A_635 = vector.broadcast %broadcast_in_dim3A_634 : i32 to vector<16x1xi32>
      %gather3A_636 = vector.shape_cast %broadcast_in_dim3A_635 : vector<16x1xi32> to vector<16xi32>
      %gather3A_637 = tpu.dynamic_gather %masked_cumsum3A_633[%gather3A_636] in [0] : vector<16xf32>, vector<16xi32> -> vector<16xf32>
      %eq3A_638 = arith.constant 15 : i32
      %eq3A_639 = vector.broadcast %eq3A_638 : i32 to vector<16xi32>
      %eq3A_640 = arith.cmpi eq, %iota3A, %eq3A_639 : vector<16xi32>
      %select_n3A_641 = arith.select %eq3A_640, %gather3A_637, %select_n3A_612 : vector<16xi1>, vector<16xf32>
      %neg3A = arith.constant 0.000000e+00 : f32
      %neg3A_642 = vector.broadcast %neg3A : f32 to vector<16xf32>
      %neg3A_643 = arith.subf %neg3A_642, %select_n3A_641 : vector<16xf32>
      %exp3A = math.exp %neg3A_643 : vector<16xf32>
      %add3A_644 = arith.constant 1.000000e+00 : f32
      %add3A_645 = vector.broadcast %add3A_644 : f32 to vector<16xf32>
      %add3A_646 = arith.addf %add3A_645, %exp3A : vector<16xf32>
      %div3A = arith.constant 1.000000e+00 : f32
      %div3A_647 = vector.broadcast %div3A : f32 to vector<16xf32>
      %div3A_648 = arith.divf %div3A_647, %add3A_646 : vector<16xf32>
      %add3A_649 = arith.constant 1.000000e-10 : f32
      %add3A_650 = vector.broadcast %add3A_649 : f32 to vector<16xf32>
      %add3A_651 = arith.addf %div3A_648, %add3A_650 : vector<16xf32>
      %bitcast_convert_type3A = tpu.bitcast %add3A_651 : vector<16xf32> -> vector<16xi32>
      %shift_right_arithmetic3A = arith.constant 23 : i32
      %shift_right_arithmetic3A_652 = vector.broadcast %shift_right_arithmetic3A : i32 to vector<16xi32>
      %shift_right_arithmetic3A_653 = arith.shrsi %bitcast_convert_type3A, %shift_right_arithmetic3A_652 : vector<16xi32>
      %sub3A_654 = arith.constant 127 : i32
      %sub3A_655 = vector.broadcast %sub3A_654 : i32 to vector<16xi32>
      %sub3A_656 = arith.subi %shift_right_arithmetic3A_653, %sub3A_655 : vector<16xi32>
      %and3A = arith.constant 8388607 : i32
      %and3A_657 = vector.broadcast %and3A : i32 to vector<16xi32>
      %and3A_658 = arith.andi %bitcast_convert_type3A, %and3A_657 : vector<16xi32>
      %or3A = arith.constant 1065353216 : i32
      %or3A_659 = vector.broadcast %or3A : i32 to vector<16xi32>
      %or3A_660 = arith.ori %and3A_658, %or3A_659 : vector<16xi32>
      %bitcast_convert_type3A_661 = tpu.bitcast %or3A_660 : vector<16xi32> -> vector<16xf32>
      %gt3A = arith.constant 1.41421354 : f32
      %gt3A_662 = vector.broadcast %gt3A : f32 to vector<16xf32>
      %gt3A_663 = arith.cmpf ogt, %bitcast_convert_type3A_661, %gt3A_662 : vector<16xf32>
      %mul3A_664 = arith.constant 5.000000e-01 : f32
      %mul3A_665 = vector.broadcast %mul3A_664 : f32 to vector<16xf32>
      %mul3A_666 = arith.mulf %bitcast_convert_type3A_661, %mul3A_665 : vector<16xf32>
      %select_n3A_667 = arith.select %gt3A_663, %mul3A_666, %bitcast_convert_type3A_661 : vector<16xi1>, vector<16xf32>
      %convert_element_type3A = arith.sitofp %sub3A_656 : vector<16xi32> to vector<16xf32>
      %jit3A = arith.constant 1.000000e+00 : f32
      %jit3A_668 = arith.constant 0.000000e+00 : f32
      %broadcast_in_dim3A_669 = vector.broadcast %jit3A : f32 to vector<16xf32>
      %broadcast_in_dim3A_670 = vector.broadcast %jit3A_668 : f32 to vector<16xf32>
      %select_n3A_671 = arith.select %gt3A_663, %broadcast_in_dim3A_669, %broadcast_in_dim3A_670 : vector<16xi1>, vector<16xf32>
      %add3A_672 = arith.addf %convert_element_type3A, %select_n3A_671 : vector<16xf32>
      %sub3A_673 = arith.constant 1.000000e+00 : f32
      %sub3A_674 = vector.broadcast %sub3A_673 : f32 to vector<16xf32>
      %sub3A_675 = arith.subf %select_n3A_667, %sub3A_674 : vector<16xf32>
      %add3A_676 = arith.constant 1.000000e+00 : f32
      %add3A_677 = vector.broadcast %add3A_676 : f32 to vector<16xf32>
      %add3A_678 = arith.addf %select_n3A_667, %add3A_677 : vector<16xf32>
      %div3A_679 = arith.divf %sub3A_675, %add3A_678 : vector<16xf32>
      %mul3A_680 = arith.mulf %div3A_679, %div3A_679 : vector<16xf32>
      %mul3A_681 = arith.constant 2.000000e+00 : f32
      %mul3A_682 = vector.broadcast %mul3A_681 : f32 to vector<16xf32>
      %mul3A_683 = arith.mulf %mul3A_682, %div3A_679 : vector<16xf32>
      %div3A_684 = arith.constant 9.000000e+00 : f32
      %div3A_685 = vector.broadcast %div3A_684 : f32 to vector<16xf32>
      %div3A_686 = arith.divf %mul3A_680, %div3A_685 : vector<16xf32>
      %add3A_687 = arith.constant 0.142857149 : f32
      %add3A_688 = vector.broadcast %add3A_687 : f32 to vector<16xf32>
      %add3A_689 = arith.addf %add3A_688, %div3A_686 : vector<16xf32>
      %mul3A_690 = arith.mulf %mul3A_680, %add3A_689 : vector<16xf32>
      %add3A_691 = arith.constant 2.000000e-01 : f32
      %add3A_692 = vector.broadcast %add3A_691 : f32 to vector<16xf32>
      %add3A_693 = arith.addf %add3A_692, %mul3A_690 : vector<16xf32>
      %mul3A_694 = arith.mulf %mul3A_680, %add3A_693 : vector<16xf32>
      %add3A_695 = arith.constant 0.333333343 : f32
      %add3A_696 = vector.broadcast %add3A_695 : f32 to vector<16xf32>
      %add3A_697 = arith.addf %add3A_696, %mul3A_694 : vector<16xf32>
      %mul3A_698 = arith.mulf %mul3A_680, %add3A_697 : vector<16xf32>
      %add3A_699 = arith.constant 1.000000e+00 : f32
      %add3A_700 = vector.broadcast %add3A_699 : f32 to vector<16xf32>
      %add3A_701 = arith.addf %add3A_700, %mul3A_698 : vector<16xf32>
      %mul3A_702 = arith.mulf %mul3A_683, %add3A_701 : vector<16xf32>
      %mul3A_703 = arith.constant 0.693147182 : f32
      %mul3A_704 = vector.broadcast %mul3A_703 : f32 to vector<16xf32>
      %mul3A_705 = arith.mulf %add3A_672, %mul3A_704 : vector<16xf32>
      %add3A_706 = arith.addf %mul3A_705, %mul3A_702 : vector<16xf32>
      %neg3A_707 = arith.constant 0.000000e+00 : f32
      %neg3A_708 = vector.broadcast %neg3A_707 : f32 to vector<16xf32>
      %neg3A_709 = arith.subf %neg3A_708, %add3A_706 : vector<16xf32>
      %add3A_710 = arith.addf %scan3A_181, %neg3A_709 : vector<16xf32>
      scf.yield %add3A_710 : vector<16xf32>
    }
    %scan3A_178 = arith.constant 16 : i32
    %swap3A = arith.constant 0 : index
    %swap3A_179 = tpu.vector_load %arg12[%swap3A] {strides = array<i32>} : memref<16xf32, #tpu.memory_space<vmem>>, vector<16xf32>,
    tpu.vector_store %arg12[%swap3A], %scan3A_177 {strides = array<i32>} : memref<16xf32, #tpu.memory_space<vmem>>, vector<16xf32>,
    "tpu.region"() ({
      %run_scoped3A = tpu.sem_alloc : memref<!tpu.dma_semaphore, #tpu.memory_space<semaphore_mem>>
      %dma_start3A_180 = arith.constant 0 : i32
      %dma_start3A_181 = tpu.memref_slice %arg6[%add3A, %dma_start3A_180] : memref<32x16xf32, #tpu.memory_space<hbm>> -> memref<1x16xf32, #tpu.memory_space<hbm>>
      %dma_start3A_182 = tpu.memref_squeeze %dma_start3A_181 : memref<1x16xf32, #tpu.memory_space<hbm>> -> memref<16xf32, #tpu.memory_space<hbm>>
      %dma_start3A_183 = arith.constant 0 : i32
      %dma_start3A_184 = tpu.memref_slice %arg6[%add3A, %dma_start3A_183] : memref<32x16xf32, #tpu.memory_space<hbm>> -> memref<1x16xf32, #tpu.memory_space<hbm>>
      %dma_start3A_185 = tpu.memref_squeeze %dma_start3A_184 : memref<1x16xf32, #tpu.memory_space<hbm>> -> memref<16xf32, #tpu.memory_space<hbm>>
      tpu.enqueue_dma source(%arg12 : memref<16xf32, #tpu.memory_space<vmem>>) target(%dma_start3A_185 : memref<16xf32, #tpu.memory_space<hbm>>) target_semaphore(%run_scoped3A : memref<!tpu.dma_semaphore, #tpu.memory_space<semaphore_mem>>)
      %dma_wait3A_186 = arith.constant 0 : i32
      %dma_wait3A_187 = tpu.memref_slice %arg6[%add3A, %dma_wait3A_186] : memref<32x16xf32, #tpu.memory_space<hbm>> -> memref<1x16xf32, #tpu.memory_space<hbm>>
      %dma_wait3A_188 = tpu.memref_squeeze %dma_wait3A_187 : memref<1x16xf32, #tpu.memory_space<hbm>> -> memref<16xf32, #tpu.memory_space<hbm>>
      %dma_wait3A_189 = arith.constant 0 : i32
      %dma_wait3A_190 = tpu.memref_slice %arg6[%add3A, %dma_wait3A_189] : memref<32x16xf32, #tpu.memory_space<hbm>> -> memref<1x16xf32, #tpu.memory_space<hbm>>
      %dma_wait3A_191 = tpu.memref_squeeze %dma_wait3A_190 : memref<1x16xf32, #tpu.memory_space<hbm>> -> memref<16xf32, #tpu.memory_space<hbm>>
      tpu.wait_dma2 semaphore(%run_scoped3A : memref<!tpu.dma_semaphore, #tpu.memory_space<semaphore_mem>>) src(%arg12 : memref<16xf32, #tpu.memory_space<vmem>>) dst(%dma_wait3A_191 : memref<16xf32, #tpu.memory_space<hbm>>)
      tpu.yield
    }) : () -> ()
    return
  }
}

#map = affine_map<(d0, d1) -> (0)>
#map1 = affine_map<(d0, d1) -> (0, 0)>
module attributes {stable_mosaic.version = 14 : i64} {
  func.func @_entity_body(%arg0: i32, %arg1: i32, %arg2: memref<16384xi32, #tpu.memory_space<hbm>>, %arg3: memref<16x1000000xf32, #tpu.memory_space<hbm>>, %arg4: memref<262144xf32, #tpu.memory_space<hbm>>, %arg5: memref<512xi32, #tpu.memory_space<vmem>>, %arg6: memref<32x16x128xf32, #tpu.memory_space<vmem>>, %arg7: memref<4096xf32, #tpu.memory_space<vmem>>, %arg8: memref<!tpu.dma_semaphore, #tpu.memory_space<semaphore_mem>>, %arg9: memref<!tpu.dma_semaphore, #tpu.memory_space<semaphore_mem>>) attributes {dimension_semantics = [#tpu.dimension_semantics<core_parallel>, #tpu.dimension_semantics<subcore_parallel>], iteration_bounds = array<i64: 2, 16>, scalar_prefetch = 0 : i64, scratch_operands = 5 : i64, tpu.core_type = #tpu.core_type<sc_vector_subcore>, window_params = [{transform_indices = #map}, {transform_indices = #map1}, {transform_indices = #map}]} {
    %mul3A = arith.constant 2 : i32
    %mul3A_0 = arith.muli %arg1, %mul3A : i32
    %add3A = arith.addi %mul3A_0, %arg0 : i32
    %mul3A_1 = arith.constant 512 : i32
    %mul3A_2 = arith.muli %add3A, %mul3A_1 : i32
    %iota3A = tpu.iota {dimensions = array<i32: 0>} : vector<16xi32>
    "tpu.region"() ({
      %run_scoped3A = tpu.sem_alloc : memref<!tpu.dma_semaphore, #tpu.memory_space<semaphore_mem>>
      %dma_start3A_328 = tpu.memref_slice %arg2[%mul3A_2] : memref<16384xi32, #tpu.memory_space<hbm>> -> memref<512xi32, #tpu.memory_space<hbm>>
      %dma_start3A_329 = tpu.memref_slice %arg2[%mul3A_2] : memref<16384xi32, #tpu.memory_space<hbm>> -> memref<512xi32, #tpu.memory_space<hbm>>
      tpu.enqueue_dma source(%dma_start3A_329 : memref<512xi32, #tpu.memory_space<hbm>>) target(%arg5 : memref<512xi32, #tpu.memory_space<vmem>>) target_semaphore(%run_scoped3A : memref<!tpu.dma_semaphore, #tpu.memory_space<semaphore_mem>>)
      %dma_wait3A = tpu.memref_slice %arg2[%mul3A_2] : memref<16384xi32, #tpu.memory_space<hbm>> -> memref<512xi32, #tpu.memory_space<hbm>>
      %dma_wait3A_330 = tpu.memref_slice %arg2[%mul3A_2] : memref<16384xi32, #tpu.memory_space<hbm>> -> memref<512xi32, #tpu.memory_space<hbm>>
      tpu.wait_dma2 semaphore(%run_scoped3A : memref<!tpu.dma_semaphore, #tpu.memory_space<semaphore_mem>>) src(%dma_wait3A_330 : memref<512xi32, #tpu.memory_space<hbm>>) dst(%arg5 : memref<512xi32, #tpu.memory_space<vmem>>)
      tpu.yield
    }) : () -> ()
    %get3A = arith.constant 0 : index
    %get3A_3 = tpu.vector_load %arg5[%get3A] {strides = array<i32>} : memref<512xi32, #tpu.memory_space<vmem>>, vector<16xi32>,
    %slice3A = vector.extract_strided_slice %get3A_3 {offsets = [0], sizes = [1], strides = [1]} : vector<16xi32> to vector<1xi32>
    %squeeze3A = vector.extract %slice3A[0] : i32 from vector<1xi32>
    %shift_right_logical3A = arith.constant 7 : i32
    %shift_right_logical3A_4 = arith.shrui %squeeze3A, %shift_right_logical3A : i32
    %mul3A_5 = arith.constant 128 : i32
    %mul3A_6 = arith.muli %shift_right_logical3A_4, %mul3A_5 : i32
    %multiple_of3A = tpu.assume_multiple %mul3A_6, 128 : i32
    %dma_start3A = arith.constant 0 : i32
    %dma_start3A_7 = arith.constant 0 : i32
    %dma_start3A_8 = arith.constant 0 : i32
    %dma_start3A_9 = tpu.memref_slice %arg6[%dma_start3A, %dma_start3A_7, %dma_start3A_8] : memref<32x16x128xf32, #tpu.memory_space<vmem>> -> memref<1x16x128xf32, #tpu.memory_space<vmem>>
    %dma_start3A_10 = tpu.memref_squeeze %dma_start3A_9 : memref<1x16x128xf32, #tpu.memory_space<vmem>> -> memref<16x128xf32, #tpu.memory_space<vmem>>
    %dma_start3A_11 = arith.constant 0 : i32
    %dma_start3A_12 = tpu.memref_slice %arg3[%dma_start3A_11, %multiple_of3A] : memref<16x1000000xf32, #tpu.memory_space<hbm>> -> memref<16x128xf32, #tpu.memory_space<hbm>>
    %dma_start3A_13 = arith.constant 0 : i32
    %dma_start3A_14 = arith.constant 0 : i32
    %dma_start3A_15 = tpu.memref_slice %arg6[%dma_start3A, %dma_start3A_13, %dma_start3A_14] : memref<32x16x128xf32, #tpu.memory_space<vmem>> -> memref<1x16x128xf32, #tpu.memory_space<vmem>>
    %dma_start3A_16 = tpu.memref_squeeze %dma_start3A_15 : memref<1x16x128xf32, #tpu.memory_space<vmem>> -> memref<16x128xf32, #tpu.memory_space<vmem>>
    %dma_start3A_17 = arith.constant 0 : i32
    %dma_start3A_18 = tpu.memref_slice %arg3[%dma_start3A_17, %multiple_of3A] : memref<16x1000000xf32, #tpu.memory_space<hbm>> -> memref<16x128xf32, #tpu.memory_space<hbm>>
    tpu.enqueue_dma source(%dma_start3A_18 : memref<16x128xf32, #tpu.memory_space<hbm>>) target(%dma_start3A_16 : memref<16x128xf32, #tpu.memory_space<vmem>>) target_semaphore(%arg8 : memref<!tpu.dma_semaphore, #tpu.memory_space<semaphore_mem>>)
    %slice3A_19 = vector.extract_strided_slice %get3A_3 {offsets = [1], sizes = [1], strides = [1]} : vector<16xi32> to vector<1xi32>
    %squeeze3A_20 = vector.extract %slice3A_19[0] : i32 from vector<1xi32>
    %shift_right_logical3A_21 = arith.constant 7 : i32
    %shift_right_logical3A_22 = arith.shrui %squeeze3A_20, %shift_right_logical3A_21 : i32
    %mul3A_23 = arith.constant 128 : i32
    %mul3A_24 = arith.muli %shift_right_logical3A_22, %mul3A_23 : i32
    %multiple_of3A_25 = tpu.assume_multiple %mul3A_24, 128 : i32
    %dma_start3A_26 = arith.constant 1 : i32
    %dma_start3A_27 = arith.constant 0 : i32
    %dma_start3A_28 = arith.constant 0 : i32
    %dma_start3A_29 = tpu.memref_slice %arg6[%dma_start3A_26, %dma_start3A_27, %dma_start3A_28] : memref<32x16x128xf32, #tpu.memory_space<vmem>> -> memref<1x16x128xf32, #tpu.memory_space<vmem>>
    %dma_start3A_30 = tpu.memref_squeeze %dma_start3A_29 : memref<1x16x128xf32, #tpu.memory_space<vmem>> -> memref<16x128xf32, #tpu.memory_space<vmem>>
    %dma_start3A_31 = arith.constant 0 : i32
    %dma_start3A_32 = tpu.memref_slice %arg3[%dma_start3A_31, %multiple_of3A_25] : memref<16x1000000xf32, #tpu.memory_space<hbm>> -> memref<16x128xf32, #tpu.memory_space<hbm>>
    %dma_start3A_33 = arith.constant 0 : i32
    %dma_start3A_34 = arith.constant 0 : i32
    %dma_start3A_35 = tpu.memref_slice %arg6[%dma_start3A_26, %dma_start3A_33, %dma_start3A_34] : memref<32x16x128xf32, #tpu.memory_space<vmem>> -> memref<1x16x128xf32, #tpu.memory_space<vmem>>
    %dma_start3A_36 = tpu.memref_squeeze %dma_start3A_35 : memref<1x16x128xf32, #tpu.memory_space<vmem>> -> memref<16x128xf32, #tpu.memory_space<vmem>>
    %dma_start3A_37 = arith.constant 0 : i32
    %dma_start3A_38 = tpu.memref_slice %arg3[%dma_start3A_37, %multiple_of3A_25] : memref<16x1000000xf32, #tpu.memory_space<hbm>> -> memref<16x128xf32, #tpu.memory_space<hbm>>
    tpu.enqueue_dma source(%dma_start3A_38 : memref<16x128xf32, #tpu.memory_space<hbm>>) target(%dma_start3A_36 : memref<16x128xf32, #tpu.memory_space<vmem>>) target_semaphore(%arg8 : memref<!tpu.dma_semaphore, #tpu.memory_space<semaphore_mem>>)
    %slice3A_39 = vector.extract_strided_slice %get3A_3 {offsets = [2], sizes = [1], strides = [1]} : vector<16xi32> to vector<1xi32>
    %squeeze3A_40 = vector.extract %slice3A_39[0] : i32 from vector<1xi32>
    %shift_right_logical3A_41 = arith.constant 7 : i32
    %shift_right_logical3A_42 = arith.shrui %squeeze3A_40, %shift_right_logical3A_41 : i32
    %mul3A_43 = arith.constant 128 : i32
    %mul3A_44 = arith.muli %shift_right_logical3A_42, %mul3A_43 : i32
    %multiple_of3A_45 = tpu.assume_multiple %mul3A_44, 128 : i32
    %dma_start3A_46 = arith.constant 2 : i32
    %dma_start3A_47 = arith.constant 0 : i32
    %dma_start3A_48 = arith.constant 0 : i32
    %dma_start3A_49 = tpu.memref_slice %arg6[%dma_start3A_46, %dma_start3A_47, %dma_start3A_48] : memref<32x16x128xf32, #tpu.memory_space<vmem>> -> memref<1x16x128xf32, #tpu.memory_space<vmem>>
    %dma_start3A_50 = tpu.memref_squeeze %dma_start3A_49 : memref<1x16x128xf32, #tpu.memory_space<vmem>> -> memref<16x128xf32, #tpu.memory_space<vmem>>
    %dma_start3A_51 = arith.constant 0 : i32
    %dma_start3A_52 = tpu.memref_slice %arg3[%dma_start3A_51, %multiple_of3A_45] : memref<16x1000000xf32, #tpu.memory_space<hbm>> -> memref<16x128xf32, #tpu.memory_space<hbm>>
    %dma_start3A_53 = arith.constant 0 : i32
    %dma_start3A_54 = arith.constant 0 : i32
    %dma_start3A_55 = tpu.memref_slice %arg6[%dma_start3A_46, %dma_start3A_53, %dma_start3A_54] : memref<32x16x128xf32, #tpu.memory_space<vmem>> -> memref<1x16x128xf32, #tpu.memory_space<vmem>>
    %dma_start3A_56 = tpu.memref_squeeze %dma_start3A_55 : memref<1x16x128xf32, #tpu.memory_space<vmem>> -> memref<16x128xf32, #tpu.memory_space<vmem>>
    %dma_start3A_57 = arith.constant 0 : i32
    %dma_start3A_58 = tpu.memref_slice %arg3[%dma_start3A_57, %multiple_of3A_45] : memref<16x1000000xf32, #tpu.memory_space<hbm>> -> memref<16x128xf32, #tpu.memory_space<hbm>>
    tpu.enqueue_dma source(%dma_start3A_58 : memref<16x128xf32, #tpu.memory_space<hbm>>) target(%dma_start3A_56 : memref<16x128xf32, #tpu.memory_space<vmem>>) target_semaphore(%arg8 : memref<!tpu.dma_semaphore, #tpu.memory_space<semaphore_mem>>)
    %slice3A_59 = vector.extract_strided_slice %get3A_3 {offsets = [3], sizes = [1], strides = [1]} : vector<16xi32> to vector<1xi32>
    %squeeze3A_60 = vector.extract %slice3A_59[0] : i32 from vector<1xi32>
    %shift_right_logical3A_61 = arith.constant 7 : i32
    %shift_right_logical3A_62 = arith.shrui %squeeze3A_60, %shift_right_logical3A_61 : i32
    %mul3A_63 = arith.constant 128 : i32
    %mul3A_64 = arith.muli %shift_right_logical3A_62, %mul3A_63 : i32
    %multiple_of3A_65 = tpu.assume_multiple %mul3A_64, 128 : i32
    %dma_start3A_66 = arith.constant 3 : i32
    %dma_start3A_67 = arith.constant 0 : i32
    %dma_start3A_68 = arith.constant 0 : i32
    %dma_start3A_69 = tpu.memref_slice %arg6[%dma_start3A_66, %dma_start3A_67, %dma_start3A_68] : memref<32x16x128xf32, #tpu.memory_space<vmem>> -> memref<1x16x128xf32, #tpu.memory_space<vmem>>
    %dma_start3A_70 = tpu.memref_squeeze %dma_start3A_69 : memref<1x16x128xf32, #tpu.memory_space<vmem>> -> memref<16x128xf32, #tpu.memory_space<vmem>>
    %dma_start3A_71 = arith.constant 0 : i32
    %dma_start3A_72 = tpu.memref_slice %arg3[%dma_start3A_71, %multiple_of3A_65] : memref<16x1000000xf32, #tpu.memory_space<hbm>> -> memref<16x128xf32, #tpu.memory_space<hbm>>
    %dma_start3A_73 = arith.constant 0 : i32
    %dma_start3A_74 = arith.constant 0 : i32
    %dma_start3A_75 = tpu.memref_slice %arg6[%dma_start3A_66, %dma_start3A_73, %dma_start3A_74] : memref<32x16x128xf32, #tpu.memory_space<vmem>> -> memref<1x16x128xf32, #tpu.memory_space<vmem>>
    %dma_start3A_76 = tpu.memref_squeeze %dma_start3A_75 : memref<1x16x128xf32, #tpu.memory_space<vmem>> -> memref<16x128xf32, #tpu.memory_space<vmem>>
    %dma_start3A_77 = arith.constant 0 : i32
    %dma_start3A_78 = tpu.memref_slice %arg3[%dma_start3A_77, %multiple_of3A_65] : memref<16x1000000xf32, #tpu.memory_space<hbm>> -> memref<16x128xf32, #tpu.memory_space<hbm>>
    tpu.enqueue_dma source(%dma_start3A_78 : memref<16x128xf32, #tpu.memory_space<hbm>>) target(%dma_start3A_76 : memref<16x128xf32, #tpu.memory_space<vmem>>) target_semaphore(%arg8 : memref<!tpu.dma_semaphore, #tpu.memory_space<semaphore_mem>>)
    %slice3A_79 = vector.extract_strided_slice %get3A_3 {offsets = [4], sizes = [1], strides = [1]} : vector<16xi32> to vector<1xi32>
    %squeeze3A_80 = vector.extract %slice3A_79[0] : i32 from vector<1xi32>
    %shift_right_logical3A_81 = arith.constant 7 : i32
    %shift_right_logical3A_82 = arith.shrui %squeeze3A_80, %shift_right_logical3A_81 : i32
    %mul3A_83 = arith.constant 128 : i32
    %mul3A_84 = arith.muli %shift_right_logical3A_82, %mul3A_83 : i32
    %multiple_of3A_85 = tpu.assume_multiple %mul3A_84, 128 : i32
    %dma_start3A_86 = arith.constant 4 : i32
    %dma_start3A_87 = arith.constant 0 : i32
    %dma_start3A_88 = arith.constant 0 : i32
    %dma_start3A_89 = tpu.memref_slice %arg6[%dma_start3A_86, %dma_start3A_87, %dma_start3A_88] : memref<32x16x128xf32, #tpu.memory_space<vmem>> -> memref<1x16x128xf32, #tpu.memory_space<vmem>>
    %dma_start3A_90 = tpu.memref_squeeze %dma_start3A_89 : memref<1x16x128xf32, #tpu.memory_space<vmem>> -> memref<16x128xf32, #tpu.memory_space<vmem>>
    %dma_start3A_91 = arith.constant 0 : i32
    %dma_start3A_92 = tpu.memref_slice %arg3[%dma_start3A_91, %multiple_of3A_85] : memref<16x1000000xf32, #tpu.memory_space<hbm>> -> memref<16x128xf32, #tpu.memory_space<hbm>>
    %dma_start3A_93 = arith.constant 0 : i32
    %dma_start3A_94 = arith.constant 0 : i32
    %dma_start3A_95 = tpu.memref_slice %arg6[%dma_start3A_86, %dma_start3A_93, %dma_start3A_94] : memref<32x16x128xf32, #tpu.memory_space<vmem>> -> memref<1x16x128xf32, #tpu.memory_space<vmem>>
    %dma_start3A_96 = tpu.memref_squeeze %dma_start3A_95 : memref<1x16x128xf32, #tpu.memory_space<vmem>> -> memref<16x128xf32, #tpu.memory_space<vmem>>
    %dma_start3A_97 = arith.constant 0 : i32
    %dma_start3A_98 = tpu.memref_slice %arg3[%dma_start3A_97, %multiple_of3A_85] : memref<16x1000000xf32, #tpu.memory_space<hbm>> -> memref<16x128xf32, #tpu.memory_space<hbm>>
    tpu.enqueue_dma source(%dma_start3A_98 : memref<16x128xf32, #tpu.memory_space<hbm>>) target(%dma_start3A_96 : memref<16x128xf32, #tpu.memory_space<vmem>>) target_semaphore(%arg8 : memref<!tpu.dma_semaphore, #tpu.memory_space<semaphore_mem>>)
    %slice3A_99 = vector.extract_strided_slice %get3A_3 {offsets = [5], sizes = [1], strides = [1]} : vector<16xi32> to vector<1xi32>
    %squeeze3A_100 = vector.extract %slice3A_99[0] : i32 from vector<1xi32>
    %shift_right_logical3A_101 = arith.constant 7 : i32
    %shift_right_logical3A_102 = arith.shrui %squeeze3A_100, %shift_right_logical3A_101 : i32
    %mul3A_103 = arith.constant 128 : i32
    %mul3A_104 = arith.muli %shift_right_logical3A_102, %mul3A_103 : i32
    %multiple_of3A_105 = tpu.assume_multiple %mul3A_104, 128 : i32
    %dma_start3A_106 = arith.constant 5 : i32
    %dma_start3A_107 = arith.constant 0 : i32
    %dma_start3A_108 = arith.constant 0 : i32
    %dma_start3A_109 = tpu.memref_slice %arg6[%dma_start3A_106, %dma_start3A_107, %dma_start3A_108] : memref<32x16x128xf32, #tpu.memory_space<vmem>> -> memref<1x16x128xf32, #tpu.memory_space<vmem>>
    %dma_start3A_110 = tpu.memref_squeeze %dma_start3A_109 : memref<1x16x128xf32, #tpu.memory_space<vmem>> -> memref<16x128xf32, #tpu.memory_space<vmem>>
    %dma_start3A_111 = arith.constant 0 : i32
    %dma_start3A_112 = tpu.memref_slice %arg3[%dma_start3A_111, %multiple_of3A_105] : memref<16x1000000xf32, #tpu.memory_space<hbm>> -> memref<16x128xf32, #tpu.memory_space<hbm>>
    %dma_start3A_113 = arith.constant 0 : i32
    %dma_start3A_114 = arith.constant 0 : i32
    %dma_start3A_115 = tpu.memref_slice %arg6[%dma_start3A_106, %dma_start3A_113, %dma_start3A_114] : memref<32x16x128xf32, #tpu.memory_space<vmem>> -> memref<1x16x128xf32, #tpu.memory_space<vmem>>
    %dma_start3A_116 = tpu.memref_squeeze %dma_start3A_115 : memref<1x16x128xf32, #tpu.memory_space<vmem>> -> memref<16x128xf32, #tpu.memory_space<vmem>>
    %dma_start3A_117 = arith.constant 0 : i32
    %dma_start3A_118 = tpu.memref_slice %arg3[%dma_start3A_117, %multiple_of3A_105] : memref<16x1000000xf32, #tpu.memory_space<hbm>> -> memref<16x128xf32, #tpu.memory_space<hbm>>
    tpu.enqueue_dma source(%dma_start3A_118 : memref<16x128xf32, #tpu.memory_space<hbm>>) target(%dma_start3A_116 : memref<16x128xf32, #tpu.memory_space<vmem>>) target_semaphore(%arg8 : memref<!tpu.dma_semaphore, #tpu.memory_space<semaphore_mem>>)
    %slice3A_119 = vector.extract_strided_slice %get3A_3 {offsets = [6], sizes = [1], strides = [1]} : vector<16xi32> to vector<1xi32>
    %squeeze3A_120 = vector.extract %slice3A_119[0] : i32 from vector<1xi32>
    %shift_right_logical3A_121 = arith.constant 7 : i32
    %shift_right_logical3A_122 = arith.shrui %squeeze3A_120, %shift_right_logical3A_121 : i32
    %mul3A_123 = arith.constant 128 : i32
    %mul3A_124 = arith.muli %shift_right_logical3A_122, %mul3A_123 : i32
    %multiple_of3A_125 = tpu.assume_multiple %mul3A_124, 128 : i32
    %dma_start3A_126 = arith.constant 6 : i32
    %dma_start3A_127 = arith.constant 0 : i32
    %dma_start3A_128 = arith.constant 0 : i32
    %dma_start3A_129 = tpu.memref_slice %arg6[%dma_start3A_126, %dma_start3A_127, %dma_start3A_128] : memref<32x16x128xf32, #tpu.memory_space<vmem>> -> memref<1x16x128xf32, #tpu.memory_space<vmem>>
    %dma_start3A_130 = tpu.memref_squeeze %dma_start3A_129 : memref<1x16x128xf32, #tpu.memory_space<vmem>> -> memref<16x128xf32, #tpu.memory_space<vmem>>
    %dma_start3A_131 = arith.constant 0 : i32
    %dma_start3A_132 = tpu.memref_slice %arg3[%dma_start3A_131, %multiple_of3A_125] : memref<16x1000000xf32, #tpu.memory_space<hbm>> -> memref<16x128xf32, #tpu.memory_space<hbm>>
    %dma_start3A_133 = arith.constant 0 : i32
    %dma_start3A_134 = arith.constant 0 : i32
    %dma_start3A_135 = tpu.memref_slice %arg6[%dma_start3A_126, %dma_start3A_133, %dma_start3A_134] : memref<32x16x128xf32, #tpu.memory_space<vmem>> -> memref<1x16x128xf32, #tpu.memory_space<vmem>>
    %dma_start3A_136 = tpu.memref_squeeze %dma_start3A_135 : memref<1x16x128xf32, #tpu.memory_space<vmem>> -> memref<16x128xf32, #tpu.memory_space<vmem>>
    %dma_start3A_137 = arith.constant 0 : i32
    %dma_start3A_138 = tpu.memref_slice %arg3[%dma_start3A_137, %multiple_of3A_125] : memref<16x1000000xf32, #tpu.memory_space<hbm>> -> memref<16x128xf32, #tpu.memory_space<hbm>>
    tpu.enqueue_dma source(%dma_start3A_138 : memref<16x128xf32, #tpu.memory_space<hbm>>) target(%dma_start3A_136 : memref<16x128xf32, #tpu.memory_space<vmem>>) target_semaphore(%arg8 : memref<!tpu.dma_semaphore, #tpu.memory_space<semaphore_mem>>)
    %slice3A_139 = vector.extract_strided_slice %get3A_3 {offsets = [7], sizes = [1], strides = [1]} : vector<16xi32> to vector<1xi32>
    %squeeze3A_140 = vector.extract %slice3A_139[0] : i32 from vector<1xi32>
    %shift_right_logical3A_141 = arith.constant 7 : i32
    %shift_right_logical3A_142 = arith.shrui %squeeze3A_140, %shift_right_logical3A_141 : i32
    %mul3A_143 = arith.constant 128 : i32
    %mul3A_144 = arith.muli %shift_right_logical3A_142, %mul3A_143 : i32
    %multiple_of3A_145 = tpu.assume_multiple %mul3A_144, 128 : i32
    %dma_start3A_146 = arith.constant 7 : i32
    %dma_start3A_147 = arith.constant 0 : i32
    %dma_start3A_148 = arith.constant 0 : i32
    %dma_start3A_149 = tpu.memref_slice %arg6[%dma_start3A_146, %dma_start3A_147, %dma_start3A_148] : memref<32x16x128xf32, #tpu.memory_space<vmem>> -> memref<1x16x128xf32, #tpu.memory_space<vmem>>
    %dma_start3A_150 = tpu.memref_squeeze %dma_start3A_149 : memref<1x16x128xf32, #tpu.memory_space<vmem>> -> memref<16x128xf32, #tpu.memory_space<vmem>>
    %dma_start3A_151 = arith.constant 0 : i32
    %dma_start3A_152 = tpu.memref_slice %arg3[%dma_start3A_151, %multiple_of3A_145] : memref<16x1000000xf32, #tpu.memory_space<hbm>> -> memref<16x128xf32, #tpu.memory_space<hbm>>
    %dma_start3A_153 = arith.constant 0 : i32
    %dma_start3A_154 = arith.constant 0 : i32
    %dma_start3A_155 = tpu.memref_slice %arg6[%dma_start3A_146, %dma_start3A_153, %dma_start3A_154] : memref<32x16x128xf32, #tpu.memory_space<vmem>> -> memref<1x16x128xf32, #tpu.memory_space<vmem>>
    %dma_start3A_156 = tpu.memref_squeeze %dma_start3A_155 : memref<1x16x128xf32, #tpu.memory_space<vmem>> -> memref<16x128xf32, #tpu.memory_space<vmem>>
    %dma_start3A_157 = arith.constant 0 : i32
    %dma_start3A_158 = tpu.memref_slice %arg3[%dma_start3A_157, %multiple_of3A_145] : memref<16x1000000xf32, #tpu.memory_space<hbm>> -> memref<16x128xf32, #tpu.memory_space<hbm>>
    tpu.enqueue_dma source(%dma_start3A_158 : memref<16x128xf32, #tpu.memory_space<hbm>>) target(%dma_start3A_156 : memref<16x128xf32, #tpu.memory_space<vmem>>) target_semaphore(%arg8 : memref<!tpu.dma_semaphore, #tpu.memory_space<semaphore_mem>>)
    %slice3A_159 = vector.extract_strided_slice %get3A_3 {offsets = [8], sizes = [1], strides = [1]} : vector<16xi32> to vector<1xi32>
    %squeeze3A_160 = vector.extract %slice3A_159[0] : i32 from vector<1xi32>
    %shift_right_logical3A_161 = arith.constant 7 : i32
    %shift_right_logical3A_162 = arith.shrui %squeeze3A_160, %shift_right_logical3A_161 : i32
    %mul3A_163 = arith.constant 128 : i32
    %mul3A_164 = arith.muli %shift_right_logical3A_162, %mul3A_163 : i32
    %multiple_of3A_165 = tpu.assume_multiple %mul3A_164, 128 : i32
    %dma_start3A_166 = arith.constant 8 : i32
    %dma_start3A_167 = arith.constant 0 : i32
    %dma_start3A_168 = arith.constant 0 : i32
    %dma_start3A_169 = tpu.memref_slice %arg6[%dma_start3A_166, %dma_start3A_167, %dma_start3A_168] : memref<32x16x128xf32, #tpu.memory_space<vmem>> -> memref<1x16x128xf32, #tpu.memory_space<vmem>>
    %dma_start3A_170 = tpu.memref_squeeze %dma_start3A_169 : memref<1x16x128xf32, #tpu.memory_space<vmem>> -> memref<16x128xf32, #tpu.memory_space<vmem>>
    %dma_start3A_171 = arith.constant 0 : i32
    %dma_start3A_172 = tpu.memref_slice %arg3[%dma_start3A_171, %multiple_of3A_165] : memref<16x1000000xf32, #tpu.memory_space<hbm>> -> memref<16x128xf32, #tpu.memory_space<hbm>>
    %dma_start3A_173 = arith.constant 0 : i32
    %dma_start3A_174 = arith.constant 0 : i32
    %dma_start3A_175 = tpu.memref_slice %arg6[%dma_start3A_166, %dma_start3A_173, %dma_start3A_174] : memref<32x16x128xf32, #tpu.memory_space<vmem>> -> memref<1x16x128xf32, #tpu.memory_space<vmem>>
    %dma_start3A_176 = tpu.memref_squeeze %dma_start3A_175 : memref<1x16x128xf32, #tpu.memory_space<vmem>> -> memref<16x128xf32, #tpu.memory_space<vmem>>
    %dma_start3A_177 = arith.constant 0 : i32
    %dma_start3A_178 = tpu.memref_slice %arg3[%dma_start3A_177, %multiple_of3A_165] : memref<16x1000000xf32, #tpu.memory_space<hbm>> -> memref<16x128xf32, #tpu.memory_space<hbm>>
    tpu.enqueue_dma source(%dma_start3A_178 : memref<16x128xf32, #tpu.memory_space<hbm>>) target(%dma_start3A_176 : memref<16x128xf32, #tpu.memory_space<vmem>>) target_semaphore(%arg8 : memref<!tpu.dma_semaphore, #tpu.memory_space<semaphore_mem>>)
    %slice3A_179 = vector.extract_strided_slice %get3A_3 {offsets = [9], sizes = [1], strides = [1]} : vector<16xi32> to vector<1xi32>
    %squeeze3A_180 = vector.extract %slice3A_179[0] : i32 from vector<1xi32>
    %shift_right_logical3A_181 = arith.constant 7 : i32
    %shift_right_logical3A_182 = arith.shrui %squeeze3A_180, %shift_right_logical3A_181 : i32
    %mul3A_183 = arith.constant 128 : i32
    %mul3A_184 = arith.muli %shift_right_logical3A_182, %mul3A_183 : i32
    %multiple_of3A_185 = tpu.assume_multiple %mul3A_184, 128 : i32
    %dma_start3A_186 = arith.constant 9 : i32
    %dma_start3A_187 = arith.constant 0 : i32
    %dma_start3A_188 = arith.constant 0 : i32
    %dma_start3A_189 = tpu.memref_slice %arg6[%dma_start3A_186, %dma_start3A_187, %dma_start3A_188] : memref<32x16x128xf32, #tpu.memory_space<vmem>> -> memref<1x16x128xf32, #tpu.memory_space<vmem>>
    %dma_start3A_190 = tpu.memref_squeeze %dma_start3A_189 : memref<1x16x128xf32, #tpu.memory_space<vmem>> -> memref<16x128xf32, #tpu.memory_space<vmem>>
    %dma_start3A_191 = arith.constant 0 : i32
    %dma_start3A_192 = tpu.memref_slice %arg3[%dma_start3A_191, %multiple_of3A_185] : memref<16x1000000xf32, #tpu.memory_space<hbm>> -> memref<16x128xf32, #tpu.memory_space<hbm>>
    %dma_start3A_193 = arith.constant 0 : i32
    %dma_start3A_194 = arith.constant 0 : i32
    %dma_start3A_195 = tpu.memref_slice %arg6[%dma_start3A_186, %dma_start3A_193, %dma_start3A_194] : memref<32x16x128xf32, #tpu.memory_space<vmem>> -> memref<1x16x128xf32, #tpu.memory_space<vmem>>
    %dma_start3A_196 = tpu.memref_squeeze %dma_start3A_195 : memref<1x16x128xf32, #tpu.memory_space<vmem>> -> memref<16x128xf32, #tpu.memory_space<vmem>>
    %dma_start3A_197 = arith.constant 0 : i32
    %dma_start3A_198 = tpu.memref_slice %arg3[%dma_start3A_197, %multiple_of3A_185] : memref<16x1000000xf32, #tpu.memory_space<hbm>> -> memref<16x128xf32, #tpu.memory_space<hbm>>
    tpu.enqueue_dma source(%dma_start3A_198 : memref<16x128xf32, #tpu.memory_space<hbm>>) target(%dma_start3A_196 : memref<16x128xf32, #tpu.memory_space<vmem>>) target_semaphore(%arg8 : memref<!tpu.dma_semaphore, #tpu.memory_space<semaphore_mem>>)
    %slice3A_199 = vector.extract_strided_slice %get3A_3 {offsets = [10], sizes = [1], strides = [1]} : vector<16xi32> to vector<1xi32>
    %squeeze3A_200 = vector.extract %slice3A_199[0] : i32 from vector<1xi32>
    %shift_right_logical3A_201 = arith.constant 7 : i32
    %shift_right_logical3A_202 = arith.shrui %squeeze3A_200, %shift_right_logical3A_201 : i32
    %mul3A_203 = arith.constant 128 : i32
    %mul3A_204 = arith.muli %shift_right_logical3A_202, %mul3A_203 : i32
    %multiple_of3A_205 = tpu.assume_multiple %mul3A_204, 128 : i32
    %dma_start3A_206 = arith.constant 10 : i32
    %dma_start3A_207 = arith.constant 0 : i32
    %dma_start3A_208 = arith.constant 0 : i32
    %dma_start3A_209 = tpu.memref_slice %arg6[%dma_start3A_206, %dma_start3A_207, %dma_start3A_208] : memref<32x16x128xf32, #tpu.memory_space<vmem>> -> memref<1x16x128xf32, #tpu.memory_space<vmem>>
    %dma_start3A_210 = tpu.memref_squeeze %dma_start3A_209 : memref<1x16x128xf32, #tpu.memory_space<vmem>> -> memref<16x128xf32, #tpu.memory_space<vmem>>
    %dma_start3A_211 = arith.constant 0 : i32
    %dma_start3A_212 = tpu.memref_slice %arg3[%dma_start3A_211, %multiple_of3A_205] : memref<16x1000000xf32, #tpu.memory_space<hbm>> -> memref<16x128xf32, #tpu.memory_space<hbm>>
    %dma_start3A_213 = arith.constant 0 : i32
    %dma_start3A_214 = arith.constant 0 : i32
    %dma_start3A_215 = tpu.memref_slice %arg6[%dma_start3A_206, %dma_start3A_213, %dma_start3A_214] : memref<32x16x128xf32, #tpu.memory_space<vmem>> -> memref<1x16x128xf32, #tpu.memory_space<vmem>>
    %dma_start3A_216 = tpu.memref_squeeze %dma_start3A_215 : memref<1x16x128xf32, #tpu.memory_space<vmem>> -> memref<16x128xf32, #tpu.memory_space<vmem>>
    %dma_start3A_217 = arith.constant 0 : i32
    %dma_start3A_218 = tpu.memref_slice %arg3[%dma_start3A_217, %multiple_of3A_205] : memref<16x1000000xf32, #tpu.memory_space<hbm>> -> memref<16x128xf32, #tpu.memory_space<hbm>>
    tpu.enqueue_dma source(%dma_start3A_218 : memref<16x128xf32, #tpu.memory_space<hbm>>) target(%dma_start3A_216 : memref<16x128xf32, #tpu.memory_space<vmem>>) target_semaphore(%arg8 : memref<!tpu.dma_semaphore, #tpu.memory_space<semaphore_mem>>)
    %slice3A_219 = vector.extract_strided_slice %get3A_3 {offsets = [11], sizes = [1], strides = [1]} : vector<16xi32> to vector<1xi32>
    %squeeze3A_220 = vector.extract %slice3A_219[0] : i32 from vector<1xi32>
    %shift_right_logical3A_221 = arith.constant 7 : i32
    %shift_right_logical3A_222 = arith.shrui %squeeze3A_220, %shift_right_logical3A_221 : i32
    %mul3A_223 = arith.constant 128 : i32
    %mul3A_224 = arith.muli %shift_right_logical3A_222, %mul3A_223 : i32
    %multiple_of3A_225 = tpu.assume_multiple %mul3A_224, 128 : i32
    %dma_start3A_226 = arith.constant 11 : i32
    %dma_start3A_227 = arith.constant 0 : i32
    %dma_start3A_228 = arith.constant 0 : i32
    %dma_start3A_229 = tpu.memref_slice %arg6[%dma_start3A_226, %dma_start3A_227, %dma_start3A_228] : memref<32x16x128xf32, #tpu.memory_space<vmem>> -> memref<1x16x128xf32, #tpu.memory_space<vmem>>
    %dma_start3A_230 = tpu.memref_squeeze %dma_start3A_229 : memref<1x16x128xf32, #tpu.memory_space<vmem>> -> memref<16x128xf32, #tpu.memory_space<vmem>>
    %dma_start3A_231 = arith.constant 0 : i32
    %dma_start3A_232 = tpu.memref_slice %arg3[%dma_start3A_231, %multiple_of3A_225] : memref<16x1000000xf32, #tpu.memory_space<hbm>> -> memref<16x128xf32, #tpu.memory_space<hbm>>
    %dma_start3A_233 = arith.constant 0 : i32
    %dma_start3A_234 = arith.constant 0 : i32
    %dma_start3A_235 = tpu.memref_slice %arg6[%dma_start3A_226, %dma_start3A_233, %dma_start3A_234] : memref<32x16x128xf32, #tpu.memory_space<vmem>> -> memref<1x16x128xf32, #tpu.memory_space<vmem>>
    %dma_start3A_236 = tpu.memref_squeeze %dma_start3A_235 : memref<1x16x128xf32, #tpu.memory_space<vmem>> -> memref<16x128xf32, #tpu.memory_space<vmem>>
    %dma_start3A_237 = arith.constant 0 : i32
    %dma_start3A_238 = tpu.memref_slice %arg3[%dma_start3A_237, %multiple_of3A_225] : memref<16x1000000xf32, #tpu.memory_space<hbm>> -> memref<16x128xf32, #tpu.memory_space<hbm>>
    tpu.enqueue_dma source(%dma_start3A_238 : memref<16x128xf32, #tpu.memory_space<hbm>>) target(%dma_start3A_236 : memref<16x128xf32, #tpu.memory_space<vmem>>) target_semaphore(%arg8 : memref<!tpu.dma_semaphore, #tpu.memory_space<semaphore_mem>>)
    %slice3A_239 = vector.extract_strided_slice %get3A_3 {offsets = [12], sizes = [1], strides = [1]} : vector<16xi32> to vector<1xi32>
    %squeeze3A_240 = vector.extract %slice3A_239[0] : i32 from vector<1xi32>
    %shift_right_logical3A_241 = arith.constant 7 : i32
    %shift_right_logical3A_242 = arith.shrui %squeeze3A_240, %shift_right_logical3A_241 : i32
    %mul3A_243 = arith.constant 128 : i32
    %mul3A_244 = arith.muli %shift_right_logical3A_242, %mul3A_243 : i32
    %multiple_of3A_245 = tpu.assume_multiple %mul3A_244, 128 : i32
    %dma_start3A_246 = arith.constant 12 : i32
    %dma_start3A_247 = arith.constant 0 : i32
    %dma_start3A_248 = arith.constant 0 : i32
    %dma_start3A_249 = tpu.memref_slice %arg6[%dma_start3A_246, %dma_start3A_247, %dma_start3A_248] : memref<32x16x128xf32, #tpu.memory_space<vmem>> -> memref<1x16x128xf32, #tpu.memory_space<vmem>>
    %dma_start3A_250 = tpu.memref_squeeze %dma_start3A_249 : memref<1x16x128xf32, #tpu.memory_space<vmem>> -> memref<16x128xf32, #tpu.memory_space<vmem>>
    %dma_start3A_251 = arith.constant 0 : i32
    %dma_start3A_252 = tpu.memref_slice %arg3[%dma_start3A_251, %multiple_of3A_245] : memref<16x1000000xf32, #tpu.memory_space<hbm>> -> memref<16x128xf32, #tpu.memory_space<hbm>>
    %dma_start3A_253 = arith.constant 0 : i32
    %dma_start3A_254 = arith.constant 0 : i32
    %dma_start3A_255 = tpu.memref_slice %arg6[%dma_start3A_246, %dma_start3A_253, %dma_start3A_254] : memref<32x16x128xf32, #tpu.memory_space<vmem>> -> memref<1x16x128xf32, #tpu.memory_space<vmem>>
    %dma_start3A_256 = tpu.memref_squeeze %dma_start3A_255 : memref<1x16x128xf32, #tpu.memory_space<vmem>> -> memref<16x128xf32, #tpu.memory_space<vmem>>
    %dma_start3A_257 = arith.constant 0 : i32
    %dma_start3A_258 = tpu.memref_slice %arg3[%dma_start3A_257, %multiple_of3A_245] : memref<16x1000000xf32, #tpu.memory_space<hbm>> -> memref<16x128xf32, #tpu.memory_space<hbm>>
    tpu.enqueue_dma source(%dma_start3A_258 : memref<16x128xf32, #tpu.memory_space<hbm>>) target(%dma_start3A_256 : memref<16x128xf32, #tpu.memory_space<vmem>>) target_semaphore(%arg8 : memref<!tpu.dma_semaphore, #tpu.memory_space<semaphore_mem>>)
    %slice3A_259 = vector.extract_strided_slice %get3A_3 {offsets = [13], sizes = [1], strides = [1]} : vector<16xi32> to vector<1xi32>
    %squeeze3A_260 = vector.extract %slice3A_259[0] : i32 from vector<1xi32>
    %shift_right_logical3A_261 = arith.constant 7 : i32
    %shift_right_logical3A_262 = arith.shrui %squeeze3A_260, %shift_right_logical3A_261 : i32
    %mul3A_263 = arith.constant 128 : i32
    %mul3A_264 = arith.muli %shift_right_logical3A_262, %mul3A_263 : i32
    %multiple_of3A_265 = tpu.assume_multiple %mul3A_264, 128 : i32
    %dma_start3A_266 = arith.constant 13 : i32
    %dma_start3A_267 = arith.constant 0 : i32
    %dma_start3A_268 = arith.constant 0 : i32
    %dma_start3A_269 = tpu.memref_slice %arg6[%dma_start3A_266, %dma_start3A_267, %dma_start3A_268] : memref<32x16x128xf32, #tpu.memory_space<vmem>> -> memref<1x16x128xf32, #tpu.memory_space<vmem>>
    %dma_start3A_270 = tpu.memref_squeeze %dma_start3A_269 : memref<1x16x128xf32, #tpu.memory_space<vmem>> -> memref<16x128xf32, #tpu.memory_space<vmem>>
    %dma_start3A_271 = arith.constant 0 : i32
    %dma_start3A_272 = tpu.memref_slice %arg3[%dma_start3A_271, %multiple_of3A_265] : memref<16x1000000xf32, #tpu.memory_space<hbm>> -> memref<16x128xf32, #tpu.memory_space<hbm>>
    %dma_start3A_273 = arith.constant 0 : i32
    %dma_start3A_274 = arith.constant 0 : i32
    %dma_start3A_275 = tpu.memref_slice %arg6[%dma_start3A_266, %dma_start3A_273, %dma_start3A_274] : memref<32x16x128xf32, #tpu.memory_space<vmem>> -> memref<1x16x128xf32, #tpu.memory_space<vmem>>
    %dma_start3A_276 = tpu.memref_squeeze %dma_start3A_275 : memref<1x16x128xf32, #tpu.memory_space<vmem>> -> memref<16x128xf32, #tpu.memory_space<vmem>>
    %dma_start3A_277 = arith.constant 0 : i32
    %dma_start3A_278 = tpu.memref_slice %arg3[%dma_start3A_277, %multiple_of3A_265] : memref<16x1000000xf32, #tpu.memory_space<hbm>> -> memref<16x128xf32, #tpu.memory_space<hbm>>
    tpu.enqueue_dma source(%dma_start3A_278 : memref<16x128xf32, #tpu.memory_space<hbm>>) target(%dma_start3A_276 : memref<16x128xf32, #tpu.memory_space<vmem>>) target_semaphore(%arg8 : memref<!tpu.dma_semaphore, #tpu.memory_space<semaphore_mem>>)
    %slice3A_279 = vector.extract_strided_slice %get3A_3 {offsets = [14], sizes = [1], strides = [1]} : vector<16xi32> to vector<1xi32>
    %squeeze3A_280 = vector.extract %slice3A_279[0] : i32 from vector<1xi32>
    %shift_right_logical3A_281 = arith.constant 7 : i32
    %shift_right_logical3A_282 = arith.shrui %squeeze3A_280, %shift_right_logical3A_281 : i32
    %mul3A_283 = arith.constant 128 : i32
    %mul3A_284 = arith.muli %shift_right_logical3A_282, %mul3A_283 : i32
    %multiple_of3A_285 = tpu.assume_multiple %mul3A_284, 128 : i32
    %dma_start3A_286 = arith.constant 14 : i32
    %dma_start3A_287 = arith.constant 0 : i32
    %dma_start3A_288 = arith.constant 0 : i32
    %dma_start3A_289 = tpu.memref_slice %arg6[%dma_start3A_286, %dma_start3A_287, %dma_start3A_288] : memref<32x16x128xf32, #tpu.memory_space<vmem>> -> memref<1x16x128xf32, #tpu.memory_space<vmem>>
    %dma_start3A_290 = tpu.memref_squeeze %dma_start3A_289 : memref<1x16x128xf32, #tpu.memory_space<vmem>> -> memref<16x128xf32, #tpu.memory_space<vmem>>
    %dma_start3A_291 = arith.constant 0 : i32
    %dma_start3A_292 = tpu.memref_slice %arg3[%dma_start3A_291, %multiple_of3A_285] : memref<16x1000000xf32, #tpu.memory_space<hbm>> -> memref<16x128xf32, #tpu.memory_space<hbm>>
    %dma_start3A_293 = arith.constant 0 : i32
    %dma_start3A_294 = arith.constant 0 : i32
    %dma_start3A_295 = tpu.memref_slice %arg6[%dma_start3A_286, %dma_start3A_293, %dma_start3A_294] : memref<32x16x128xf32, #tpu.memory_space<vmem>> -> memref<1x16x128xf32, #tpu.memory_space<vmem>>
    %dma_start3A_296 = tpu.memref_squeeze %dma_start3A_295 : memref<1x16x128xf32, #tpu.memory_space<vmem>> -> memref<16x128xf32, #tpu.memory_space<vmem>>
    %dma_start3A_297 = arith.constant 0 : i32
    %dma_start3A_298 = tpu.memref_slice %arg3[%dma_start3A_297, %multiple_of3A_285] : memref<16x1000000xf32, #tpu.memory_space<hbm>> -> memref<16x128xf32, #tpu.memory_space<hbm>>
    tpu.enqueue_dma source(%dma_start3A_298 : memref<16x128xf32, #tpu.memory_space<hbm>>) target(%dma_start3A_296 : memref<16x128xf32, #tpu.memory_space<vmem>>) target_semaphore(%arg8 : memref<!tpu.dma_semaphore, #tpu.memory_space<semaphore_mem>>)
    %slice3A_299 = vector.extract_strided_slice %get3A_3 {offsets = [15], sizes = [1], strides = [1]} : vector<16xi32> to vector<1xi32>
    %squeeze3A_300 = vector.extract %slice3A_299[0] : i32 from vector<1xi32>
    %shift_right_logical3A_301 = arith.constant 7 : i32
    %shift_right_logical3A_302 = arith.shrui %squeeze3A_300, %shift_right_logical3A_301 : i32
    %mul3A_303 = arith.constant 128 : i32
    %mul3A_304 = arith.muli %shift_right_logical3A_302, %mul3A_303 : i32
    %multiple_of3A_305 = tpu.assume_multiple %mul3A_304, 128 : i32
    %dma_start3A_306 = arith.constant 15 : i32
    %dma_start3A_307 = arith.constant 0 : i32
    %dma_start3A_308 = arith.constant 0 : i32
    %dma_start3A_309 = tpu.memref_slice %arg6[%dma_start3A_306, %dma_start3A_307, %dma_start3A_308] : memref<32x16x128xf32, #tpu.memory_space<vmem>> -> memref<1x16x128xf32, #tpu.memory_space<vmem>>
    %dma_start3A_310 = tpu.memref_squeeze %dma_start3A_309 : memref<1x16x128xf32, #tpu.memory_space<vmem>> -> memref<16x128xf32, #tpu.memory_space<vmem>>
    %dma_start3A_311 = arith.constant 0 : i32
    %dma_start3A_312 = tpu.memref_slice %arg3[%dma_start3A_311, %multiple_of3A_305] : memref<16x1000000xf32, #tpu.memory_space<hbm>> -> memref<16x128xf32, #tpu.memory_space<hbm>>
    %dma_start3A_313 = arith.constant 0 : i32
    %dma_start3A_314 = arith.constant 0 : i32
    %dma_start3A_315 = tpu.memref_slice %arg6[%dma_start3A_306, %dma_start3A_313, %dma_start3A_314] : memref<32x16x128xf32, #tpu.memory_space<vmem>> -> memref<1x16x128xf32, #tpu.memory_space<vmem>>
    %dma_start3A_316 = tpu.memref_squeeze %dma_start3A_315 : memref<1x16x128xf32, #tpu.memory_space<vmem>> -> memref<16x128xf32, #tpu.memory_space<vmem>>
    %dma_start3A_317 = arith.constant 0 : i32
    %dma_start3A_318 = tpu.memref_slice %arg3[%dma_start3A_317, %multiple_of3A_305] : memref<16x1000000xf32, #tpu.memory_space<hbm>> -> memref<16x128xf32, #tpu.memory_space<hbm>>
    tpu.enqueue_dma source(%dma_start3A_318 : memref<16x128xf32, #tpu.memory_space<hbm>>) target(%dma_start3A_316 : memref<16x128xf32, #tpu.memory_space<vmem>>) target_semaphore(%arg8 : memref<!tpu.dma_semaphore, #tpu.memory_space<semaphore_mem>>)
    %scan3A = arith.constant 0 : i32
    %scan3A_319 = arith.constant 0 : i32
    %scan3A_320 = arith.constant 16 : i32
    %scan3A_321 = arith.addi %scan3A_319, %scan3A_320 : i32
    %scan3A_322 = arith.constant 1 : i32
    scf.for %scan3A_328 = %scan3A_319 to %scan3A_321 step %scan3A_322  : i32 {
      %mul3A_329 = arith.constant 2 : i32
      %mul3A_330 = arith.muli %scan3A_328, %mul3A_329 : i32
      %add3A_331 = arith.constant 1 : i32
      %add3A_332 = arith.addi %mul3A_330, %add3A_331 : i32
      %mul3A_333 = arith.constant 16 : i32
      %mul3A_334 = arith.muli %add3A_332, %mul3A_333 : i32
      %get3A_335 = arith.index_cast %mul3A_334 : i32 to index
      %get3A_336 = tpu.vector_load %arg5[%get3A_335] {strides = array<i32>} : memref<512xi32, #tpu.memory_space<vmem>>, vector<16xi32>,
      %slice3A_337 = vector.extract_strided_slice %get3A_336 {offsets = [0], sizes = [1], strides = [1]} : vector<16xi32> to vector<1xi32>
      %squeeze3A_338 = vector.extract %slice3A_337[0] : i32 from vector<1xi32>
      %shift_right_logical3A_339 = arith.constant 7 : i32
      %shift_right_logical3A_340 = arith.shrui %squeeze3A_338, %shift_right_logical3A_339 : i32
      %mul3A_341 = arith.constant 128 : i32
      %mul3A_342 = arith.muli %shift_right_logical3A_340, %mul3A_341 : i32
      %multiple_of3A_343 = tpu.assume_multiple %mul3A_342, 128 : i32
      %dma_start3A_344 = arith.constant 16 : i32
      %dma_start3A_345 = arith.constant 0 : i32
      %dma_start3A_346 = arith.constant 0 : i32
      %dma_start3A_347 = tpu.memref_slice %arg6[%dma_start3A_344, %dma_start3A_345, %dma_start3A_346] : memref<32x16x128xf32, #tpu.memory_space<vmem>> -> memref<1x16x128xf32, #tpu.memory_space<vmem>>
      %dma_start3A_348 = tpu.memref_squeeze %dma_start3A_347 : memref<1x16x128xf32, #tpu.memory_space<vmem>> -> memref<16x128xf32, #tpu.memory_space<vmem>>
      %dma_start3A_349 = arith.constant 0 : i32
      %dma_start3A_350 = tpu.memref_slice %arg3[%dma_start3A_349, %multiple_of3A_343] : memref<16x1000000xf32, #tpu.memory_space<hbm>> -> memref<16x128xf32, #tpu.memory_space<hbm>>
      %dma_start3A_351 = arith.constant 0 : i32
      %dma_start3A_352 = arith.constant 0 : i32
      %dma_start3A_353 = tpu.memref_slice %arg6[%dma_start3A_344, %dma_start3A_351, %dma_start3A_352] : memref<32x16x128xf32, #tpu.memory_space<vmem>> -> memref<1x16x128xf32, #tpu.memory_space<vmem>>
      %dma_start3A_354 = tpu.memref_squeeze %dma_start3A_353 : memref<1x16x128xf32, #tpu.memory_space<vmem>> -> memref<16x128xf32, #tpu.memory_space<vmem>>
      %dma_start3A_355 = arith.constant 0 : i32
      %dma_start3A_356 = tpu.memref_slice %arg3[%dma_start3A_355, %multiple_of3A_343] : memref<16x1000000xf32, #tpu.memory_space<hbm>> -> memref<16x128xf32, #tpu.memory_space<hbm>>
      tpu.enqueue_dma source(%dma_start3A_356 : memref<16x128xf32, #tpu.memory_space<hbm>>) target(%dma_start3A_354 : memref<16x128xf32, #tpu.memory_space<vmem>>) target_semaphore(%arg9 : memref<!tpu.dma_semaphore, #tpu.memory_space<semaphore_mem>>)
      %slice3A_357 = vector.extract_strided_slice %get3A_336 {offsets = [1], sizes = [1], strides = [1]} : vector<16xi32> to vector<1xi32>
      %squeeze3A_358 = vector.extract %slice3A_357[0] : i32 from vector<1xi32>
      %shift_right_logical3A_359 = arith.constant 7 : i32
      %shift_right_logical3A_360 = arith.shrui %squeeze3A_358, %shift_right_logical3A_359 : i32
      %mul3A_361 = arith.constant 128 : i32
      %mul3A_362 = arith.muli %shift_right_logical3A_360, %mul3A_361 : i32
      %multiple_of3A_363 = tpu.assume_multiple %mul3A_362, 128 : i32
      %dma_start3A_364 = arith.constant 17 : i32
      %dma_start3A_365 = arith.constant 0 : i32
      %dma_start3A_366 = arith.constant 0 : i32
      %dma_start3A_367 = tpu.memref_slice %arg6[%dma_start3A_364, %dma_start3A_365, %dma_start3A_366] : memref<32x16x128xf32, #tpu.memory_space<vmem>> -> memref<1x16x128xf32, #tpu.memory_space<vmem>>
      %dma_start3A_368 = tpu.memref_squeeze %dma_start3A_367 : memref<1x16x128xf32, #tpu.memory_space<vmem>> -> memref<16x128xf32, #tpu.memory_space<vmem>>
      %dma_start3A_369 = arith.constant 0 : i32
      %dma_start3A_370 = tpu.memref_slice %arg3[%dma_start3A_369, %multiple_of3A_363] : memref<16x1000000xf32, #tpu.memory_space<hbm>> -> memref<16x128xf32, #tpu.memory_space<hbm>>
      %dma_start3A_371 = arith.constant 0 : i32
      %dma_start3A_372 = arith.constant 0 : i32
      %dma_start3A_373 = tpu.memref_slice %arg6[%dma_start3A_364, %dma_start3A_371, %dma_start3A_372] : memref<32x16x128xf32, #tpu.memory_space<vmem>> -> memref<1x16x128xf32, #tpu.memory_space<vmem>>
      %dma_start3A_374 = tpu.memref_squeeze %dma_start3A_373 : memref<1x16x128xf32, #tpu.memory_space<vmem>> -> memref<16x128xf32, #tpu.memory_space<vmem>>
      %dma_start3A_375 = arith.constant 0 : i32
      %dma_start3A_376 = tpu.memref_slice %arg3[%dma_start3A_375, %multiple_of3A_363] : memref<16x1000000xf32, #tpu.memory_space<hbm>> -> memref<16x128xf32, #tpu.memory_space<hbm>>
      tpu.enqueue_dma source(%dma_start3A_376 : memref<16x128xf32, #tpu.memory_space<hbm>>) target(%dma_start3A_374 : memref<16x128xf32, #tpu.memory_space<vmem>>) target_semaphore(%arg9 : memref<!tpu.dma_semaphore, #tpu.memory_space<semaphore_mem>>)
      %slice3A_377 = vector.extract_strided_slice %get3A_336 {offsets = [2], sizes = [1], strides = [1]} : vector<16xi32> to vector<1xi32>
      %squeeze3A_378 = vector.extract %slice3A_377[0] : i32 from vector<1xi32>
      %shift_right_logical3A_379 = arith.constant 7 : i32
      %shift_right_logical3A_380 = arith.shrui %squeeze3A_378, %shift_right_logical3A_379 : i32
      %mul3A_381 = arith.constant 128 : i32
      %mul3A_382 = arith.muli %shift_right_logical3A_380, %mul3A_381 : i32
      %multiple_of3A_383 = tpu.assume_multiple %mul3A_382, 128 : i32
      %dma_start3A_384 = arith.constant 18 : i32
      %dma_start3A_385 = arith.constant 0 : i32
      %dma_start3A_386 = arith.constant 0 : i32
      %dma_start3A_387 = tpu.memref_slice %arg6[%dma_start3A_384, %dma_start3A_385, %dma_start3A_386] : memref<32x16x128xf32, #tpu.memory_space<vmem>> -> memref<1x16x128xf32, #tpu.memory_space<vmem>>
      %dma_start3A_388 = tpu.memref_squeeze %dma_start3A_387 : memref<1x16x128xf32, #tpu.memory_space<vmem>> -> memref<16x128xf32, #tpu.memory_space<vmem>>
      %dma_start3A_389 = arith.constant 0 : i32
      %dma_start3A_390 = tpu.memref_slice %arg3[%dma_start3A_389, %multiple_of3A_383] : memref<16x1000000xf32, #tpu.memory_space<hbm>> -> memref<16x128xf32, #tpu.memory_space<hbm>>
      %dma_start3A_391 = arith.constant 0 : i32
      %dma_start3A_392 = arith.constant 0 : i32
      %dma_start3A_393 = tpu.memref_slice %arg6[%dma_start3A_384, %dma_start3A_391, %dma_start3A_392] : memref<32x16x128xf32, #tpu.memory_space<vmem>> -> memref<1x16x128xf32, #tpu.memory_space<vmem>>
      %dma_start3A_394 = tpu.memref_squeeze %dma_start3A_393 : memref<1x16x128xf32, #tpu.memory_space<vmem>> -> memref<16x128xf32, #tpu.memory_space<vmem>>
      %dma_start3A_395 = arith.constant 0 : i32
      %dma_start3A_396 = tpu.memref_slice %arg3[%dma_start3A_395, %multiple_of3A_383] : memref<16x1000000xf32, #tpu.memory_space<hbm>> -> memref<16x128xf32, #tpu.memory_space<hbm>>
      tpu.enqueue_dma source(%dma_start3A_396 : memref<16x128xf32, #tpu.memory_space<hbm>>) target(%dma_start3A_394 : memref<16x128xf32, #tpu.memory_space<vmem>>) target_semaphore(%arg9 : memref<!tpu.dma_semaphore, #tpu.memory_space<semaphore_mem>>)
      %slice3A_397 = vector.extract_strided_slice %get3A_336 {offsets = [3], sizes = [1], strides = [1]} : vector<16xi32> to vector<1xi32>
      %squeeze3A_398 = vector.extract %slice3A_397[0] : i32 from vector<1xi32>
      %shift_right_logical3A_399 = arith.constant 7 : i32
      %shift_right_logical3A_400 = arith.shrui %squeeze3A_398, %shift_right_logical3A_399 : i32
      %mul3A_401 = arith.constant 128 : i32
      %mul3A_402 = arith.muli %shift_right_logical3A_400, %mul3A_401 : i32
      %multiple_of3A_403 = tpu.assume_multiple %mul3A_402, 128 : i32
      %dma_start3A_404 = arith.constant 19 : i32
      %dma_start3A_405 = arith.constant 0 : i32
      %dma_start3A_406 = arith.constant 0 : i32
      %dma_start3A_407 = tpu.memref_slice %arg6[%dma_start3A_404, %dma_start3A_405, %dma_start3A_406] : memref<32x16x128xf32, #tpu.memory_space<vmem>> -> memref<1x16x128xf32, #tpu.memory_space<vmem>>
      %dma_start3A_408 = tpu.memref_squeeze %dma_start3A_407 : memref<1x16x128xf32, #tpu.memory_space<vmem>> -> memref<16x128xf32, #tpu.memory_space<vmem>>
      %dma_start3A_409 = arith.constant 0 : i32
      %dma_start3A_410 = tpu.memref_slice %arg3[%dma_start3A_409, %multiple_of3A_403] : memref<16x1000000xf32, #tpu.memory_space<hbm>> -> memref<16x128xf32, #tpu.memory_space<hbm>>
      %dma_start3A_411 = arith.constant 0 : i32
      %dma_start3A_412 = arith.constant 0 : i32
      %dma_start3A_413 = tpu.memref_slice %arg6[%dma_start3A_404, %dma_start3A_411, %dma_start3A_412] : memref<32x16x128xf32, #tpu.memory_space<vmem>> -> memref<1x16x128xf32, #tpu.memory_space<vmem>>
      %dma_start3A_414 = tpu.memref_squeeze %dma_start3A_413 : memref<1x16x128xf32, #tpu.memory_space<vmem>> -> memref<16x128xf32, #tpu.memory_space<vmem>>
      %dma_start3A_415 = arith.constant 0 : i32
      %dma_start3A_416 = tpu.memref_slice %arg3[%dma_start3A_415, %multiple_of3A_403] : memref<16x1000000xf32, #tpu.memory_space<hbm>> -> memref<16x128xf32, #tpu.memory_space<hbm>>
      tpu.enqueue_dma source(%dma_start3A_416 : memref<16x128xf32, #tpu.memory_space<hbm>>) target(%dma_start3A_414 : memref<16x128xf32, #tpu.memory_space<vmem>>) target_semaphore(%arg9 : memref<!tpu.dma_semaphore, #tpu.memory_space<semaphore_mem>>)
      %slice3A_417 = vector.extract_strided_slice %get3A_336 {offsets = [4], sizes = [1], strides = [1]} : vector<16xi32> to vector<1xi32>
      %squeeze3A_418 = vector.extract %slice3A_417[0] : i32 from vector<1xi32>
      %shift_right_logical3A_419 = arith.constant 7 : i32
      %shift_right_logical3A_420 = arith.shrui %squeeze3A_418, %shift_right_logical3A_419 : i32
      %mul3A_421 = arith.constant 128 : i32
      %mul3A_422 = arith.muli %shift_right_logical3A_420, %mul3A_421 : i32
      %multiple_of3A_423 = tpu.assume_multiple %mul3A_422, 128 : i32
      %dma_start3A_424 = arith.constant 20 : i32
      %dma_start3A_425 = arith.constant 0 : i32
      %dma_start3A_426 = arith.constant 0 : i32
      %dma_start3A_427 = tpu.memref_slice %arg6[%dma_start3A_424, %dma_start3A_425, %dma_start3A_426] : memref<32x16x128xf32, #tpu.memory_space<vmem>> -> memref<1x16x128xf32, #tpu.memory_space<vmem>>
      %dma_start3A_428 = tpu.memref_squeeze %dma_start3A_427 : memref<1x16x128xf32, #tpu.memory_space<vmem>> -> memref<16x128xf32, #tpu.memory_space<vmem>>
      %dma_start3A_429 = arith.constant 0 : i32
      %dma_start3A_430 = tpu.memref_slice %arg3[%dma_start3A_429, %multiple_of3A_423] : memref<16x1000000xf32, #tpu.memory_space<hbm>> -> memref<16x128xf32, #tpu.memory_space<hbm>>
      %dma_start3A_431 = arith.constant 0 : i32
      %dma_start3A_432 = arith.constant 0 : i32
      %dma_start3A_433 = tpu.memref_slice %arg6[%dma_start3A_424, %dma_start3A_431, %dma_start3A_432] : memref<32x16x128xf32, #tpu.memory_space<vmem>> -> memref<1x16x128xf32, #tpu.memory_space<vmem>>
      %dma_start3A_434 = tpu.memref_squeeze %dma_start3A_433 : memref<1x16x128xf32, #tpu.memory_space<vmem>> -> memref<16x128xf32, #tpu.memory_space<vmem>>
      %dma_start3A_435 = arith.constant 0 : i32
      %dma_start3A_436 = tpu.memref_slice %arg3[%dma_start3A_435, %multiple_of3A_423] : memref<16x1000000xf32, #tpu.memory_space<hbm>> -> memref<16x128xf32, #tpu.memory_space<hbm>>
      tpu.enqueue_dma source(%dma_start3A_436 : memref<16x128xf32, #tpu.memory_space<hbm>>) target(%dma_start3A_434 : memref<16x128xf32, #tpu.memory_space<vmem>>) target_semaphore(%arg9 : memref<!tpu.dma_semaphore, #tpu.memory_space<semaphore_mem>>)
      %slice3A_437 = vector.extract_strided_slice %get3A_336 {offsets = [5], sizes = [1], strides = [1]} : vector<16xi32> to vector<1xi32>
      %squeeze3A_438 = vector.extract %slice3A_437[0] : i32 from vector<1xi32>
      %shift_right_logical3A_439 = arith.constant 7 : i32
      %shift_right_logical3A_440 = arith.shrui %squeeze3A_438, %shift_right_logical3A_439 : i32
      %mul3A_441 = arith.constant 128 : i32
      %mul3A_442 = arith.muli %shift_right_logical3A_440, %mul3A_441 : i32
      %multiple_of3A_443 = tpu.assume_multiple %mul3A_442, 128 : i32
      %dma_start3A_444 = arith.constant 21 : i32
      %dma_start3A_445 = arith.constant 0 : i32
      %dma_start3A_446 = arith.constant 0 : i32
      %dma_start3A_447 = tpu.memref_slice %arg6[%dma_start3A_444, %dma_start3A_445, %dma_start3A_446] : memref<32x16x128xf32, #tpu.memory_space<vmem>> -> memref<1x16x128xf32, #tpu.memory_space<vmem>>
      %dma_start3A_448 = tpu.memref_squeeze %dma_start3A_447 : memref<1x16x128xf32, #tpu.memory_space<vmem>> -> memref<16x128xf32, #tpu.memory_space<vmem>>
      %dma_start3A_449 = arith.constant 0 : i32
      %dma_start3A_450 = tpu.memref_slice %arg3[%dma_start3A_449, %multiple_of3A_443] : memref<16x1000000xf32, #tpu.memory_space<hbm>> -> memref<16x128xf32, #tpu.memory_space<hbm>>
      %dma_start3A_451 = arith.constant 0 : i32
      %dma_start3A_452 = arith.constant 0 : i32
      %dma_start3A_453 = tpu.memref_slice %arg6[%dma_start3A_444, %dma_start3A_451, %dma_start3A_452] : memref<32x16x128xf32, #tpu.memory_space<vmem>> -> memref<1x16x128xf32, #tpu.memory_space<vmem>>
      %dma_start3A_454 = tpu.memref_squeeze %dma_start3A_453 : memref<1x16x128xf32, #tpu.memory_space<vmem>> -> memref<16x128xf32, #tpu.memory_space<vmem>>
      %dma_start3A_455 = arith.constant 0 : i32
      %dma_start3A_456 = tpu.memref_slice %arg3[%dma_start3A_455, %multiple_of3A_443] : memref<16x1000000xf32, #tpu.memory_space<hbm>> -> memref<16x128xf32, #tpu.memory_space<hbm>>
      tpu.enqueue_dma source(%dma_start3A_456 : memref<16x128xf32, #tpu.memory_space<hbm>>) target(%dma_start3A_454 : memref<16x128xf32, #tpu.memory_space<vmem>>) target_semaphore(%arg9 : memref<!tpu.dma_semaphore, #tpu.memory_space<semaphore_mem>>)
      %slice3A_457 = vector.extract_strided_slice %get3A_336 {offsets = [6], sizes = [1], strides = [1]} : vector<16xi32> to vector<1xi32>
      %squeeze3A_458 = vector.extract %slice3A_457[0] : i32 from vector<1xi32>
      %shift_right_logical3A_459 = arith.constant 7 : i32
      %shift_right_logical3A_460 = arith.shrui %squeeze3A_458, %shift_right_logical3A_459 : i32
      %mul3A_461 = arith.constant 128 : i32
      %mul3A_462 = arith.muli %shift_right_logical3A_460, %mul3A_461 : i32
      %multiple_of3A_463 = tpu.assume_multiple %mul3A_462, 128 : i32
      %dma_start3A_464 = arith.constant 22 : i32
      %dma_start3A_465 = arith.constant 0 : i32
      %dma_start3A_466 = arith.constant 0 : i32
      %dma_start3A_467 = tpu.memref_slice %arg6[%dma_start3A_464, %dma_start3A_465, %dma_start3A_466] : memref<32x16x128xf32, #tpu.memory_space<vmem>> -> memref<1x16x128xf32, #tpu.memory_space<vmem>>
      %dma_start3A_468 = tpu.memref_squeeze %dma_start3A_467 : memref<1x16x128xf32, #tpu.memory_space<vmem>> -> memref<16x128xf32, #tpu.memory_space<vmem>>
      %dma_start3A_469 = arith.constant 0 : i32
      %dma_start3A_470 = tpu.memref_slice %arg3[%dma_start3A_469, %multiple_of3A_463] : memref<16x1000000xf32, #tpu.memory_space<hbm>> -> memref<16x128xf32, #tpu.memory_space<hbm>>
      %dma_start3A_471 = arith.constant 0 : i32
      %dma_start3A_472 = arith.constant 0 : i32
      %dma_start3A_473 = tpu.memref_slice %arg6[%dma_start3A_464, %dma_start3A_471, %dma_start3A_472] : memref<32x16x128xf32, #tpu.memory_space<vmem>> -> memref<1x16x128xf32, #tpu.memory_space<vmem>>
      %dma_start3A_474 = tpu.memref_squeeze %dma_start3A_473 : memref<1x16x128xf32, #tpu.memory_space<vmem>> -> memref<16x128xf32, #tpu.memory_space<vmem>>
      %dma_start3A_475 = arith.constant 0 : i32
      %dma_start3A_476 = tpu.memref_slice %arg3[%dma_start3A_475, %multiple_of3A_463] : memref<16x1000000xf32, #tpu.memory_space<hbm>> -> memref<16x128xf32, #tpu.memory_space<hbm>>
      tpu.enqueue_dma source(%dma_start3A_476 : memref<16x128xf32, #tpu.memory_space<hbm>>) target(%dma_start3A_474 : memref<16x128xf32, #tpu.memory_space<vmem>>) target_semaphore(%arg9 : memref<!tpu.dma_semaphore, #tpu.memory_space<semaphore_mem>>)
      %slice3A_477 = vector.extract_strided_slice %get3A_336 {offsets = [7], sizes = [1], strides = [1]} : vector<16xi32> to vector<1xi32>
      %squeeze3A_478 = vector.extract %slice3A_477[0] : i32 from vector<1xi32>
      %shift_right_logical3A_479 = arith.constant 7 : i32
      %shift_right_logical3A_480 = arith.shrui %squeeze3A_478, %shift_right_logical3A_479 : i32
      %mul3A_481 = arith.constant 128 : i32
      %mul3A_482 = arith.muli %shift_right_logical3A_480, %mul3A_481 : i32
      %multiple_of3A_483 = tpu.assume_multiple %mul3A_482, 128 : i32
      %dma_start3A_484 = arith.constant 23 : i32
      %dma_start3A_485 = arith.constant 0 : i32
      %dma_start3A_486 = arith.constant 0 : i32
      %dma_start3A_487 = tpu.memref_slice %arg6[%dma_start3A_484, %dma_start3A_485, %dma_start3A_486] : memref<32x16x128xf32, #tpu.memory_space<vmem>> -> memref<1x16x128xf32, #tpu.memory_space<vmem>>
      %dma_start3A_488 = tpu.memref_squeeze %dma_start3A_487 : memref<1x16x128xf32, #tpu.memory_space<vmem>> -> memref<16x128xf32, #tpu.memory_space<vmem>>
      %dma_start3A_489 = arith.constant 0 : i32
      %dma_start3A_490 = tpu.memref_slice %arg3[%dma_start3A_489, %multiple_of3A_483] : memref<16x1000000xf32, #tpu.memory_space<hbm>> -> memref<16x128xf32, #tpu.memory_space<hbm>>
      %dma_start3A_491 = arith.constant 0 : i32
      %dma_start3A_492 = arith.constant 0 : i32
      %dma_start3A_493 = tpu.memref_slice %arg6[%dma_start3A_484, %dma_start3A_491, %dma_start3A_492] : memref<32x16x128xf32, #tpu.memory_space<vmem>> -> memref<1x16x128xf32, #tpu.memory_space<vmem>>
      %dma_start3A_494 = tpu.memref_squeeze %dma_start3A_493 : memref<1x16x128xf32, #tpu.memory_space<vmem>> -> memref<16x128xf32, #tpu.memory_space<vmem>>
      %dma_start3A_495 = arith.constant 0 : i32
      %dma_start3A_496 = tpu.memref_slice %arg3[%dma_start3A_495, %multiple_of3A_483] : memref<16x1000000xf32, #tpu.memory_space<hbm>> -> memref<16x128xf32, #tpu.memory_space<hbm>>
      tpu.enqueue_dma source(%dma_start3A_496 : memref<16x128xf32, #tpu.memory_space<hbm>>) target(%dma_start3A_494 : memref<16x128xf32, #tpu.memory_space<vmem>>) target_semaphore(%arg9 : memref<!tpu.dma_semaphore, #tpu.memory_space<semaphore_mem>>)
      %slice3A_497 = vector.extract_strided_slice %get3A_336 {offsets = [8], sizes = [1], strides = [1]} : vector<16xi32> to vector<1xi32>
      %squeeze3A_498 = vector.extract %slice3A_497[0] : i32 from vector<1xi32>
      %shift_right_logical3A_499 = arith.constant 7 : i32
      %shift_right_logical3A_500 = arith.shrui %squeeze3A_498, %shift_right_logical3A_499 : i32
      %mul3A_501 = arith.constant 128 : i32
      %mul3A_502 = arith.muli %shift_right_logical3A_500, %mul3A_501 : i32
      %multiple_of3A_503 = tpu.assume_multiple %mul3A_502, 128 : i32
      %dma_start3A_504 = arith.constant 24 : i32
      %dma_start3A_505 = arith.constant 0 : i32
      %dma_start3A_506 = arith.constant 0 : i32
      %dma_start3A_507 = tpu.memref_slice %arg6[%dma_start3A_504, %dma_start3A_505, %dma_start3A_506] : memref<32x16x128xf32, #tpu.memory_space<vmem>> -> memref<1x16x128xf32, #tpu.memory_space<vmem>>
      %dma_start3A_508 = tpu.memref_squeeze %dma_start3A_507 : memref<1x16x128xf32, #tpu.memory_space<vmem>> -> memref<16x128xf32, #tpu.memory_space<vmem>>
      %dma_start3A_509 = arith.constant 0 : i32
      %dma_start3A_510 = tpu.memref_slice %arg3[%dma_start3A_509, %multiple_of3A_503] : memref<16x1000000xf32, #tpu.memory_space<hbm>> -> memref<16x128xf32, #tpu.memory_space<hbm>>
      %dma_start3A_511 = arith.constant 0 : i32
      %dma_start3A_512 = arith.constant 0 : i32
      %dma_start3A_513 = tpu.memref_slice %arg6[%dma_start3A_504, %dma_start3A_511, %dma_start3A_512] : memref<32x16x128xf32, #tpu.memory_space<vmem>> -> memref<1x16x128xf32, #tpu.memory_space<vmem>>
      %dma_start3A_514 = tpu.memref_squeeze %dma_start3A_513 : memref<1x16x128xf32, #tpu.memory_space<vmem>> -> memref<16x128xf32, #tpu.memory_space<vmem>>
      %dma_start3A_515 = arith.constant 0 : i32
      %dma_start3A_516 = tpu.memref_slice %arg3[%dma_start3A_515, %multiple_of3A_503] : memref<16x1000000xf32, #tpu.memory_space<hbm>> -> memref<16x128xf32, #tpu.memory_space<hbm>>
      tpu.enqueue_dma source(%dma_start3A_516 : memref<16x128xf32, #tpu.memory_space<hbm>>) target(%dma_start3A_514 : memref<16x128xf32, #tpu.memory_space<vmem>>) target_semaphore(%arg9 : memref<!tpu.dma_semaphore, #tpu.memory_space<semaphore_mem>>)
      %slice3A_517 = vector.extract_strided_slice %get3A_336 {offsets = [9], sizes = [1], strides = [1]} : vector<16xi32> to vector<1xi32>
      %squeeze3A_518 = vector.extract %slice3A_517[0] : i32 from vector<1xi32>
      %shift_right_logical3A_519 = arith.constant 7 : i32
      %shift_right_logical3A_520 = arith.shrui %squeeze3A_518, %shift_right_logical3A_519 : i32
      %mul3A_521 = arith.constant 128 : i32
      %mul3A_522 = arith.muli %shift_right_logical3A_520, %mul3A_521 : i32
      %multiple_of3A_523 = tpu.assume_multiple %mul3A_522, 128 : i32
      %dma_start3A_524 = arith.constant 25 : i32
      %dma_start3A_525 = arith.constant 0 : i32
      %dma_start3A_526 = arith.constant 0 : i32
      %dma_start3A_527 = tpu.memref_slice %arg6[%dma_start3A_524, %dma_start3A_525, %dma_start3A_526] : memref<32x16x128xf32, #tpu.memory_space<vmem>> -> memref<1x16x128xf32, #tpu.memory_space<vmem>>
      %dma_start3A_528 = tpu.memref_squeeze %dma_start3A_527 : memref<1x16x128xf32, #tpu.memory_space<vmem>> -> memref<16x128xf32, #tpu.memory_space<vmem>>
      %dma_start3A_529 = arith.constant 0 : i32
      %dma_start3A_530 = tpu.memref_slice %arg3[%dma_start3A_529, %multiple_of3A_523] : memref<16x1000000xf32, #tpu.memory_space<hbm>> -> memref<16x128xf32, #tpu.memory_space<hbm>>
      %dma_start3A_531 = arith.constant 0 : i32
      %dma_start3A_532 = arith.constant 0 : i32
      %dma_start3A_533 = tpu.memref_slice %arg6[%dma_start3A_524, %dma_start3A_531, %dma_start3A_532] : memref<32x16x128xf32, #tpu.memory_space<vmem>> -> memref<1x16x128xf32, #tpu.memory_space<vmem>>
      %dma_start3A_534 = tpu.memref_squeeze %dma_start3A_533 : memref<1x16x128xf32, #tpu.memory_space<vmem>> -> memref<16x128xf32, #tpu.memory_space<vmem>>
      %dma_start3A_535 = arith.constant 0 : i32
      %dma_start3A_536 = tpu.memref_slice %arg3[%dma_start3A_535, %multiple_of3A_523] : memref<16x1000000xf32, #tpu.memory_space<hbm>> -> memref<16x128xf32, #tpu.memory_space<hbm>>
      tpu.enqueue_dma source(%dma_start3A_536 : memref<16x128xf32, #tpu.memory_space<hbm>>) target(%dma_start3A_534 : memref<16x128xf32, #tpu.memory_space<vmem>>) target_semaphore(%arg9 : memref<!tpu.dma_semaphore, #tpu.memory_space<semaphore_mem>>)
      %slice3A_537 = vector.extract_strided_slice %get3A_336 {offsets = [10], sizes = [1], strides = [1]} : vector<16xi32> to vector<1xi32>
      %squeeze3A_538 = vector.extract %slice3A_537[0] : i32 from vector<1xi32>
      %shift_right_logical3A_539 = arith.constant 7 : i32
      %shift_right_logical3A_540 = arith.shrui %squeeze3A_538, %shift_right_logical3A_539 : i32
      %mul3A_541 = arith.constant 128 : i32
      %mul3A_542 = arith.muli %shift_right_logical3A_540, %mul3A_541 : i32
      %multiple_of3A_543 = tpu.assume_multiple %mul3A_542, 128 : i32
      %dma_start3A_544 = arith.constant 26 : i32
      %dma_start3A_545 = arith.constant 0 : i32
      %dma_start3A_546 = arith.constant 0 : i32
      %dma_start3A_547 = tpu.memref_slice %arg6[%dma_start3A_544, %dma_start3A_545, %dma_start3A_546] : memref<32x16x128xf32, #tpu.memory_space<vmem>> -> memref<1x16x128xf32, #tpu.memory_space<vmem>>
      %dma_start3A_548 = tpu.memref_squeeze %dma_start3A_547 : memref<1x16x128xf32, #tpu.memory_space<vmem>> -> memref<16x128xf32, #tpu.memory_space<vmem>>
      %dma_start3A_549 = arith.constant 0 : i32
      %dma_start3A_550 = tpu.memref_slice %arg3[%dma_start3A_549, %multiple_of3A_543] : memref<16x1000000xf32, #tpu.memory_space<hbm>> -> memref<16x128xf32, #tpu.memory_space<hbm>>
      %dma_start3A_551 = arith.constant 0 : i32
      %dma_start3A_552 = arith.constant 0 : i32
      %dma_start3A_553 = tpu.memref_slice %arg6[%dma_start3A_544, %dma_start3A_551, %dma_start3A_552] : memref<32x16x128xf32, #tpu.memory_space<vmem>> -> memref<1x16x128xf32, #tpu.memory_space<vmem>>
      %dma_start3A_554 = tpu.memref_squeeze %dma_start3A_553 : memref<1x16x128xf32, #tpu.memory_space<vmem>> -> memref<16x128xf32, #tpu.memory_space<vmem>>
      %dma_start3A_555 = arith.constant 0 : i32
      %dma_start3A_556 = tpu.memref_slice %arg3[%dma_start3A_555, %multiple_of3A_543] : memref<16x1000000xf32, #tpu.memory_space<hbm>> -> memref<16x128xf32, #tpu.memory_space<hbm>>
      tpu.enqueue_dma source(%dma_start3A_556 : memref<16x128xf32, #tpu.memory_space<hbm>>) target(%dma_start3A_554 : memref<16x128xf32, #tpu.memory_space<vmem>>) target_semaphore(%arg9 : memref<!tpu.dma_semaphore, #tpu.memory_space<semaphore_mem>>)
      %slice3A_557 = vector.extract_strided_slice %get3A_336 {offsets = [11], sizes = [1], strides = [1]} : vector<16xi32> to vector<1xi32>
      %squeeze3A_558 = vector.extract %slice3A_557[0] : i32 from vector<1xi32>
      %shift_right_logical3A_559 = arith.constant 7 : i32
      %shift_right_logical3A_560 = arith.shrui %squeeze3A_558, %shift_right_logical3A_559 : i32
      %mul3A_561 = arith.constant 128 : i32
      %mul3A_562 = arith.muli %shift_right_logical3A_560, %mul3A_561 : i32
      %multiple_of3A_563 = tpu.assume_multiple %mul3A_562, 128 : i32
      %dma_start3A_564 = arith.constant 27 : i32
      %dma_start3A_565 = arith.constant 0 : i32
      %dma_start3A_566 = arith.constant 0 : i32
      %dma_start3A_567 = tpu.memref_slice %arg6[%dma_start3A_564, %dma_start3A_565, %dma_start3A_566] : memref<32x16x128xf32, #tpu.memory_space<vmem>> -> memref<1x16x128xf32, #tpu.memory_space<vmem>>
      %dma_start3A_568 = tpu.memref_squeeze %dma_start3A_567 : memref<1x16x128xf32, #tpu.memory_space<vmem>> -> memref<16x128xf32, #tpu.memory_space<vmem>>
      %dma_start3A_569 = arith.constant 0 : i32
      %dma_start3A_570 = tpu.memref_slice %arg3[%dma_start3A_569, %multiple_of3A_563] : memref<16x1000000xf32, #tpu.memory_space<hbm>> -> memref<16x128xf32, #tpu.memory_space<hbm>>
      %dma_start3A_571 = arith.constant 0 : i32
      %dma_start3A_572 = arith.constant 0 : i32
      %dma_start3A_573 = tpu.memref_slice %arg6[%dma_start3A_564, %dma_start3A_571, %dma_start3A_572] : memref<32x16x128xf32, #tpu.memory_space<vmem>> -> memref<1x16x128xf32, #tpu.memory_space<vmem>>
      %dma_start3A_574 = tpu.memref_squeeze %dma_start3A_573 : memref<1x16x128xf32, #tpu.memory_space<vmem>> -> memref<16x128xf32, #tpu.memory_space<vmem>>
      %dma_start3A_575 = arith.constant 0 : i32
      %dma_start3A_576 = tpu.memref_slice %arg3[%dma_start3A_575, %multiple_of3A_563] : memref<16x1000000xf32, #tpu.memory_space<hbm>> -> memref<16x128xf32, #tpu.memory_space<hbm>>
      tpu.enqueue_dma source(%dma_start3A_576 : memref<16x128xf32, #tpu.memory_space<hbm>>) target(%dma_start3A_574 : memref<16x128xf32, #tpu.memory_space<vmem>>) target_semaphore(%arg9 : memref<!tpu.dma_semaphore, #tpu.memory_space<semaphore_mem>>)
      %slice3A_577 = vector.extract_strided_slice %get3A_336 {offsets = [12], sizes = [1], strides = [1]} : vector<16xi32> to vector<1xi32>
      %squeeze3A_578 = vector.extract %slice3A_577[0] : i32 from vector<1xi32>
      %shift_right_logical3A_579 = arith.constant 7 : i32
      %shift_right_logical3A_580 = arith.shrui %squeeze3A_578, %shift_right_logical3A_579 : i32
      %mul3A_581 = arith.constant 128 : i32
      %mul3A_582 = arith.muli %shift_right_logical3A_580, %mul3A_581 : i32
      %multiple_of3A_583 = tpu.assume_multiple %mul3A_582, 128 : i32
      %dma_start3A_584 = arith.constant 28 : i32
      %dma_start3A_585 = arith.constant 0 : i32
      %dma_start3A_586 = arith.constant 0 : i32
      %dma_start3A_587 = tpu.memref_slice %arg6[%dma_start3A_584, %dma_start3A_585, %dma_start3A_586] : memref<32x16x128xf32, #tpu.memory_space<vmem>> -> memref<1x16x128xf32, #tpu.memory_space<vmem>>
      %dma_start3A_588 = tpu.memref_squeeze %dma_start3A_587 : memref<1x16x128xf32, #tpu.memory_space<vmem>> -> memref<16x128xf32, #tpu.memory_space<vmem>>
      %dma_start3A_589 = arith.constant 0 : i32
      %dma_start3A_590 = tpu.memref_slice %arg3[%dma_start3A_589, %multiple_of3A_583] : memref<16x1000000xf32, #tpu.memory_space<hbm>> -> memref<16x128xf32, #tpu.memory_space<hbm>>
      %dma_start3A_591 = arith.constant 0 : i32
      %dma_start3A_592 = arith.constant 0 : i32
      %dma_start3A_593 = tpu.memref_slice %arg6[%dma_start3A_584, %dma_start3A_591, %dma_start3A_592] : memref<32x16x128xf32, #tpu.memory_space<vmem>> -> memref<1x16x128xf32, #tpu.memory_space<vmem>>
      %dma_start3A_594 = tpu.memref_squeeze %dma_start3A_593 : memref<1x16x128xf32, #tpu.memory_space<vmem>> -> memref<16x128xf32, #tpu.memory_space<vmem>>
      %dma_start3A_595 = arith.constant 0 : i32
      %dma_start3A_596 = tpu.memref_slice %arg3[%dma_start3A_595, %multiple_of3A_583] : memref<16x1000000xf32, #tpu.memory_space<hbm>> -> memref<16x128xf32, #tpu.memory_space<hbm>>
      tpu.enqueue_dma source(%dma_start3A_596 : memref<16x128xf32, #tpu.memory_space<hbm>>) target(%dma_start3A_594 : memref<16x128xf32, #tpu.memory_space<vmem>>) target_semaphore(%arg9 : memref<!tpu.dma_semaphore, #tpu.memory_space<semaphore_mem>>)
      %slice3A_597 = vector.extract_strided_slice %get3A_336 {offsets = [13], sizes = [1], strides = [1]} : vector<16xi32> to vector<1xi32>
      %squeeze3A_598 = vector.extract %slice3A_597[0] : i32 from vector<1xi32>
      %shift_right_logical3A_599 = arith.constant 7 : i32
      %shift_right_logical3A_600 = arith.shrui %squeeze3A_598, %shift_right_logical3A_599 : i32
      %mul3A_601 = arith.constant 128 : i32
      %mul3A_602 = arith.muli %shift_right_logical3A_600, %mul3A_601 : i32
      %multiple_of3A_603 = tpu.assume_multiple %mul3A_602, 128 : i32
      %dma_start3A_604 = arith.constant 29 : i32
      %dma_start3A_605 = arith.constant 0 : i32
      %dma_start3A_606 = arith.constant 0 : i32
      %dma_start3A_607 = tpu.memref_slice %arg6[%dma_start3A_604, %dma_start3A_605, %dma_start3A_606] : memref<32x16x128xf32, #tpu.memory_space<vmem>> -> memref<1x16x128xf32, #tpu.memory_space<vmem>>
      %dma_start3A_608 = tpu.memref_squeeze %dma_start3A_607 : memref<1x16x128xf32, #tpu.memory_space<vmem>> -> memref<16x128xf32, #tpu.memory_space<vmem>>
      %dma_start3A_609 = arith.constant 0 : i32
      %dma_start3A_610 = tpu.memref_slice %arg3[%dma_start3A_609, %multiple_of3A_603] : memref<16x1000000xf32, #tpu.memory_space<hbm>> -> memref<16x128xf32, #tpu.memory_space<hbm>>
      %dma_start3A_611 = arith.constant 0 : i32
      %dma_start3A_612 = arith.constant 0 : i32
      %dma_start3A_613 = tpu.memref_slice %arg6[%dma_start3A_604, %dma_start3A_611, %dma_start3A_612] : memref<32x16x128xf32, #tpu.memory_space<vmem>> -> memref<1x16x128xf32, #tpu.memory_space<vmem>>
      %dma_start3A_614 = tpu.memref_squeeze %dma_start3A_613 : memref<1x16x128xf32, #tpu.memory_space<vmem>> -> memref<16x128xf32, #tpu.memory_space<vmem>>
      %dma_start3A_615 = arith.constant 0 : i32
      %dma_start3A_616 = tpu.memref_slice %arg3[%dma_start3A_615, %multiple_of3A_603] : memref<16x1000000xf32, #tpu.memory_space<hbm>> -> memref<16x128xf32, #tpu.memory_space<hbm>>
      tpu.enqueue_dma source(%dma_start3A_616 : memref<16x128xf32, #tpu.memory_space<hbm>>) target(%dma_start3A_614 : memref<16x128xf32, #tpu.memory_space<vmem>>) target_semaphore(%arg9 : memref<!tpu.dma_semaphore, #tpu.memory_space<semaphore_mem>>)
      %slice3A_617 = vector.extract_strided_slice %get3A_336 {offsets = [14], sizes = [1], strides = [1]} : vector<16xi32> to vector<1xi32>
      %squeeze3A_618 = vector.extract %slice3A_617[0] : i32 from vector<1xi32>
      %shift_right_logical3A_619 = arith.constant 7 : i32
      %shift_right_logical3A_620 = arith.shrui %squeeze3A_618, %shift_right_logical3A_619 : i32
      %mul3A_621 = arith.constant 128 : i32
      %mul3A_622 = arith.muli %shift_right_logical3A_620, %mul3A_621 : i32
      %multiple_of3A_623 = tpu.assume_multiple %mul3A_622, 128 : i32
      %dma_start3A_624 = arith.constant 30 : i32
      %dma_start3A_625 = arith.constant 0 : i32
      %dma_start3A_626 = arith.constant 0 : i32
      %dma_start3A_627 = tpu.memref_slice %arg6[%dma_start3A_624, %dma_start3A_625, %dma_start3A_626] : memref<32x16x128xf32, #tpu.memory_space<vmem>> -> memref<1x16x128xf32, #tpu.memory_space<vmem>>
      %dma_start3A_628 = tpu.memref_squeeze %dma_start3A_627 : memref<1x16x128xf32, #tpu.memory_space<vmem>> -> memref<16x128xf32, #tpu.memory_space<vmem>>
      %dma_start3A_629 = arith.constant 0 : i32
      %dma_start3A_630 = tpu.memref_slice %arg3[%dma_start3A_629, %multiple_of3A_623] : memref<16x1000000xf32, #tpu.memory_space<hbm>> -> memref<16x128xf32, #tpu.memory_space<hbm>>
      %dma_start3A_631 = arith.constant 0 : i32
      %dma_start3A_632 = arith.constant 0 : i32
      %dma_start3A_633 = tpu.memref_slice %arg6[%dma_start3A_624, %dma_start3A_631, %dma_start3A_632] : memref<32x16x128xf32, #tpu.memory_space<vmem>> -> memref<1x16x128xf32, #tpu.memory_space<vmem>>
      %dma_start3A_634 = tpu.memref_squeeze %dma_start3A_633 : memref<1x16x128xf32, #tpu.memory_space<vmem>> -> memref<16x128xf32, #tpu.memory_space<vmem>>
      %dma_start3A_635 = arith.constant 0 : i32
      %dma_start3A_636 = tpu.memref_slice %arg3[%dma_start3A_635, %multiple_of3A_623] : memref<16x1000000xf32, #tpu.memory_space<hbm>> -> memref<16x128xf32, #tpu.memory_space<hbm>>
      tpu.enqueue_dma source(%dma_start3A_636 : memref<16x128xf32, #tpu.memory_space<hbm>>) target(%dma_start3A_634 : memref<16x128xf32, #tpu.memory_space<vmem>>) target_semaphore(%arg9 : memref<!tpu.dma_semaphore, #tpu.memory_space<semaphore_mem>>)
      %slice3A_637 = vector.extract_strided_slice %get3A_336 {offsets = [15], sizes = [1], strides = [1]} : vector<16xi32> to vector<1xi32>
      %squeeze3A_638 = vector.extract %slice3A_637[0] : i32 from vector<1xi32>
      %shift_right_logical3A_639 = arith.constant 7 : i32
      %shift_right_logical3A_640 = arith.shrui %squeeze3A_638, %shift_right_logical3A_639 : i32
      %mul3A_641 = arith.constant 128 : i32
      %mul3A_642 = arith.muli %shift_right_logical3A_640, %mul3A_641 : i32
      %multiple_of3A_643 = tpu.assume_multiple %mul3A_642, 128 : i32
      %dma_start3A_644 = arith.constant 31 : i32
      %dma_start3A_645 = arith.constant 0 : i32
      %dma_start3A_646 = arith.constant 0 : i32
      %dma_start3A_647 = tpu.memref_slice %arg6[%dma_start3A_644, %dma_start3A_645, %dma_start3A_646] : memref<32x16x128xf32, #tpu.memory_space<vmem>> -> memref<1x16x128xf32, #tpu.memory_space<vmem>>
      %dma_start3A_648 = tpu.memref_squeeze %dma_start3A_647 : memref<1x16x128xf32, #tpu.memory_space<vmem>> -> memref<16x128xf32, #tpu.memory_space<vmem>>
      %dma_start3A_649 = arith.constant 0 : i32
      %dma_start3A_650 = tpu.memref_slice %arg3[%dma_start3A_649, %multiple_of3A_643] : memref<16x1000000xf32, #tpu.memory_space<hbm>> -> memref<16x128xf32, #tpu.memory_space<hbm>>
      %dma_start3A_651 = arith.constant 0 : i32
      %dma_start3A_652 = arith.constant 0 : i32
      %dma_start3A_653 = tpu.memref_slice %arg6[%dma_start3A_644, %dma_start3A_651, %dma_start3A_652] : memref<32x16x128xf32, #tpu.memory_space<vmem>> -> memref<1x16x128xf32, #tpu.memory_space<vmem>>
      %dma_start3A_654 = tpu.memref_squeeze %dma_start3A_653 : memref<1x16x128xf32, #tpu.memory_space<vmem>> -> memref<16x128xf32, #tpu.memory_space<vmem>>
      %dma_start3A_655 = arith.constant 0 : i32
      %dma_start3A_656 = tpu.memref_slice %arg3[%dma_start3A_655, %multiple_of3A_643] : memref<16x1000000xf32, #tpu.memory_space<hbm>> -> memref<16x128xf32, #tpu.memory_space<hbm>>
      tpu.enqueue_dma source(%dma_start3A_656 : memref<16x128xf32, #tpu.memory_space<hbm>>) target(%dma_start3A_654 : memref<16x128xf32, #tpu.memory_space<vmem>>) target_semaphore(%arg9 : memref<!tpu.dma_semaphore, #tpu.memory_space<semaphore_mem>>)
      %dma_wait3A = arith.constant 0 : i32
      %dma_wait3A_657 = arith.constant 0 : i32
      %dma_wait3A_658 = arith.constant 0 : i32
      %dma_wait3A_659 = tpu.memref_slice %arg6[%dma_wait3A, %dma_wait3A_657, %dma_wait3A_658] : memref<32x16x128xf32, #tpu.memory_space<vmem>> -> memref<1x16x128xf32, #tpu.memory_space<vmem>>
      %dma_wait3A_660 = tpu.memref_squeeze %dma_wait3A_659 : memref<1x16x128xf32, #tpu.memory_space<vmem>> -> memref<16x128xf32, #tpu.memory_space<vmem>>
      %dma_wait3A_661 = arith.constant 0 : i32
      %dma_wait3A_662 = arith.constant 0 : i32
      %dma_wait3A_663 = tpu.memref_slice %arg3[%dma_wait3A_661, %dma_wait3A_662] : memref<16x1000000xf32, #tpu.memory_space<hbm>> -> memref<16x128xf32, #tpu.memory_space<hbm>>
      %dma_wait3A_664 = arith.constant 0 : i32
      %dma_wait3A_665 = arith.constant 0 : i32
      %dma_wait3A_666 = tpu.memref_slice %arg6[%dma_wait3A, %dma_wait3A_664, %dma_wait3A_665] : memref<32x16x128xf32, #tpu.memory_space<vmem>> -> memref<1x16x128xf32, #tpu.memory_space<vmem>>
      %dma_wait3A_667 = tpu.memref_squeeze %dma_wait3A_666 : memref<1x16x128xf32, #tpu.memory_space<vmem>> -> memref<16x128xf32, #tpu.memory_space<vmem>>
      %dma_wait3A_668 = arith.constant 0 : i32
      %dma_wait3A_669 = arith.constant 0 : i32
      %dma_wait3A_670 = tpu.memref_slice %arg3[%dma_wait3A_668, %dma_wait3A_669] : memref<16x1000000xf32, #tpu.memory_space<hbm>> -> memref<16x128xf32, #tpu.memory_space<hbm>>
      tpu.wait_dma2 semaphore(%arg8 : memref<!tpu.dma_semaphore, #tpu.memory_space<semaphore_mem>>) src(%dma_wait3A_670 : memref<16x128xf32, #tpu.memory_space<hbm>>) dst(%dma_wait3A_667 : memref<16x128xf32, #tpu.memory_space<vmem>>)
      %dma_wait3A_671 = arith.constant 0 : i32
      %dma_wait3A_672 = arith.constant 0 : i32
      %dma_wait3A_673 = arith.constant 0 : i32
      %dma_wait3A_674 = tpu.memref_slice %arg6[%dma_wait3A_671, %dma_wait3A_672, %dma_wait3A_673] : memref<32x16x128xf32, #tpu.memory_space<vmem>> -> memref<1x16x128xf32, #tpu.memory_space<vmem>>
      %dma_wait3A_675 = tpu.memref_squeeze %dma_wait3A_674 : memref<1x16x128xf32, #tpu.memory_space<vmem>> -> memref<16x128xf32, #tpu.memory_space<vmem>>
      %dma_wait3A_676 = arith.constant 0 : i32
      %dma_wait3A_677 = arith.constant 0 : i32
      %dma_wait3A_678 = tpu.memref_slice %arg3[%dma_wait3A_676, %dma_wait3A_677] : memref<16x1000000xf32, #tpu.memory_space<hbm>> -> memref<16x128xf32, #tpu.memory_space<hbm>>
      %dma_wait3A_679 = arith.constant 0 : i32
      %dma_wait3A_680 = arith.constant 0 : i32
      %dma_wait3A_681 = tpu.memref_slice %arg6[%dma_wait3A_671, %dma_wait3A_679, %dma_wait3A_680] : memref<32x16x128xf32, #tpu.memory_space<vmem>> -> memref<1x16x128xf32, #tpu.memory_space<vmem>>
      %dma_wait3A_682 = tpu.memref_squeeze %dma_wait3A_681 : memref<1x16x128xf32, #tpu.memory_space<vmem>> -> memref<16x128xf32, #tpu.memory_space<vmem>>
      %dma_wait3A_683 = arith.constant 0 : i32
      %dma_wait3A_684 = arith.constant 0 : i32
      %dma_wait3A_685 = tpu.memref_slice %arg3[%dma_wait3A_683, %dma_wait3A_684] : memref<16x1000000xf32, #tpu.memory_space<hbm>> -> memref<16x128xf32, #tpu.memory_space<hbm>>
      tpu.wait_dma2 semaphore(%arg8 : memref<!tpu.dma_semaphore, #tpu.memory_space<semaphore_mem>>) src(%dma_wait3A_685 : memref<16x128xf32, #tpu.memory_space<hbm>>) dst(%dma_wait3A_682 : memref<16x128xf32, #tpu.memory_space<vmem>>)
      %dma_wait3A_686 = arith.constant 0 : i32
      %dma_wait3A_687 = arith.constant 0 : i32
      %dma_wait3A_688 = arith.constant 0 : i32
      %dma_wait3A_689 = tpu.memref_slice %arg6[%dma_wait3A_686, %dma_wait3A_687, %dma_wait3A_688] : memref<32x16x128xf32, #tpu.memory_space<vmem>> -> memref<1x16x128xf32, #tpu.memory_space<vmem>>
      %dma_wait3A_690 = tpu.memref_squeeze %dma_wait3A_689 : memref<1x16x128xf32, #tpu.memory_space<vmem>> -> memref<16x128xf32, #tpu.memory_space<vmem>>
      %dma_wait3A_691 = arith.constant 0 : i32
      %dma_wait3A_692 = arith.constant 0 : i32
      %dma_wait3A_693 = tpu.memref_slice %arg3[%dma_wait3A_691, %dma_wait3A_692] : memref<16x1000000xf32, #tpu.memory_space<hbm>> -> memref<16x128xf32, #tpu.memory_space<hbm>>
      %dma_wait3A_694 = arith.constant 0 : i32
      %dma_wait3A_695 = arith.constant 0 : i32
      %dma_wait3A_696 = tpu.memref_slice %arg6[%dma_wait3A_686, %dma_wait3A_694, %dma_wait3A_695] : memref<32x16x128xf32, #tpu.memory_space<vmem>> -> memref<1x16x128xf32, #tpu.memory_space<vmem>>
      %dma_wait3A_697 = tpu.memref_squeeze %dma_wait3A_696 : memref<1x16x128xf32, #tpu.memory_space<vmem>> -> memref<16x128xf32, #tpu.memory_space<vmem>>
      %dma_wait3A_698 = arith.constant 0 : i32
      %dma_wait3A_699 = arith.constant 0 : i32
      %dma_wait3A_700 = tpu.memref_slice %arg3[%dma_wait3A_698, %dma_wait3A_699] : memref<16x1000000xf32, #tpu.memory_space<hbm>> -> memref<16x128xf32, #tpu.memory_space<hbm>>
      tpu.wait_dma2 semaphore(%arg8 : memref<!tpu.dma_semaphore, #tpu.memory_space<semaphore_mem>>) src(%dma_wait3A_700 : memref<16x128xf32, #tpu.memory_space<hbm>>) dst(%dma_wait3A_697 : memref<16x128xf32, #tpu.memory_space<vmem>>)
      %dma_wait3A_701 = arith.constant 0 : i32
      %dma_wait3A_702 = arith.constant 0 : i32
      %dma_wait3A_703 = arith.constant 0 : i32
      %dma_wait3A_704 = tpu.memref_slice %arg6[%dma_wait3A_701, %dma_wait3A_702, %dma_wait3A_703] : memref<32x16x128xf32, #tpu.memory_space<vmem>> -> memref<1x16x128xf32, #tpu.memory_space<vmem>>
      %dma_wait3A_705 = tpu.memref_squeeze %dma_wait3A_704 : memref<1x16x128xf32, #tpu.memory_space<vmem>> -> memref<16x128xf32, #tpu.memory_space<vmem>>
      %dma_wait3A_706 = arith.constant 0 : i32
      %dma_wait3A_707 = arith.constant 0 : i32
      %dma_wait3A_708 = tpu.memref_slice %arg3[%dma_wait3A_706, %dma_wait3A_707] : memref<16x1000000xf32, #tpu.memory_space<hbm>> -> memref<16x128xf32, #tpu.memory_space<hbm>>
      %dma_wait3A_709 = arith.constant 0 : i32
      %dma_wait3A_710 = arith.constant 0 : i32
      %dma_wait3A_711 = tpu.memref_slice %arg6[%dma_wait3A_701, %dma_wait3A_709, %dma_wait3A_710] : memref<32x16x128xf32, #tpu.memory_space<vmem>> -> memref<1x16x128xf32, #tpu.memory_space<vmem>>
      %dma_wait3A_712 = tpu.memref_squeeze %dma_wait3A_711 : memref<1x16x128xf32, #tpu.memory_space<vmem>> -> memref<16x128xf32, #tpu.memory_space<vmem>>
      %dma_wait3A_713 = arith.constant 0 : i32
      %dma_wait3A_714 = arith.constant 0 : i32
      %dma_wait3A_715 = tpu.memref_slice %arg3[%dma_wait3A_713, %dma_wait3A_714] : memref<16x1000000xf32, #tpu.memory_space<hbm>> -> memref<16x128xf32, #tpu.memory_space<hbm>>
      tpu.wait_dma2 semaphore(%arg8 : memref<!tpu.dma_semaphore, #tpu.memory_space<semaphore_mem>>) src(%dma_wait3A_715 : memref<16x128xf32, #tpu.memory_space<hbm>>) dst(%dma_wait3A_712 : memref<16x128xf32, #tpu.memory_space<vmem>>)
      %dma_wait3A_716 = arith.constant 0 : i32
      %dma_wait3A_717 = arith.constant 0 : i32
      %dma_wait3A_718 = arith.constant 0 : i32
      %dma_wait3A_719 = tpu.memref_slice %arg6[%dma_wait3A_716, %dma_wait3A_717, %dma_wait3A_718] : memref<32x16x128xf32, #tpu.memory_space<vmem>> -> memref<1x16x128xf32, #tpu.memory_space<vmem>>
      %dma_wait3A_720 = tpu.memref_squeeze %dma_wait3A_719 : memref<1x16x128xf32, #tpu.memory_space<vmem>> -> memref<16x128xf32, #tpu.memory_space<vmem>>
      %dma_wait3A_721 = arith.constant 0 : i32
      %dma_wait3A_722 = arith.constant 0 : i32
      %dma_wait3A_723 = tpu.memref_slice %arg3[%dma_wait3A_721, %dma_wait3A_722] : memref<16x1000000xf32, #tpu.memory_space<hbm>> -> memref<16x128xf32, #tpu.memory_space<hbm>>
      %dma_wait3A_724 = arith.constant 0 : i32
      %dma_wait3A_725 = arith.constant 0 : i32
      %dma_wait3A_726 = tpu.memref_slice %arg6[%dma_wait3A_716, %dma_wait3A_724, %dma_wait3A_725] : memref<32x16x128xf32, #tpu.memory_space<vmem>> -> memref<1x16x128xf32, #tpu.memory_space<vmem>>
      %dma_wait3A_727 = tpu.memref_squeeze %dma_wait3A_726 : memref<1x16x128xf32, #tpu.memory_space<vmem>> -> memref<16x128xf32, #tpu.memory_space<vmem>>
      %dma_wait3A_728 = arith.constant 0 : i32
      %dma_wait3A_729 = arith.constant 0 : i32
      %dma_wait3A_730 = tpu.memref_slice %arg3[%dma_wait3A_728, %dma_wait3A_729] : memref<16x1000000xf32, #tpu.memory_space<hbm>> -> memref<16x128xf32, #tpu.memory_space<hbm>>
      tpu.wait_dma2 semaphore(%arg8 : memref<!tpu.dma_semaphore, #tpu.memory_space<semaphore_mem>>) src(%dma_wait3A_730 : memref<16x128xf32, #tpu.memory_space<hbm>>) dst(%dma_wait3A_727 : memref<16x128xf32, #tpu.memory_space<vmem>>)
      %dma_wait3A_731 = arith.constant 0 : i32
      %dma_wait3A_732 = arith.constant 0 : i32
      %dma_wait3A_733 = arith.constant 0 : i32
      %dma_wait3A_734 = tpu.memref_slice %arg6[%dma_wait3A_731, %dma_wait3A_732, %dma_wait3A_733] : memref<32x16x128xf32, #tpu.memory_space<vmem>> -> memref<1x16x128xf32, #tpu.memory_space<vmem>>
      %dma_wait3A_735 = tpu.memref_squeeze %dma_wait3A_734 : memref<1x16x128xf32, #tpu.memory_space<vmem>> -> memref<16x128xf32, #tpu.memory_space<vmem>>
      %dma_wait3A_736 = arith.constant 0 : i32
      %dma_wait3A_737 = arith.constant 0 : i32
      %dma_wait3A_738 = tpu.memref_slice %arg3[%dma_wait3A_736, %dma_wait3A_737] : memref<16x1000000xf32, #tpu.memory_space<hbm>> -> memref<16x128xf32, #tpu.memory_space<hbm>>
      %dma_wait3A_739 = arith.constant 0 : i32
      %dma_wait3A_740 = arith.constant 0 : i32
      %dma_wait3A_741 = tpu.memref_slice %arg6[%dma_wait3A_731, %dma_wait3A_739, %dma_wait3A_740] : memref<32x16x128xf32, #tpu.memory_space<vmem>> -> memref<1x16x128xf32, #tpu.memory_space<vmem>>
      %dma_wait3A_742 = tpu.memref_squeeze %dma_wait3A_741 : memref<1x16x128xf32, #tpu.memory_space<vmem>> -> memref<16x128xf32, #tpu.memory_space<vmem>>
      %dma_wait3A_743 = arith.constant 0 : i32
      %dma_wait3A_744 = arith.constant 0 : i32
      %dma_wait3A_745 = tpu.memref_slice %arg3[%dma_wait3A_743, %dma_wait3A_744] : memref<16x1000000xf32, #tpu.memory_space<hbm>> -> memref<16x128xf32, #tpu.memory_space<hbm>>
      tpu.wait_dma2 semaphore(%arg8 : memref<!tpu.dma_semaphore, #tpu.memory_space<semaphore_mem>>) src(%dma_wait3A_745 : memref<16x128xf32, #tpu.memory_space<hbm>>) dst(%dma_wait3A_742 : memref<16x128xf32, #tpu.memory_space<vmem>>)
      %dma_wait3A_746 = arith.constant 0 : i32
      %dma_wait3A_747 = arith.constant 0 : i32
      %dma_wait3A_748 = arith.constant 0 : i32
      %dma_wait3A_749 = tpu.memref_slice %arg6[%dma_wait3A_746, %dma_wait3A_747, %dma_wait3A_748] : memref<32x16x128xf32, #tpu.memory_space<vmem>> -> memref<1x16x128xf32, #tpu.memory_space<vmem>>
      %dma_wait3A_750 = tpu.memref_squeeze %dma_wait3A_749 : memref<1x16x128xf32, #tpu.memory_space<vmem>> -> memref<16x128xf32, #tpu.memory_space<vmem>>
      %dma_wait3A_751 = arith.constant 0 : i32
      %dma_wait3A_752 = arith.constant 0 : i32
      %dma_wait3A_753 = tpu.memref_slice %arg3[%dma_wait3A_751, %dma_wait3A_752] : memref<16x1000000xf32, #tpu.memory_space<hbm>> -> memref<16x128xf32, #tpu.memory_space<hbm>>
      %dma_wait3A_754 = arith.constant 0 : i32
      %dma_wait3A_755 = arith.constant 0 : i32
      %dma_wait3A_756 = tpu.memref_slice %arg6[%dma_wait3A_746, %dma_wait3A_754, %dma_wait3A_755] : memref<32x16x128xf32, #tpu.memory_space<vmem>> -> memref<1x16x128xf32, #tpu.memory_space<vmem>>
      %dma_wait3A_757 = tpu.memref_squeeze %dma_wait3A_756 : memref<1x16x128xf32, #tpu.memory_space<vmem>> -> memref<16x128xf32, #tpu.memory_space<vmem>>
      %dma_wait3A_758 = arith.constant 0 : i32
      %dma_wait3A_759 = arith.constant 0 : i32
      %dma_wait3A_760 = tpu.memref_slice %arg3[%dma_wait3A_758, %dma_wait3A_759] : memref<16x1000000xf32, #tpu.memory_space<hbm>> -> memref<16x128xf32, #tpu.memory_space<hbm>>
      tpu.wait_dma2 semaphore(%arg8 : memref<!tpu.dma_semaphore, #tpu.memory_space<semaphore_mem>>) src(%dma_wait3A_760 : memref<16x128xf32, #tpu.memory_space<hbm>>) dst(%dma_wait3A_757 : memref<16x128xf32, #tpu.memory_space<vmem>>)
      %dma_wait3A_761 = arith.constant 0 : i32
      %dma_wait3A_762 = arith.constant 0 : i32
      %dma_wait3A_763 = arith.constant 0 : i32
      %dma_wait3A_764 = tpu.memref_slice %arg6[%dma_wait3A_761, %dma_wait3A_762, %dma_wait3A_763] : memref<32x16x128xf32, #tpu.memory_space<vmem>> -> memref<1x16x128xf32, #tpu.memory_space<vmem>>
      %dma_wait3A_765 = tpu.memref_squeeze %dma_wait3A_764 : memref<1x16x128xf32, #tpu.memory_space<vmem>> -> memref<16x128xf32, #tpu.memory_space<vmem>>
      %dma_wait3A_766 = arith.constant 0 : i32
      %dma_wait3A_767 = arith.constant 0 : i32
      %dma_wait3A_768 = tpu.memref_slice %arg3[%dma_wait3A_766, %dma_wait3A_767] : memref<16x1000000xf32, #tpu.memory_space<hbm>> -> memref<16x128xf32, #tpu.memory_space<hbm>>
      %dma_wait3A_769 = arith.constant 0 : i32
      %dma_wait3A_770 = arith.constant 0 : i32
      %dma_wait3A_771 = tpu.memref_slice %arg6[%dma_wait3A_761, %dma_wait3A_769, %dma_wait3A_770] : memref<32x16x128xf32, #tpu.memory_space<vmem>> -> memref<1x16x128xf32, #tpu.memory_space<vmem>>
      %dma_wait3A_772 = tpu.memref_squeeze %dma_wait3A_771 : memref<1x16x128xf32, #tpu.memory_space<vmem>> -> memref<16x128xf32, #tpu.memory_space<vmem>>
      %dma_wait3A_773 = arith.constant 0 : i32
      %dma_wait3A_774 = arith.constant 0 : i32
      %dma_wait3A_775 = tpu.memref_slice %arg3[%dma_wait3A_773, %dma_wait3A_774] : memref<16x1000000xf32, #tpu.memory_space<hbm>> -> memref<16x128xf32, #tpu.memory_space<hbm>>
      tpu.wait_dma2 semaphore(%arg8 : memref<!tpu.dma_semaphore, #tpu.memory_space<semaphore_mem>>) src(%dma_wait3A_775 : memref<16x128xf32, #tpu.memory_space<hbm>>) dst(%dma_wait3A_772 : memref<16x128xf32, #tpu.memory_space<vmem>>)
      %dma_wait3A_776 = arith.constant 0 : i32
      %dma_wait3A_777 = arith.constant 0 : i32
      %dma_wait3A_778 = arith.constant 0 : i32
      %dma_wait3A_779 = tpu.memref_slice %arg6[%dma_wait3A_776, %dma_wait3A_777, %dma_wait3A_778] : memref<32x16x128xf32, #tpu.memory_space<vmem>> -> memref<1x16x128xf32, #tpu.memory_space<vmem>>
      %dma_wait3A_780 = tpu.memref_squeeze %dma_wait3A_779 : memref<1x16x128xf32, #tpu.memory_space<vmem>> -> memref<16x128xf32, #tpu.memory_space<vmem>>
      %dma_wait3A_781 = arith.constant 0 : i32
      %dma_wait3A_782 = arith.constant 0 : i32
      %dma_wait3A_783 = tpu.memref_slice %arg3[%dma_wait3A_781, %dma_wait3A_782] : memref<16x1000000xf32, #tpu.memory_space<hbm>> -> memref<16x128xf32, #tpu.memory_space<hbm>>
      %dma_wait3A_784 = arith.constant 0 : i32
      %dma_wait3A_785 = arith.constant 0 : i32
      %dma_wait3A_786 = tpu.memref_slice %arg6[%dma_wait3A_776, %dma_wait3A_784, %dma_wait3A_785] : memref<32x16x128xf32, #tpu.memory_space<vmem>> -> memref<1x16x128xf32, #tpu.memory_space<vmem>>
      %dma_wait3A_787 = tpu.memref_squeeze %dma_wait3A_786 : memref<1x16x128xf32, #tpu.memory_space<vmem>> -> memref<16x128xf32, #tpu.memory_space<vmem>>
      %dma_wait3A_788 = arith.constant 0 : i32
      %dma_wait3A_789 = arith.constant 0 : i32
      %dma_wait3A_790 = tpu.memref_slice %arg3[%dma_wait3A_788, %dma_wait3A_789] : memref<16x1000000xf32, #tpu.memory_space<hbm>> -> memref<16x128xf32, #tpu.memory_space<hbm>>
      tpu.wait_dma2 semaphore(%arg8 : memref<!tpu.dma_semaphore, #tpu.memory_space<semaphore_mem>>) src(%dma_wait3A_790 : memref<16x128xf32, #tpu.memory_space<hbm>>) dst(%dma_wait3A_787 : memref<16x128xf32, #tpu.memory_space<vmem>>)
      %dma_wait3A_791 = arith.constant 0 : i32
      %dma_wait3A_792 = arith.constant 0 : i32
      %dma_wait3A_793 = arith.constant 0 : i32
      %dma_wait3A_794 = tpu.memref_slice %arg6[%dma_wait3A_791, %dma_wait3A_792, %dma_wait3A_793] : memref<32x16x128xf32, #tpu.memory_space<vmem>> -> memref<1x16x128xf32, #tpu.memory_space<vmem>>
      %dma_wait3A_795 = tpu.memref_squeeze %dma_wait3A_794 : memref<1x16x128xf32, #tpu.memory_space<vmem>> -> memref<16x128xf32, #tpu.memory_space<vmem>>
      %dma_wait3A_796 = arith.constant 0 : i32
      %dma_wait3A_797 = arith.constant 0 : i32
      %dma_wait3A_798 = tpu.memref_slice %arg3[%dma_wait3A_796, %dma_wait3A_797] : memref<16x1000000xf32, #tpu.memory_space<hbm>> -> memref<16x128xf32, #tpu.memory_space<hbm>>
      %dma_wait3A_799 = arith.constant 0 : i32
      %dma_wait3A_800 = arith.constant 0 : i32
      %dma_wait3A_801 = tpu.memref_slice %arg6[%dma_wait3A_791, %dma_wait3A_799, %dma_wait3A_800] : memref<32x16x128xf32, #tpu.memory_space<vmem>> -> memref<1x16x128xf32, #tpu.memory_space<vmem>>
      %dma_wait3A_802 = tpu.memref_squeeze %dma_wait3A_801 : memref<1x16x128xf32, #tpu.memory_space<vmem>> -> memref<16x128xf32, #tpu.memory_space<vmem>>
      %dma_wait3A_803 = arith.constant 0 : i32
      %dma_wait3A_804 = arith.constant 0 : i32
      %dma_wait3A_805 = tpu.memref_slice %arg3[%dma_wait3A_803, %dma_wait3A_804] : memref<16x1000000xf32, #tpu.memory_space<hbm>> -> memref<16x128xf32, #tpu.memory_space<hbm>>
      tpu.wait_dma2 semaphore(%arg8 : memref<!tpu.dma_semaphore, #tpu.memory_space<semaphore_mem>>) src(%dma_wait3A_805 : memref<16x128xf32, #tpu.memory_space<hbm>>) dst(%dma_wait3A_802 : memref<16x128xf32, #tpu.memory_space<vmem>>)
      %dma_wait3A_806 = arith.constant 0 : i32
      %dma_wait3A_807 = arith.constant 0 : i32
      %dma_wait3A_808 = arith.constant 0 : i32
      %dma_wait3A_809 = tpu.memref_slice %arg6[%dma_wait3A_806, %dma_wait3A_807, %dma_wait3A_808] : memref<32x16x128xf32, #tpu.memory_space<vmem>> -> memref<1x16x128xf32, #tpu.memory_space<vmem>>
      %dma_wait3A_810 = tpu.memref_squeeze %dma_wait3A_809 : memref<1x16x128xf32, #tpu.memory_space<vmem>> -> memref<16x128xf32, #tpu.memory_space<vmem>>
      %dma_wait3A_811 = arith.constant 0 : i32
      %dma_wait3A_812 = arith.constant 0 : i32
      %dma_wait3A_813 = tpu.memref_slice %arg3[%dma_wait3A_811, %dma_wait3A_812] : memref<16x1000000xf32, #tpu.memory_space<hbm>> -> memref<16x128xf32, #tpu.memory_space<hbm>>
      %dma_wait3A_814 = arith.constant 0 : i32
      %dma_wait3A_815 = arith.constant 0 : i32
      %dma_wait3A_816 = tpu.memref_slice %arg6[%dma_wait3A_806, %dma_wait3A_814, %dma_wait3A_815] : memref<32x16x128xf32, #tpu.memory_space<vmem>> -> memref<1x16x128xf32, #tpu.memory_space<vmem>>
      %dma_wait3A_817 = tpu.memref_squeeze %dma_wait3A_816 : memref<1x16x128xf32, #tpu.memory_space<vmem>> -> memref<16x128xf32, #tpu.memory_space<vmem>>
      %dma_wait3A_818 = arith.constant 0 : i32
      %dma_wait3A_819 = arith.constant 0 : i32
      %dma_wait3A_820 = tpu.memref_slice %arg3[%dma_wait3A_818, %dma_wait3A_819] : memref<16x1000000xf32, #tpu.memory_space<hbm>> -> memref<16x128xf32, #tpu.memory_space<hbm>>
      tpu.wait_dma2 semaphore(%arg8 : memref<!tpu.dma_semaphore, #tpu.memory_space<semaphore_mem>>) src(%dma_wait3A_820 : memref<16x128xf32, #tpu.memory_space<hbm>>) dst(%dma_wait3A_817 : memref<16x128xf32, #tpu.memory_space<vmem>>)
      %dma_wait3A_821 = arith.constant 0 : i32
      %dma_wait3A_822 = arith.constant 0 : i32
      %dma_wait3A_823 = arith.constant 0 : i32
      %dma_wait3A_824 = tpu.memref_slice %arg6[%dma_wait3A_821, %dma_wait3A_822, %dma_wait3A_823] : memref<32x16x128xf32, #tpu.memory_space<vmem>> -> memref<1x16x128xf32, #tpu.memory_space<vmem>>
      %dma_wait3A_825 = tpu.memref_squeeze %dma_wait3A_824 : memref<1x16x128xf32, #tpu.memory_space<vmem>> -> memref<16x128xf32, #tpu.memory_space<vmem>>
      %dma_wait3A_826 = arith.constant 0 : i32
      %dma_wait3A_827 = arith.constant 0 : i32
      %dma_wait3A_828 = tpu.memref_slice %arg3[%dma_wait3A_826, %dma_wait3A_827] : memref<16x1000000xf32, #tpu.memory_space<hbm>> -> memref<16x128xf32, #tpu.memory_space<hbm>>
      %dma_wait3A_829 = arith.constant 0 : i32
      %dma_wait3A_830 = arith.constant 0 : i32
      %dma_wait3A_831 = tpu.memref_slice %arg6[%dma_wait3A_821, %dma_wait3A_829, %dma_wait3A_830] : memref<32x16x128xf32, #tpu.memory_space<vmem>> -> memref<1x16x128xf32, #tpu.memory_space<vmem>>
      %dma_wait3A_832 = tpu.memref_squeeze %dma_wait3A_831 : memref<1x16x128xf32, #tpu.memory_space<vmem>> -> memref<16x128xf32, #tpu.memory_space<vmem>>
      %dma_wait3A_833 = arith.constant 0 : i32
      %dma_wait3A_834 = arith.constant 0 : i32
      %dma_wait3A_835 = tpu.memref_slice %arg3[%dma_wait3A_833, %dma_wait3A_834] : memref<16x1000000xf32, #tpu.memory_space<hbm>> -> memref<16x128xf32, #tpu.memory_space<hbm>>
      tpu.wait_dma2 semaphore(%arg8 : memref<!tpu.dma_semaphore, #tpu.memory_space<semaphore_mem>>) src(%dma_wait3A_835 : memref<16x128xf32, #tpu.memory_space<hbm>>) dst(%dma_wait3A_832 : memref<16x128xf32, #tpu.memory_space<vmem>>)
      %dma_wait3A_836 = arith.constant 0 : i32
      %dma_wait3A_837 = arith.constant 0 : i32
      %dma_wait3A_838 = arith.constant 0 : i32
      %dma_wait3A_839 = tpu.memref_slice %arg6[%dma_wait3A_836, %dma_wait3A_837, %dma_wait3A_838] : memref<32x16x128xf32, #tpu.memory_space<vmem>> -> memref<1x16x128xf32, #tpu.memory_space<vmem>>
      %dma_wait3A_840 = tpu.memref_squeeze %dma_wait3A_839 : memref<1x16x128xf32, #tpu.memory_space<vmem>> -> memref<16x128xf32, #tpu.memory_space<vmem>>
      %dma_wait3A_841 = arith.constant 0 : i32
      %dma_wait3A_842 = arith.constant 0 : i32
      %dma_wait3A_843 = tpu.memref_slice %arg3[%dma_wait3A_841, %dma_wait3A_842] : memref<16x1000000xf32, #tpu.memory_space<hbm>> -> memref<16x128xf32, #tpu.memory_space<hbm>>
      %dma_wait3A_844 = arith.constant 0 : i32
      %dma_wait3A_845 = arith.constant 0 : i32
      %dma_wait3A_846 = tpu.memref_slice %arg6[%dma_wait3A_836, %dma_wait3A_844, %dma_wait3A_845] : memref<32x16x128xf32, #tpu.memory_space<vmem>> -> memref<1x16x128xf32, #tpu.memory_space<vmem>>
      %dma_wait3A_847 = tpu.memref_squeeze %dma_wait3A_846 : memref<1x16x128xf32, #tpu.memory_space<vmem>> -> memref<16x128xf32, #tpu.memory_space<vmem>>
      %dma_wait3A_848 = arith.constant 0 : i32
      %dma_wait3A_849 = arith.constant 0 : i32
      %dma_wait3A_850 = tpu.memref_slice %arg3[%dma_wait3A_848, %dma_wait3A_849] : memref<16x1000000xf32, #tpu.memory_space<hbm>> -> memref<16x128xf32, #tpu.memory_space<hbm>>
      tpu.wait_dma2 semaphore(%arg8 : memref<!tpu.dma_semaphore, #tpu.memory_space<semaphore_mem>>) src(%dma_wait3A_850 : memref<16x128xf32, #tpu.memory_space<hbm>>) dst(%dma_wait3A_847 : memref<16x128xf32, #tpu.memory_space<vmem>>)
      %dma_wait3A_851 = arith.constant 0 : i32
      %dma_wait3A_852 = arith.constant 0 : i32
      %dma_wait3A_853 = arith.constant 0 : i32
      %dma_wait3A_854 = tpu.memref_slice %arg6[%dma_wait3A_851, %dma_wait3A_852, %dma_wait3A_853] : memref<32x16x128xf32, #tpu.memory_space<vmem>> -> memref<1x16x128xf32, #tpu.memory_space<vmem>>
      %dma_wait3A_855 = tpu.memref_squeeze %dma_wait3A_854 : memref<1x16x128xf32, #tpu.memory_space<vmem>> -> memref<16x128xf32, #tpu.memory_space<vmem>>
      %dma_wait3A_856 = arith.constant 0 : i32
      %dma_wait3A_857 = arith.constant 0 : i32
      %dma_wait3A_858 = tpu.memref_slice %arg3[%dma_wait3A_856, %dma_wait3A_857] : memref<16x1000000xf32, #tpu.memory_space<hbm>> -> memref<16x128xf32, #tpu.memory_space<hbm>>
      %dma_wait3A_859 = arith.constant 0 : i32
      %dma_wait3A_860 = arith.constant 0 : i32
      %dma_wait3A_861 = tpu.memref_slice %arg6[%dma_wait3A_851, %dma_wait3A_859, %dma_wait3A_860] : memref<32x16x128xf32, #tpu.memory_space<vmem>> -> memref<1x16x128xf32, #tpu.memory_space<vmem>>
      %dma_wait3A_862 = tpu.memref_squeeze %dma_wait3A_861 : memref<1x16x128xf32, #tpu.memory_space<vmem>> -> memref<16x128xf32, #tpu.memory_space<vmem>>
      %dma_wait3A_863 = arith.constant 0 : i32
      %dma_wait3A_864 = arith.constant 0 : i32
      %dma_wait3A_865 = tpu.memref_slice %arg3[%dma_wait3A_863, %dma_wait3A_864] : memref<16x1000000xf32, #tpu.memory_space<hbm>> -> memref<16x128xf32, #tpu.memory_space<hbm>>
      tpu.wait_dma2 semaphore(%arg8 : memref<!tpu.dma_semaphore, #tpu.memory_space<semaphore_mem>>) src(%dma_wait3A_865 : memref<16x128xf32, #tpu.memory_space<hbm>>) dst(%dma_wait3A_862 : memref<16x128xf32, #tpu.memory_space<vmem>>)
      %dma_wait3A_866 = arith.constant 0 : i32
      %dma_wait3A_867 = arith.constant 0 : i32
      %dma_wait3A_868 = arith.constant 0 : i32
      %dma_wait3A_869 = tpu.memref_slice %arg6[%dma_wait3A_866, %dma_wait3A_867, %dma_wait3A_868] : memref<32x16x128xf32, #tpu.memory_space<vmem>> -> memref<1x16x128xf32, #tpu.memory_space<vmem>>
      %dma_wait3A_870 = tpu.memref_squeeze %dma_wait3A_869 : memref<1x16x128xf32, #tpu.memory_space<vmem>> -> memref<16x128xf32, #tpu.memory_space<vmem>>
      %dma_wait3A_871 = arith.constant 0 : i32
      %dma_wait3A_872 = arith.constant 0 : i32
      %dma_wait3A_873 = tpu.memref_slice %arg3[%dma_wait3A_871, %dma_wait3A_872] : memref<16x1000000xf32, #tpu.memory_space<hbm>> -> memref<16x128xf32, #tpu.memory_space<hbm>>
      %dma_wait3A_874 = arith.constant 0 : i32
      %dma_wait3A_875 = arith.constant 0 : i32
      %dma_wait3A_876 = tpu.memref_slice %arg6[%dma_wait3A_866, %dma_wait3A_874, %dma_wait3A_875] : memref<32x16x128xf32, #tpu.memory_space<vmem>> -> memref<1x16x128xf32, #tpu.memory_space<vmem>>
      %dma_wait3A_877 = tpu.memref_squeeze %dma_wait3A_876 : memref<1x16x128xf32, #tpu.memory_space<vmem>> -> memref<16x128xf32, #tpu.memory_space<vmem>>
      %dma_wait3A_878 = arith.constant 0 : i32
      %dma_wait3A_879 = arith.constant 0 : i32
      %dma_wait3A_880 = tpu.memref_slice %arg3[%dma_wait3A_878, %dma_wait3A_879] : memref<16x1000000xf32, #tpu.memory_space<hbm>> -> memref<16x128xf32, #tpu.memory_space<hbm>>
      tpu.wait_dma2 semaphore(%arg8 : memref<!tpu.dma_semaphore, #tpu.memory_space<semaphore_mem>>) src(%dma_wait3A_880 : memref<16x128xf32, #tpu.memory_space<hbm>>) dst(%dma_wait3A_877 : memref<16x128xf32, #tpu.memory_space<vmem>>)
      %dma_wait3A_881 = arith.constant 0 : i32
      %dma_wait3A_882 = arith.constant 0 : i32
      %dma_wait3A_883 = arith.constant 0 : i32
      %dma_wait3A_884 = tpu.memref_slice %arg6[%dma_wait3A_881, %dma_wait3A_882, %dma_wait3A_883] : memref<32x16x128xf32, #tpu.memory_space<vmem>> -> memref<1x16x128xf32, #tpu.memory_space<vmem>>
      %dma_wait3A_885 = tpu.memref_squeeze %dma_wait3A_884 : memref<1x16x128xf32, #tpu.memory_space<vmem>> -> memref<16x128xf32, #tpu.memory_space<vmem>>
      %dma_wait3A_886 = arith.constant 0 : i32
      %dma_wait3A_887 = arith.constant 0 : i32
      %dma_wait3A_888 = tpu.memref_slice %arg3[%dma_wait3A_886, %dma_wait3A_887] : memref<16x1000000xf32, #tpu.memory_space<hbm>> -> memref<16x128xf32, #tpu.memory_space<hbm>>
      %dma_wait3A_889 = arith.constant 0 : i32
      %dma_wait3A_890 = arith.constant 0 : i32
      %dma_wait3A_891 = tpu.memref_slice %arg6[%dma_wait3A_881, %dma_wait3A_889, %dma_wait3A_890] : memref<32x16x128xf32, #tpu.memory_space<vmem>> -> memref<1x16x128xf32, #tpu.memory_space<vmem>>
      %dma_wait3A_892 = tpu.memref_squeeze %dma_wait3A_891 : memref<1x16x128xf32, #tpu.memory_space<vmem>> -> memref<16x128xf32, #tpu.memory_space<vmem>>
      %dma_wait3A_893 = arith.constant 0 : i32
      %dma_wait3A_894 = arith.constant 0 : i32
      %dma_wait3A_895 = tpu.memref_slice %arg3[%dma_wait3A_893, %dma_wait3A_894] : memref<16x1000000xf32, #tpu.memory_space<hbm>> -> memref<16x128xf32, #tpu.memory_space<hbm>>
      tpu.wait_dma2 semaphore(%arg8 : memref<!tpu.dma_semaphore, #tpu.memory_space<semaphore_mem>>) src(%dma_wait3A_895 : memref<16x128xf32, #tpu.memory_space<hbm>>) dst(%dma_wait3A_892 : memref<16x128xf32, #tpu.memory_space<vmem>>)
      %mul3A_896 = arith.constant 16 : i32
      %mul3A_897 = arith.muli %mul3A_330, %mul3A_896 : i32
      %get3A_898 = arith.index_cast %mul3A_897 : i32 to index
      %get3A_899 = tpu.vector_load %arg5[%get3A_898] {strides = array<i32>} : memref<512xi32, #tpu.memory_space<vmem>>, vector<16xi32>,
      %slice3A_900 = vector.extract_strided_slice %get3A_899 {offsets = [0], sizes = [1], strides = [1]} : vector<16xi32> to vector<1xi32>
      %squeeze3A_901 = vector.extract %slice3A_900[0] : i32 from vector<1xi32>
      %and3A = arith.constant 127 : i32
      %and3A_902 = arith.andi %squeeze3A_901, %and3A : i32
      %broadcast_in_dim3A = arith.constant 0 : i32
      %broadcast_in_dim3A_903 = vector.broadcast %broadcast_in_dim3A : i32 to vector<16xi32>
      %add3A_904 = vector.broadcast %and3A_902 : i32 to vector<16xi32>
      %add3A_905 = arith.addi %broadcast_in_dim3A_903, %add3A_904 : vector<16xi32>
      %gather3A = arith.constant 0 : i32
      %gather3A_906 = arith.constant 0 : i32
      %gather3A_907 = arith.constant 0 : i32
      %gather3A_908 = tpu.memref_slice %arg6[%gather3A, %gather3A_906, %gather3A_907] : memref<32x16x128xf32, #tpu.memory_space<vmem>> -> memref<1x16x128xf32, #tpu.memory_space<vmem>>
      %gather3A_909 = tpu.memref_squeeze %gather3A_908 : memref<1x16x128xf32, #tpu.memory_space<vmem>> -> memref<16x128xf32, #tpu.memory_space<vmem>>
      %gather3A_910 = tpu.vector_load_idx %gather3A_909[%iota3A, %add3A_905] : memref<16x128xf32, #tpu.memory_space<vmem>>[vector<16xi32>, vector<16xi32>], vector<16xf32>,
      %jit3A = arith.constant 16 : i32
      %eq3A = arith.constant 0 : i32
      %eq3A_911 = arith.cmpi eq, %jit3A, %eq3A : i32
      %jit3A_912 = arith.constant 1 : i32
      %select_n3A = arith.select %eq3A_911, %jit3A_912, %jit3A : i32
      %rem3A = arith.remsi %mul3A_330, %select_n3A : i32
      %ne3A = arith.constant 0 : i32
      %ne3A_913 = arith.cmpi ne, %rem3A, %ne3A : i32
      %lt3A = arith.constant 0 : i32
      %lt3A_914 = arith.cmpi slt, %rem3A, %lt3A : i32
      %lt3A_915 = arith.constant 0 : i32
      %lt3A_916 = arith.cmpi slt, %select_n3A, %lt3A_915 : i32
      %ne3A_917 = arith.xori %lt3A_914, %lt3A_916 : i1
      %and3A_918 = arith.andi %ne3A_917, %ne3A_913 : i1
      %add3A_919 = arith.addi %rem3A, %select_n3A : i32
      %select_n3A_920 = arith.select %and3A_918, %add3A_919, %rem3A : i32
      %mul3A_921 = arith.constant 16 : i32
      %mul3A_922 = arith.muli %select_n3A_920, %mul3A_921 : i32
      %add3A_923 = arith.constant 0 : i32
      %add3A_924 = arith.addi %mul3A_922, %add3A_923 : i32
      %mul3A_925 = arith.constant 16 : i32
      %mul3A_926 = arith.muli %add3A_924, %mul3A_925 : i32
      %swap3A = arith.index_cast %mul3A_926 : i32 to index
      %swap3A_927 = tpu.vector_load %arg7[%swap3A] {strides = array<i32>} : memref<4096xf32, #tpu.memory_space<vmem>>, vector<16xf32>,
      tpu.vector_store %arg7[%swap3A], %gather3A_910 {strides = array<i32>} : memref<4096xf32, #tpu.memory_space<vmem>>, vector<16xf32>,
      %slice3A_928 = vector.extract_strided_slice %get3A_899 {offsets = [1], sizes = [1], strides = [1]} : vector<16xi32> to vector<1xi32>
      %squeeze3A_929 = vector.extract %slice3A_928[0] : i32 from vector<1xi32>
      %and3A_930 = arith.constant 127 : i32
      %and3A_931 = arith.andi %squeeze3A_929, %and3A_930 : i32
      %broadcast_in_dim3A_932 = arith.constant 0 : i32
      %broadcast_in_dim3A_933 = vector.broadcast %broadcast_in_dim3A_932 : i32 to vector<16xi32>
      %add3A_934 = vector.broadcast %and3A_931 : i32 to vector<16xi32>
      %add3A_935 = arith.addi %broadcast_in_dim3A_933, %add3A_934 : vector<16xi32>
      %gather3A_936 = arith.constant 1 : i32
      %gather3A_937 = arith.constant 0 : i32
      %gather3A_938 = arith.constant 0 : i32
      %gather3A_939 = tpu.memref_slice %arg6[%gather3A_936, %gather3A_937, %gather3A_938] : memref<32x16x128xf32, #tpu.memory_space<vmem>> -> memref<1x16x128xf32, #tpu.memory_space<vmem>>
      %gather3A_940 = tpu.memref_squeeze %gather3A_939 : memref<1x16x128xf32, #tpu.memory_space<vmem>> -> memref<16x128xf32, #tpu.memory_space<vmem>>
      %gather3A_941 = tpu.vector_load_idx %gather3A_940[%iota3A, %add3A_935] : memref<16x128xf32, #tpu.memory_space<vmem>>[vector<16xi32>, vector<16xi32>], vector<16xf32>,
      %jit3A_942 = arith.constant 16 : i32
      %eq3A_943 = arith.constant 0 : i32
      %eq3A_944 = arith.cmpi eq, %jit3A_942, %eq3A_943 : i32
      %jit3A_945 = arith.constant 1 : i32
      %select_n3A_946 = arith.select %eq3A_944, %jit3A_945, %jit3A_942 : i32
      %rem3A_947 = arith.remsi %mul3A_330, %select_n3A_946 : i32
      %ne3A_948 = arith.constant 0 : i32
      %ne3A_949 = arith.cmpi ne, %rem3A_947, %ne3A_948 : i32
      %lt3A_950 = arith.constant 0 : i32
      %lt3A_951 = arith.cmpi slt, %rem3A_947, %lt3A_950 : i32
      %lt3A_952 = arith.constant 0 : i32
      %lt3A_953 = arith.cmpi slt, %select_n3A_946, %lt3A_952 : i32
      %ne3A_954 = arith.xori %lt3A_951, %lt3A_953 : i1
      %and3A_955 = arith.andi %ne3A_954, %ne3A_949 : i1
      %add3A_956 = arith.addi %rem3A_947, %select_n3A_946 : i32
      %select_n3A_957 = arith.select %and3A_955, %add3A_956, %rem3A_947 : i32
      %mul3A_958 = arith.constant 16 : i32
      %mul3A_959 = arith.muli %select_n3A_957, %mul3A_958 : i32
      %add3A_960 = arith.constant 1 : i32
      %add3A_961 = arith.addi %mul3A_959, %add3A_960 : i32
      %mul3A_962 = arith.constant 16 : i32
      %mul3A_963 = arith.muli %add3A_961, %mul3A_962 : i32
      %swap3A_964 = arith.index_cast %mul3A_963 : i32 to index
      %swap3A_965 = tpu.vector_load %arg7[%swap3A_964] {strides = array<i32>} : memref<4096xf32, #tpu.memory_space<vmem>>, vector<16xf32>,
      tpu.vector_store %arg7[%swap3A_964], %gather3A_941 {strides = array<i32>} : memref<4096xf32, #tpu.memory_space<vmem>>, vector<16xf32>,
      %slice3A_966 = vector.extract_strided_slice %get3A_899 {offsets = [2], sizes = [1], strides = [1]} : vector<16xi32> to vector<1xi32>
      %squeeze3A_967 = vector.extract %slice3A_966[0] : i32 from vector<1xi32>
      %and3A_968 = arith.constant 127 : i32
      %and3A_969 = arith.andi %squeeze3A_967, %and3A_968 : i32
      %broadcast_in_dim3A_970 = arith.constant 0 : i32
      %broadcast_in_dim3A_971 = vector.broadcast %broadcast_in_dim3A_970 : i32 to vector<16xi32>
      %add3A_972 = vector.broadcast %and3A_969 : i32 to vector<16xi32>
      %add3A_973 = arith.addi %broadcast_in_dim3A_971, %add3A_972 : vector<16xi32>
      %gather3A_974 = arith.constant 2 : i32
      %gather3A_975 = arith.constant 0 : i32
      %gather3A_976 = arith.constant 0 : i32
      %gather3A_977 = tpu.memref_slice %arg6[%gather3A_974, %gather3A_975, %gather3A_976] : memref<32x16x128xf32, #tpu.memory_space<vmem>> -> memref<1x16x128xf32, #tpu.memory_space<vmem>>
      %gather3A_978 = tpu.memref_squeeze %gather3A_977 : memref<1x16x128xf32, #tpu.memory_space<vmem>> -> memref<16x128xf32, #tpu.memory_space<vmem>>
      %gather3A_979 = tpu.vector_load_idx %gather3A_978[%iota3A, %add3A_973] : memref<16x128xf32, #tpu.memory_space<vmem>>[vector<16xi32>, vector<16xi32>], vector<16xf32>,
      %jit3A_980 = arith.constant 16 : i32
      %eq3A_981 = arith.constant 0 : i32
      %eq3A_982 = arith.cmpi eq, %jit3A_980, %eq3A_981 : i32
      %jit3A_983 = arith.constant 1 : i32
      %select_n3A_984 = arith.select %eq3A_982, %jit3A_983, %jit3A_980 : i32
      %rem3A_985 = arith.remsi %mul3A_330, %select_n3A_984 : i32
      %ne3A_986 = arith.constant 0 : i32
      %ne3A_987 = arith.cmpi ne, %rem3A_985, %ne3A_986 : i32
      %lt3A_988 = arith.constant 0 : i32
      %lt3A_989 = arith.cmpi slt, %rem3A_985, %lt3A_988 : i32
      %lt3A_990 = arith.constant 0 : i32
      %lt3A_991 = arith.cmpi slt, %select_n3A_984, %lt3A_990 : i32
      %ne3A_992 = arith.xori %lt3A_989, %lt3A_991 : i1
      %and3A_993 = arith.andi %ne3A_992, %ne3A_987 : i1
      %add3A_994 = arith.addi %rem3A_985, %select_n3A_984 : i32
      %select_n3A_995 = arith.select %and3A_993, %add3A_994, %rem3A_985 : i32
      %mul3A_996 = arith.constant 16 : i32
      %mul3A_997 = arith.muli %select_n3A_995, %mul3A_996 : i32
      %add3A_998 = arith.constant 2 : i32
      %add3A_999 = arith.addi %mul3A_997, %add3A_998 : i32
      %mul3A_1000 = arith.constant 16 : i32
      %mul3A_1001 = arith.muli %add3A_999, %mul3A_1000 : i32
      %swap3A_1002 = arith.index_cast %mul3A_1001 : i32 to index
      %swap3A_1003 = tpu.vector_load %arg7[%swap3A_1002] {strides = array<i32>} : memref<4096xf32, #tpu.memory_space<vmem>>, vector<16xf32>,
      tpu.vector_store %arg7[%swap3A_1002], %gather3A_979 {strides = array<i32>} : memref<4096xf32, #tpu.memory_space<vmem>>, vector<16xf32>,
      %slice3A_1004 = vector.extract_strided_slice %get3A_899 {offsets = [3], sizes = [1], strides = [1]} : vector<16xi32> to vector<1xi32>
      %squeeze3A_1005 = vector.extract %slice3A_1004[0] : i32 from vector<1xi32>
      %and3A_1006 = arith.constant 127 : i32
      %and3A_1007 = arith.andi %squeeze3A_1005, %and3A_1006 : i32
      %broadcast_in_dim3A_1008 = arith.constant 0 : i32
      %broadcast_in_dim3A_1009 = vector.broadcast %broadcast_in_dim3A_1008 : i32 to vector<16xi32>
      %add3A_1010 = vector.broadcast %and3A_1007 : i32 to vector<16xi32>
      %add3A_1011 = arith.addi %broadcast_in_dim3A_1009, %add3A_1010 : vector<16xi32>
      %gather3A_1012 = arith.constant 3 : i32
      %gather3A_1013 = arith.constant 0 : i32
      %gather3A_1014 = arith.constant 0 : i32
      %gather3A_1015 = tpu.memref_slice %arg6[%gather3A_1012, %gather3A_1013, %gather3A_1014] : memref<32x16x128xf32, #tpu.memory_space<vmem>> -> memref<1x16x128xf32, #tpu.memory_space<vmem>>
      %gather3A_1016 = tpu.memref_squeeze %gather3A_1015 : memref<1x16x128xf32, #tpu.memory_space<vmem>> -> memref<16x128xf32, #tpu.memory_space<vmem>>
      %gather3A_1017 = tpu.vector_load_idx %gather3A_1016[%iota3A, %add3A_1011] : memref<16x128xf32, #tpu.memory_space<vmem>>[vector<16xi32>, vector<16xi32>], vector<16xf32>,
      %jit3A_1018 = arith.constant 16 : i32
      %eq3A_1019 = arith.constant 0 : i32
      %eq3A_1020 = arith.cmpi eq, %jit3A_1018, %eq3A_1019 : i32
      %jit3A_1021 = arith.constant 1 : i32
      %select_n3A_1022 = arith.select %eq3A_1020, %jit3A_1021, %jit3A_1018 : i32
      %rem3A_1023 = arith.remsi %mul3A_330, %select_n3A_1022 : i32
      %ne3A_1024 = arith.constant 0 : i32
      %ne3A_1025 = arith.cmpi ne, %rem3A_1023, %ne3A_1024 : i32
      %lt3A_1026 = arith.constant 0 : i32
      %lt3A_1027 = arith.cmpi slt, %rem3A_1023, %lt3A_1026 : i32
      %lt3A_1028 = arith.constant 0 : i32
      %lt3A_1029 = arith.cmpi slt, %select_n3A_1022, %lt3A_1028 : i32
      %ne3A_1030 = arith.xori %lt3A_1027, %lt3A_1029 : i1
      %and3A_1031 = arith.andi %ne3A_1030, %ne3A_1025 : i1
      %add3A_1032 = arith.addi %rem3A_1023, %select_n3A_1022 : i32
      %select_n3A_1033 = arith.select %and3A_1031, %add3A_1032, %rem3A_1023 : i32
      %mul3A_1034 = arith.constant 16 : i32
      %mul3A_1035 = arith.muli %select_n3A_1033, %mul3A_1034 : i32
      %add3A_1036 = arith.constant 3 : i32
      %add3A_1037 = arith.addi %mul3A_1035, %add3A_1036 : i32
      %mul3A_1038 = arith.constant 16 : i32
      %mul3A_1039 = arith.muli %add3A_1037, %mul3A_1038 : i32
      %swap3A_1040 = arith.index_cast %mul3A_1039 : i32 to index
      %swap3A_1041 = tpu.vector_load %arg7[%swap3A_1040] {strides = array<i32>} : memref<4096xf32, #tpu.memory_space<vmem>>, vector<16xf32>,
      tpu.vector_store %arg7[%swap3A_1040], %gather3A_1017 {strides = array<i32>} : memref<4096xf32, #tpu.memory_space<vmem>>, vector<16xf32>,
      %slice3A_1042 = vector.extract_strided_slice %get3A_899 {offsets = [4], sizes = [1], strides = [1]} : vector<16xi32> to vector<1xi32>
      %squeeze3A_1043 = vector.extract %slice3A_1042[0] : i32 from vector<1xi32>
      %and3A_1044 = arith.constant 127 : i32
      %and3A_1045 = arith.andi %squeeze3A_1043, %and3A_1044 : i32
      %broadcast_in_dim3A_1046 = arith.constant 0 : i32
      %broadcast_in_dim3A_1047 = vector.broadcast %broadcast_in_dim3A_1046 : i32 to vector<16xi32>
      %add3A_1048 = vector.broadcast %and3A_1045 : i32 to vector<16xi32>
      %add3A_1049 = arith.addi %broadcast_in_dim3A_1047, %add3A_1048 : vector<16xi32>
      %gather3A_1050 = arith.constant 4 : i32
      %gather3A_1051 = arith.constant 0 : i32
      %gather3A_1052 = arith.constant 0 : i32
      %gather3A_1053 = tpu.memref_slice %arg6[%gather3A_1050, %gather3A_1051, %gather3A_1052] : memref<32x16x128xf32, #tpu.memory_space<vmem>> -> memref<1x16x128xf32, #tpu.memory_space<vmem>>
      %gather3A_1054 = tpu.memref_squeeze %gather3A_1053 : memref<1x16x128xf32, #tpu.memory_space<vmem>> -> memref<16x128xf32, #tpu.memory_space<vmem>>
      %gather3A_1055 = tpu.vector_load_idx %gather3A_1054[%iota3A, %add3A_1049] : memref<16x128xf32, #tpu.memory_space<vmem>>[vector<16xi32>, vector<16xi32>], vector<16xf32>,
      %jit3A_1056 = arith.constant 16 : i32
      %eq3A_1057 = arith.constant 0 : i32
      %eq3A_1058 = arith.cmpi eq, %jit3A_1056, %eq3A_1057 : i32
      %jit3A_1059 = arith.constant 1 : i32
      %select_n3A_1060 = arith.select %eq3A_1058, %jit3A_1059, %jit3A_1056 : i32
      %rem3A_1061 = arith.remsi %mul3A_330, %select_n3A_1060 : i32
      %ne3A_1062 = arith.constant 0 : i32
      %ne3A_1063 = arith.cmpi ne, %rem3A_1061, %ne3A_1062 : i32
      %lt3A_1064 = arith.constant 0 : i32
      %lt3A_1065 = arith.cmpi slt, %rem3A_1061, %lt3A_1064 : i32
      %lt3A_1066 = arith.constant 0 : i32
      %lt3A_1067 = arith.cmpi slt, %select_n3A_1060, %lt3A_1066 : i32
      %ne3A_1068 = arith.xori %lt3A_1065, %lt3A_1067 : i1
      %and3A_1069 = arith.andi %ne3A_1068, %ne3A_1063 : i1
      %add3A_1070 = arith.addi %rem3A_1061, %select_n3A_1060 : i32
      %select_n3A_1071 = arith.select %and3A_1069, %add3A_1070, %rem3A_1061 : i32
      %mul3A_1072 = arith.constant 16 : i32
      %mul3A_1073 = arith.muli %select_n3A_1071, %mul3A_1072 : i32
      %add3A_1074 = arith.constant 4 : i32
      %add3A_1075 = arith.addi %mul3A_1073, %add3A_1074 : i32
      %mul3A_1076 = arith.constant 16 : i32
      %mul3A_1077 = arith.muli %add3A_1075, %mul3A_1076 : i32
      %swap3A_1078 = arith.index_cast %mul3A_1077 : i32 to index
      %swap3A_1079 = tpu.vector_load %arg7[%swap3A_1078] {strides = array<i32>} : memref<4096xf32, #tpu.memory_space<vmem>>, vector<16xf32>,
      tpu.vector_store %arg7[%swap3A_1078], %gather3A_1055 {strides = array<i32>} : memref<4096xf32, #tpu.memory_space<vmem>>, vector<16xf32>,
      %slice3A_1080 = vector.extract_strided_slice %get3A_899 {offsets = [5], sizes = [1], strides = [1]} : vector<16xi32> to vector<1xi32>
      %squeeze3A_1081 = vector.extract %slice3A_1080[0] : i32 from vector<1xi32>
      %and3A_1082 = arith.constant 127 : i32
      %and3A_1083 = arith.andi %squeeze3A_1081, %and3A_1082 : i32
      %broadcast_in_dim3A_1084 = arith.constant 0 : i32
      %broadcast_in_dim3A_1085 = vector.broadcast %broadcast_in_dim3A_1084 : i32 to vector<16xi32>
      %add3A_1086 = vector.broadcast %and3A_1083 : i32 to vector<16xi32>
      %add3A_1087 = arith.addi %broadcast_in_dim3A_1085, %add3A_1086 : vector<16xi32>
      %gather3A_1088 = arith.constant 5 : i32
      %gather3A_1089 = arith.constant 0 : i32
      %gather3A_1090 = arith.constant 0 : i32
      %gather3A_1091 = tpu.memref_slice %arg6[%gather3A_1088, %gather3A_1089, %gather3A_1090] : memref<32x16x128xf32, #tpu.memory_space<vmem>> -> memref<1x16x128xf32, #tpu.memory_space<vmem>>
      %gather3A_1092 = tpu.memref_squeeze %gather3A_1091 : memref<1x16x128xf32, #tpu.memory_space<vmem>> -> memref<16x128xf32, #tpu.memory_space<vmem>>
      %gather3A_1093 = tpu.vector_load_idx %gather3A_1092[%iota3A, %add3A_1087] : memref<16x128xf32, #tpu.memory_space<vmem>>[vector<16xi32>, vector<16xi32>], vector<16xf32>,
      %jit3A_1094 = arith.constant 16 : i32
      %eq3A_1095 = arith.constant 0 : i32
      %eq3A_1096 = arith.cmpi eq, %jit3A_1094, %eq3A_1095 : i32
      %jit3A_1097 = arith.constant 1 : i32
      %select_n3A_1098 = arith.select %eq3A_1096, %jit3A_1097, %jit3A_1094 : i32
      %rem3A_1099 = arith.remsi %mul3A_330, %select_n3A_1098 : i32
      %ne3A_1100 = arith.constant 0 : i32
      %ne3A_1101 = arith.cmpi ne, %rem3A_1099, %ne3A_1100 : i32
      %lt3A_1102 = arith.constant 0 : i32
      %lt3A_1103 = arith.cmpi slt, %rem3A_1099, %lt3A_1102 : i32
      %lt3A_1104 = arith.constant 0 : i32
      %lt3A_1105 = arith.cmpi slt, %select_n3A_1098, %lt3A_1104 : i32
      %ne3A_1106 = arith.xori %lt3A_1103, %lt3A_1105 : i1
      %and3A_1107 = arith.andi %ne3A_1106, %ne3A_1101 : i1
      %add3A_1108 = arith.addi %rem3A_1099, %select_n3A_1098 : i32
      %select_n3A_1109 = arith.select %and3A_1107, %add3A_1108, %rem3A_1099 : i32
      %mul3A_1110 = arith.constant 16 : i32
      %mul3A_1111 = arith.muli %select_n3A_1109, %mul3A_1110 : i32
      %add3A_1112 = arith.constant 5 : i32
      %add3A_1113 = arith.addi %mul3A_1111, %add3A_1112 : i32
      %mul3A_1114 = arith.constant 16 : i32
      %mul3A_1115 = arith.muli %add3A_1113, %mul3A_1114 : i32
      %swap3A_1116 = arith.index_cast %mul3A_1115 : i32 to index
      %swap3A_1117 = tpu.vector_load %arg7[%swap3A_1116] {strides = array<i32>} : memref<4096xf32, #tpu.memory_space<vmem>>, vector<16xf32>,
      tpu.vector_store %arg7[%swap3A_1116], %gather3A_1093 {strides = array<i32>} : memref<4096xf32, #tpu.memory_space<vmem>>, vector<16xf32>,
      %slice3A_1118 = vector.extract_strided_slice %get3A_899 {offsets = [6], sizes = [1], strides = [1]} : vector<16xi32> to vector<1xi32>
      %squeeze3A_1119 = vector.extract %slice3A_1118[0] : i32 from vector<1xi32>
      %and3A_1120 = arith.constant 127 : i32
      %and3A_1121 = arith.andi %squeeze3A_1119, %and3A_1120 : i32
      %broadcast_in_dim3A_1122 = arith.constant 0 : i32
      %broadcast_in_dim3A_1123 = vector.broadcast %broadcast_in_dim3A_1122 : i32 to vector<16xi32>
      %add3A_1124 = vector.broadcast %and3A_1121 : i32 to vector<16xi32>
      %add3A_1125 = arith.addi %broadcast_in_dim3A_1123, %add3A_1124 : vector<16xi32>
      %gather3A_1126 = arith.constant 6 : i32
      %gather3A_1127 = arith.constant 0 : i32
      %gather3A_1128 = arith.constant 0 : i32
      %gather3A_1129 = tpu.memref_slice %arg6[%gather3A_1126, %gather3A_1127, %gather3A_1128] : memref<32x16x128xf32, #tpu.memory_space<vmem>> -> memref<1x16x128xf32, #tpu.memory_space<vmem>>
      %gather3A_1130 = tpu.memref_squeeze %gather3A_1129 : memref<1x16x128xf32, #tpu.memory_space<vmem>> -> memref<16x128xf32, #tpu.memory_space<vmem>>
      %gather3A_1131 = tpu.vector_load_idx %gather3A_1130[%iota3A, %add3A_1125] : memref<16x128xf32, #tpu.memory_space<vmem>>[vector<16xi32>, vector<16xi32>], vector<16xf32>,
      %jit3A_1132 = arith.constant 16 : i32
      %eq3A_1133 = arith.constant 0 : i32
      %eq3A_1134 = arith.cmpi eq, %jit3A_1132, %eq3A_1133 : i32
      %jit3A_1135 = arith.constant 1 : i32
      %select_n3A_1136 = arith.select %eq3A_1134, %jit3A_1135, %jit3A_1132 : i32
      %rem3A_1137 = arith.remsi %mul3A_330, %select_n3A_1136 : i32
      %ne3A_1138 = arith.constant 0 : i32
      %ne3A_1139 = arith.cmpi ne, %rem3A_1137, %ne3A_1138 : i32
      %lt3A_1140 = arith.constant 0 : i32
      %lt3A_1141 = arith.cmpi slt, %rem3A_1137, %lt3A_1140 : i32
      %lt3A_1142 = arith.constant 0 : i32
      %lt3A_1143 = arith.cmpi slt, %select_n3A_1136, %lt3A_1142 : i32
      %ne3A_1144 = arith.xori %lt3A_1141, %lt3A_1143 : i1
      %and3A_1145 = arith.andi %ne3A_1144, %ne3A_1139 : i1
      %add3A_1146 = arith.addi %rem3A_1137, %select_n3A_1136 : i32
      %select_n3A_1147 = arith.select %and3A_1145, %add3A_1146, %rem3A_1137 : i32
      %mul3A_1148 = arith.constant 16 : i32
      %mul3A_1149 = arith.muli %select_n3A_1147, %mul3A_1148 : i32
      %add3A_1150 = arith.constant 6 : i32
      %add3A_1151 = arith.addi %mul3A_1149, %add3A_1150 : i32
      %mul3A_1152 = arith.constant 16 : i32
      %mul3A_1153 = arith.muli %add3A_1151, %mul3A_1152 : i32
      %swap3A_1154 = arith.index_cast %mul3A_1153 : i32 to index
      %swap3A_1155 = tpu.vector_load %arg7[%swap3A_1154] {strides = array<i32>} : memref<4096xf32, #tpu.memory_space<vmem>>, vector<16xf32>,
      tpu.vector_store %arg7[%swap3A_1154], %gather3A_1131 {strides = array<i32>} : memref<4096xf32, #tpu.memory_space<vmem>>, vector<16xf32>,
      %slice3A_1156 = vector.extract_strided_slice %get3A_899 {offsets = [7], sizes = [1], strides = [1]} : vector<16xi32> to vector<1xi32>
      %squeeze3A_1157 = vector.extract %slice3A_1156[0] : i32 from vector<1xi32>
      %and3A_1158 = arith.constant 127 : i32
      %and3A_1159 = arith.andi %squeeze3A_1157, %and3A_1158 : i32
      %broadcast_in_dim3A_1160 = arith.constant 0 : i32
      %broadcast_in_dim3A_1161 = vector.broadcast %broadcast_in_dim3A_1160 : i32 to vector<16xi32>
      %add3A_1162 = vector.broadcast %and3A_1159 : i32 to vector<16xi32>
      %add3A_1163 = arith.addi %broadcast_in_dim3A_1161, %add3A_1162 : vector<16xi32>
      %gather3A_1164 = arith.constant 7 : i32
      %gather3A_1165 = arith.constant 0 : i32
      %gather3A_1166 = arith.constant 0 : i32
      %gather3A_1167 = tpu.memref_slice %arg6[%gather3A_1164, %gather3A_1165, %gather3A_1166] : memref<32x16x128xf32, #tpu.memory_space<vmem>> -> memref<1x16x128xf32, #tpu.memory_space<vmem>>
      %gather3A_1168 = tpu.memref_squeeze %gather3A_1167 : memref<1x16x128xf32, #tpu.memory_space<vmem>> -> memref<16x128xf32, #tpu.memory_space<vmem>>
      %gather3A_1169 = tpu.vector_load_idx %gather3A_1168[%iota3A, %add3A_1163] : memref<16x128xf32, #tpu.memory_space<vmem>>[vector<16xi32>, vector<16xi32>], vector<16xf32>,
      %jit3A_1170 = arith.constant 16 : i32
      %eq3A_1171 = arith.constant 0 : i32
      %eq3A_1172 = arith.cmpi eq, %jit3A_1170, %eq3A_1171 : i32
      %jit3A_1173 = arith.constant 1 : i32
      %select_n3A_1174 = arith.select %eq3A_1172, %jit3A_1173, %jit3A_1170 : i32
      %rem3A_1175 = arith.remsi %mul3A_330, %select_n3A_1174 : i32
      %ne3A_1176 = arith.constant 0 : i32
      %ne3A_1177 = arith.cmpi ne, %rem3A_1175, %ne3A_1176 : i32
      %lt3A_1178 = arith.constant 0 : i32
      %lt3A_1179 = arith.cmpi slt, %rem3A_1175, %lt3A_1178 : i32
      %lt3A_1180 = arith.constant 0 : i32
      %lt3A_1181 = arith.cmpi slt, %select_n3A_1174, %lt3A_1180 : i32
      %ne3A_1182 = arith.xori %lt3A_1179, %lt3A_1181 : i1
      %and3A_1183 = arith.andi %ne3A_1182, %ne3A_1177 : i1
      %add3A_1184 = arith.addi %rem3A_1175, %select_n3A_1174 : i32
      %select_n3A_1185 = arith.select %and3A_1183, %add3A_1184, %rem3A_1175 : i32
      %mul3A_1186 = arith.constant 16 : i32
      %mul3A_1187 = arith.muli %select_n3A_1185, %mul3A_1186 : i32
      %add3A_1188 = arith.constant 7 : i32
      %add3A_1189 = arith.addi %mul3A_1187, %add3A_1188 : i32
      %mul3A_1190 = arith.constant 16 : i32
      %mul3A_1191 = arith.muli %add3A_1189, %mul3A_1190 : i32
      %swap3A_1192 = arith.index_cast %mul3A_1191 : i32 to index
      %swap3A_1193 = tpu.vector_load %arg7[%swap3A_1192] {strides = array<i32>} : memref<4096xf32, #tpu.memory_space<vmem>>, vector<16xf32>,
      tpu.vector_store %arg7[%swap3A_1192], %gather3A_1169 {strides = array<i32>} : memref<4096xf32, #tpu.memory_space<vmem>>, vector<16xf32>,
      %slice3A_1194 = vector.extract_strided_slice %get3A_899 {offsets = [8], sizes = [1], strides = [1]} : vector<16xi32> to vector<1xi32>
      %squeeze3A_1195 = vector.extract %slice3A_1194[0] : i32 from vector<1xi32>
      %and3A_1196 = arith.constant 127 : i32
      %and3A_1197 = arith.andi %squeeze3A_1195, %and3A_1196 : i32
      %broadcast_in_dim3A_1198 = arith.constant 0 : i32
      %broadcast_in_dim3A_1199 = vector.broadcast %broadcast_in_dim3A_1198 : i32 to vector<16xi32>
      %add3A_1200 = vector.broadcast %and3A_1197 : i32 to vector<16xi32>
      %add3A_1201 = arith.addi %broadcast_in_dim3A_1199, %add3A_1200 : vector<16xi32>
      %gather3A_1202 = arith.constant 8 : i32
      %gather3A_1203 = arith.constant 0 : i32
      %gather3A_1204 = arith.constant 0 : i32
      %gather3A_1205 = tpu.memref_slice %arg6[%gather3A_1202, %gather3A_1203, %gather3A_1204] : memref<32x16x128xf32, #tpu.memory_space<vmem>> -> memref<1x16x128xf32, #tpu.memory_space<vmem>>
      %gather3A_1206 = tpu.memref_squeeze %gather3A_1205 : memref<1x16x128xf32, #tpu.memory_space<vmem>> -> memref<16x128xf32, #tpu.memory_space<vmem>>
      %gather3A_1207 = tpu.vector_load_idx %gather3A_1206[%iota3A, %add3A_1201] : memref<16x128xf32, #tpu.memory_space<vmem>>[vector<16xi32>, vector<16xi32>], vector<16xf32>,
      %jit3A_1208 = arith.constant 16 : i32
      %eq3A_1209 = arith.constant 0 : i32
      %eq3A_1210 = arith.cmpi eq, %jit3A_1208, %eq3A_1209 : i32
      %jit3A_1211 = arith.constant 1 : i32
      %select_n3A_1212 = arith.select %eq3A_1210, %jit3A_1211, %jit3A_1208 : i32
      %rem3A_1213 = arith.remsi %mul3A_330, %select_n3A_1212 : i32
      %ne3A_1214 = arith.constant 0 : i32
      %ne3A_1215 = arith.cmpi ne, %rem3A_1213, %ne3A_1214 : i32
      %lt3A_1216 = arith.constant 0 : i32
      %lt3A_1217 = arith.cmpi slt, %rem3A_1213, %lt3A_1216 : i32
      %lt3A_1218 = arith.constant 0 : i32
      %lt3A_1219 = arith.cmpi slt, %select_n3A_1212, %lt3A_1218 : i32
      %ne3A_1220 = arith.xori %lt3A_1217, %lt3A_1219 : i1
      %and3A_1221 = arith.andi %ne3A_1220, %ne3A_1215 : i1
      %add3A_1222 = arith.addi %rem3A_1213, %select_n3A_1212 : i32
      %select_n3A_1223 = arith.select %and3A_1221, %add3A_1222, %rem3A_1213 : i32
      %mul3A_1224 = arith.constant 16 : i32
      %mul3A_1225 = arith.muli %select_n3A_1223, %mul3A_1224 : i32
      %add3A_1226 = arith.constant 8 : i32
      %add3A_1227 = arith.addi %mul3A_1225, %add3A_1226 : i32
      %mul3A_1228 = arith.constant 16 : i32
      %mul3A_1229 = arith.muli %add3A_1227, %mul3A_1228 : i32
      %swap3A_1230 = arith.index_cast %mul3A_1229 : i32 to index
      %swap3A_1231 = tpu.vector_load %arg7[%swap3A_1230] {strides = array<i32>} : memref<4096xf32, #tpu.memory_space<vmem>>, vector<16xf32>,
      tpu.vector_store %arg7[%swap3A_1230], %gather3A_1207 {strides = array<i32>} : memref<4096xf32, #tpu.memory_space<vmem>>, vector<16xf32>,
      %slice3A_1232 = vector.extract_strided_slice %get3A_899 {offsets = [9], sizes = [1], strides = [1]} : vector<16xi32> to vector<1xi32>
      %squeeze3A_1233 = vector.extract %slice3A_1232[0] : i32 from vector<1xi32>
      %and3A_1234 = arith.constant 127 : i32
      %and3A_1235 = arith.andi %squeeze3A_1233, %and3A_1234 : i32
      %broadcast_in_dim3A_1236 = arith.constant 0 : i32
      %broadcast_in_dim3A_1237 = vector.broadcast %broadcast_in_dim3A_1236 : i32 to vector<16xi32>
      %add3A_1238 = vector.broadcast %and3A_1235 : i32 to vector<16xi32>
      %add3A_1239 = arith.addi %broadcast_in_dim3A_1237, %add3A_1238 : vector<16xi32>
      %gather3A_1240 = arith.constant 9 : i32
      %gather3A_1241 = arith.constant 0 : i32
      %gather3A_1242 = arith.constant 0 : i32
      %gather3A_1243 = tpu.memref_slice %arg6[%gather3A_1240, %gather3A_1241, %gather3A_1242] : memref<32x16x128xf32, #tpu.memory_space<vmem>> -> memref<1x16x128xf32, #tpu.memory_space<vmem>>
      %gather3A_1244 = tpu.memref_squeeze %gather3A_1243 : memref<1x16x128xf32, #tpu.memory_space<vmem>> -> memref<16x128xf32, #tpu.memory_space<vmem>>
      %gather3A_1245 = tpu.vector_load_idx %gather3A_1244[%iota3A, %add3A_1239] : memref<16x128xf32, #tpu.memory_space<vmem>>[vector<16xi32>, vector<16xi32>], vector<16xf32>,
      %jit3A_1246 = arith.constant 16 : i32
      %eq3A_1247 = arith.constant 0 : i32
      %eq3A_1248 = arith.cmpi eq, %jit3A_1246, %eq3A_1247 : i32
      %jit3A_1249 = arith.constant 1 : i32
      %select_n3A_1250 = arith.select %eq3A_1248, %jit3A_1249, %jit3A_1246 : i32
      %rem3A_1251 = arith.remsi %mul3A_330, %select_n3A_1250 : i32
      %ne3A_1252 = arith.constant 0 : i32
      %ne3A_1253 = arith.cmpi ne, %rem3A_1251, %ne3A_1252 : i32
      %lt3A_1254 = arith.constant 0 : i32
      %lt3A_1255 = arith.cmpi slt, %rem3A_1251, %lt3A_1254 : i32
      %lt3A_1256 = arith.constant 0 : i32
      %lt3A_1257 = arith.cmpi slt, %select_n3A_1250, %lt3A_1256 : i32
      %ne3A_1258 = arith.xori %lt3A_1255, %lt3A_1257 : i1
      %and3A_1259 = arith.andi %ne3A_1258, %ne3A_1253 : i1
      %add3A_1260 = arith.addi %rem3A_1251, %select_n3A_1250 : i32
      %select_n3A_1261 = arith.select %and3A_1259, %add3A_1260, %rem3A_1251 : i32
      %mul3A_1262 = arith.constant 16 : i32
      %mul3A_1263 = arith.muli %select_n3A_1261, %mul3A_1262 : i32
      %add3A_1264 = arith.constant 9 : i32
      %add3A_1265 = arith.addi %mul3A_1263, %add3A_1264 : i32
      %mul3A_1266 = arith.constant 16 : i32
      %mul3A_1267 = arith.muli %add3A_1265, %mul3A_1266 : i32
      %swap3A_1268 = arith.index_cast %mul3A_1267 : i32 to index
      %swap3A_1269 = tpu.vector_load %arg7[%swap3A_1268] {strides = array<i32>} : memref<4096xf32, #tpu.memory_space<vmem>>, vector<16xf32>,
      tpu.vector_store %arg7[%swap3A_1268], %gather3A_1245 {strides = array<i32>} : memref<4096xf32, #tpu.memory_space<vmem>>, vector<16xf32>,
      %slice3A_1270 = vector.extract_strided_slice %get3A_899 {offsets = [10], sizes = [1], strides = [1]} : vector<16xi32> to vector<1xi32>
      %squeeze3A_1271 = vector.extract %slice3A_1270[0] : i32 from vector<1xi32>
      %and3A_1272 = arith.constant 127 : i32
      %and3A_1273 = arith.andi %squeeze3A_1271, %and3A_1272 : i32
      %broadcast_in_dim3A_1274 = arith.constant 0 : i32
      %broadcast_in_dim3A_1275 = vector.broadcast %broadcast_in_dim3A_1274 : i32 to vector<16xi32>
      %add3A_1276 = vector.broadcast %and3A_1273 : i32 to vector<16xi32>
      %add3A_1277 = arith.addi %broadcast_in_dim3A_1275, %add3A_1276 : vector<16xi32>
      %gather3A_1278 = arith.constant 10 : i32
      %gather3A_1279 = arith.constant 0 : i32
      %gather3A_1280 = arith.constant 0 : i32
      %gather3A_1281 = tpu.memref_slice %arg6[%gather3A_1278, %gather3A_1279, %gather3A_1280] : memref<32x16x128xf32, #tpu.memory_space<vmem>> -> memref<1x16x128xf32, #tpu.memory_space<vmem>>
      %gather3A_1282 = tpu.memref_squeeze %gather3A_1281 : memref<1x16x128xf32, #tpu.memory_space<vmem>> -> memref<16x128xf32, #tpu.memory_space<vmem>>
      %gather3A_1283 = tpu.vector_load_idx %gather3A_1282[%iota3A, %add3A_1277] : memref<16x128xf32, #tpu.memory_space<vmem>>[vector<16xi32>, vector<16xi32>], vector<16xf32>,
      %jit3A_1284 = arith.constant 16 : i32
      %eq3A_1285 = arith.constant 0 : i32
      %eq3A_1286 = arith.cmpi eq, %jit3A_1284, %eq3A_1285 : i32
      %jit3A_1287 = arith.constant 1 : i32
      %select_n3A_1288 = arith.select %eq3A_1286, %jit3A_1287, %jit3A_1284 : i32
      %rem3A_1289 = arith.remsi %mul3A_330, %select_n3A_1288 : i32
      %ne3A_1290 = arith.constant 0 : i32
      %ne3A_1291 = arith.cmpi ne, %rem3A_1289, %ne3A_1290 : i32
      %lt3A_1292 = arith.constant 0 : i32
      %lt3A_1293 = arith.cmpi slt, %rem3A_1289, %lt3A_1292 : i32
      %lt3A_1294 = arith.constant 0 : i32
      %lt3A_1295 = arith.cmpi slt, %select_n3A_1288, %lt3A_1294 : i32
      %ne3A_1296 = arith.xori %lt3A_1293, %lt3A_1295 : i1
      %and3A_1297 = arith.andi %ne3A_1296, %ne3A_1291 : i1
      %add3A_1298 = arith.addi %rem3A_1289, %select_n3A_1288 : i32
      %select_n3A_1299 = arith.select %and3A_1297, %add3A_1298, %rem3A_1289 : i32
      %mul3A_1300 = arith.constant 16 : i32
      %mul3A_1301 = arith.muli %select_n3A_1299, %mul3A_1300 : i32
      %add3A_1302 = arith.constant 10 : i32
      %add3A_1303 = arith.addi %mul3A_1301, %add3A_1302 : i32
      %mul3A_1304 = arith.constant 16 : i32
      %mul3A_1305 = arith.muli %add3A_1303, %mul3A_1304 : i32
      %swap3A_1306 = arith.index_cast %mul3A_1305 : i32 to index
      %swap3A_1307 = tpu.vector_load %arg7[%swap3A_1306] {strides = array<i32>} : memref<4096xf32, #tpu.memory_space<vmem>>, vector<16xf32>,
      tpu.vector_store %arg7[%swap3A_1306], %gather3A_1283 {strides = array<i32>} : memref<4096xf32, #tpu.memory_space<vmem>>, vector<16xf32>,
      %slice3A_1308 = vector.extract_strided_slice %get3A_899 {offsets = [11], sizes = [1], strides = [1]} : vector<16xi32> to vector<1xi32>
      %squeeze3A_1309 = vector.extract %slice3A_1308[0] : i32 from vector<1xi32>
      %and3A_1310 = arith.constant 127 : i32
      %and3A_1311 = arith.andi %squeeze3A_1309, %and3A_1310 : i32
      %broadcast_in_dim3A_1312 = arith.constant 0 : i32
      %broadcast_in_dim3A_1313 = vector.broadcast %broadcast_in_dim3A_1312 : i32 to vector<16xi32>
      %add3A_1314 = vector.broadcast %and3A_1311 : i32 to vector<16xi32>
      %add3A_1315 = arith.addi %broadcast_in_dim3A_1313, %add3A_1314 : vector<16xi32>
      %gather3A_1316 = arith.constant 11 : i32
      %gather3A_1317 = arith.constant 0 : i32
      %gather3A_1318 = arith.constant 0 : i32
      %gather3A_1319 = tpu.memref_slice %arg6[%gather3A_1316, %gather3A_1317, %gather3A_1318] : memref<32x16x128xf32, #tpu.memory_space<vmem>> -> memref<1x16x128xf32, #tpu.memory_space<vmem>>
      %gather3A_1320 = tpu.memref_squeeze %gather3A_1319 : memref<1x16x128xf32, #tpu.memory_space<vmem>> -> memref<16x128xf32, #tpu.memory_space<vmem>>
      %gather3A_1321 = tpu.vector_load_idx %gather3A_1320[%iota3A, %add3A_1315] : memref<16x128xf32, #tpu.memory_space<vmem>>[vector<16xi32>, vector<16xi32>], vector<16xf32>,
      %jit3A_1322 = arith.constant 16 : i32
      %eq3A_1323 = arith.constant 0 : i32
      %eq3A_1324 = arith.cmpi eq, %jit3A_1322, %eq3A_1323 : i32
      %jit3A_1325 = arith.constant 1 : i32
      %select_n3A_1326 = arith.select %eq3A_1324, %jit3A_1325, %jit3A_1322 : i32
      %rem3A_1327 = arith.remsi %mul3A_330, %select_n3A_1326 : i32
      %ne3A_1328 = arith.constant 0 : i32
      %ne3A_1329 = arith.cmpi ne, %rem3A_1327, %ne3A_1328 : i32
      %lt3A_1330 = arith.constant 0 : i32
      %lt3A_1331 = arith.cmpi slt, %rem3A_1327, %lt3A_1330 : i32
      %lt3A_1332 = arith.constant 0 : i32
      %lt3A_1333 = arith.cmpi slt, %select_n3A_1326, %lt3A_1332 : i32
      %ne3A_1334 = arith.xori %lt3A_1331, %lt3A_1333 : i1
      %and3A_1335 = arith.andi %ne3A_1334, %ne3A_1329 : i1
      %add3A_1336 = arith.addi %rem3A_1327, %select_n3A_1326 : i32
      %select_n3A_1337 = arith.select %and3A_1335, %add3A_1336, %rem3A_1327 : i32
      %mul3A_1338 = arith.constant 16 : i32
      %mul3A_1339 = arith.muli %select_n3A_1337, %mul3A_1338 : i32
      %add3A_1340 = arith.constant 11 : i32
      %add3A_1341 = arith.addi %mul3A_1339, %add3A_1340 : i32
      %mul3A_1342 = arith.constant 16 : i32
      %mul3A_1343 = arith.muli %add3A_1341, %mul3A_1342 : i32
      %swap3A_1344 = arith.index_cast %mul3A_1343 : i32 to index
      %swap3A_1345 = tpu.vector_load %arg7[%swap3A_1344] {strides = array<i32>} : memref<4096xf32, #tpu.memory_space<vmem>>, vector<16xf32>,
      tpu.vector_store %arg7[%swap3A_1344], %gather3A_1321 {strides = array<i32>} : memref<4096xf32, #tpu.memory_space<vmem>>, vector<16xf32>,
      %slice3A_1346 = vector.extract_strided_slice %get3A_899 {offsets = [12], sizes = [1], strides = [1]} : vector<16xi32> to vector<1xi32>
      %squeeze3A_1347 = vector.extract %slice3A_1346[0] : i32 from vector<1xi32>
      %and3A_1348 = arith.constant 127 : i32
      %and3A_1349 = arith.andi %squeeze3A_1347, %and3A_1348 : i32
      %broadcast_in_dim3A_1350 = arith.constant 0 : i32
      %broadcast_in_dim3A_1351 = vector.broadcast %broadcast_in_dim3A_1350 : i32 to vector<16xi32>
      %add3A_1352 = vector.broadcast %and3A_1349 : i32 to vector<16xi32>
      %add3A_1353 = arith.addi %broadcast_in_dim3A_1351, %add3A_1352 : vector<16xi32>
      %gather3A_1354 = arith.constant 12 : i32
      %gather3A_1355 = arith.constant 0 : i32
      %gather3A_1356 = arith.constant 0 : i32
      %gather3A_1357 = tpu.memref_slice %arg6[%gather3A_1354, %gather3A_1355, %gather3A_1356] : memref<32x16x128xf32, #tpu.memory_space<vmem>> -> memref<1x16x128xf32, #tpu.memory_space<vmem>>
      %gather3A_1358 = tpu.memref_squeeze %gather3A_1357 : memref<1x16x128xf32, #tpu.memory_space<vmem>> -> memref<16x128xf32, #tpu.memory_space<vmem>>
      %gather3A_1359 = tpu.vector_load_idx %gather3A_1358[%iota3A, %add3A_1353] : memref<16x128xf32, #tpu.memory_space<vmem>>[vector<16xi32>, vector<16xi32>], vector<16xf32>,
      %jit3A_1360 = arith.constant 16 : i32
      %eq3A_1361 = arith.constant 0 : i32
      %eq3A_1362 = arith.cmpi eq, %jit3A_1360, %eq3A_1361 : i32
      %jit3A_1363 = arith.constant 1 : i32
      %select_n3A_1364 = arith.select %eq3A_1362, %jit3A_1363, %jit3A_1360 : i32
      %rem3A_1365 = arith.remsi %mul3A_330, %select_n3A_1364 : i32
      %ne3A_1366 = arith.constant 0 : i32
      %ne3A_1367 = arith.cmpi ne, %rem3A_1365, %ne3A_1366 : i32
      %lt3A_1368 = arith.constant 0 : i32
      %lt3A_1369 = arith.cmpi slt, %rem3A_1365, %lt3A_1368 : i32
      %lt3A_1370 = arith.constant 0 : i32
      %lt3A_1371 = arith.cmpi slt, %select_n3A_1364, %lt3A_1370 : i32
      %ne3A_1372 = arith.xori %lt3A_1369, %lt3A_1371 : i1
      %and3A_1373 = arith.andi %ne3A_1372, %ne3A_1367 : i1
      %add3A_1374 = arith.addi %rem3A_1365, %select_n3A_1364 : i32
      %select_n3A_1375 = arith.select %and3A_1373, %add3A_1374, %rem3A_1365 : i32
      %mul3A_1376 = arith.constant 16 : i32
      %mul3A_1377 = arith.muli %select_n3A_1375, %mul3A_1376 : i32
      %add3A_1378 = arith.constant 12 : i32
      %add3A_1379 = arith.addi %mul3A_1377, %add3A_1378 : i32
      %mul3A_1380 = arith.constant 16 : i32
      %mul3A_1381 = arith.muli %add3A_1379, %mul3A_1380 : i32
      %swap3A_1382 = arith.index_cast %mul3A_1381 : i32 to index
      %swap3A_1383 = tpu.vector_load %arg7[%swap3A_1382] {strides = array<i32>} : memref<4096xf32, #tpu.memory_space<vmem>>, vector<16xf32>,
      tpu.vector_store %arg7[%swap3A_1382], %gather3A_1359 {strides = array<i32>} : memref<4096xf32, #tpu.memory_space<vmem>>, vector<16xf32>,
      %slice3A_1384 = vector.extract_strided_slice %get3A_899 {offsets = [13], sizes = [1], strides = [1]} : vector<16xi32> to vector<1xi32>
      %squeeze3A_1385 = vector.extract %slice3A_1384[0] : i32 from vector<1xi32>
      %and3A_1386 = arith.constant 127 : i32
      %and3A_1387 = arith.andi %squeeze3A_1385, %and3A_1386 : i32
      %broadcast_in_dim3A_1388 = arith.constant 0 : i32
      %broadcast_in_dim3A_1389 = vector.broadcast %broadcast_in_dim3A_1388 : i32 to vector<16xi32>
      %add3A_1390 = vector.broadcast %and3A_1387 : i32 to vector<16xi32>
      %add3A_1391 = arith.addi %broadcast_in_dim3A_1389, %add3A_1390 : vector<16xi32>
      %gather3A_1392 = arith.constant 13 : i32
      %gather3A_1393 = arith.constant 0 : i32
      %gather3A_1394 = arith.constant 0 : i32
      %gather3A_1395 = tpu.memref_slice %arg6[%gather3A_1392, %gather3A_1393, %gather3A_1394] : memref<32x16x128xf32, #tpu.memory_space<vmem>> -> memref<1x16x128xf32, #tpu.memory_space<vmem>>
      %gather3A_1396 = tpu.memref_squeeze %gather3A_1395 : memref<1x16x128xf32, #tpu.memory_space<vmem>> -> memref<16x128xf32, #tpu.memory_space<vmem>>
      %gather3A_1397 = tpu.vector_load_idx %gather3A_1396[%iota3A, %add3A_1391] : memref<16x128xf32, #tpu.memory_space<vmem>>[vector<16xi32>, vector<16xi32>], vector<16xf32>,
      %jit3A_1398 = arith.constant 16 : i32
      %eq3A_1399 = arith.constant 0 : i32
      %eq3A_1400 = arith.cmpi eq, %jit3A_1398, %eq3A_1399 : i32
      %jit3A_1401 = arith.constant 1 : i32
      %select_n3A_1402 = arith.select %eq3A_1400, %jit3A_1401, %jit3A_1398 : i32
      %rem3A_1403 = arith.remsi %mul3A_330, %select_n3A_1402 : i32
      %ne3A_1404 = arith.constant 0 : i32
      %ne3A_1405 = arith.cmpi ne, %rem3A_1403, %ne3A_1404 : i32
      %lt3A_1406 = arith.constant 0 : i32
      %lt3A_1407 = arith.cmpi slt, %rem3A_1403, %lt3A_1406 : i32
      %lt3A_1408 = arith.constant 0 : i32
      %lt3A_1409 = arith.cmpi slt, %select_n3A_1402, %lt3A_1408 : i32
      %ne3A_1410 = arith.xori %lt3A_1407, %lt3A_1409 : i1
      %and3A_1411 = arith.andi %ne3A_1410, %ne3A_1405 : i1
      %add3A_1412 = arith.addi %rem3A_1403, %select_n3A_1402 : i32
      %select_n3A_1413 = arith.select %and3A_1411, %add3A_1412, %rem3A_1403 : i32
      %mul3A_1414 = arith.constant 16 : i32
      %mul3A_1415 = arith.muli %select_n3A_1413, %mul3A_1414 : i32
      %add3A_1416 = arith.constant 13 : i32
      %add3A_1417 = arith.addi %mul3A_1415, %add3A_1416 : i32
      %mul3A_1418 = arith.constant 16 : i32
      %mul3A_1419 = arith.muli %add3A_1417, %mul3A_1418 : i32
      %swap3A_1420 = arith.index_cast %mul3A_1419 : i32 to index
      %swap3A_1421 = tpu.vector_load %arg7[%swap3A_1420] {strides = array<i32>} : memref<4096xf32, #tpu.memory_space<vmem>>, vector<16xf32>,
      tpu.vector_store %arg7[%swap3A_1420], %gather3A_1397 {strides = array<i32>} : memref<4096xf32, #tpu.memory_space<vmem>>, vector<16xf32>,
      %slice3A_1422 = vector.extract_strided_slice %get3A_899 {offsets = [14], sizes = [1], strides = [1]} : vector<16xi32> to vector<1xi32>
      %squeeze3A_1423 = vector.extract %slice3A_1422[0] : i32 from vector<1xi32>
      %and3A_1424 = arith.constant 127 : i32
      %and3A_1425 = arith.andi %squeeze3A_1423, %and3A_1424 : i32
      %broadcast_in_dim3A_1426 = arith.constant 0 : i32
      %broadcast_in_dim3A_1427 = vector.broadcast %broadcast_in_dim3A_1426 : i32 to vector<16xi32>
      %add3A_1428 = vector.broadcast %and3A_1425 : i32 to vector<16xi32>
      %add3A_1429 = arith.addi %broadcast_in_dim3A_1427, %add3A_1428 : vector<16xi32>
      %gather3A_1430 = arith.constant 14 : i32
      %gather3A_1431 = arith.constant 0 : i32
      %gather3A_1432 = arith.constant 0 : i32
      %gather3A_1433 = tpu.memref_slice %arg6[%gather3A_1430, %gather3A_1431, %gather3A_1432] : memref<32x16x128xf32, #tpu.memory_space<vmem>> -> memref<1x16x128xf32, #tpu.memory_space<vmem>>
      %gather3A_1434 = tpu.memref_squeeze %gather3A_1433 : memref<1x16x128xf32, #tpu.memory_space<vmem>> -> memref<16x128xf32, #tpu.memory_space<vmem>>
      %gather3A_1435 = tpu.vector_load_idx %gather3A_1434[%iota3A, %add3A_1429] : memref<16x128xf32, #tpu.memory_space<vmem>>[vector<16xi32>, vector<16xi32>], vector<16xf32>,
      %jit3A_1436 = arith.constant 16 : i32
      %eq3A_1437 = arith.constant 0 : i32
      %eq3A_1438 = arith.cmpi eq, %jit3A_1436, %eq3A_1437 : i32
      %jit3A_1439 = arith.constant 1 : i32
      %select_n3A_1440 = arith.select %eq3A_1438, %jit3A_1439, %jit3A_1436 : i32
      %rem3A_1441 = arith.remsi %mul3A_330, %select_n3A_1440 : i32
      %ne3A_1442 = arith.constant 0 : i32
      %ne3A_1443 = arith.cmpi ne, %rem3A_1441, %ne3A_1442 : i32
      %lt3A_1444 = arith.constant 0 : i32
      %lt3A_1445 = arith.cmpi slt, %rem3A_1441, %lt3A_1444 : i32
      %lt3A_1446 = arith.constant 0 : i32
      %lt3A_1447 = arith.cmpi slt, %select_n3A_1440, %lt3A_1446 : i32
      %ne3A_1448 = arith.xori %lt3A_1445, %lt3A_1447 : i1
      %and3A_1449 = arith.andi %ne3A_1448, %ne3A_1443 : i1
      %add3A_1450 = arith.addi %rem3A_1441, %select_n3A_1440 : i32
      %select_n3A_1451 = arith.select %and3A_1449, %add3A_1450, %rem3A_1441 : i32
      %mul3A_1452 = arith.constant 16 : i32
      %mul3A_1453 = arith.muli %select_n3A_1451, %mul3A_1452 : i32
      %add3A_1454 = arith.constant 14 : i32
      %add3A_1455 = arith.addi %mul3A_1453, %add3A_1454 : i32
      %mul3A_1456 = arith.constant 16 : i32
      %mul3A_1457 = arith.muli %add3A_1455, %mul3A_1456 : i32
      %swap3A_1458 = arith.index_cast %mul3A_1457 : i32 to index
      %swap3A_1459 = tpu.vector_load %arg7[%swap3A_1458] {strides = array<i32>} : memref<4096xf32, #tpu.memory_space<vmem>>, vector<16xf32>,
      tpu.vector_store %arg7[%swap3A_1458], %gather3A_1435 {strides = array<i32>} : memref<4096xf32, #tpu.memory_space<vmem>>, vector<16xf32>,
      %slice3A_1460 = vector.extract_strided_slice %get3A_899 {offsets = [15], sizes = [1], strides = [1]} : vector<16xi32> to vector<1xi32>
      %squeeze3A_1461 = vector.extract %slice3A_1460[0] : i32 from vector<1xi32>
      %and3A_1462 = arith.constant 127 : i32
      %and3A_1463 = arith.andi %squeeze3A_1461, %and3A_1462 : i32
      %broadcast_in_dim3A_1464 = arith.constant 0 : i32
      %broadcast_in_dim3A_1465 = vector.broadcast %broadcast_in_dim3A_1464 : i32 to vector<16xi32>
      %add3A_1466 = vector.broadcast %and3A_1463 : i32 to vector<16xi32>
      %add3A_1467 = arith.addi %broadcast_in_dim3A_1465, %add3A_1466 : vector<16xi32>
      %gather3A_1468 = arith.constant 15 : i32
      %gather3A_1469 = arith.constant 0 : i32
      %gather3A_1470 = arith.constant 0 : i32
      %gather3A_1471 = tpu.memref_slice %arg6[%gather3A_1468, %gather3A_1469, %gather3A_1470] : memref<32x16x128xf32, #tpu.memory_space<vmem>> -> memref<1x16x128xf32, #tpu.memory_space<vmem>>
      %gather3A_1472 = tpu.memref_squeeze %gather3A_1471 : memref<1x16x128xf32, #tpu.memory_space<vmem>> -> memref<16x128xf32, #tpu.memory_space<vmem>>
      %gather3A_1473 = tpu.vector_load_idx %gather3A_1472[%iota3A, %add3A_1467] : memref<16x128xf32, #tpu.memory_space<vmem>>[vector<16xi32>, vector<16xi32>], vector<16xf32>,
      %jit3A_1474 = arith.constant 16 : i32
      %eq3A_1475 = arith.constant 0 : i32
      %eq3A_1476 = arith.cmpi eq, %jit3A_1474, %eq3A_1475 : i32
      %jit3A_1477 = arith.constant 1 : i32
      %select_n3A_1478 = arith.select %eq3A_1476, %jit3A_1477, %jit3A_1474 : i32
      %rem3A_1479 = arith.remsi %mul3A_330, %select_n3A_1478 : i32
      %ne3A_1480 = arith.constant 0 : i32
      %ne3A_1481 = arith.cmpi ne, %rem3A_1479, %ne3A_1480 : i32
      %lt3A_1482 = arith.constant 0 : i32
      %lt3A_1483 = arith.cmpi slt, %rem3A_1479, %lt3A_1482 : i32
      %lt3A_1484 = arith.constant 0 : i32
      %lt3A_1485 = arith.cmpi slt, %select_n3A_1478, %lt3A_1484 : i32
      %ne3A_1486 = arith.xori %lt3A_1483, %lt3A_1485 : i1
      %and3A_1487 = arith.andi %ne3A_1486, %ne3A_1481 : i1
      %add3A_1488 = arith.addi %rem3A_1479, %select_n3A_1478 : i32
      %select_n3A_1489 = arith.select %and3A_1487, %add3A_1488, %rem3A_1479 : i32
      %mul3A_1490 = arith.constant 16 : i32
      %mul3A_1491 = arith.muli %select_n3A_1489, %mul3A_1490 : i32
      %add3A_1492 = arith.constant 15 : i32
      %add3A_1493 = arith.addi %mul3A_1491, %add3A_1492 : i32
      %mul3A_1494 = arith.constant 16 : i32
      %mul3A_1495 = arith.muli %add3A_1493, %mul3A_1494 : i32
      %swap3A_1496 = arith.index_cast %mul3A_1495 : i32 to index
      %swap3A_1497 = tpu.vector_load %arg7[%swap3A_1496] {strides = array<i32>} : memref<4096xf32, #tpu.memory_space<vmem>>, vector<16xf32>,
      tpu.vector_store %arg7[%swap3A_1496], %gather3A_1473 {strides = array<i32>} : memref<4096xf32, #tpu.memory_space<vmem>>, vector<16xf32>,
      %add3A_1498 = arith.constant 2 : i32
      %add3A_1499 = arith.addi %mul3A_330, %add3A_1498 : i32
      %lt3A_1500 = arith.constant 32 : i32
      %lt3A_1501 = arith.cmpi slt, %add3A_1499, %lt3A_1500 : i32
      %convert_element_type3A = arith.extui %lt3A_1501 : i1 to i32
      %cond3A = arith.constant 0 : i32
      %cond3A_1502 = arith.cmpi ne, %convert_element_type3A, %cond3A : i32
      scf.if %cond3A_1502 {
        %add3A_2362 = arith.constant 2 : i32
        %add3A_2363 = arith.addi %mul3A_330, %add3A_2362 : i32
        %mul3A_2364 = arith.constant 16 : i32
        %mul3A_2365 = arith.muli %add3A_2363, %mul3A_2364 : i32
        %get3A_2366 = arith.index_cast %mul3A_2365 : i32 to index
        %get3A_2367 = tpu.vector_load %arg5[%get3A_2366] {strides = array<i32>} : memref<512xi32, #tpu.memory_space<vmem>>, vector<16xi32>,
        %slice3A_2368 = vector.extract_strided_slice %get3A_2367 {offsets = [0], sizes = [1], strides = [1]} : vector<16xi32> to vector<1xi32>
        %squeeze3A_2369 = vector.extract %slice3A_2368[0] : i32 from vector<1xi32>
        %shift_right_logical3A_2370 = arith.constant 7 : i32
        %shift_right_logical3A_2371 = arith.shrui %squeeze3A_2369, %shift_right_logical3A_2370 : i32
        %mul3A_2372 = arith.constant 128 : i32
        %mul3A_2373 = arith.muli %shift_right_logical3A_2371, %mul3A_2372 : i32
        %multiple_of3A_2374 = tpu.assume_multiple %mul3A_2373, 128 : i32
        %dma_start3A_2375 = arith.constant 0 : i32
        %dma_start3A_2376 = arith.constant 0 : i32
        %dma_start3A_2377 = arith.constant 0 : i32
        %dma_start3A_2378 = tpu.memref_slice %arg6[%dma_start3A_2375, %dma_start3A_2376, %dma_start3A_2377] : memref<32x16x128xf32, #tpu.memory_space<vmem>> -> memref<1x16x128xf32, #tpu.memory_space<vmem>>
        %dma_start3A_2379 = tpu.memref_squeeze %dma_start3A_2378 : memref<1x16x128xf32, #tpu.memory_space<vmem>> -> memref<16x128xf32, #tpu.memory_space<vmem>>
        %dma_start3A_2380 = arith.constant 0 : i32
        %dma_start3A_2381 = tpu.memref_slice %arg3[%dma_start3A_2380, %multiple_of3A_2374] : memref<16x1000000xf32, #tpu.memory_space<hbm>> -> memref<16x128xf32, #tpu.memory_space<hbm>>
        %dma_start3A_2382 = arith.constant 0 : i32
        %dma_start3A_2383 = arith.constant 0 : i32
        %dma_start3A_2384 = tpu.memref_slice %arg6[%dma_start3A_2375, %dma_start3A_2382, %dma_start3A_2383] : memref<32x16x128xf32, #tpu.memory_space<vmem>> -> memref<1x16x128xf32, #tpu.memory_space<vmem>>
        %dma_start3A_2385 = tpu.memref_squeeze %dma_start3A_2384 : memref<1x16x128xf32, #tpu.memory_space<vmem>> -> memref<16x128xf32, #tpu.memory_space<vmem>>
        %dma_start3A_2386 = arith.constant 0 : i32
        %dma_start3A_2387 = tpu.memref_slice %arg3[%dma_start3A_2386, %multiple_of3A_2374] : memref<16x1000000xf32, #tpu.memory_space<hbm>> -> memref<16x128xf32, #tpu.memory_space<hbm>>
        tpu.enqueue_dma source(%dma_start3A_2387 : memref<16x128xf32, #tpu.memory_space<hbm>>) target(%dma_start3A_2385 : memref<16x128xf32, #tpu.memory_space<vmem>>) target_semaphore(%arg8 : memref<!tpu.dma_semaphore, #tpu.memory_space<semaphore_mem>>)
        %slice3A_2388 = vector.extract_strided_slice %get3A_2367 {offsets = [1], sizes = [1], strides = [1]} : vector<16xi32> to vector<1xi32>
        %squeeze3A_2389 = vector.extract %slice3A_2388[0] : i32 from vector<1xi32>
        %shift_right_logical3A_2390 = arith.constant 7 : i32
        %shift_right_logical3A_2391 = arith.shrui %squeeze3A_2389, %shift_right_logical3A_2390 : i32
        %mul3A_2392 = arith.constant 128 : i32
        %mul3A_2393 = arith.muli %shift_right_logical3A_2391, %mul3A_2392 : i32
        %multiple_of3A_2394 = tpu.assume_multiple %mul3A_2393, 128 : i32
        %dma_start3A_2395 = arith.constant 1 : i32
        %dma_start3A_2396 = arith.constant 0 : i32
        %dma_start3A_2397 = arith.constant 0 : i32
        %dma_start3A_2398 = tpu.memref_slice %arg6[%dma_start3A_2395, %dma_start3A_2396, %dma_start3A_2397] : memref<32x16x128xf32, #tpu.memory_space<vmem>> -> memref<1x16x128xf32, #tpu.memory_space<vmem>>
        %dma_start3A_2399 = tpu.memref_squeeze %dma_start3A_2398 : memref<1x16x128xf32, #tpu.memory_space<vmem>> -> memref<16x128xf32, #tpu.memory_space<vmem>>
        %dma_start3A_2400 = arith.constant 0 : i32
        %dma_start3A_2401 = tpu.memref_slice %arg3[%dma_start3A_2400, %multiple_of3A_2394] : memref<16x1000000xf32, #tpu.memory_space<hbm>> -> memref<16x128xf32, #tpu.memory_space<hbm>>
        %dma_start3A_2402 = arith.constant 0 : i32
        %dma_start3A_2403 = arith.constant 0 : i32
        %dma_start3A_2404 = tpu.memref_slice %arg6[%dma_start3A_2395, %dma_start3A_2402, %dma_start3A_2403] : memref<32x16x128xf32, #tpu.memory_space<vmem>> -> memref<1x16x128xf32, #tpu.memory_space<vmem>>
        %dma_start3A_2405 = tpu.memref_squeeze %dma_start3A_2404 : memref<1x16x128xf32, #tpu.memory_space<vmem>> -> memref<16x128xf32, #tpu.memory_space<vmem>>
        %dma_start3A_2406 = arith.constant 0 : i32
        %dma_start3A_2407 = tpu.memref_slice %arg3[%dma_start3A_2406, %multiple_of3A_2394] : memref<16x1000000xf32, #tpu.memory_space<hbm>> -> memref<16x128xf32, #tpu.memory_space<hbm>>
        tpu.enqueue_dma source(%dma_start3A_2407 : memref<16x128xf32, #tpu.memory_space<hbm>>) target(%dma_start3A_2405 : memref<16x128xf32, #tpu.memory_space<vmem>>) target_semaphore(%arg8 : memref<!tpu.dma_semaphore, #tpu.memory_space<semaphore_mem>>)
        %slice3A_2408 = vector.extract_strided_slice %get3A_2367 {offsets = [2], sizes = [1], strides = [1]} : vector<16xi32> to vector<1xi32>
        %squeeze3A_2409 = vector.extract %slice3A_2408[0] : i32 from vector<1xi32>
        %shift_right_logical3A_2410 = arith.constant 7 : i32
        %shift_right_logical3A_2411 = arith.shrui %squeeze3A_2409, %shift_right_logical3A_2410 : i32
        %mul3A_2412 = arith.constant 128 : i32
        %mul3A_2413 = arith.muli %shift_right_logical3A_2411, %mul3A_2412 : i32
        %multiple_of3A_2414 = tpu.assume_multiple %mul3A_2413, 128 : i32
        %dma_start3A_2415 = arith.constant 2 : i32
        %dma_start3A_2416 = arith.constant 0 : i32
        %dma_start3A_2417 = arith.constant 0 : i32
        %dma_start3A_2418 = tpu.memref_slice %arg6[%dma_start3A_2415, %dma_start3A_2416, %dma_start3A_2417] : memref<32x16x128xf32, #tpu.memory_space<vmem>> -> memref<1x16x128xf32, #tpu.memory_space<vmem>>
        %dma_start3A_2419 = tpu.memref_squeeze %dma_start3A_2418 : memref<1x16x128xf32, #tpu.memory_space<vmem>> -> memref<16x128xf32, #tpu.memory_space<vmem>>
        %dma_start3A_2420 = arith.constant 0 : i32
        %dma_start3A_2421 = tpu.memref_slice %arg3[%dma_start3A_2420, %multiple_of3A_2414] : memref<16x1000000xf32, #tpu.memory_space<hbm>> -> memref<16x128xf32, #tpu.memory_space<hbm>>
        %dma_start3A_2422 = arith.constant 0 : i32
        %dma_start3A_2423 = arith.constant 0 : i32
        %dma_start3A_2424 = tpu.memref_slice %arg6[%dma_start3A_2415, %dma_start3A_2422, %dma_start3A_2423] : memref<32x16x128xf32, #tpu.memory_space<vmem>> -> memref<1x16x128xf32, #tpu.memory_space<vmem>>
        %dma_start3A_2425 = tpu.memref_squeeze %dma_start3A_2424 : memref<1x16x128xf32, #tpu.memory_space<vmem>> -> memref<16x128xf32, #tpu.memory_space<vmem>>
        %dma_start3A_2426 = arith.constant 0 : i32
        %dma_start3A_2427 = tpu.memref_slice %arg3[%dma_start3A_2426, %multiple_of3A_2414] : memref<16x1000000xf32, #tpu.memory_space<hbm>> -> memref<16x128xf32, #tpu.memory_space<hbm>>
        tpu.enqueue_dma source(%dma_start3A_2427 : memref<16x128xf32, #tpu.memory_space<hbm>>) target(%dma_start3A_2425 : memref<16x128xf32, #tpu.memory_space<vmem>>) target_semaphore(%arg8 : memref<!tpu.dma_semaphore, #tpu.memory_space<semaphore_mem>>)
        %slice3A_2428 = vector.extract_strided_slice %get3A_2367 {offsets = [3], sizes = [1], strides = [1]} : vector<16xi32> to vector<1xi32>
        %squeeze3A_2429 = vector.extract %slice3A_2428[0] : i32 from vector<1xi32>
        %shift_right_logical3A_2430 = arith.constant 7 : i32
        %shift_right_logical3A_2431 = arith.shrui %squeeze3A_2429, %shift_right_logical3A_2430 : i32
        %mul3A_2432 = arith.constant 128 : i32
        %mul3A_2433 = arith.muli %shift_right_logical3A_2431, %mul3A_2432 : i32
        %multiple_of3A_2434 = tpu.assume_multiple %mul3A_2433, 128 : i32
        %dma_start3A_2435 = arith.constant 3 : i32
        %dma_start3A_2436 = arith.constant 0 : i32
        %dma_start3A_2437 = arith.constant 0 : i32
        %dma_start3A_2438 = tpu.memref_slice %arg6[%dma_start3A_2435, %dma_start3A_2436, %dma_start3A_2437] : memref<32x16x128xf32, #tpu.memory_space<vmem>> -> memref<1x16x128xf32, #tpu.memory_space<vmem>>
        %dma_start3A_2439 = tpu.memref_squeeze %dma_start3A_2438 : memref<1x16x128xf32, #tpu.memory_space<vmem>> -> memref<16x128xf32, #tpu.memory_space<vmem>>
        %dma_start3A_2440 = arith.constant 0 : i32
        %dma_start3A_2441 = tpu.memref_slice %arg3[%dma_start3A_2440, %multiple_of3A_2434] : memref<16x1000000xf32, #tpu.memory_space<hbm>> -> memref<16x128xf32, #tpu.memory_space<hbm>>
        %dma_start3A_2442 = arith.constant 0 : i32
        %dma_start3A_2443 = arith.constant 0 : i32
        %dma_start3A_2444 = tpu.memref_slice %arg6[%dma_start3A_2435, %dma_start3A_2442, %dma_start3A_2443] : memref<32x16x128xf32, #tpu.memory_space<vmem>> -> memref<1x16x128xf32, #tpu.memory_space<vmem>>
        %dma_start3A_2445 = tpu.memref_squeeze %dma_start3A_2444 : memref<1x16x128xf32, #tpu.memory_space<vmem>> -> memref<16x128xf32, #tpu.memory_space<vmem>>
        %dma_start3A_2446 = arith.constant 0 : i32
        %dma_start3A_2447 = tpu.memref_slice %arg3[%dma_start3A_2446, %multiple_of3A_2434] : memref<16x1000000xf32, #tpu.memory_space<hbm>> -> memref<16x128xf32, #tpu.memory_space<hbm>>
        tpu.enqueue_dma source(%dma_start3A_2447 : memref<16x128xf32, #tpu.memory_space<hbm>>) target(%dma_start3A_2445 : memref<16x128xf32, #tpu.memory_space<vmem>>) target_semaphore(%arg8 : memref<!tpu.dma_semaphore, #tpu.memory_space<semaphore_mem>>)
        %slice3A_2448 = vector.extract_strided_slice %get3A_2367 {offsets = [4], sizes = [1], strides = [1]} : vector<16xi32> to vector<1xi32>
        %squeeze3A_2449 = vector.extract %slice3A_2448[0] : i32 from vector<1xi32>
        %shift_right_logical3A_2450 = arith.constant 7 : i32
        %shift_right_logical3A_2451 = arith.shrui %squeeze3A_2449, %shift_right_logical3A_2450 : i32
        %mul3A_2452 = arith.constant 128 : i32
        %mul3A_2453 = arith.muli %shift_right_logical3A_2451, %mul3A_2452 : i32
        %multiple_of3A_2454 = tpu.assume_multiple %mul3A_2453, 128 : i32
        %dma_start3A_2455 = arith.constant 4 : i32
        %dma_start3A_2456 = arith.constant 0 : i32
        %dma_start3A_2457 = arith.constant 0 : i32
        %dma_start3A_2458 = tpu.memref_slice %arg6[%dma_start3A_2455, %dma_start3A_2456, %dma_start3A_2457] : memref<32x16x128xf32, #tpu.memory_space<vmem>> -> memref<1x16x128xf32, #tpu.memory_space<vmem>>
        %dma_start3A_2459 = tpu.memref_squeeze %dma_start3A_2458 : memref<1x16x128xf32, #tpu.memory_space<vmem>> -> memref<16x128xf32, #tpu.memory_space<vmem>>
        %dma_start3A_2460 = arith.constant 0 : i32
        %dma_start3A_2461 = tpu.memref_slice %arg3[%dma_start3A_2460, %multiple_of3A_2454] : memref<16x1000000xf32, #tpu.memory_space<hbm>> -> memref<16x128xf32, #tpu.memory_space<hbm>>
        %dma_start3A_2462 = arith.constant 0 : i32
        %dma_start3A_2463 = arith.constant 0 : i32
        %dma_start3A_2464 = tpu.memref_slice %arg6[%dma_start3A_2455, %dma_start3A_2462, %dma_start3A_2463] : memref<32x16x128xf32, #tpu.memory_space<vmem>> -> memref<1x16x128xf32, #tpu.memory_space<vmem>>
        %dma_start3A_2465 = tpu.memref_squeeze %dma_start3A_2464 : memref<1x16x128xf32, #tpu.memory_space<vmem>> -> memref<16x128xf32, #tpu.memory_space<vmem>>
        %dma_start3A_2466 = arith.constant 0 : i32
        %dma_start3A_2467 = tpu.memref_slice %arg3[%dma_start3A_2466, %multiple_of3A_2454] : memref<16x1000000xf32, #tpu.memory_space<hbm>> -> memref<16x128xf32, #tpu.memory_space<hbm>>
        tpu.enqueue_dma source(%dma_start3A_2467 : memref<16x128xf32, #tpu.memory_space<hbm>>) target(%dma_start3A_2465 : memref<16x128xf32, #tpu.memory_space<vmem>>) target_semaphore(%arg8 : memref<!tpu.dma_semaphore, #tpu.memory_space<semaphore_mem>>)
        %slice3A_2468 = vector.extract_strided_slice %get3A_2367 {offsets = [5], sizes = [1], strides = [1]} : vector<16xi32> to vector<1xi32>
        %squeeze3A_2469 = vector.extract %slice3A_2468[0] : i32 from vector<1xi32>
        %shift_right_logical3A_2470 = arith.constant 7 : i32
        %shift_right_logical3A_2471 = arith.shrui %squeeze3A_2469, %shift_right_logical3A_2470 : i32
        %mul3A_2472 = arith.constant 128 : i32
        %mul3A_2473 = arith.muli %shift_right_logical3A_2471, %mul3A_2472 : i32
        %multiple_of3A_2474 = tpu.assume_multiple %mul3A_2473, 128 : i32
        %dma_start3A_2475 = arith.constant 5 : i32
        %dma_start3A_2476 = arith.constant 0 : i32
        %dma_start3A_2477 = arith.constant 0 : i32
        %dma_start3A_2478 = tpu.memref_slice %arg6[%dma_start3A_2475, %dma_start3A_2476, %dma_start3A_2477] : memref<32x16x128xf32, #tpu.memory_space<vmem>> -> memref<1x16x128xf32, #tpu.memory_space<vmem>>
        %dma_start3A_2479 = tpu.memref_squeeze %dma_start3A_2478 : memref<1x16x128xf32, #tpu.memory_space<vmem>> -> memref<16x128xf32, #tpu.memory_space<vmem>>
        %dma_start3A_2480 = arith.constant 0 : i32
        %dma_start3A_2481 = tpu.memref_slice %arg3[%dma_start3A_2480, %multiple_of3A_2474] : memref<16x1000000xf32, #tpu.memory_space<hbm>> -> memref<16x128xf32, #tpu.memory_space<hbm>>
        %dma_start3A_2482 = arith.constant 0 : i32
        %dma_start3A_2483 = arith.constant 0 : i32
        %dma_start3A_2484 = tpu.memref_slice %arg6[%dma_start3A_2475, %dma_start3A_2482, %dma_start3A_2483] : memref<32x16x128xf32, #tpu.memory_space<vmem>> -> memref<1x16x128xf32, #tpu.memory_space<vmem>>
        %dma_start3A_2485 = tpu.memref_squeeze %dma_start3A_2484 : memref<1x16x128xf32, #tpu.memory_space<vmem>> -> memref<16x128xf32, #tpu.memory_space<vmem>>
        %dma_start3A_2486 = arith.constant 0 : i32
        %dma_start3A_2487 = tpu.memref_slice %arg3[%dma_start3A_2486, %multiple_of3A_2474] : memref<16x1000000xf32, #tpu.memory_space<hbm>> -> memref<16x128xf32, #tpu.memory_space<hbm>>
        tpu.enqueue_dma source(%dma_start3A_2487 : memref<16x128xf32, #tpu.memory_space<hbm>>) target(%dma_start3A_2485 : memref<16x128xf32, #tpu.memory_space<vmem>>) target_semaphore(%arg8 : memref<!tpu.dma_semaphore, #tpu.memory_space<semaphore_mem>>)
        %slice3A_2488 = vector.extract_strided_slice %get3A_2367 {offsets = [6], sizes = [1], strides = [1]} : vector<16xi32> to vector<1xi32>
        %squeeze3A_2489 = vector.extract %slice3A_2488[0] : i32 from vector<1xi32>
        %shift_right_logical3A_2490 = arith.constant 7 : i32
        %shift_right_logical3A_2491 = arith.shrui %squeeze3A_2489, %shift_right_logical3A_2490 : i32
        %mul3A_2492 = arith.constant 128 : i32
        %mul3A_2493 = arith.muli %shift_right_logical3A_2491, %mul3A_2492 : i32
        %multiple_of3A_2494 = tpu.assume_multiple %mul3A_2493, 128 : i32
        %dma_start3A_2495 = arith.constant 6 : i32
        %dma_start3A_2496 = arith.constant 0 : i32
        %dma_start3A_2497 = arith.constant 0 : i32
        %dma_start3A_2498 = tpu.memref_slice %arg6[%dma_start3A_2495, %dma_start3A_2496, %dma_start3A_2497] : memref<32x16x128xf32, #tpu.memory_space<vmem>> -> memref<1x16x128xf32, #tpu.memory_space<vmem>>
        %dma_start3A_2499 = tpu.memref_squeeze %dma_start3A_2498 : memref<1x16x128xf32, #tpu.memory_space<vmem>> -> memref<16x128xf32, #tpu.memory_space<vmem>>
        %dma_start3A_2500 = arith.constant 0 : i32
        %dma_start3A_2501 = tpu.memref_slice %arg3[%dma_start3A_2500, %multiple_of3A_2494] : memref<16x1000000xf32, #tpu.memory_space<hbm>> -> memref<16x128xf32, #tpu.memory_space<hbm>>
        %dma_start3A_2502 = arith.constant 0 : i32
        %dma_start3A_2503 = arith.constant 0 : i32
        %dma_start3A_2504 = tpu.memref_slice %arg6[%dma_start3A_2495, %dma_start3A_2502, %dma_start3A_2503] : memref<32x16x128xf32, #tpu.memory_space<vmem>> -> memref<1x16x128xf32, #tpu.memory_space<vmem>>
        %dma_start3A_2505 = tpu.memref_squeeze %dma_start3A_2504 : memref<1x16x128xf32, #tpu.memory_space<vmem>> -> memref<16x128xf32, #tpu.memory_space<vmem>>
        %dma_start3A_2506 = arith.constant 0 : i32
        %dma_start3A_2507 = tpu.memref_slice %arg3[%dma_start3A_2506, %multiple_of3A_2494] : memref<16x1000000xf32, #tpu.memory_space<hbm>> -> memref<16x128xf32, #tpu.memory_space<hbm>>
        tpu.enqueue_dma source(%dma_start3A_2507 : memref<16x128xf32, #tpu.memory_space<hbm>>) target(%dma_start3A_2505 : memref<16x128xf32, #tpu.memory_space<vmem>>) target_semaphore(%arg8 : memref<!tpu.dma_semaphore, #tpu.memory_space<semaphore_mem>>)
        %slice3A_2508 = vector.extract_strided_slice %get3A_2367 {offsets = [7], sizes = [1], strides = [1]} : vector<16xi32> to vector<1xi32>
        %squeeze3A_2509 = vector.extract %slice3A_2508[0] : i32 from vector<1xi32>
        %shift_right_logical3A_2510 = arith.constant 7 : i32
        %shift_right_logical3A_2511 = arith.shrui %squeeze3A_2509, %shift_right_logical3A_2510 : i32
        %mul3A_2512 = arith.constant 128 : i32
        %mul3A_2513 = arith.muli %shift_right_logical3A_2511, %mul3A_2512 : i32
        %multiple_of3A_2514 = tpu.assume_multiple %mul3A_2513, 128 : i32
        %dma_start3A_2515 = arith.constant 7 : i32
        %dma_start3A_2516 = arith.constant 0 : i32
        %dma_start3A_2517 = arith.constant 0 : i32
        %dma_start3A_2518 = tpu.memref_slice %arg6[%dma_start3A_2515, %dma_start3A_2516, %dma_start3A_2517] : memref<32x16x128xf32, #tpu.memory_space<vmem>> -> memref<1x16x128xf32, #tpu.memory_space<vmem>>
        %dma_start3A_2519 = tpu.memref_squeeze %dma_start3A_2518 : memref<1x16x128xf32, #tpu.memory_space<vmem>> -> memref<16x128xf32, #tpu.memory_space<vmem>>
        %dma_start3A_2520 = arith.constant 0 : i32
        %dma_start3A_2521 = tpu.memref_slice %arg3[%dma_start3A_2520, %multiple_of3A_2514] : memref<16x1000000xf32, #tpu.memory_space<hbm>> -> memref<16x128xf32, #tpu.memory_space<hbm>>
        %dma_start3A_2522 = arith.constant 0 : i32
        %dma_start3A_2523 = arith.constant 0 : i32
        %dma_start3A_2524 = tpu.memref_slice %arg6[%dma_start3A_2515, %dma_start3A_2522, %dma_start3A_2523] : memref<32x16x128xf32, #tpu.memory_space<vmem>> -> memref<1x16x128xf32, #tpu.memory_space<vmem>>
        %dma_start3A_2525 = tpu.memref_squeeze %dma_start3A_2524 : memref<1x16x128xf32, #tpu.memory_space<vmem>> -> memref<16x128xf32, #tpu.memory_space<vmem>>
        %dma_start3A_2526 = arith.constant 0 : i32
        %dma_start3A_2527 = tpu.memref_slice %arg3[%dma_start3A_2526, %multiple_of3A_2514] : memref<16x1000000xf32, #tpu.memory_space<hbm>> -> memref<16x128xf32, #tpu.memory_space<hbm>>
        tpu.enqueue_dma source(%dma_start3A_2527 : memref<16x128xf32, #tpu.memory_space<hbm>>) target(%dma_start3A_2525 : memref<16x128xf32, #tpu.memory_space<vmem>>) target_semaphore(%arg8 : memref<!tpu.dma_semaphore, #tpu.memory_space<semaphore_mem>>)
        %slice3A_2528 = vector.extract_strided_slice %get3A_2367 {offsets = [8], sizes = [1], strides = [1]} : vector<16xi32> to vector<1xi32>
        %squeeze3A_2529 = vector.extract %slice3A_2528[0] : i32 from vector<1xi32>
        %shift_right_logical3A_2530 = arith.constant 7 : i32
        %shift_right_logical3A_2531 = arith.shrui %squeeze3A_2529, %shift_right_logical3A_2530 : i32
        %mul3A_2532 = arith.constant 128 : i32
        %mul3A_2533 = arith.muli %shift_right_logical3A_2531, %mul3A_2532 : i32
        %multiple_of3A_2534 = tpu.assume_multiple %mul3A_2533, 128 : i32
        %dma_start3A_2535 = arith.constant 8 : i32
        %dma_start3A_2536 = arith.constant 0 : i32
        %dma_start3A_2537 = arith.constant 0 : i32
        %dma_start3A_2538 = tpu.memref_slice %arg6[%dma_start3A_2535, %dma_start3A_2536, %dma_start3A_2537] : memref<32x16x128xf32, #tpu.memory_space<vmem>> -> memref<1x16x128xf32, #tpu.memory_space<vmem>>
        %dma_start3A_2539 = tpu.memref_squeeze %dma_start3A_2538 : memref<1x16x128xf32, #tpu.memory_space<vmem>> -> memref<16x128xf32, #tpu.memory_space<vmem>>
        %dma_start3A_2540 = arith.constant 0 : i32
        %dma_start3A_2541 = tpu.memref_slice %arg3[%dma_start3A_2540, %multiple_of3A_2534] : memref<16x1000000xf32, #tpu.memory_space<hbm>> -> memref<16x128xf32, #tpu.memory_space<hbm>>
        %dma_start3A_2542 = arith.constant 0 : i32
        %dma_start3A_2543 = arith.constant 0 : i32
        %dma_start3A_2544 = tpu.memref_slice %arg6[%dma_start3A_2535, %dma_start3A_2542, %dma_start3A_2543] : memref<32x16x128xf32, #tpu.memory_space<vmem>> -> memref<1x16x128xf32, #tpu.memory_space<vmem>>
        %dma_start3A_2545 = tpu.memref_squeeze %dma_start3A_2544 : memref<1x16x128xf32, #tpu.memory_space<vmem>> -> memref<16x128xf32, #tpu.memory_space<vmem>>
        %dma_start3A_2546 = arith.constant 0 : i32
        %dma_start3A_2547 = tpu.memref_slice %arg3[%dma_start3A_2546, %multiple_of3A_2534] : memref<16x1000000xf32, #tpu.memory_space<hbm>> -> memref<16x128xf32, #tpu.memory_space<hbm>>
        tpu.enqueue_dma source(%dma_start3A_2547 : memref<16x128xf32, #tpu.memory_space<hbm>>) target(%dma_start3A_2545 : memref<16x128xf32, #tpu.memory_space<vmem>>) target_semaphore(%arg8 : memref<!tpu.dma_semaphore, #tpu.memory_space<semaphore_mem>>)
        %slice3A_2548 = vector.extract_strided_slice %get3A_2367 {offsets = [9], sizes = [1], strides = [1]} : vector<16xi32> to vector<1xi32>
        %squeeze3A_2549 = vector.extract %slice3A_2548[0] : i32 from vector<1xi32>
        %shift_right_logical3A_2550 = arith.constant 7 : i32
        %shift_right_logical3A_2551 = arith.shrui %squeeze3A_2549, %shift_right_logical3A_2550 : i32
        %mul3A_2552 = arith.constant 128 : i32
        %mul3A_2553 = arith.muli %shift_right_logical3A_2551, %mul3A_2552 : i32
        %multiple_of3A_2554 = tpu.assume_multiple %mul3A_2553, 128 : i32
        %dma_start3A_2555 = arith.constant 9 : i32
        %dma_start3A_2556 = arith.constant 0 : i32
        %dma_start3A_2557 = arith.constant 0 : i32
        %dma_start3A_2558 = tpu.memref_slice %arg6[%dma_start3A_2555, %dma_start3A_2556, %dma_start3A_2557] : memref<32x16x128xf32, #tpu.memory_space<vmem>> -> memref<1x16x128xf32, #tpu.memory_space<vmem>>
        %dma_start3A_2559 = tpu.memref_squeeze %dma_start3A_2558 : memref<1x16x128xf32, #tpu.memory_space<vmem>> -> memref<16x128xf32, #tpu.memory_space<vmem>>
        %dma_start3A_2560 = arith.constant 0 : i32
        %dma_start3A_2561 = tpu.memref_slice %arg3[%dma_start3A_2560, %multiple_of3A_2554] : memref<16x1000000xf32, #tpu.memory_space<hbm>> -> memref<16x128xf32, #tpu.memory_space<hbm>>
        %dma_start3A_2562 = arith.constant 0 : i32
        %dma_start3A_2563 = arith.constant 0 : i32
        %dma_start3A_2564 = tpu.memref_slice %arg6[%dma_start3A_2555, %dma_start3A_2562, %dma_start3A_2563] : memref<32x16x128xf32, #tpu.memory_space<vmem>> -> memref<1x16x128xf32, #tpu.memory_space<vmem>>
        %dma_start3A_2565 = tpu.memref_squeeze %dma_start3A_2564 : memref<1x16x128xf32, #tpu.memory_space<vmem>> -> memref<16x128xf32, #tpu.memory_space<vmem>>
        %dma_start3A_2566 = arith.constant 0 : i32
        %dma_start3A_2567 = tpu.memref_slice %arg3[%dma_start3A_2566, %multiple_of3A_2554] : memref<16x1000000xf32, #tpu.memory_space<hbm>> -> memref<16x128xf32, #tpu.memory_space<hbm>>
        tpu.enqueue_dma source(%dma_start3A_2567 : memref<16x128xf32, #tpu.memory_space<hbm>>) target(%dma_start3A_2565 : memref<16x128xf32, #tpu.memory_space<vmem>>) target_semaphore(%arg8 : memref<!tpu.dma_semaphore, #tpu.memory_space<semaphore_mem>>)
        %slice3A_2568 = vector.extract_strided_slice %get3A_2367 {offsets = [10], sizes = [1], strides = [1]} : vector<16xi32> to vector<1xi32>
        %squeeze3A_2569 = vector.extract %slice3A_2568[0] : i32 from vector<1xi32>
        %shift_right_logical3A_2570 = arith.constant 7 : i32
        %shift_right_logical3A_2571 = arith.shrui %squeeze3A_2569, %shift_right_logical3A_2570 : i32
        %mul3A_2572 = arith.constant 128 : i32
        %mul3A_2573 = arith.muli %shift_right_logical3A_2571, %mul3A_2572 : i32
        %multiple_of3A_2574 = tpu.assume_multiple %mul3A_2573, 128 : i32
        %dma_start3A_2575 = arith.constant 10 : i32
        %dma_start3A_2576 = arith.constant 0 : i32
        %dma_start3A_2577 = arith.constant 0 : i32
        %dma_start3A_2578 = tpu.memref_slice %arg6[%dma_start3A_2575, %dma_start3A_2576, %dma_start3A_2577] : memref<32x16x128xf32, #tpu.memory_space<vmem>> -> memref<1x16x128xf32, #tpu.memory_space<vmem>>
        %dma_start3A_2579 = tpu.memref_squeeze %dma_start3A_2578 : memref<1x16x128xf32, #tpu.memory_space<vmem>> -> memref<16x128xf32, #tpu.memory_space<vmem>>
        %dma_start3A_2580 = arith.constant 0 : i32
        %dma_start3A_2581 = tpu.memref_slice %arg3[%dma_start3A_2580, %multiple_of3A_2574] : memref<16x1000000xf32, #tpu.memory_space<hbm>> -> memref<16x128xf32, #tpu.memory_space<hbm>>
        %dma_start3A_2582 = arith.constant 0 : i32
        %dma_start3A_2583 = arith.constant 0 : i32
        %dma_start3A_2584 = tpu.memref_slice %arg6[%dma_start3A_2575, %dma_start3A_2582, %dma_start3A_2583] : memref<32x16x128xf32, #tpu.memory_space<vmem>> -> memref<1x16x128xf32, #tpu.memory_space<vmem>>
        %dma_start3A_2585 = tpu.memref_squeeze %dma_start3A_2584 : memref<1x16x128xf32, #tpu.memory_space<vmem>> -> memref<16x128xf32, #tpu.memory_space<vmem>>
        %dma_start3A_2586 = arith.constant 0 : i32
        %dma_start3A_2587 = tpu.memref_slice %arg3[%dma_start3A_2586, %multiple_of3A_2574] : memref<16x1000000xf32, #tpu.memory_space<hbm>> -> memref<16x128xf32, #tpu.memory_space<hbm>>
        tpu.enqueue_dma source(%dma_start3A_2587 : memref<16x128xf32, #tpu.memory_space<hbm>>) target(%dma_start3A_2585 : memref<16x128xf32, #tpu.memory_space<vmem>>) target_semaphore(%arg8 : memref<!tpu.dma_semaphore, #tpu.memory_space<semaphore_mem>>)
        %slice3A_2588 = vector.extract_strided_slice %get3A_2367 {offsets = [11], sizes = [1], strides = [1]} : vector<16xi32> to vector<1xi32>
        %squeeze3A_2589 = vector.extract %slice3A_2588[0] : i32 from vector<1xi32>
        %shift_right_logical3A_2590 = arith.constant 7 : i32
        %shift_right_logical3A_2591 = arith.shrui %squeeze3A_2589, %shift_right_logical3A_2590 : i32
        %mul3A_2592 = arith.constant 128 : i32
        %mul3A_2593 = arith.muli %shift_right_logical3A_2591, %mul3A_2592 : i32
        %multiple_of3A_2594 = tpu.assume_multiple %mul3A_2593, 128 : i32
        %dma_start3A_2595 = arith.constant 11 : i32
        %dma_start3A_2596 = arith.constant 0 : i32
        %dma_start3A_2597 = arith.constant 0 : i32
        %dma_start3A_2598 = tpu.memref_slice %arg6[%dma_start3A_2595, %dma_start3A_2596, %dma_start3A_2597] : memref<32x16x128xf32, #tpu.memory_space<vmem>> -> memref<1x16x128xf32, #tpu.memory_space<vmem>>
        %dma_start3A_2599 = tpu.memref_squeeze %dma_start3A_2598 : memref<1x16x128xf32, #tpu.memory_space<vmem>> -> memref<16x128xf32, #tpu.memory_space<vmem>>
        %dma_start3A_2600 = arith.constant 0 : i32
        %dma_start3A_2601 = tpu.memref_slice %arg3[%dma_start3A_2600, %multiple_of3A_2594] : memref<16x1000000xf32, #tpu.memory_space<hbm>> -> memref<16x128xf32, #tpu.memory_space<hbm>>
        %dma_start3A_2602 = arith.constant 0 : i32
        %dma_start3A_2603 = arith.constant 0 : i32
        %dma_start3A_2604 = tpu.memref_slice %arg6[%dma_start3A_2595, %dma_start3A_2602, %dma_start3A_2603] : memref<32x16x128xf32, #tpu.memory_space<vmem>> -> memref<1x16x128xf32, #tpu.memory_space<vmem>>
        %dma_start3A_2605 = tpu.memref_squeeze %dma_start3A_2604 : memref<1x16x128xf32, #tpu.memory_space<vmem>> -> memref<16x128xf32, #tpu.memory_space<vmem>>
        %dma_start3A_2606 = arith.constant 0 : i32
        %dma_start3A_2607 = tpu.memref_slice %arg3[%dma_start3A_2606, %multiple_of3A_2594] : memref<16x1000000xf32, #tpu.memory_space<hbm>> -> memref<16x128xf32, #tpu.memory_space<hbm>>
        tpu.enqueue_dma source(%dma_start3A_2607 : memref<16x128xf32, #tpu.memory_space<hbm>>) target(%dma_start3A_2605 : memref<16x128xf32, #tpu.memory_space<vmem>>) target_semaphore(%arg8 : memref<!tpu.dma_semaphore, #tpu.memory_space<semaphore_mem>>)
        %slice3A_2608 = vector.extract_strided_slice %get3A_2367 {offsets = [12], sizes = [1], strides = [1]} : vector<16xi32> to vector<1xi32>
        %squeeze3A_2609 = vector.extract %slice3A_2608[0] : i32 from vector<1xi32>
        %shift_right_logical3A_2610 = arith.constant 7 : i32
        %shift_right_logical3A_2611 = arith.shrui %squeeze3A_2609, %shift_right_logical3A_2610 : i32
        %mul3A_2612 = arith.constant 128 : i32
        %mul3A_2613 = arith.muli %shift_right_logical3A_2611, %mul3A_2612 : i32
        %multiple_of3A_2614 = tpu.assume_multiple %mul3A_2613, 128 : i32
        %dma_start3A_2615 = arith.constant 12 : i32
        %dma_start3A_2616 = arith.constant 0 : i32
        %dma_start3A_2617 = arith.constant 0 : i32
        %dma_start3A_2618 = tpu.memref_slice %arg6[%dma_start3A_2615, %dma_start3A_2616, %dma_start3A_2617] : memref<32x16x128xf32, #tpu.memory_space<vmem>> -> memref<1x16x128xf32, #tpu.memory_space<vmem>>
        %dma_start3A_2619 = tpu.memref_squeeze %dma_start3A_2618 : memref<1x16x128xf32, #tpu.memory_space<vmem>> -> memref<16x128xf32, #tpu.memory_space<vmem>>
        %dma_start3A_2620 = arith.constant 0 : i32
        %dma_start3A_2621 = tpu.memref_slice %arg3[%dma_start3A_2620, %multiple_of3A_2614] : memref<16x1000000xf32, #tpu.memory_space<hbm>> -> memref<16x128xf32, #tpu.memory_space<hbm>>
        %dma_start3A_2622 = arith.constant 0 : i32
        %dma_start3A_2623 = arith.constant 0 : i32
        %dma_start3A_2624 = tpu.memref_slice %arg6[%dma_start3A_2615, %dma_start3A_2622, %dma_start3A_2623] : memref<32x16x128xf32, #tpu.memory_space<vmem>> -> memref<1x16x128xf32, #tpu.memory_space<vmem>>
        %dma_start3A_2625 = tpu.memref_squeeze %dma_start3A_2624 : memref<1x16x128xf32, #tpu.memory_space<vmem>> -> memref<16x128xf32, #tpu.memory_space<vmem>>
        %dma_start3A_2626 = arith.constant 0 : i32
        %dma_start3A_2627 = tpu.memref_slice %arg3[%dma_start3A_2626, %multiple_of3A_2614] : memref<16x1000000xf32, #tpu.memory_space<hbm>> -> memref<16x128xf32, #tpu.memory_space<hbm>>
        tpu.enqueue_dma source(%dma_start3A_2627 : memref<16x128xf32, #tpu.memory_space<hbm>>) target(%dma_start3A_2625 : memref<16x128xf32, #tpu.memory_space<vmem>>) target_semaphore(%arg8 : memref<!tpu.dma_semaphore, #tpu.memory_space<semaphore_mem>>)
        %slice3A_2628 = vector.extract_strided_slice %get3A_2367 {offsets = [13], sizes = [1], strides = [1]} : vector<16xi32> to vector<1xi32>
        %squeeze3A_2629 = vector.extract %slice3A_2628[0] : i32 from vector<1xi32>
        %shift_right_logical3A_2630 = arith.constant 7 : i32
        %shift_right_logical3A_2631 = arith.shrui %squeeze3A_2629, %shift_right_logical3A_2630 : i32
        %mul3A_2632 = arith.constant 128 : i32
        %mul3A_2633 = arith.muli %shift_right_logical3A_2631, %mul3A_2632 : i32
        %multiple_of3A_2634 = tpu.assume_multiple %mul3A_2633, 128 : i32
        %dma_start3A_2635 = arith.constant 13 : i32
        %dma_start3A_2636 = arith.constant 0 : i32
        %dma_start3A_2637 = arith.constant 0 : i32
        %dma_start3A_2638 = tpu.memref_slice %arg6[%dma_start3A_2635, %dma_start3A_2636, %dma_start3A_2637] : memref<32x16x128xf32, #tpu.memory_space<vmem>> -> memref<1x16x128xf32, #tpu.memory_space<vmem>>
        %dma_start3A_2639 = tpu.memref_squeeze %dma_start3A_2638 : memref<1x16x128xf32, #tpu.memory_space<vmem>> -> memref<16x128xf32, #tpu.memory_space<vmem>>
        %dma_start3A_2640 = arith.constant 0 : i32
        %dma_start3A_2641 = tpu.memref_slice %arg3[%dma_start3A_2640, %multiple_of3A_2634] : memref<16x1000000xf32, #tpu.memory_space<hbm>> -> memref<16x128xf32, #tpu.memory_space<hbm>>
        %dma_start3A_2642 = arith.constant 0 : i32
        %dma_start3A_2643 = arith.constant 0 : i32
        %dma_start3A_2644 = tpu.memref_slice %arg6[%dma_start3A_2635, %dma_start3A_2642, %dma_start3A_2643] : memref<32x16x128xf32, #tpu.memory_space<vmem>> -> memref<1x16x128xf32, #tpu.memory_space<vmem>>
        %dma_start3A_2645 = tpu.memref_squeeze %dma_start3A_2644 : memref<1x16x128xf32, #tpu.memory_space<vmem>> -> memref<16x128xf32, #tpu.memory_space<vmem>>
        %dma_start3A_2646 = arith.constant 0 : i32
        %dma_start3A_2647 = tpu.memref_slice %arg3[%dma_start3A_2646, %multiple_of3A_2634] : memref<16x1000000xf32, #tpu.memory_space<hbm>> -> memref<16x128xf32, #tpu.memory_space<hbm>>
        tpu.enqueue_dma source(%dma_start3A_2647 : memref<16x128xf32, #tpu.memory_space<hbm>>) target(%dma_start3A_2645 : memref<16x128xf32, #tpu.memory_space<vmem>>) target_semaphore(%arg8 : memref<!tpu.dma_semaphore, #tpu.memory_space<semaphore_mem>>)
        %slice3A_2648 = vector.extract_strided_slice %get3A_2367 {offsets = [14], sizes = [1], strides = [1]} : vector<16xi32> to vector<1xi32>
        %squeeze3A_2649 = vector.extract %slice3A_2648[0] : i32 from vector<1xi32>
        %shift_right_logical3A_2650 = arith.constant 7 : i32
        %shift_right_logical3A_2651 = arith.shrui %squeeze3A_2649, %shift_right_logical3A_2650 : i32
        %mul3A_2652 = arith.constant 128 : i32
        %mul3A_2653 = arith.muli %shift_right_logical3A_2651, %mul3A_2652 : i32
        %multiple_of3A_2654 = tpu.assume_multiple %mul3A_2653, 128 : i32
        %dma_start3A_2655 = arith.constant 14 : i32
        %dma_start3A_2656 = arith.constant 0 : i32
        %dma_start3A_2657 = arith.constant 0 : i32
        %dma_start3A_2658 = tpu.memref_slice %arg6[%dma_start3A_2655, %dma_start3A_2656, %dma_start3A_2657] : memref<32x16x128xf32, #tpu.memory_space<vmem>> -> memref<1x16x128xf32, #tpu.memory_space<vmem>>
        %dma_start3A_2659 = tpu.memref_squeeze %dma_start3A_2658 : memref<1x16x128xf32, #tpu.memory_space<vmem>> -> memref<16x128xf32, #tpu.memory_space<vmem>>
        %dma_start3A_2660 = arith.constant 0 : i32
        %dma_start3A_2661 = tpu.memref_slice %arg3[%dma_start3A_2660, %multiple_of3A_2654] : memref<16x1000000xf32, #tpu.memory_space<hbm>> -> memref<16x128xf32, #tpu.memory_space<hbm>>
        %dma_start3A_2662 = arith.constant 0 : i32
        %dma_start3A_2663 = arith.constant 0 : i32
        %dma_start3A_2664 = tpu.memref_slice %arg6[%dma_start3A_2655, %dma_start3A_2662, %dma_start3A_2663] : memref<32x16x128xf32, #tpu.memory_space<vmem>> -> memref<1x16x128xf32, #tpu.memory_space<vmem>>
        %dma_start3A_2665 = tpu.memref_squeeze %dma_start3A_2664 : memref<1x16x128xf32, #tpu.memory_space<vmem>> -> memref<16x128xf32, #tpu.memory_space<vmem>>
        %dma_start3A_2666 = arith.constant 0 : i32
        %dma_start3A_2667 = tpu.memref_slice %arg3[%dma_start3A_2666, %multiple_of3A_2654] : memref<16x1000000xf32, #tpu.memory_space<hbm>> -> memref<16x128xf32, #tpu.memory_space<hbm>>
        tpu.enqueue_dma source(%dma_start3A_2667 : memref<16x128xf32, #tpu.memory_space<hbm>>) target(%dma_start3A_2665 : memref<16x128xf32, #tpu.memory_space<vmem>>) target_semaphore(%arg8 : memref<!tpu.dma_semaphore, #tpu.memory_space<semaphore_mem>>)
        %slice3A_2668 = vector.extract_strided_slice %get3A_2367 {offsets = [15], sizes = [1], strides = [1]} : vector<16xi32> to vector<1xi32>
        %squeeze3A_2669 = vector.extract %slice3A_2668[0] : i32 from vector<1xi32>
        %shift_right_logical3A_2670 = arith.constant 7 : i32
        %shift_right_logical3A_2671 = arith.shrui %squeeze3A_2669, %shift_right_logical3A_2670 : i32
        %mul3A_2672 = arith.constant 128 : i32
        %mul3A_2673 = arith.muli %shift_right_logical3A_2671, %mul3A_2672 : i32
        %multiple_of3A_2674 = tpu.assume_multiple %mul3A_2673, 128 : i32
        %dma_start3A_2675 = arith.constant 15 : i32
        %dma_start3A_2676 = arith.constant 0 : i32
        %dma_start3A_2677 = arith.constant 0 : i32
        %dma_start3A_2678 = tpu.memref_slice %arg6[%dma_start3A_2675, %dma_start3A_2676, %dma_start3A_2677] : memref<32x16x128xf32, #tpu.memory_space<vmem>> -> memref<1x16x128xf32, #tpu.memory_space<vmem>>
        %dma_start3A_2679 = tpu.memref_squeeze %dma_start3A_2678 : memref<1x16x128xf32, #tpu.memory_space<vmem>> -> memref<16x128xf32, #tpu.memory_space<vmem>>
        %dma_start3A_2680 = arith.constant 0 : i32
        %dma_start3A_2681 = tpu.memref_slice %arg3[%dma_start3A_2680, %multiple_of3A_2674] : memref<16x1000000xf32, #tpu.memory_space<hbm>> -> memref<16x128xf32, #tpu.memory_space<hbm>>
        %dma_start3A_2682 = arith.constant 0 : i32
        %dma_start3A_2683 = arith.constant 0 : i32
        %dma_start3A_2684 = tpu.memref_slice %arg6[%dma_start3A_2675, %dma_start3A_2682, %dma_start3A_2683] : memref<32x16x128xf32, #tpu.memory_space<vmem>> -> memref<1x16x128xf32, #tpu.memory_space<vmem>>
        %dma_start3A_2685 = tpu.memref_squeeze %dma_start3A_2684 : memref<1x16x128xf32, #tpu.memory_space<vmem>> -> memref<16x128xf32, #tpu.memory_space<vmem>>
        %dma_start3A_2686 = arith.constant 0 : i32
        %dma_start3A_2687 = tpu.memref_slice %arg3[%dma_start3A_2686, %multiple_of3A_2674] : memref<16x1000000xf32, #tpu.memory_space<hbm>> -> memref<16x128xf32, #tpu.memory_space<hbm>>
        tpu.enqueue_dma source(%dma_start3A_2687 : memref<16x128xf32, #tpu.memory_space<hbm>>) target(%dma_start3A_2685 : memref<16x128xf32, #tpu.memory_space<vmem>>) target_semaphore(%arg8 : memref<!tpu.dma_semaphore, #tpu.memory_space<semaphore_mem>>)
      } else {
      }
      %dma_wait3A_1503 = arith.constant 0 : i32
      %dma_wait3A_1504 = arith.constant 0 : i32
      %dma_wait3A_1505 = arith.constant 0 : i32
      %dma_wait3A_1506 = tpu.memref_slice %arg6[%dma_wait3A_1503, %dma_wait3A_1504, %dma_wait3A_1505] : memref<32x16x128xf32, #tpu.memory_space<vmem>> -> memref<1x16x128xf32, #tpu.memory_space<vmem>>
      %dma_wait3A_1507 = tpu.memref_squeeze %dma_wait3A_1506 : memref<1x16x128xf32, #tpu.memory_space<vmem>> -> memref<16x128xf32, #tpu.memory_space<vmem>>
      %dma_wait3A_1508 = arith.constant 0 : i32
      %dma_wait3A_1509 = arith.constant 0 : i32
      %dma_wait3A_1510 = tpu.memref_slice %arg3[%dma_wait3A_1508, %dma_wait3A_1509] : memref<16x1000000xf32, #tpu.memory_space<hbm>> -> memref<16x128xf32, #tpu.memory_space<hbm>>
      %dma_wait3A_1511 = arith.constant 0 : i32
      %dma_wait3A_1512 = arith.constant 0 : i32
      %dma_wait3A_1513 = tpu.memref_slice %arg6[%dma_wait3A_1503, %dma_wait3A_1511, %dma_wait3A_1512] : memref<32x16x128xf32, #tpu.memory_space<vmem>> -> memref<1x16x128xf32, #tpu.memory_space<vmem>>
      %dma_wait3A_1514 = tpu.memref_squeeze %dma_wait3A_1513 : memref<1x16x128xf32, #tpu.memory_space<vmem>> -> memref<16x128xf32, #tpu.memory_space<vmem>>
      %dma_wait3A_1515 = arith.constant 0 : i32
      %dma_wait3A_1516 = arith.constant 0 : i32
      %dma_wait3A_1517 = tpu.memref_slice %arg3[%dma_wait3A_1515, %dma_wait3A_1516] : memref<16x1000000xf32, #tpu.memory_space<hbm>> -> memref<16x128xf32, #tpu.memory_space<hbm>>
      tpu.wait_dma2 semaphore(%arg9 : memref<!tpu.dma_semaphore, #tpu.memory_space<semaphore_mem>>) src(%dma_wait3A_1517 : memref<16x128xf32, #tpu.memory_space<hbm>>) dst(%dma_wait3A_1514 : memref<16x128xf32, #tpu.memory_space<vmem>>)
      %dma_wait3A_1518 = arith.constant 0 : i32
      %dma_wait3A_1519 = arith.constant 0 : i32
      %dma_wait3A_1520 = arith.constant 0 : i32
      %dma_wait3A_1521 = tpu.memref_slice %arg6[%dma_wait3A_1518, %dma_wait3A_1519, %dma_wait3A_1520] : memref<32x16x128xf32, #tpu.memory_space<vmem>> -> memref<1x16x128xf32, #tpu.memory_space<vmem>>
      %dma_wait3A_1522 = tpu.memref_squeeze %dma_wait3A_1521 : memref<1x16x128xf32, #tpu.memory_space<vmem>> -> memref<16x128xf32, #tpu.memory_space<vmem>>
      %dma_wait3A_1523 = arith.constant 0 : i32
      %dma_wait3A_1524 = arith.constant 0 : i32
      %dma_wait3A_1525 = tpu.memref_slice %arg3[%dma_wait3A_1523, %dma_wait3A_1524] : memref<16x1000000xf32, #tpu.memory_space<hbm>> -> memref<16x128xf32, #tpu.memory_space<hbm>>
      %dma_wait3A_1526 = arith.constant 0 : i32
      %dma_wait3A_1527 = arith.constant 0 : i32
      %dma_wait3A_1528 = tpu.memref_slice %arg6[%dma_wait3A_1518, %dma_wait3A_1526, %dma_wait3A_1527] : memref<32x16x128xf32, #tpu.memory_space<vmem>> -> memref<1x16x128xf32, #tpu.memory_space<vmem>>
      %dma_wait3A_1529 = tpu.memref_squeeze %dma_wait3A_1528 : memref<1x16x128xf32, #tpu.memory_space<vmem>> -> memref<16x128xf32, #tpu.memory_space<vmem>>
      %dma_wait3A_1530 = arith.constant 0 : i32
      %dma_wait3A_1531 = arith.constant 0 : i32
      %dma_wait3A_1532 = tpu.memref_slice %arg3[%dma_wait3A_1530, %dma_wait3A_1531] : memref<16x1000000xf32, #tpu.memory_space<hbm>> -> memref<16x128xf32, #tpu.memory_space<hbm>>
      tpu.wait_dma2 semaphore(%arg9 : memref<!tpu.dma_semaphore, #tpu.memory_space<semaphore_mem>>) src(%dma_wait3A_1532 : memref<16x128xf32, #tpu.memory_space<hbm>>) dst(%dma_wait3A_1529 : memref<16x128xf32, #tpu.memory_space<vmem>>)
      %dma_wait3A_1533 = arith.constant 0 : i32
      %dma_wait3A_1534 = arith.constant 0 : i32
      %dma_wait3A_1535 = arith.constant 0 : i32
      %dma_wait3A_1536 = tpu.memref_slice %arg6[%dma_wait3A_1533, %dma_wait3A_1534, %dma_wait3A_1535] : memref<32x16x128xf32, #tpu.memory_space<vmem>> -> memref<1x16x128xf32, #tpu.memory_space<vmem>>
      %dma_wait3A_1537 = tpu.memref_squeeze %dma_wait3A_1536 : memref<1x16x128xf32, #tpu.memory_space<vmem>> -> memref<16x128xf32, #tpu.memory_space<vmem>>
      %dma_wait3A_1538 = arith.constant 0 : i32
      %dma_wait3A_1539 = arith.constant 0 : i32
      %dma_wait3A_1540 = tpu.memref_slice %arg3[%dma_wait3A_1538, %dma_wait3A_1539] : memref<16x1000000xf32, #tpu.memory_space<hbm>> -> memref<16x128xf32, #tpu.memory_space<hbm>>
      %dma_wait3A_1541 = arith.constant 0 : i32
      %dma_wait3A_1542 = arith.constant 0 : i32
      %dma_wait3A_1543 = tpu.memref_slice %arg6[%dma_wait3A_1533, %dma_wait3A_1541, %dma_wait3A_1542] : memref<32x16x128xf32, #tpu.memory_space<vmem>> -> memref<1x16x128xf32, #tpu.memory_space<vmem>>
      %dma_wait3A_1544 = tpu.memref_squeeze %dma_wait3A_1543 : memref<1x16x128xf32, #tpu.memory_space<vmem>> -> memref<16x128xf32, #tpu.memory_space<vmem>>
      %dma_wait3A_1545 = arith.constant 0 : i32
      %dma_wait3A_1546 = arith.constant 0 : i32
      %dma_wait3A_1547 = tpu.memref_slice %arg3[%dma_wait3A_1545, %dma_wait3A_1546] : memref<16x1000000xf32, #tpu.memory_space<hbm>> -> memref<16x128xf32, #tpu.memory_space<hbm>>
      tpu.wait_dma2 semaphore(%arg9 : memref<!tpu.dma_semaphore, #tpu.memory_space<semaphore_mem>>) src(%dma_wait3A_1547 : memref<16x128xf32, #tpu.memory_space<hbm>>) dst(%dma_wait3A_1544 : memref<16x128xf32, #tpu.memory_space<vmem>>)
      %dma_wait3A_1548 = arith.constant 0 : i32
      %dma_wait3A_1549 = arith.constant 0 : i32
      %dma_wait3A_1550 = arith.constant 0 : i32
      %dma_wait3A_1551 = tpu.memref_slice %arg6[%dma_wait3A_1548, %dma_wait3A_1549, %dma_wait3A_1550] : memref<32x16x128xf32, #tpu.memory_space<vmem>> -> memref<1x16x128xf32, #tpu.memory_space<vmem>>
      %dma_wait3A_1552 = tpu.memref_squeeze %dma_wait3A_1551 : memref<1x16x128xf32, #tpu.memory_space<vmem>> -> memref<16x128xf32, #tpu.memory_space<vmem>>
      %dma_wait3A_1553 = arith.constant 0 : i32
      %dma_wait3A_1554 = arith.constant 0 : i32
      %dma_wait3A_1555 = tpu.memref_slice %arg3[%dma_wait3A_1553, %dma_wait3A_1554] : memref<16x1000000xf32, #tpu.memory_space<hbm>> -> memref<16x128xf32, #tpu.memory_space<hbm>>
      %dma_wait3A_1556 = arith.constant 0 : i32
      %dma_wait3A_1557 = arith.constant 0 : i32
      %dma_wait3A_1558 = tpu.memref_slice %arg6[%dma_wait3A_1548, %dma_wait3A_1556, %dma_wait3A_1557] : memref<32x16x128xf32, #tpu.memory_space<vmem>> -> memref<1x16x128xf32, #tpu.memory_space<vmem>>
      %dma_wait3A_1559 = tpu.memref_squeeze %dma_wait3A_1558 : memref<1x16x128xf32, #tpu.memory_space<vmem>> -> memref<16x128xf32, #tpu.memory_space<vmem>>
      %dma_wait3A_1560 = arith.constant 0 : i32
      %dma_wait3A_1561 = arith.constant 0 : i32
      %dma_wait3A_1562 = tpu.memref_slice %arg3[%dma_wait3A_1560, %dma_wait3A_1561] : memref<16x1000000xf32, #tpu.memory_space<hbm>> -> memref<16x128xf32, #tpu.memory_space<hbm>>
      tpu.wait_dma2 semaphore(%arg9 : memref<!tpu.dma_semaphore, #tpu.memory_space<semaphore_mem>>) src(%dma_wait3A_1562 : memref<16x128xf32, #tpu.memory_space<hbm>>) dst(%dma_wait3A_1559 : memref<16x128xf32, #tpu.memory_space<vmem>>)
      %dma_wait3A_1563 = arith.constant 0 : i32
      %dma_wait3A_1564 = arith.constant 0 : i32
      %dma_wait3A_1565 = arith.constant 0 : i32
      %dma_wait3A_1566 = tpu.memref_slice %arg6[%dma_wait3A_1563, %dma_wait3A_1564, %dma_wait3A_1565] : memref<32x16x128xf32, #tpu.memory_space<vmem>> -> memref<1x16x128xf32, #tpu.memory_space<vmem>>
      %dma_wait3A_1567 = tpu.memref_squeeze %dma_wait3A_1566 : memref<1x16x128xf32, #tpu.memory_space<vmem>> -> memref<16x128xf32, #tpu.memory_space<vmem>>
      %dma_wait3A_1568 = arith.constant 0 : i32
      %dma_wait3A_1569 = arith.constant 0 : i32
      %dma_wait3A_1570 = tpu.memref_slice %arg3[%dma_wait3A_1568, %dma_wait3A_1569] : memref<16x1000000xf32, #tpu.memory_space<hbm>> -> memref<16x128xf32, #tpu.memory_space<hbm>>
      %dma_wait3A_1571 = arith.constant 0 : i32
      %dma_wait3A_1572 = arith.constant 0 : i32
      %dma_wait3A_1573 = tpu.memref_slice %arg6[%dma_wait3A_1563, %dma_wait3A_1571, %dma_wait3A_1572] : memref<32x16x128xf32, #tpu.memory_space<vmem>> -> memref<1x16x128xf32, #tpu.memory_space<vmem>>
      %dma_wait3A_1574 = tpu.memref_squeeze %dma_wait3A_1573 : memref<1x16x128xf32, #tpu.memory_space<vmem>> -> memref<16x128xf32, #tpu.memory_space<vmem>>
      %dma_wait3A_1575 = arith.constant 0 : i32
      %dma_wait3A_1576 = arith.constant 0 : i32
      %dma_wait3A_1577 = tpu.memref_slice %arg3[%dma_wait3A_1575, %dma_wait3A_1576] : memref<16x1000000xf32, #tpu.memory_space<hbm>> -> memref<16x128xf32, #tpu.memory_space<hbm>>
      tpu.wait_dma2 semaphore(%arg9 : memref<!tpu.dma_semaphore, #tpu.memory_space<semaphore_mem>>) src(%dma_wait3A_1577 : memref<16x128xf32, #tpu.memory_space<hbm>>) dst(%dma_wait3A_1574 : memref<16x128xf32, #tpu.memory_space<vmem>>)
      %dma_wait3A_1578 = arith.constant 0 : i32
      %dma_wait3A_1579 = arith.constant 0 : i32
      %dma_wait3A_1580 = arith.constant 0 : i32
      %dma_wait3A_1581 = tpu.memref_slice %arg6[%dma_wait3A_1578, %dma_wait3A_1579, %dma_wait3A_1580] : memref<32x16x128xf32, #tpu.memory_space<vmem>> -> memref<1x16x128xf32, #tpu.memory_space<vmem>>
      %dma_wait3A_1582 = tpu.memref_squeeze %dma_wait3A_1581 : memref<1x16x128xf32, #tpu.memory_space<vmem>> -> memref<16x128xf32, #tpu.memory_space<vmem>>
      %dma_wait3A_1583 = arith.constant 0 : i32
      %dma_wait3A_1584 = arith.constant 0 : i32
      %dma_wait3A_1585 = tpu.memref_slice %arg3[%dma_wait3A_1583, %dma_wait3A_1584] : memref<16x1000000xf32, #tpu.memory_space<hbm>> -> memref<16x128xf32, #tpu.memory_space<hbm>>
      %dma_wait3A_1586 = arith.constant 0 : i32
      %dma_wait3A_1587 = arith.constant 0 : i32
      %dma_wait3A_1588 = tpu.memref_slice %arg6[%dma_wait3A_1578, %dma_wait3A_1586, %dma_wait3A_1587] : memref<32x16x128xf32, #tpu.memory_space<vmem>> -> memref<1x16x128xf32, #tpu.memory_space<vmem>>
      %dma_wait3A_1589 = tpu.memref_squeeze %dma_wait3A_1588 : memref<1x16x128xf32, #tpu.memory_space<vmem>> -> memref<16x128xf32, #tpu.memory_space<vmem>>
      %dma_wait3A_1590 = arith.constant 0 : i32
      %dma_wait3A_1591 = arith.constant 0 : i32
      %dma_wait3A_1592 = tpu.memref_slice %arg3[%dma_wait3A_1590, %dma_wait3A_1591] : memref<16x1000000xf32, #tpu.memory_space<hbm>> -> memref<16x128xf32, #tpu.memory_space<hbm>>
      tpu.wait_dma2 semaphore(%arg9 : memref<!tpu.dma_semaphore, #tpu.memory_space<semaphore_mem>>) src(%dma_wait3A_1592 : memref<16x128xf32, #tpu.memory_space<hbm>>) dst(%dma_wait3A_1589 : memref<16x128xf32, #tpu.memory_space<vmem>>)
      %dma_wait3A_1593 = arith.constant 0 : i32
      %dma_wait3A_1594 = arith.constant 0 : i32
      %dma_wait3A_1595 = arith.constant 0 : i32
      %dma_wait3A_1596 = tpu.memref_slice %arg6[%dma_wait3A_1593, %dma_wait3A_1594, %dma_wait3A_1595] : memref<32x16x128xf32, #tpu.memory_space<vmem>> -> memref<1x16x128xf32, #tpu.memory_space<vmem>>
      %dma_wait3A_1597 = tpu.memref_squeeze %dma_wait3A_1596 : memref<1x16x128xf32, #tpu.memory_space<vmem>> -> memref<16x128xf32, #tpu.memory_space<vmem>>
      %dma_wait3A_1598 = arith.constant 0 : i32
      %dma_wait3A_1599 = arith.constant 0 : i32
      %dma_wait3A_1600 = tpu.memref_slice %arg3[%dma_wait3A_1598, %dma_wait3A_1599] : memref<16x1000000xf32, #tpu.memory_space<hbm>> -> memref<16x128xf32, #tpu.memory_space<hbm>>
      %dma_wait3A_1601 = arith.constant 0 : i32
      %dma_wait3A_1602 = arith.constant 0 : i32
      %dma_wait3A_1603 = tpu.memref_slice %arg6[%dma_wait3A_1593, %dma_wait3A_1601, %dma_wait3A_1602] : memref<32x16x128xf32, #tpu.memory_space<vmem>> -> memref<1x16x128xf32, #tpu.memory_space<vmem>>
      %dma_wait3A_1604 = tpu.memref_squeeze %dma_wait3A_1603 : memref<1x16x128xf32, #tpu.memory_space<vmem>> -> memref<16x128xf32, #tpu.memory_space<vmem>>
      %dma_wait3A_1605 = arith.constant 0 : i32
      %dma_wait3A_1606 = arith.constant 0 : i32
      %dma_wait3A_1607 = tpu.memref_slice %arg3[%dma_wait3A_1605, %dma_wait3A_1606] : memref<16x1000000xf32, #tpu.memory_space<hbm>> -> memref<16x128xf32, #tpu.memory_space<hbm>>
      tpu.wait_dma2 semaphore(%arg9 : memref<!tpu.dma_semaphore, #tpu.memory_space<semaphore_mem>>) src(%dma_wait3A_1607 : memref<16x128xf32, #tpu.memory_space<hbm>>) dst(%dma_wait3A_1604 : memref<16x128xf32, #tpu.memory_space<vmem>>)
      %dma_wait3A_1608 = arith.constant 0 : i32
      %dma_wait3A_1609 = arith.constant 0 : i32
      %dma_wait3A_1610 = arith.constant 0 : i32
      %dma_wait3A_1611 = tpu.memref_slice %arg6[%dma_wait3A_1608, %dma_wait3A_1609, %dma_wait3A_1610] : memref<32x16x128xf32, #tpu.memory_space<vmem>> -> memref<1x16x128xf32, #tpu.memory_space<vmem>>
      %dma_wait3A_1612 = tpu.memref_squeeze %dma_wait3A_1611 : memref<1x16x128xf32, #tpu.memory_space<vmem>> -> memref<16x128xf32, #tpu.memory_space<vmem>>
      %dma_wait3A_1613 = arith.constant 0 : i32
      %dma_wait3A_1614 = arith.constant 0 : i32
      %dma_wait3A_1615 = tpu.memref_slice %arg3[%dma_wait3A_1613, %dma_wait3A_1614] : memref<16x1000000xf32, #tpu.memory_space<hbm>> -> memref<16x128xf32, #tpu.memory_space<hbm>>
      %dma_wait3A_1616 = arith.constant 0 : i32
      %dma_wait3A_1617 = arith.constant 0 : i32
      %dma_wait3A_1618 = tpu.memref_slice %arg6[%dma_wait3A_1608, %dma_wait3A_1616, %dma_wait3A_1617] : memref<32x16x128xf32, #tpu.memory_space<vmem>> -> memref<1x16x128xf32, #tpu.memory_space<vmem>>
      %dma_wait3A_1619 = tpu.memref_squeeze %dma_wait3A_1618 : memref<1x16x128xf32, #tpu.memory_space<vmem>> -> memref<16x128xf32, #tpu.memory_space<vmem>>
      %dma_wait3A_1620 = arith.constant 0 : i32
      %dma_wait3A_1621 = arith.constant 0 : i32
      %dma_wait3A_1622 = tpu.memref_slice %arg3[%dma_wait3A_1620, %dma_wait3A_1621] : memref<16x1000000xf32, #tpu.memory_space<hbm>> -> memref<16x128xf32, #tpu.memory_space<hbm>>
      tpu.wait_dma2 semaphore(%arg9 : memref<!tpu.dma_semaphore, #tpu.memory_space<semaphore_mem>>) src(%dma_wait3A_1622 : memref<16x128xf32, #tpu.memory_space<hbm>>) dst(%dma_wait3A_1619 : memref<16x128xf32, #tpu.memory_space<vmem>>)
      %dma_wait3A_1623 = arith.constant 0 : i32
      %dma_wait3A_1624 = arith.constant 0 : i32
      %dma_wait3A_1625 = arith.constant 0 : i32
      %dma_wait3A_1626 = tpu.memref_slice %arg6[%dma_wait3A_1623, %dma_wait3A_1624, %dma_wait3A_1625] : memref<32x16x128xf32, #tpu.memory_space<vmem>> -> memref<1x16x128xf32, #tpu.memory_space<vmem>>
      %dma_wait3A_1627 = tpu.memref_squeeze %dma_wait3A_1626 : memref<1x16x128xf32, #tpu.memory_space<vmem>> -> memref<16x128xf32, #tpu.memory_space<vmem>>
      %dma_wait3A_1628 = arith.constant 0 : i32
      %dma_wait3A_1629 = arith.constant 0 : i32
      %dma_wait3A_1630 = tpu.memref_slice %arg3[%dma_wait3A_1628, %dma_wait3A_1629] : memref<16x1000000xf32, #tpu.memory_space<hbm>> -> memref<16x128xf32, #tpu.memory_space<hbm>>
      %dma_wait3A_1631 = arith.constant 0 : i32
      %dma_wait3A_1632 = arith.constant 0 : i32
      %dma_wait3A_1633 = tpu.memref_slice %arg6[%dma_wait3A_1623, %dma_wait3A_1631, %dma_wait3A_1632] : memref<32x16x128xf32, #tpu.memory_space<vmem>> -> memref<1x16x128xf32, #tpu.memory_space<vmem>>
      %dma_wait3A_1634 = tpu.memref_squeeze %dma_wait3A_1633 : memref<1x16x128xf32, #tpu.memory_space<vmem>> -> memref<16x128xf32, #tpu.memory_space<vmem>>
      %dma_wait3A_1635 = arith.constant 0 : i32
      %dma_wait3A_1636 = arith.constant 0 : i32
      %dma_wait3A_1637 = tpu.memref_slice %arg3[%dma_wait3A_1635, %dma_wait3A_1636] : memref<16x1000000xf32, #tpu.memory_space<hbm>> -> memref<16x128xf32, #tpu.memory_space<hbm>>
      tpu.wait_dma2 semaphore(%arg9 : memref<!tpu.dma_semaphore, #tpu.memory_space<semaphore_mem>>) src(%dma_wait3A_1637 : memref<16x128xf32, #tpu.memory_space<hbm>>) dst(%dma_wait3A_1634 : memref<16x128xf32, #tpu.memory_space<vmem>>)
      %dma_wait3A_1638 = arith.constant 0 : i32
      %dma_wait3A_1639 = arith.constant 0 : i32
      %dma_wait3A_1640 = arith.constant 0 : i32
      %dma_wait3A_1641 = tpu.memref_slice %arg6[%dma_wait3A_1638, %dma_wait3A_1639, %dma_wait3A_1640] : memref<32x16x128xf32, #tpu.memory_space<vmem>> -> memref<1x16x128xf32, #tpu.memory_space<vmem>>
      %dma_wait3A_1642 = tpu.memref_squeeze %dma_wait3A_1641 : memref<1x16x128xf32, #tpu.memory_space<vmem>> -> memref<16x128xf32, #tpu.memory_space<vmem>>
      %dma_wait3A_1643 = arith.constant 0 : i32
      %dma_wait3A_1644 = arith.constant 0 : i32
      %dma_wait3A_1645 = tpu.memref_slice %arg3[%dma_wait3A_1643, %dma_wait3A_1644] : memref<16x1000000xf32, #tpu.memory_space<hbm>> -> memref<16x128xf32, #tpu.memory_space<hbm>>
      %dma_wait3A_1646 = arith.constant 0 : i32
      %dma_wait3A_1647 = arith.constant 0 : i32
      %dma_wait3A_1648 = tpu.memref_slice %arg6[%dma_wait3A_1638, %dma_wait3A_1646, %dma_wait3A_1647] : memref<32x16x128xf32, #tpu.memory_space<vmem>> -> memref<1x16x128xf32, #tpu.memory_space<vmem>>
      %dma_wait3A_1649 = tpu.memref_squeeze %dma_wait3A_1648 : memref<1x16x128xf32, #tpu.memory_space<vmem>> -> memref<16x128xf32, #tpu.memory_space<vmem>>
      %dma_wait3A_1650 = arith.constant 0 : i32
      %dma_wait3A_1651 = arith.constant 0 : i32
      %dma_wait3A_1652 = tpu.memref_slice %arg3[%dma_wait3A_1650, %dma_wait3A_1651] : memref<16x1000000xf32, #tpu.memory_space<hbm>> -> memref<16x128xf32, #tpu.memory_space<hbm>>
      tpu.wait_dma2 semaphore(%arg9 : memref<!tpu.dma_semaphore, #tpu.memory_space<semaphore_mem>>) src(%dma_wait3A_1652 : memref<16x128xf32, #tpu.memory_space<hbm>>) dst(%dma_wait3A_1649 : memref<16x128xf32, #tpu.memory_space<vmem>>)
      %dma_wait3A_1653 = arith.constant 0 : i32
      %dma_wait3A_1654 = arith.constant 0 : i32
      %dma_wait3A_1655 = arith.constant 0 : i32
      %dma_wait3A_1656 = tpu.memref_slice %arg6[%dma_wait3A_1653, %dma_wait3A_1654, %dma_wait3A_1655] : memref<32x16x128xf32, #tpu.memory_space<vmem>> -> memref<1x16x128xf32, #tpu.memory_space<vmem>>
      %dma_wait3A_1657 = tpu.memref_squeeze %dma_wait3A_1656 : memref<1x16x128xf32, #tpu.memory_space<vmem>> -> memref<16x128xf32, #tpu.memory_space<vmem>>
      %dma_wait3A_1658 = arith.constant 0 : i32
      %dma_wait3A_1659 = arith.constant 0 : i32
      %dma_wait3A_1660 = tpu.memref_slice %arg3[%dma_wait3A_1658, %dma_wait3A_1659] : memref<16x1000000xf32, #tpu.memory_space<hbm>> -> memref<16x128xf32, #tpu.memory_space<hbm>>
      %dma_wait3A_1661 = arith.constant 0 : i32
      %dma_wait3A_1662 = arith.constant 0 : i32
      %dma_wait3A_1663 = tpu.memref_slice %arg6[%dma_wait3A_1653, %dma_wait3A_1661, %dma_wait3A_1662] : memref<32x16x128xf32, #tpu.memory_space<vmem>> -> memref<1x16x128xf32, #tpu.memory_space<vmem>>
      %dma_wait3A_1664 = tpu.memref_squeeze %dma_wait3A_1663 : memref<1x16x128xf32, #tpu.memory_space<vmem>> -> memref<16x128xf32, #tpu.memory_space<vmem>>
      %dma_wait3A_1665 = arith.constant 0 : i32
      %dma_wait3A_1666 = arith.constant 0 : i32
      %dma_wait3A_1667 = tpu.memref_slice %arg3[%dma_wait3A_1665, %dma_wait3A_1666] : memref<16x1000000xf32, #tpu.memory_space<hbm>> -> memref<16x128xf32, #tpu.memory_space<hbm>>
      tpu.wait_dma2 semaphore(%arg9 : memref<!tpu.dma_semaphore, #tpu.memory_space<semaphore_mem>>) src(%dma_wait3A_1667 : memref<16x128xf32, #tpu.memory_space<hbm>>) dst(%dma_wait3A_1664 : memref<16x128xf32, #tpu.memory_space<vmem>>)
      %dma_wait3A_1668 = arith.constant 0 : i32
      %dma_wait3A_1669 = arith.constant 0 : i32
      %dma_wait3A_1670 = arith.constant 0 : i32
      %dma_wait3A_1671 = tpu.memref_slice %arg6[%dma_wait3A_1668, %dma_wait3A_1669, %dma_wait3A_1670] : memref<32x16x128xf32, #tpu.memory_space<vmem>> -> memref<1x16x128xf32, #tpu.memory_space<vmem>>
      %dma_wait3A_1672 = tpu.memref_squeeze %dma_wait3A_1671 : memref<1x16x128xf32, #tpu.memory_space<vmem>> -> memref<16x128xf32, #tpu.memory_space<vmem>>
      %dma_wait3A_1673 = arith.constant 0 : i32
      %dma_wait3A_1674 = arith.constant 0 : i32
      %dma_wait3A_1675 = tpu.memref_slice %arg3[%dma_wait3A_1673, %dma_wait3A_1674] : memref<16x1000000xf32, #tpu.memory_space<hbm>> -> memref<16x128xf32, #tpu.memory_space<hbm>>
      %dma_wait3A_1676 = arith.constant 0 : i32
      %dma_wait3A_1677 = arith.constant 0 : i32
      %dma_wait3A_1678 = tpu.memref_slice %arg6[%dma_wait3A_1668, %dma_wait3A_1676, %dma_wait3A_1677] : memref<32x16x128xf32, #tpu.memory_space<vmem>> -> memref<1x16x128xf32, #tpu.memory_space<vmem>>
      %dma_wait3A_1679 = tpu.memref_squeeze %dma_wait3A_1678 : memref<1x16x128xf32, #tpu.memory_space<vmem>> -> memref<16x128xf32, #tpu.memory_space<vmem>>
      %dma_wait3A_1680 = arith.constant 0 : i32
      %dma_wait3A_1681 = arith.constant 0 : i32
      %dma_wait3A_1682 = tpu.memref_slice %arg3[%dma_wait3A_1680, %dma_wait3A_1681] : memref<16x1000000xf32, #tpu.memory_space<hbm>> -> memref<16x128xf32, #tpu.memory_space<hbm>>
      tpu.wait_dma2 semaphore(%arg9 : memref<!tpu.dma_semaphore, #tpu.memory_space<semaphore_mem>>) src(%dma_wait3A_1682 : memref<16x128xf32, #tpu.memory_space<hbm>>) dst(%dma_wait3A_1679 : memref<16x128xf32, #tpu.memory_space<vmem>>)
      %dma_wait3A_1683 = arith.constant 0 : i32
      %dma_wait3A_1684 = arith.constant 0 : i32
      %dma_wait3A_1685 = arith.constant 0 : i32
      %dma_wait3A_1686 = tpu.memref_slice %arg6[%dma_wait3A_1683, %dma_wait3A_1684, %dma_wait3A_1685] : memref<32x16x128xf32, #tpu.memory_space<vmem>> -> memref<1x16x128xf32, #tpu.memory_space<vmem>>
      %dma_wait3A_1687 = tpu.memref_squeeze %dma_wait3A_1686 : memref<1x16x128xf32, #tpu.memory_space<vmem>> -> memref<16x128xf32, #tpu.memory_space<vmem>>
      %dma_wait3A_1688 = arith.constant 0 : i32
      %dma_wait3A_1689 = arith.constant 0 : i32
      %dma_wait3A_1690 = tpu.memref_slice %arg3[%dma_wait3A_1688, %dma_wait3A_1689] : memref<16x1000000xf32, #tpu.memory_space<hbm>> -> memref<16x128xf32, #tpu.memory_space<hbm>>
      %dma_wait3A_1691 = arith.constant 0 : i32
      %dma_wait3A_1692 = arith.constant 0 : i32
      %dma_wait3A_1693 = tpu.memref_slice %arg6[%dma_wait3A_1683, %dma_wait3A_1691, %dma_wait3A_1692] : memref<32x16x128xf32, #tpu.memory_space<vmem>> -> memref<1x16x128xf32, #tpu.memory_space<vmem>>
      %dma_wait3A_1694 = tpu.memref_squeeze %dma_wait3A_1693 : memref<1x16x128xf32, #tpu.memory_space<vmem>> -> memref<16x128xf32, #tpu.memory_space<vmem>>
      %dma_wait3A_1695 = arith.constant 0 : i32
      %dma_wait3A_1696 = arith.constant 0 : i32
      %dma_wait3A_1697 = tpu.memref_slice %arg3[%dma_wait3A_1695, %dma_wait3A_1696] : memref<16x1000000xf32, #tpu.memory_space<hbm>> -> memref<16x128xf32, #tpu.memory_space<hbm>>
      tpu.wait_dma2 semaphore(%arg9 : memref<!tpu.dma_semaphore, #tpu.memory_space<semaphore_mem>>) src(%dma_wait3A_1697 : memref<16x128xf32, #tpu.memory_space<hbm>>) dst(%dma_wait3A_1694 : memref<16x128xf32, #tpu.memory_space<vmem>>)
      %dma_wait3A_1698 = arith.constant 0 : i32
      %dma_wait3A_1699 = arith.constant 0 : i32
      %dma_wait3A_1700 = arith.constant 0 : i32
      %dma_wait3A_1701 = tpu.memref_slice %arg6[%dma_wait3A_1698, %dma_wait3A_1699, %dma_wait3A_1700] : memref<32x16x128xf32, #tpu.memory_space<vmem>> -> memref<1x16x128xf32, #tpu.memory_space<vmem>>
      %dma_wait3A_1702 = tpu.memref_squeeze %dma_wait3A_1701 : memref<1x16x128xf32, #tpu.memory_space<vmem>> -> memref<16x128xf32, #tpu.memory_space<vmem>>
      %dma_wait3A_1703 = arith.constant 0 : i32
      %dma_wait3A_1704 = arith.constant 0 : i32
      %dma_wait3A_1705 = tpu.memref_slice %arg3[%dma_wait3A_1703, %dma_wait3A_1704] : memref<16x1000000xf32, #tpu.memory_space<hbm>> -> memref<16x128xf32, #tpu.memory_space<hbm>>
      %dma_wait3A_1706 = arith.constant 0 : i32
      %dma_wait3A_1707 = arith.constant 0 : i32
      %dma_wait3A_1708 = tpu.memref_slice %arg6[%dma_wait3A_1698, %dma_wait3A_1706, %dma_wait3A_1707] : memref<32x16x128xf32, #tpu.memory_space<vmem>> -> memref<1x16x128xf32, #tpu.memory_space<vmem>>
      %dma_wait3A_1709 = tpu.memref_squeeze %dma_wait3A_1708 : memref<1x16x128xf32, #tpu.memory_space<vmem>> -> memref<16x128xf32, #tpu.memory_space<vmem>>
      %dma_wait3A_1710 = arith.constant 0 : i32
      %dma_wait3A_1711 = arith.constant 0 : i32
      %dma_wait3A_1712 = tpu.memref_slice %arg3[%dma_wait3A_1710, %dma_wait3A_1711] : memref<16x1000000xf32, #tpu.memory_space<hbm>> -> memref<16x128xf32, #tpu.memory_space<hbm>>
      tpu.wait_dma2 semaphore(%arg9 : memref<!tpu.dma_semaphore, #tpu.memory_space<semaphore_mem>>) src(%dma_wait3A_1712 : memref<16x128xf32, #tpu.memory_space<hbm>>) dst(%dma_wait3A_1709 : memref<16x128xf32, #tpu.memory_space<vmem>>)
      %dma_wait3A_1713 = arith.constant 0 : i32
      %dma_wait3A_1714 = arith.constant 0 : i32
      %dma_wait3A_1715 = arith.constant 0 : i32
      %dma_wait3A_1716 = tpu.memref_slice %arg6[%dma_wait3A_1713, %dma_wait3A_1714, %dma_wait3A_1715] : memref<32x16x128xf32, #tpu.memory_space<vmem>> -> memref<1x16x128xf32, #tpu.memory_space<vmem>>
      %dma_wait3A_1717 = tpu.memref_squeeze %dma_wait3A_1716 : memref<1x16x128xf32, #tpu.memory_space<vmem>> -> memref<16x128xf32, #tpu.memory_space<vmem>>
      %dma_wait3A_1718 = arith.constant 0 : i32
      %dma_wait3A_1719 = arith.constant 0 : i32
      %dma_wait3A_1720 = tpu.memref_slice %arg3[%dma_wait3A_1718, %dma_wait3A_1719] : memref<16x1000000xf32, #tpu.memory_space<hbm>> -> memref<16x128xf32, #tpu.memory_space<hbm>>
      %dma_wait3A_1721 = arith.constant 0 : i32
      %dma_wait3A_1722 = arith.constant 0 : i32
      %dma_wait3A_1723 = tpu.memref_slice %arg6[%dma_wait3A_1713, %dma_wait3A_1721, %dma_wait3A_1722] : memref<32x16x128xf32, #tpu.memory_space<vmem>> -> memref<1x16x128xf32, #tpu.memory_space<vmem>>
      %dma_wait3A_1724 = tpu.memref_squeeze %dma_wait3A_1723 : memref<1x16x128xf32, #tpu.memory_space<vmem>> -> memref<16x128xf32, #tpu.memory_space<vmem>>
      %dma_wait3A_1725 = arith.constant 0 : i32
      %dma_wait3A_1726 = arith.constant 0 : i32
      %dma_wait3A_1727 = tpu.memref_slice %arg3[%dma_wait3A_1725, %dma_wait3A_1726] : memref<16x1000000xf32, #tpu.memory_space<hbm>> -> memref<16x128xf32, #tpu.memory_space<hbm>>
      tpu.wait_dma2 semaphore(%arg9 : memref<!tpu.dma_semaphore, #tpu.memory_space<semaphore_mem>>) src(%dma_wait3A_1727 : memref<16x128xf32, #tpu.memory_space<hbm>>) dst(%dma_wait3A_1724 : memref<16x128xf32, #tpu.memory_space<vmem>>)
      %dma_wait3A_1728 = arith.constant 0 : i32
      %dma_wait3A_1729 = arith.constant 0 : i32
      %dma_wait3A_1730 = arith.constant 0 : i32
      %dma_wait3A_1731 = tpu.memref_slice %arg6[%dma_wait3A_1728, %dma_wait3A_1729, %dma_wait3A_1730] : memref<32x16x128xf32, #tpu.memory_space<vmem>> -> memref<1x16x128xf32, #tpu.memory_space<vmem>>
      %dma_wait3A_1732 = tpu.memref_squeeze %dma_wait3A_1731 : memref<1x16x128xf32, #tpu.memory_space<vmem>> -> memref<16x128xf32, #tpu.memory_space<vmem>>
      %dma_wait3A_1733 = arith.constant 0 : i32
      %dma_wait3A_1734 = arith.constant 0 : i32
      %dma_wait3A_1735 = tpu.memref_slice %arg3[%dma_wait3A_1733, %dma_wait3A_1734] : memref<16x1000000xf32, #tpu.memory_space<hbm>> -> memref<16x128xf32, #tpu.memory_space<hbm>>
      %dma_wait3A_1736 = arith.constant 0 : i32
      %dma_wait3A_1737 = arith.constant 0 : i32
      %dma_wait3A_1738 = tpu.memref_slice %arg6[%dma_wait3A_1728, %dma_wait3A_1736, %dma_wait3A_1737] : memref<32x16x128xf32, #tpu.memory_space<vmem>> -> memref<1x16x128xf32, #tpu.memory_space<vmem>>
      %dma_wait3A_1739 = tpu.memref_squeeze %dma_wait3A_1738 : memref<1x16x128xf32, #tpu.memory_space<vmem>> -> memref<16x128xf32, #tpu.memory_space<vmem>>
      %dma_wait3A_1740 = arith.constant 0 : i32
      %dma_wait3A_1741 = arith.constant 0 : i32
      %dma_wait3A_1742 = tpu.memref_slice %arg3[%dma_wait3A_1740, %dma_wait3A_1741] : memref<16x1000000xf32, #tpu.memory_space<hbm>> -> memref<16x128xf32, #tpu.memory_space<hbm>>
      tpu.wait_dma2 semaphore(%arg9 : memref<!tpu.dma_semaphore, #tpu.memory_space<semaphore_mem>>) src(%dma_wait3A_1742 : memref<16x128xf32, #tpu.memory_space<hbm>>) dst(%dma_wait3A_1739 : memref<16x128xf32, #tpu.memory_space<vmem>>)
      %add3A_1743 = arith.constant 1 : i32
      %add3A_1744 = arith.addi %mul3A_330, %add3A_1743 : i32
      %mul3A_1745 = arith.constant 16 : i32
      %mul3A_1746 = arith.muli %add3A_1744, %mul3A_1745 : i32
      %get3A_1747 = arith.index_cast %mul3A_1746 : i32 to index
      %get3A_1748 = tpu.vector_load %arg5[%get3A_1747] {strides = array<i32>} : memref<512xi32, #tpu.memory_space<vmem>>, vector<16xi32>,
      %slice3A_1749 = vector.extract_strided_slice %get3A_1748 {offsets = [0], sizes = [1], strides = [1]} : vector<16xi32> to vector<1xi32>
      %squeeze3A_1750 = vector.extract %slice3A_1749[0] : i32 from vector<1xi32>
      %and3A_1751 = arith.constant 127 : i32
      %and3A_1752 = arith.andi %squeeze3A_1750, %and3A_1751 : i32
      %broadcast_in_dim3A_1753 = arith.constant 0 : i32
      %broadcast_in_dim3A_1754 = vector.broadcast %broadcast_in_dim3A_1753 : i32 to vector<16xi32>
      %add3A_1755 = vector.broadcast %and3A_1752 : i32 to vector<16xi32>
      %add3A_1756 = arith.addi %broadcast_in_dim3A_1754, %add3A_1755 : vector<16xi32>
      %gather3A_1757 = arith.constant 16 : i32
      %gather3A_1758 = arith.constant 0 : i32
      %gather3A_1759 = arith.constant 0 : i32
      %gather3A_1760 = tpu.memref_slice %arg6[%gather3A_1757, %gather3A_1758, %gather3A_1759] : memref<32x16x128xf32, #tpu.memory_space<vmem>> -> memref<1x16x128xf32, #tpu.memory_space<vmem>>
      %gather3A_1761 = tpu.memref_squeeze %gather3A_1760 : memref<1x16x128xf32, #tpu.memory_space<vmem>> -> memref<16x128xf32, #tpu.memory_space<vmem>>
      %gather3A_1762 = tpu.vector_load_idx %gather3A_1761[%iota3A, %add3A_1756] : memref<16x128xf32, #tpu.memory_space<vmem>>[vector<16xi32>, vector<16xi32>], vector<16xf32>,
      %jit3A_1763 = arith.constant 16 : i32
      %eq3A_1764 = arith.constant 0 : i32
      %eq3A_1765 = arith.cmpi eq, %jit3A_1763, %eq3A_1764 : i32
      %jit3A_1766 = arith.constant 1 : i32
      %select_n3A_1767 = arith.select %eq3A_1765, %jit3A_1766, %jit3A_1763 : i32
      %rem3A_1768 = arith.remsi %add3A_1744, %select_n3A_1767 : i32
      %ne3A_1769 = arith.constant 0 : i32
      %ne3A_1770 = arith.cmpi ne, %rem3A_1768, %ne3A_1769 : i32
      %lt3A_1771 = arith.constant 0 : i32
      %lt3A_1772 = arith.cmpi slt, %rem3A_1768, %lt3A_1771 : i32
      %lt3A_1773 = arith.constant 0 : i32
      %lt3A_1774 = arith.cmpi slt, %select_n3A_1767, %lt3A_1773 : i32
      %ne3A_1775 = arith.xori %lt3A_1772, %lt3A_1774 : i1
      %and3A_1776 = arith.andi %ne3A_1775, %ne3A_1770 : i1
      %add3A_1777 = arith.addi %rem3A_1768, %select_n3A_1767 : i32
      %select_n3A_1778 = arith.select %and3A_1776, %add3A_1777, %rem3A_1768 : i32
      %mul3A_1779 = arith.constant 16 : i32
      %mul3A_1780 = arith.muli %select_n3A_1778, %mul3A_1779 : i32
      %add3A_1781 = arith.constant 0 : i32
      %add3A_1782 = arith.addi %mul3A_1780, %add3A_1781 : i32
      %mul3A_1783 = arith.constant 16 : i32
      %mul3A_1784 = arith.muli %add3A_1782, %mul3A_1783 : i32
      %swap3A_1785 = arith.index_cast %mul3A_1784 : i32 to index
      %swap3A_1786 = tpu.vector_load %arg7[%swap3A_1785] {strides = array<i32>} : memref<4096xf32, #tpu.memory_space<vmem>>, vector<16xf32>,
      tpu.vector_store %arg7[%swap3A_1785], %gather3A_1762 {strides = array<i32>} : memref<4096xf32, #tpu.memory_space<vmem>>, vector<16xf32>,
      %slice3A_1787 = vector.extract_strided_slice %get3A_1748 {offsets = [1], sizes = [1], strides = [1]} : vector<16xi32> to vector<1xi32>
      %squeeze3A_1788 = vector.extract %slice3A_1787[0] : i32 from vector<1xi32>
      %and3A_1789 = arith.constant 127 : i32
      %and3A_1790 = arith.andi %squeeze3A_1788, %and3A_1789 : i32
      %broadcast_in_dim3A_1791 = arith.constant 0 : i32
      %broadcast_in_dim3A_1792 = vector.broadcast %broadcast_in_dim3A_1791 : i32 to vector<16xi32>
      %add3A_1793 = vector.broadcast %and3A_1790 : i32 to vector<16xi32>
      %add3A_1794 = arith.addi %broadcast_in_dim3A_1792, %add3A_1793 : vector<16xi32>
      %gather3A_1795 = arith.constant 17 : i32
      %gather3A_1796 = arith.constant 0 : i32
      %gather3A_1797 = arith.constant 0 : i32
      %gather3A_1798 = tpu.memref_slice %arg6[%gather3A_1795, %gather3A_1796, %gather3A_1797] : memref<32x16x128xf32, #tpu.memory_space<vmem>> -> memref<1x16x128xf32, #tpu.memory_space<vmem>>
      %gather3A_1799 = tpu.memref_squeeze %gather3A_1798 : memref<1x16x128xf32, #tpu.memory_space<vmem>> -> memref<16x128xf32, #tpu.memory_space<vmem>>
      %gather3A_1800 = tpu.vector_load_idx %gather3A_1799[%iota3A, %add3A_1794] : memref<16x128xf32, #tpu.memory_space<vmem>>[vector<16xi32>, vector<16xi32>], vector<16xf32>,
      %jit3A_1801 = arith.constant 16 : i32
      %eq3A_1802 = arith.constant 0 : i32
      %eq3A_1803 = arith.cmpi eq, %jit3A_1801, %eq3A_1802 : i32
      %jit3A_1804 = arith.constant 1 : i32
      %select_n3A_1805 = arith.select %eq3A_1803, %jit3A_1804, %jit3A_1801 : i32
      %rem3A_1806 = arith.remsi %add3A_1744, %select_n3A_1805 : i32
      %ne3A_1807 = arith.constant 0 : i32
      %ne3A_1808 = arith.cmpi ne, %rem3A_1806, %ne3A_1807 : i32
      %lt3A_1809 = arith.constant 0 : i32
      %lt3A_1810 = arith.cmpi slt, %rem3A_1806, %lt3A_1809 : i32
      %lt3A_1811 = arith.constant 0 : i32
      %lt3A_1812 = arith.cmpi slt, %select_n3A_1805, %lt3A_1811 : i32
      %ne3A_1813 = arith.xori %lt3A_1810, %lt3A_1812 : i1
      %and3A_1814 = arith.andi %ne3A_1813, %ne3A_1808 : i1
      %add3A_1815 = arith.addi %rem3A_1806, %select_n3A_1805 : i32
      %select_n3A_1816 = arith.select %and3A_1814, %add3A_1815, %rem3A_1806 : i32
      %mul3A_1817 = arith.constant 16 : i32
      %mul3A_1818 = arith.muli %select_n3A_1816, %mul3A_1817 : i32
      %add3A_1819 = arith.constant 1 : i32
      %add3A_1820 = arith.addi %mul3A_1818, %add3A_1819 : i32
      %mul3A_1821 = arith.constant 16 : i32
      %mul3A_1822 = arith.muli %add3A_1820, %mul3A_1821 : i32
      %swap3A_1823 = arith.index_cast %mul3A_1822 : i32 to index
      %swap3A_1824 = tpu.vector_load %arg7[%swap3A_1823] {strides = array<i32>} : memref<4096xf32, #tpu.memory_space<vmem>>, vector<16xf32>,
      tpu.vector_store %arg7[%swap3A_1823], %gather3A_1800 {strides = array<i32>} : memref<4096xf32, #tpu.memory_space<vmem>>, vector<16xf32>,
      %slice3A_1825 = vector.extract_strided_slice %get3A_1748 {offsets = [2], sizes = [1], strides = [1]} : vector<16xi32> to vector<1xi32>
      %squeeze3A_1826 = vector.extract %slice3A_1825[0] : i32 from vector<1xi32>
      %and3A_1827 = arith.constant 127 : i32
      %and3A_1828 = arith.andi %squeeze3A_1826, %and3A_1827 : i32
      %broadcast_in_dim3A_1829 = arith.constant 0 : i32
      %broadcast_in_dim3A_1830 = vector.broadcast %broadcast_in_dim3A_1829 : i32 to vector<16xi32>
      %add3A_1831 = vector.broadcast %and3A_1828 : i32 to vector<16xi32>
      %add3A_1832 = arith.addi %broadcast_in_dim3A_1830, %add3A_1831 : vector<16xi32>
      %gather3A_1833 = arith.constant 18 : i32
      %gather3A_1834 = arith.constant 0 : i32
      %gather3A_1835 = arith.constant 0 : i32
      %gather3A_1836 = tpu.memref_slice %arg6[%gather3A_1833, %gather3A_1834, %gather3A_1835] : memref<32x16x128xf32, #tpu.memory_space<vmem>> -> memref<1x16x128xf32, #tpu.memory_space<vmem>>
      %gather3A_1837 = tpu.memref_squeeze %gather3A_1836 : memref<1x16x128xf32, #tpu.memory_space<vmem>> -> memref<16x128xf32, #tpu.memory_space<vmem>>
      %gather3A_1838 = tpu.vector_load_idx %gather3A_1837[%iota3A, %add3A_1832] : memref<16x128xf32, #tpu.memory_space<vmem>>[vector<16xi32>, vector<16xi32>], vector<16xf32>,
      %jit3A_1839 = arith.constant 16 : i32
      %eq3A_1840 = arith.constant 0 : i32
      %eq3A_1841 = arith.cmpi eq, %jit3A_1839, %eq3A_1840 : i32
      %jit3A_1842 = arith.constant 1 : i32
      %select_n3A_1843 = arith.select %eq3A_1841, %jit3A_1842, %jit3A_1839 : i32
      %rem3A_1844 = arith.remsi %add3A_1744, %select_n3A_1843 : i32
      %ne3A_1845 = arith.constant 0 : i32
      %ne3A_1846 = arith.cmpi ne, %rem3A_1844, %ne3A_1845 : i32
      %lt3A_1847 = arith.constant 0 : i32
      %lt3A_1848 = arith.cmpi slt, %rem3A_1844, %lt3A_1847 : i32
      %lt3A_1849 = arith.constant 0 : i32
      %lt3A_1850 = arith.cmpi slt, %select_n3A_1843, %lt3A_1849 : i32
      %ne3A_1851 = arith.xori %lt3A_1848, %lt3A_1850 : i1
      %and3A_1852 = arith.andi %ne3A_1851, %ne3A_1846 : i1
      %add3A_1853 = arith.addi %rem3A_1844, %select_n3A_1843 : i32
      %select_n3A_1854 = arith.select %and3A_1852, %add3A_1853, %rem3A_1844 : i32
      %mul3A_1855 = arith.constant 16 : i32
      %mul3A_1856 = arith.muli %select_n3A_1854, %mul3A_1855 : i32
      %add3A_1857 = arith.constant 2 : i32
      %add3A_1858 = arith.addi %mul3A_1856, %add3A_1857 : i32
      %mul3A_1859 = arith.constant 16 : i32
      %mul3A_1860 = arith.muli %add3A_1858, %mul3A_1859 : i32
      %swap3A_1861 = arith.index_cast %mul3A_1860 : i32 to index
      %swap3A_1862 = tpu.vector_load %arg7[%swap3A_1861] {strides = array<i32>} : memref<4096xf32, #tpu.memory_space<vmem>>, vector<16xf32>,
      tpu.vector_store %arg7[%swap3A_1861], %gather3A_1838 {strides = array<i32>} : memref<4096xf32, #tpu.memory_space<vmem>>, vector<16xf32>,
      %slice3A_1863 = vector.extract_strided_slice %get3A_1748 {offsets = [3], sizes = [1], strides = [1]} : vector<16xi32> to vector<1xi32>
      %squeeze3A_1864 = vector.extract %slice3A_1863[0] : i32 from vector<1xi32>
      %and3A_1865 = arith.constant 127 : i32
      %and3A_1866 = arith.andi %squeeze3A_1864, %and3A_1865 : i32
      %broadcast_in_dim3A_1867 = arith.constant 0 : i32
      %broadcast_in_dim3A_1868 = vector.broadcast %broadcast_in_dim3A_1867 : i32 to vector<16xi32>
      %add3A_1869 = vector.broadcast %and3A_1866 : i32 to vector<16xi32>
      %add3A_1870 = arith.addi %broadcast_in_dim3A_1868, %add3A_1869 : vector<16xi32>
      %gather3A_1871 = arith.constant 19 : i32
      %gather3A_1872 = arith.constant 0 : i32
      %gather3A_1873 = arith.constant 0 : i32
      %gather3A_1874 = tpu.memref_slice %arg6[%gather3A_1871, %gather3A_1872, %gather3A_1873] : memref<32x16x128xf32, #tpu.memory_space<vmem>> -> memref<1x16x128xf32, #tpu.memory_space<vmem>>
      %gather3A_1875 = tpu.memref_squeeze %gather3A_1874 : memref<1x16x128xf32, #tpu.memory_space<vmem>> -> memref<16x128xf32, #tpu.memory_space<vmem>>
      %gather3A_1876 = tpu.vector_load_idx %gather3A_1875[%iota3A, %add3A_1870] : memref<16x128xf32, #tpu.memory_space<vmem>>[vector<16xi32>, vector<16xi32>], vector<16xf32>,
      %jit3A_1877 = arith.constant 16 : i32
      %eq3A_1878 = arith.constant 0 : i32
      %eq3A_1879 = arith.cmpi eq, %jit3A_1877, %eq3A_1878 : i32
      %jit3A_1880 = arith.constant 1 : i32
      %select_n3A_1881 = arith.select %eq3A_1879, %jit3A_1880, %jit3A_1877 : i32
      %rem3A_1882 = arith.remsi %add3A_1744, %select_n3A_1881 : i32
      %ne3A_1883 = arith.constant 0 : i32
      %ne3A_1884 = arith.cmpi ne, %rem3A_1882, %ne3A_1883 : i32
      %lt3A_1885 = arith.constant 0 : i32
      %lt3A_1886 = arith.cmpi slt, %rem3A_1882, %lt3A_1885 : i32
      %lt3A_1887 = arith.constant 0 : i32
      %lt3A_1888 = arith.cmpi slt, %select_n3A_1881, %lt3A_1887 : i32
      %ne3A_1889 = arith.xori %lt3A_1886, %lt3A_1888 : i1
      %and3A_1890 = arith.andi %ne3A_1889, %ne3A_1884 : i1
      %add3A_1891 = arith.addi %rem3A_1882, %select_n3A_1881 : i32
      %select_n3A_1892 = arith.select %and3A_1890, %add3A_1891, %rem3A_1882 : i32
      %mul3A_1893 = arith.constant 16 : i32
      %mul3A_1894 = arith.muli %select_n3A_1892, %mul3A_1893 : i32
      %add3A_1895 = arith.constant 3 : i32
      %add3A_1896 = arith.addi %mul3A_1894, %add3A_1895 : i32
      %mul3A_1897 = arith.constant 16 : i32
      %mul3A_1898 = arith.muli %add3A_1896, %mul3A_1897 : i32
      %swap3A_1899 = arith.index_cast %mul3A_1898 : i32 to index
      %swap3A_1900 = tpu.vector_load %arg7[%swap3A_1899] {strides = array<i32>} : memref<4096xf32, #tpu.memory_space<vmem>>, vector<16xf32>,
      tpu.vector_store %arg7[%swap3A_1899], %gather3A_1876 {strides = array<i32>} : memref<4096xf32, #tpu.memory_space<vmem>>, vector<16xf32>,
      %slice3A_1901 = vector.extract_strided_slice %get3A_1748 {offsets = [4], sizes = [1], strides = [1]} : vector<16xi32> to vector<1xi32>
      %squeeze3A_1902 = vector.extract %slice3A_1901[0] : i32 from vector<1xi32>
      %and3A_1903 = arith.constant 127 : i32
      %and3A_1904 = arith.andi %squeeze3A_1902, %and3A_1903 : i32
      %broadcast_in_dim3A_1905 = arith.constant 0 : i32
      %broadcast_in_dim3A_1906 = vector.broadcast %broadcast_in_dim3A_1905 : i32 to vector<16xi32>
      %add3A_1907 = vector.broadcast %and3A_1904 : i32 to vector<16xi32>
      %add3A_1908 = arith.addi %broadcast_in_dim3A_1906, %add3A_1907 : vector<16xi32>
      %gather3A_1909 = arith.constant 20 : i32
      %gather3A_1910 = arith.constant 0 : i32
      %gather3A_1911 = arith.constant 0 : i32
      %gather3A_1912 = tpu.memref_slice %arg6[%gather3A_1909, %gather3A_1910, %gather3A_1911] : memref<32x16x128xf32, #tpu.memory_space<vmem>> -> memref<1x16x128xf32, #tpu.memory_space<vmem>>
      %gather3A_1913 = tpu.memref_squeeze %gather3A_1912 : memref<1x16x128xf32, #tpu.memory_space<vmem>> -> memref<16x128xf32, #tpu.memory_space<vmem>>
      %gather3A_1914 = tpu.vector_load_idx %gather3A_1913[%iota3A, %add3A_1908] : memref<16x128xf32, #tpu.memory_space<vmem>>[vector<16xi32>, vector<16xi32>], vector<16xf32>,
      %jit3A_1915 = arith.constant 16 : i32
      %eq3A_1916 = arith.constant 0 : i32
      %eq3A_1917 = arith.cmpi eq, %jit3A_1915, %eq3A_1916 : i32
      %jit3A_1918 = arith.constant 1 : i32
      %select_n3A_1919 = arith.select %eq3A_1917, %jit3A_1918, %jit3A_1915 : i32
      %rem3A_1920 = arith.remsi %add3A_1744, %select_n3A_1919 : i32
      %ne3A_1921 = arith.constant 0 : i32
      %ne3A_1922 = arith.cmpi ne, %rem3A_1920, %ne3A_1921 : i32
      %lt3A_1923 = arith.constant 0 : i32
      %lt3A_1924 = arith.cmpi slt, %rem3A_1920, %lt3A_1923 : i32
      %lt3A_1925 = arith.constant 0 : i32
      %lt3A_1926 = arith.cmpi slt, %select_n3A_1919, %lt3A_1925 : i32
      %ne3A_1927 = arith.xori %lt3A_1924, %lt3A_1926 : i1
      %and3A_1928 = arith.andi %ne3A_1927, %ne3A_1922 : i1
      %add3A_1929 = arith.addi %rem3A_1920, %select_n3A_1919 : i32
      %select_n3A_1930 = arith.select %and3A_1928, %add3A_1929, %rem3A_1920 : i32
      %mul3A_1931 = arith.constant 16 : i32
      %mul3A_1932 = arith.muli %select_n3A_1930, %mul3A_1931 : i32
      %add3A_1933 = arith.constant 4 : i32
      %add3A_1934 = arith.addi %mul3A_1932, %add3A_1933 : i32
      %mul3A_1935 = arith.constant 16 : i32
      %mul3A_1936 = arith.muli %add3A_1934, %mul3A_1935 : i32
      %swap3A_1937 = arith.index_cast %mul3A_1936 : i32 to index
      %swap3A_1938 = tpu.vector_load %arg7[%swap3A_1937] {strides = array<i32>} : memref<4096xf32, #tpu.memory_space<vmem>>, vector<16xf32>,
      tpu.vector_store %arg7[%swap3A_1937], %gather3A_1914 {strides = array<i32>} : memref<4096xf32, #tpu.memory_space<vmem>>, vector<16xf32>,
      %slice3A_1939 = vector.extract_strided_slice %get3A_1748 {offsets = [5], sizes = [1], strides = [1]} : vector<16xi32> to vector<1xi32>
      %squeeze3A_1940 = vector.extract %slice3A_1939[0] : i32 from vector<1xi32>
      %and3A_1941 = arith.constant 127 : i32
      %and3A_1942 = arith.andi %squeeze3A_1940, %and3A_1941 : i32
      %broadcast_in_dim3A_1943 = arith.constant 0 : i32
      %broadcast_in_dim3A_1944 = vector.broadcast %broadcast_in_dim3A_1943 : i32 to vector<16xi32>
      %add3A_1945 = vector.broadcast %and3A_1942 : i32 to vector<16xi32>
      %add3A_1946 = arith.addi %broadcast_in_dim3A_1944, %add3A_1945 : vector<16xi32>
      %gather3A_1947 = arith.constant 21 : i32
      %gather3A_1948 = arith.constant 0 : i32
      %gather3A_1949 = arith.constant 0 : i32
      %gather3A_1950 = tpu.memref_slice %arg6[%gather3A_1947, %gather3A_1948, %gather3A_1949] : memref<32x16x128xf32, #tpu.memory_space<vmem>> -> memref<1x16x128xf32, #tpu.memory_space<vmem>>
      %gather3A_1951 = tpu.memref_squeeze %gather3A_1950 : memref<1x16x128xf32, #tpu.memory_space<vmem>> -> memref<16x128xf32, #tpu.memory_space<vmem>>
      %gather3A_1952 = tpu.vector_load_idx %gather3A_1951[%iota3A, %add3A_1946] : memref<16x128xf32, #tpu.memory_space<vmem>>[vector<16xi32>, vector<16xi32>], vector<16xf32>,
      %jit3A_1953 = arith.constant 16 : i32
      %eq3A_1954 = arith.constant 0 : i32
      %eq3A_1955 = arith.cmpi eq, %jit3A_1953, %eq3A_1954 : i32
      %jit3A_1956 = arith.constant 1 : i32
      %select_n3A_1957 = arith.select %eq3A_1955, %jit3A_1956, %jit3A_1953 : i32
      %rem3A_1958 = arith.remsi %add3A_1744, %select_n3A_1957 : i32
      %ne3A_1959 = arith.constant 0 : i32
      %ne3A_1960 = arith.cmpi ne, %rem3A_1958, %ne3A_1959 : i32
      %lt3A_1961 = arith.constant 0 : i32
      %lt3A_1962 = arith.cmpi slt, %rem3A_1958, %lt3A_1961 : i32
      %lt3A_1963 = arith.constant 0 : i32
      %lt3A_1964 = arith.cmpi slt, %select_n3A_1957, %lt3A_1963 : i32
      %ne3A_1965 = arith.xori %lt3A_1962, %lt3A_1964 : i1
      %and3A_1966 = arith.andi %ne3A_1965, %ne3A_1960 : i1
      %add3A_1967 = arith.addi %rem3A_1958, %select_n3A_1957 : i32
      %select_n3A_1968 = arith.select %and3A_1966, %add3A_1967, %rem3A_1958 : i32
      %mul3A_1969 = arith.constant 16 : i32
      %mul3A_1970 = arith.muli %select_n3A_1968, %mul3A_1969 : i32
      %add3A_1971 = arith.constant 5 : i32
      %add3A_1972 = arith.addi %mul3A_1970, %add3A_1971 : i32
      %mul3A_1973 = arith.constant 16 : i32
      %mul3A_1974 = arith.muli %add3A_1972, %mul3A_1973 : i32
      %swap3A_1975 = arith.index_cast %mul3A_1974 : i32 to index
      %swap3A_1976 = tpu.vector_load %arg7[%swap3A_1975] {strides = array<i32>} : memref<4096xf32, #tpu.memory_space<vmem>>, vector<16xf32>,
      tpu.vector_store %arg7[%swap3A_1975], %gather3A_1952 {strides = array<i32>} : memref<4096xf32, #tpu.memory_space<vmem>>, vector<16xf32>,
      %slice3A_1977 = vector.extract_strided_slice %get3A_1748 {offsets = [6], sizes = [1], strides = [1]} : vector<16xi32> to vector<1xi32>
      %squeeze3A_1978 = vector.extract %slice3A_1977[0] : i32 from vector<1xi32>
      %and3A_1979 = arith.constant 127 : i32
      %and3A_1980 = arith.andi %squeeze3A_1978, %and3A_1979 : i32
      %broadcast_in_dim3A_1981 = arith.constant 0 : i32
      %broadcast_in_dim3A_1982 = vector.broadcast %broadcast_in_dim3A_1981 : i32 to vector<16xi32>
      %add3A_1983 = vector.broadcast %and3A_1980 : i32 to vector<16xi32>
      %add3A_1984 = arith.addi %broadcast_in_dim3A_1982, %add3A_1983 : vector<16xi32>
      %gather3A_1985 = arith.constant 22 : i32
      %gather3A_1986 = arith.constant 0 : i32
      %gather3A_1987 = arith.constant 0 : i32
      %gather3A_1988 = tpu.memref_slice %arg6[%gather3A_1985, %gather3A_1986, %gather3A_1987] : memref<32x16x128xf32, #tpu.memory_space<vmem>> -> memref<1x16x128xf32, #tpu.memory_space<vmem>>
      %gather3A_1989 = tpu.memref_squeeze %gather3A_1988 : memref<1x16x128xf32, #tpu.memory_space<vmem>> -> memref<16x128xf32, #tpu.memory_space<vmem>>
      %gather3A_1990 = tpu.vector_load_idx %gather3A_1989[%iota3A, %add3A_1984] : memref<16x128xf32, #tpu.memory_space<vmem>>[vector<16xi32>, vector<16xi32>], vector<16xf32>,
      %jit3A_1991 = arith.constant 16 : i32
      %eq3A_1992 = arith.constant 0 : i32
      %eq3A_1993 = arith.cmpi eq, %jit3A_1991, %eq3A_1992 : i32
      %jit3A_1994 = arith.constant 1 : i32
      %select_n3A_1995 = arith.select %eq3A_1993, %jit3A_1994, %jit3A_1991 : i32
      %rem3A_1996 = arith.remsi %add3A_1744, %select_n3A_1995 : i32
      %ne3A_1997 = arith.constant 0 : i32
      %ne3A_1998 = arith.cmpi ne, %rem3A_1996, %ne3A_1997 : i32
      %lt3A_1999 = arith.constant 0 : i32
      %lt3A_2000 = arith.cmpi slt, %rem3A_1996, %lt3A_1999 : i32
      %lt3A_2001 = arith.constant 0 : i32
      %lt3A_2002 = arith.cmpi slt, %select_n3A_1995, %lt3A_2001 : i32
      %ne3A_2003 = arith.xori %lt3A_2000, %lt3A_2002 : i1
      %and3A_2004 = arith.andi %ne3A_2003, %ne3A_1998 : i1
      %add3A_2005 = arith.addi %rem3A_1996, %select_n3A_1995 : i32
      %select_n3A_2006 = arith.select %and3A_2004, %add3A_2005, %rem3A_1996 : i32
      %mul3A_2007 = arith.constant 16 : i32
      %mul3A_2008 = arith.muli %select_n3A_2006, %mul3A_2007 : i32
      %add3A_2009 = arith.constant 6 : i32
      %add3A_2010 = arith.addi %mul3A_2008, %add3A_2009 : i32
      %mul3A_2011 = arith.constant 16 : i32
      %mul3A_2012 = arith.muli %add3A_2010, %mul3A_2011 : i32
      %swap3A_2013 = arith.index_cast %mul3A_2012 : i32 to index
      %swap3A_2014 = tpu.vector_load %arg7[%swap3A_2013] {strides = array<i32>} : memref<4096xf32, #tpu.memory_space<vmem>>, vector<16xf32>,
      tpu.vector_store %arg7[%swap3A_2013], %gather3A_1990 {strides = array<i32>} : memref<4096xf32, #tpu.memory_space<vmem>>, vector<16xf32>,
      %slice3A_2015 = vector.extract_strided_slice %get3A_1748 {offsets = [7], sizes = [1], strides = [1]} : vector<16xi32> to vector<1xi32>
      %squeeze3A_2016 = vector.extract %slice3A_2015[0] : i32 from vector<1xi32>
      %and3A_2017 = arith.constant 127 : i32
      %and3A_2018 = arith.andi %squeeze3A_2016, %and3A_2017 : i32
      %broadcast_in_dim3A_2019 = arith.constant 0 : i32
      %broadcast_in_dim3A_2020 = vector.broadcast %broadcast_in_dim3A_2019 : i32 to vector<16xi32>
      %add3A_2021 = vector.broadcast %and3A_2018 : i32 to vector<16xi32>
      %add3A_2022 = arith.addi %broadcast_in_dim3A_2020, %add3A_2021 : vector<16xi32>
      %gather3A_2023 = arith.constant 23 : i32
      %gather3A_2024 = arith.constant 0 : i32
      %gather3A_2025 = arith.constant 0 : i32
      %gather3A_2026 = tpu.memref_slice %arg6[%gather3A_2023, %gather3A_2024, %gather3A_2025] : memref<32x16x128xf32, #tpu.memory_space<vmem>> -> memref<1x16x128xf32, #tpu.memory_space<vmem>>
      %gather3A_2027 = tpu.memref_squeeze %gather3A_2026 : memref<1x16x128xf32, #tpu.memory_space<vmem>> -> memref<16x128xf32, #tpu.memory_space<vmem>>
      %gather3A_2028 = tpu.vector_load_idx %gather3A_2027[%iota3A, %add3A_2022] : memref<16x128xf32, #tpu.memory_space<vmem>>[vector<16xi32>, vector<16xi32>], vector<16xf32>,
      %jit3A_2029 = arith.constant 16 : i32
      %eq3A_2030 = arith.constant 0 : i32
      %eq3A_2031 = arith.cmpi eq, %jit3A_2029, %eq3A_2030 : i32
      %jit3A_2032 = arith.constant 1 : i32
      %select_n3A_2033 = arith.select %eq3A_2031, %jit3A_2032, %jit3A_2029 : i32
      %rem3A_2034 = arith.remsi %add3A_1744, %select_n3A_2033 : i32
      %ne3A_2035 = arith.constant 0 : i32
      %ne3A_2036 = arith.cmpi ne, %rem3A_2034, %ne3A_2035 : i32
      %lt3A_2037 = arith.constant 0 : i32
      %lt3A_2038 = arith.cmpi slt, %rem3A_2034, %lt3A_2037 : i32
      %lt3A_2039 = arith.constant 0 : i32
      %lt3A_2040 = arith.cmpi slt, %select_n3A_2033, %lt3A_2039 : i32
      %ne3A_2041 = arith.xori %lt3A_2038, %lt3A_2040 : i1
      %and3A_2042 = arith.andi %ne3A_2041, %ne3A_2036 : i1
      %add3A_2043 = arith.addi %rem3A_2034, %select_n3A_2033 : i32
      %select_n3A_2044 = arith.select %and3A_2042, %add3A_2043, %rem3A_2034 : i32
      %mul3A_2045 = arith.constant 16 : i32
      %mul3A_2046 = arith.muli %select_n3A_2044, %mul3A_2045 : i32
      %add3A_2047 = arith.constant 7 : i32
      %add3A_2048 = arith.addi %mul3A_2046, %add3A_2047 : i32
      %mul3A_2049 = arith.constant 16 : i32
      %mul3A_2050 = arith.muli %add3A_2048, %mul3A_2049 : i32
      %swap3A_2051 = arith.index_cast %mul3A_2050 : i32 to index
      %swap3A_2052 = tpu.vector_load %arg7[%swap3A_2051] {strides = array<i32>} : memref<4096xf32, #tpu.memory_space<vmem>>, vector<16xf32>,
      tpu.vector_store %arg7[%swap3A_2051], %gather3A_2028 {strides = array<i32>} : memref<4096xf32, #tpu.memory_space<vmem>>, vector<16xf32>,
      %slice3A_2053 = vector.extract_strided_slice %get3A_1748 {offsets = [8], sizes = [1], strides = [1]} : vector<16xi32> to vector<1xi32>
      %squeeze3A_2054 = vector.extract %slice3A_2053[0] : i32 from vector<1xi32>
      %and3A_2055 = arith.constant 127 : i32
      %and3A_2056 = arith.andi %squeeze3A_2054, %and3A_2055 : i32
      %broadcast_in_dim3A_2057 = arith.constant 0 : i32
      %broadcast_in_dim3A_2058 = vector.broadcast %broadcast_in_dim3A_2057 : i32 to vector<16xi32>
      %add3A_2059 = vector.broadcast %and3A_2056 : i32 to vector<16xi32>
      %add3A_2060 = arith.addi %broadcast_in_dim3A_2058, %add3A_2059 : vector<16xi32>
      %gather3A_2061 = arith.constant 24 : i32
      %gather3A_2062 = arith.constant 0 : i32
      %gather3A_2063 = arith.constant 0 : i32
      %gather3A_2064 = tpu.memref_slice %arg6[%gather3A_2061, %gather3A_2062, %gather3A_2063] : memref<32x16x128xf32, #tpu.memory_space<vmem>> -> memref<1x16x128xf32, #tpu.memory_space<vmem>>
      %gather3A_2065 = tpu.memref_squeeze %gather3A_2064 : memref<1x16x128xf32, #tpu.memory_space<vmem>> -> memref<16x128xf32, #tpu.memory_space<vmem>>
      %gather3A_2066 = tpu.vector_load_idx %gather3A_2065[%iota3A, %add3A_2060] : memref<16x128xf32, #tpu.memory_space<vmem>>[vector<16xi32>, vector<16xi32>], vector<16xf32>,
      %jit3A_2067 = arith.constant 16 : i32
      %eq3A_2068 = arith.constant 0 : i32
      %eq3A_2069 = arith.cmpi eq, %jit3A_2067, %eq3A_2068 : i32
      %jit3A_2070 = arith.constant 1 : i32
      %select_n3A_2071 = arith.select %eq3A_2069, %jit3A_2070, %jit3A_2067 : i32
      %rem3A_2072 = arith.remsi %add3A_1744, %select_n3A_2071 : i32
      %ne3A_2073 = arith.constant 0 : i32
      %ne3A_2074 = arith.cmpi ne, %rem3A_2072, %ne3A_2073 : i32
      %lt3A_2075 = arith.constant 0 : i32
      %lt3A_2076 = arith.cmpi slt, %rem3A_2072, %lt3A_2075 : i32
      %lt3A_2077 = arith.constant 0 : i32
      %lt3A_2078 = arith.cmpi slt, %select_n3A_2071, %lt3A_2077 : i32
      %ne3A_2079 = arith.xori %lt3A_2076, %lt3A_2078 : i1
      %and3A_2080 = arith.andi %ne3A_2079, %ne3A_2074 : i1
      %add3A_2081 = arith.addi %rem3A_2072, %select_n3A_2071 : i32
      %select_n3A_2082 = arith.select %and3A_2080, %add3A_2081, %rem3A_2072 : i32
      %mul3A_2083 = arith.constant 16 : i32
      %mul3A_2084 = arith.muli %select_n3A_2082, %mul3A_2083 : i32
      %add3A_2085 = arith.constant 8 : i32
      %add3A_2086 = arith.addi %mul3A_2084, %add3A_2085 : i32
      %mul3A_2087 = arith.constant 16 : i32
      %mul3A_2088 = arith.muli %add3A_2086, %mul3A_2087 : i32
      %swap3A_2089 = arith.index_cast %mul3A_2088 : i32 to index
      %swap3A_2090 = tpu.vector_load %arg7[%swap3A_2089] {strides = array<i32>} : memref<4096xf32, #tpu.memory_space<vmem>>, vector<16xf32>,
      tpu.vector_store %arg7[%swap3A_2089], %gather3A_2066 {strides = array<i32>} : memref<4096xf32, #tpu.memory_space<vmem>>, vector<16xf32>,
      %slice3A_2091 = vector.extract_strided_slice %get3A_1748 {offsets = [9], sizes = [1], strides = [1]} : vector<16xi32> to vector<1xi32>
      %squeeze3A_2092 = vector.extract %slice3A_2091[0] : i32 from vector<1xi32>
      %and3A_2093 = arith.constant 127 : i32
      %and3A_2094 = arith.andi %squeeze3A_2092, %and3A_2093 : i32
      %broadcast_in_dim3A_2095 = arith.constant 0 : i32
      %broadcast_in_dim3A_2096 = vector.broadcast %broadcast_in_dim3A_2095 : i32 to vector<16xi32>
      %add3A_2097 = vector.broadcast %and3A_2094 : i32 to vector<16xi32>
      %add3A_2098 = arith.addi %broadcast_in_dim3A_2096, %add3A_2097 : vector<16xi32>
      %gather3A_2099 = arith.constant 25 : i32
      %gather3A_2100 = arith.constant 0 : i32
      %gather3A_2101 = arith.constant 0 : i32
      %gather3A_2102 = tpu.memref_slice %arg6[%gather3A_2099, %gather3A_2100, %gather3A_2101] : memref<32x16x128xf32, #tpu.memory_space<vmem>> -> memref<1x16x128xf32, #tpu.memory_space<vmem>>
      %gather3A_2103 = tpu.memref_squeeze %gather3A_2102 : memref<1x16x128xf32, #tpu.memory_space<vmem>> -> memref<16x128xf32, #tpu.memory_space<vmem>>
      %gather3A_2104 = tpu.vector_load_idx %gather3A_2103[%iota3A, %add3A_2098] : memref<16x128xf32, #tpu.memory_space<vmem>>[vector<16xi32>, vector<16xi32>], vector<16xf32>,
      %jit3A_2105 = arith.constant 16 : i32
      %eq3A_2106 = arith.constant 0 : i32
      %eq3A_2107 = arith.cmpi eq, %jit3A_2105, %eq3A_2106 : i32
      %jit3A_2108 = arith.constant 1 : i32
      %select_n3A_2109 = arith.select %eq3A_2107, %jit3A_2108, %jit3A_2105 : i32
      %rem3A_2110 = arith.remsi %add3A_1744, %select_n3A_2109 : i32
      %ne3A_2111 = arith.constant 0 : i32
      %ne3A_2112 = arith.cmpi ne, %rem3A_2110, %ne3A_2111 : i32
      %lt3A_2113 = arith.constant 0 : i32
      %lt3A_2114 = arith.cmpi slt, %rem3A_2110, %lt3A_2113 : i32
      %lt3A_2115 = arith.constant 0 : i32
      %lt3A_2116 = arith.cmpi slt, %select_n3A_2109, %lt3A_2115 : i32
      %ne3A_2117 = arith.xori %lt3A_2114, %lt3A_2116 : i1
      %and3A_2118 = arith.andi %ne3A_2117, %ne3A_2112 : i1
      %add3A_2119 = arith.addi %rem3A_2110, %select_n3A_2109 : i32
      %select_n3A_2120 = arith.select %and3A_2118, %add3A_2119, %rem3A_2110 : i32
      %mul3A_2121 = arith.constant 16 : i32
      %mul3A_2122 = arith.muli %select_n3A_2120, %mul3A_2121 : i32
      %add3A_2123 = arith.constant 9 : i32
      %add3A_2124 = arith.addi %mul3A_2122, %add3A_2123 : i32
      %mul3A_2125 = arith.constant 16 : i32
      %mul3A_2126 = arith.muli %add3A_2124, %mul3A_2125 : i32
      %swap3A_2127 = arith.index_cast %mul3A_2126 : i32 to index
      %swap3A_2128 = tpu.vector_load %arg7[%swap3A_2127] {strides = array<i32>} : memref<4096xf32, #tpu.memory_space<vmem>>, vector<16xf32>,
      tpu.vector_store %arg7[%swap3A_2127], %gather3A_2104 {strides = array<i32>} : memref<4096xf32, #tpu.memory_space<vmem>>, vector<16xf32>,
      %slice3A_2129 = vector.extract_strided_slice %get3A_1748 {offsets = [10], sizes = [1], strides = [1]} : vector<16xi32> to vector<1xi32>
      %squeeze3A_2130 = vector.extract %slice3A_2129[0] : i32 from vector<1xi32>
      %and3A_2131 = arith.constant 127 : i32
      %and3A_2132 = arith.andi %squeeze3A_2130, %and3A_2131 : i32
      %broadcast_in_dim3A_2133 = arith.constant 0 : i32
      %broadcast_in_dim3A_2134 = vector.broadcast %broadcast_in_dim3A_2133 : i32 to vector<16xi32>
      %add3A_2135 = vector.broadcast %and3A_2132 : i32 to vector<16xi32>
      %add3A_2136 = arith.addi %broadcast_in_dim3A_2134, %add3A_2135 : vector<16xi32>
      %gather3A_2137 = arith.constant 26 : i32
      %gather3A_2138 = arith.constant 0 : i32
      %gather3A_2139 = arith.constant 0 : i32
      %gather3A_2140 = tpu.memref_slice %arg6[%gather3A_2137, %gather3A_2138, %gather3A_2139] : memref<32x16x128xf32, #tpu.memory_space<vmem>> -> memref<1x16x128xf32, #tpu.memory_space<vmem>>
      %gather3A_2141 = tpu.memref_squeeze %gather3A_2140 : memref<1x16x128xf32, #tpu.memory_space<vmem>> -> memref<16x128xf32, #tpu.memory_space<vmem>>
      %gather3A_2142 = tpu.vector_load_idx %gather3A_2141[%iota3A, %add3A_2136] : memref<16x128xf32, #tpu.memory_space<vmem>>[vector<16xi32>, vector<16xi32>], vector<16xf32>,
      %jit3A_2143 = arith.constant 16 : i32
      %eq3A_2144 = arith.constant 0 : i32
      %eq3A_2145 = arith.cmpi eq, %jit3A_2143, %eq3A_2144 : i32
      %jit3A_2146 = arith.constant 1 : i32
      %select_n3A_2147 = arith.select %eq3A_2145, %jit3A_2146, %jit3A_2143 : i32
      %rem3A_2148 = arith.remsi %add3A_1744, %select_n3A_2147 : i32
      %ne3A_2149 = arith.constant 0 : i32
      %ne3A_2150 = arith.cmpi ne, %rem3A_2148, %ne3A_2149 : i32
      %lt3A_2151 = arith.constant 0 : i32
      %lt3A_2152 = arith.cmpi slt, %rem3A_2148, %lt3A_2151 : i32
      %lt3A_2153 = arith.constant 0 : i32
      %lt3A_2154 = arith.cmpi slt, %select_n3A_2147, %lt3A_2153 : i32
      %ne3A_2155 = arith.xori %lt3A_2152, %lt3A_2154 : i1
      %and3A_2156 = arith.andi %ne3A_2155, %ne3A_2150 : i1
      %add3A_2157 = arith.addi %rem3A_2148, %select_n3A_2147 : i32
      %select_n3A_2158 = arith.select %and3A_2156, %add3A_2157, %rem3A_2148 : i32
      %mul3A_2159 = arith.constant 16 : i32
      %mul3A_2160 = arith.muli %select_n3A_2158, %mul3A_2159 : i32
      %add3A_2161 = arith.constant 10 : i32
      %add3A_2162 = arith.addi %mul3A_2160, %add3A_2161 : i32
      %mul3A_2163 = arith.constant 16 : i32
      %mul3A_2164 = arith.muli %add3A_2162, %mul3A_2163 : i32
      %swap3A_2165 = arith.index_cast %mul3A_2164 : i32 to index
      %swap3A_2166 = tpu.vector_load %arg7[%swap3A_2165] {strides = array<i32>} : memref<4096xf32, #tpu.memory_space<vmem>>, vector<16xf32>,
      tpu.vector_store %arg7[%swap3A_2165], %gather3A_2142 {strides = array<i32>} : memref<4096xf32, #tpu.memory_space<vmem>>, vector<16xf32>,
      %slice3A_2167 = vector.extract_strided_slice %get3A_1748 {offsets = [11], sizes = [1], strides = [1]} : vector<16xi32> to vector<1xi32>
      %squeeze3A_2168 = vector.extract %slice3A_2167[0] : i32 from vector<1xi32>
      %and3A_2169 = arith.constant 127 : i32
      %and3A_2170 = arith.andi %squeeze3A_2168, %and3A_2169 : i32
      %broadcast_in_dim3A_2171 = arith.constant 0 : i32
      %broadcast_in_dim3A_2172 = vector.broadcast %broadcast_in_dim3A_2171 : i32 to vector<16xi32>
      %add3A_2173 = vector.broadcast %and3A_2170 : i32 to vector<16xi32>
      %add3A_2174 = arith.addi %broadcast_in_dim3A_2172, %add3A_2173 : vector<16xi32>
      %gather3A_2175 = arith.constant 27 : i32
      %gather3A_2176 = arith.constant 0 : i32
      %gather3A_2177 = arith.constant 0 : i32
      %gather3A_2178 = tpu.memref_slice %arg6[%gather3A_2175, %gather3A_2176, %gather3A_2177] : memref<32x16x128xf32, #tpu.memory_space<vmem>> -> memref<1x16x128xf32, #tpu.memory_space<vmem>>
      %gather3A_2179 = tpu.memref_squeeze %gather3A_2178 : memref<1x16x128xf32, #tpu.memory_space<vmem>> -> memref<16x128xf32, #tpu.memory_space<vmem>>
      %gather3A_2180 = tpu.vector_load_idx %gather3A_2179[%iota3A, %add3A_2174] : memref<16x128xf32, #tpu.memory_space<vmem>>[vector<16xi32>, vector<16xi32>], vector<16xf32>,
      %jit3A_2181 = arith.constant 16 : i32
      %eq3A_2182 = arith.constant 0 : i32
      %eq3A_2183 = arith.cmpi eq, %jit3A_2181, %eq3A_2182 : i32
      %jit3A_2184 = arith.constant 1 : i32
      %select_n3A_2185 = arith.select %eq3A_2183, %jit3A_2184, %jit3A_2181 : i32
      %rem3A_2186 = arith.remsi %add3A_1744, %select_n3A_2185 : i32
      %ne3A_2187 = arith.constant 0 : i32
      %ne3A_2188 = arith.cmpi ne, %rem3A_2186, %ne3A_2187 : i32
      %lt3A_2189 = arith.constant 0 : i32
      %lt3A_2190 = arith.cmpi slt, %rem3A_2186, %lt3A_2189 : i32
      %lt3A_2191 = arith.constant 0 : i32
      %lt3A_2192 = arith.cmpi slt, %select_n3A_2185, %lt3A_2191 : i32
      %ne3A_2193 = arith.xori %lt3A_2190, %lt3A_2192 : i1
      %and3A_2194 = arith.andi %ne3A_2193, %ne3A_2188 : i1
      %add3A_2195 = arith.addi %rem3A_2186, %select_n3A_2185 : i32
      %select_n3A_2196 = arith.select %and3A_2194, %add3A_2195, %rem3A_2186 : i32
      %mul3A_2197 = arith.constant 16 : i32
      %mul3A_2198 = arith.muli %select_n3A_2196, %mul3A_2197 : i32
      %add3A_2199 = arith.constant 11 : i32
      %add3A_2200 = arith.addi %mul3A_2198, %add3A_2199 : i32
      %mul3A_2201 = arith.constant 16 : i32
      %mul3A_2202 = arith.muli %add3A_2200, %mul3A_2201 : i32
      %swap3A_2203 = arith.index_cast %mul3A_2202 : i32 to index
      %swap3A_2204 = tpu.vector_load %arg7[%swap3A_2203] {strides = array<i32>} : memref<4096xf32, #tpu.memory_space<vmem>>, vector<16xf32>,
      tpu.vector_store %arg7[%swap3A_2203], %gather3A_2180 {strides = array<i32>} : memref<4096xf32, #tpu.memory_space<vmem>>, vector<16xf32>,
      %slice3A_2205 = vector.extract_strided_slice %get3A_1748 {offsets = [12], sizes = [1], strides = [1]} : vector<16xi32> to vector<1xi32>
      %squeeze3A_2206 = vector.extract %slice3A_2205[0] : i32 from vector<1xi32>
      %and3A_2207 = arith.constant 127 : i32
      %and3A_2208 = arith.andi %squeeze3A_2206, %and3A_2207 : i32
      %broadcast_in_dim3A_2209 = arith.constant 0 : i32
      %broadcast_in_dim3A_2210 = vector.broadcast %broadcast_in_dim3A_2209 : i32 to vector<16xi32>
      %add3A_2211 = vector.broadcast %and3A_2208 : i32 to vector<16xi32>
      %add3A_2212 = arith.addi %broadcast_in_dim3A_2210, %add3A_2211 : vector<16xi32>
      %gather3A_2213 = arith.constant 28 : i32
      %gather3A_2214 = arith.constant 0 : i32
      %gather3A_2215 = arith.constant 0 : i32
      %gather3A_2216 = tpu.memref_slice %arg6[%gather3A_2213, %gather3A_2214, %gather3A_2215] : memref<32x16x128xf32, #tpu.memory_space<vmem>> -> memref<1x16x128xf32, #tpu.memory_space<vmem>>
      %gather3A_2217 = tpu.memref_squeeze %gather3A_2216 : memref<1x16x128xf32, #tpu.memory_space<vmem>> -> memref<16x128xf32, #tpu.memory_space<vmem>>
      %gather3A_2218 = tpu.vector_load_idx %gather3A_2217[%iota3A, %add3A_2212] : memref<16x128xf32, #tpu.memory_space<vmem>>[vector<16xi32>, vector<16xi32>], vector<16xf32>,
      %jit3A_2219 = arith.constant 16 : i32
      %eq3A_2220 = arith.constant 0 : i32
      %eq3A_2221 = arith.cmpi eq, %jit3A_2219, %eq3A_2220 : i32
      %jit3A_2222 = arith.constant 1 : i32
      %select_n3A_2223 = arith.select %eq3A_2221, %jit3A_2222, %jit3A_2219 : i32
      %rem3A_2224 = arith.remsi %add3A_1744, %select_n3A_2223 : i32
      %ne3A_2225 = arith.constant 0 : i32
      %ne3A_2226 = arith.cmpi ne, %rem3A_2224, %ne3A_2225 : i32
      %lt3A_2227 = arith.constant 0 : i32
      %lt3A_2228 = arith.cmpi slt, %rem3A_2224, %lt3A_2227 : i32
      %lt3A_2229 = arith.constant 0 : i32
      %lt3A_2230 = arith.cmpi slt, %select_n3A_2223, %lt3A_2229 : i32
      %ne3A_2231 = arith.xori %lt3A_2228, %lt3A_2230 : i1
      %and3A_2232 = arith.andi %ne3A_2231, %ne3A_2226 : i1
      %add3A_2233 = arith.addi %rem3A_2224, %select_n3A_2223 : i32
      %select_n3A_2234 = arith.select %and3A_2232, %add3A_2233, %rem3A_2224 : i32
      %mul3A_2235 = arith.constant 16 : i32
      %mul3A_2236 = arith.muli %select_n3A_2234, %mul3A_2235 : i32
      %add3A_2237 = arith.constant 12 : i32
      %add3A_2238 = arith.addi %mul3A_2236, %add3A_2237 : i32
      %mul3A_2239 = arith.constant 16 : i32
      %mul3A_2240 = arith.muli %add3A_2238, %mul3A_2239 : i32
      %swap3A_2241 = arith.index_cast %mul3A_2240 : i32 to index
      %swap3A_2242 = tpu.vector_load %arg7[%swap3A_2241] {strides = array<i32>} : memref<4096xf32, #tpu.memory_space<vmem>>, vector<16xf32>,
      tpu.vector_store %arg7[%swap3A_2241], %gather3A_2218 {strides = array<i32>} : memref<4096xf32, #tpu.memory_space<vmem>>, vector<16xf32>,
      %slice3A_2243 = vector.extract_strided_slice %get3A_1748 {offsets = [13], sizes = [1], strides = [1]} : vector<16xi32> to vector<1xi32>
      %squeeze3A_2244 = vector.extract %slice3A_2243[0] : i32 from vector<1xi32>
      %and3A_2245 = arith.constant 127 : i32
      %and3A_2246 = arith.andi %squeeze3A_2244, %and3A_2245 : i32
      %broadcast_in_dim3A_2247 = arith.constant 0 : i32
      %broadcast_in_dim3A_2248 = vector.broadcast %broadcast_in_dim3A_2247 : i32 to vector<16xi32>
      %add3A_2249 = vector.broadcast %and3A_2246 : i32 to vector<16xi32>
      %add3A_2250 = arith.addi %broadcast_in_dim3A_2248, %add3A_2249 : vector<16xi32>
      %gather3A_2251 = arith.constant 29 : i32
      %gather3A_2252 = arith.constant 0 : i32
      %gather3A_2253 = arith.constant 0 : i32
      %gather3A_2254 = tpu.memref_slice %arg6[%gather3A_2251, %gather3A_2252, %gather3A_2253] : memref<32x16x128xf32, #tpu.memory_space<vmem>> -> memref<1x16x128xf32, #tpu.memory_space<vmem>>
      %gather3A_2255 = tpu.memref_squeeze %gather3A_2254 : memref<1x16x128xf32, #tpu.memory_space<vmem>> -> memref<16x128xf32, #tpu.memory_space<vmem>>
      %gather3A_2256 = tpu.vector_load_idx %gather3A_2255[%iota3A, %add3A_2250] : memref<16x128xf32, #tpu.memory_space<vmem>>[vector<16xi32>, vector<16xi32>], vector<16xf32>,
      %jit3A_2257 = arith.constant 16 : i32
      %eq3A_2258 = arith.constant 0 : i32
      %eq3A_2259 = arith.cmpi eq, %jit3A_2257, %eq3A_2258 : i32
      %jit3A_2260 = arith.constant 1 : i32
      %select_n3A_2261 = arith.select %eq3A_2259, %jit3A_2260, %jit3A_2257 : i32
      %rem3A_2262 = arith.remsi %add3A_1744, %select_n3A_2261 : i32
      %ne3A_2263 = arith.constant 0 : i32
      %ne3A_2264 = arith.cmpi ne, %rem3A_2262, %ne3A_2263 : i32
      %lt3A_2265 = arith.constant 0 : i32
      %lt3A_2266 = arith.cmpi slt, %rem3A_2262, %lt3A_2265 : i32
      %lt3A_2267 = arith.constant 0 : i32
      %lt3A_2268 = arith.cmpi slt, %select_n3A_2261, %lt3A_2267 : i32
      %ne3A_2269 = arith.xori %lt3A_2266, %lt3A_2268 : i1
      %and3A_2270 = arith.andi %ne3A_2269, %ne3A_2264 : i1
      %add3A_2271 = arith.addi %rem3A_2262, %select_n3A_2261 : i32
      %select_n3A_2272 = arith.select %and3A_2270, %add3A_2271, %rem3A_2262 : i32
      %mul3A_2273 = arith.constant 16 : i32
      %mul3A_2274 = arith.muli %select_n3A_2272, %mul3A_2273 : i32
      %add3A_2275 = arith.constant 13 : i32
      %add3A_2276 = arith.addi %mul3A_2274, %add3A_2275 : i32
      %mul3A_2277 = arith.constant 16 : i32
      %mul3A_2278 = arith.muli %add3A_2276, %mul3A_2277 : i32
      %swap3A_2279 = arith.index_cast %mul3A_2278 : i32 to index
      %swap3A_2280 = tpu.vector_load %arg7[%swap3A_2279] {strides = array<i32>} : memref<4096xf32, #tpu.memory_space<vmem>>, vector<16xf32>,
      tpu.vector_store %arg7[%swap3A_2279], %gather3A_2256 {strides = array<i32>} : memref<4096xf32, #tpu.memory_space<vmem>>, vector<16xf32>,
      %slice3A_2281 = vector.extract_strided_slice %get3A_1748 {offsets = [14], sizes = [1], strides = [1]} : vector<16xi32> to vector<1xi32>
      %squeeze3A_2282 = vector.extract %slice3A_2281[0] : i32 from vector<1xi32>
      %and3A_2283 = arith.constant 127 : i32
      %and3A_2284 = arith.andi %squeeze3A_2282, %and3A_2283 : i32
      %broadcast_in_dim3A_2285 = arith.constant 0 : i32
      %broadcast_in_dim3A_2286 = vector.broadcast %broadcast_in_dim3A_2285 : i32 to vector<16xi32>
      %add3A_2287 = vector.broadcast %and3A_2284 : i32 to vector<16xi32>
      %add3A_2288 = arith.addi %broadcast_in_dim3A_2286, %add3A_2287 : vector<16xi32>
      %gather3A_2289 = arith.constant 30 : i32
      %gather3A_2290 = arith.constant 0 : i32
      %gather3A_2291 = arith.constant 0 : i32
      %gather3A_2292 = tpu.memref_slice %arg6[%gather3A_2289, %gather3A_2290, %gather3A_2291] : memref<32x16x128xf32, #tpu.memory_space<vmem>> -> memref<1x16x128xf32, #tpu.memory_space<vmem>>
      %gather3A_2293 = tpu.memref_squeeze %gather3A_2292 : memref<1x16x128xf32, #tpu.memory_space<vmem>> -> memref<16x128xf32, #tpu.memory_space<vmem>>
      %gather3A_2294 = tpu.vector_load_idx %gather3A_2293[%iota3A, %add3A_2288] : memref<16x128xf32, #tpu.memory_space<vmem>>[vector<16xi32>, vector<16xi32>], vector<16xf32>,
      %jit3A_2295 = arith.constant 16 : i32
      %eq3A_2296 = arith.constant 0 : i32
      %eq3A_2297 = arith.cmpi eq, %jit3A_2295, %eq3A_2296 : i32
      %jit3A_2298 = arith.constant 1 : i32
      %select_n3A_2299 = arith.select %eq3A_2297, %jit3A_2298, %jit3A_2295 : i32
      %rem3A_2300 = arith.remsi %add3A_1744, %select_n3A_2299 : i32
      %ne3A_2301 = arith.constant 0 : i32
      %ne3A_2302 = arith.cmpi ne, %rem3A_2300, %ne3A_2301 : i32
      %lt3A_2303 = arith.constant 0 : i32
      %lt3A_2304 = arith.cmpi slt, %rem3A_2300, %lt3A_2303 : i32
      %lt3A_2305 = arith.constant 0 : i32
      %lt3A_2306 = arith.cmpi slt, %select_n3A_2299, %lt3A_2305 : i32
      %ne3A_2307 = arith.xori %lt3A_2304, %lt3A_2306 : i1
      %and3A_2308 = arith.andi %ne3A_2307, %ne3A_2302 : i1
      %add3A_2309 = arith.addi %rem3A_2300, %select_n3A_2299 : i32
      %select_n3A_2310 = arith.select %and3A_2308, %add3A_2309, %rem3A_2300 : i32
      %mul3A_2311 = arith.constant 16 : i32
      %mul3A_2312 = arith.muli %select_n3A_2310, %mul3A_2311 : i32
      %add3A_2313 = arith.constant 14 : i32
      %add3A_2314 = arith.addi %mul3A_2312, %add3A_2313 : i32
      %mul3A_2315 = arith.constant 16 : i32
      %mul3A_2316 = arith.muli %add3A_2314, %mul3A_2315 : i32
      %swap3A_2317 = arith.index_cast %mul3A_2316 : i32 to index
      %swap3A_2318 = tpu.vector_load %arg7[%swap3A_2317] {strides = array<i32>} : memref<4096xf32, #tpu.memory_space<vmem>>, vector<16xf32>,
      tpu.vector_store %arg7[%swap3A_2317], %gather3A_2294 {strides = array<i32>} : memref<4096xf32, #tpu.memory_space<vmem>>, vector<16xf32>,
      %slice3A_2319 = vector.extract_strided_slice %get3A_1748 {offsets = [15], sizes = [1], strides = [1]} : vector<16xi32> to vector<1xi32>
      %squeeze3A_2320 = vector.extract %slice3A_2319[0] : i32 from vector<1xi32>
      %and3A_2321 = arith.constant 127 : i32
      %and3A_2322 = arith.andi %squeeze3A_2320, %and3A_2321 : i32
      %broadcast_in_dim3A_2323 = arith.constant 0 : i32
      %broadcast_in_dim3A_2324 = vector.broadcast %broadcast_in_dim3A_2323 : i32 to vector<16xi32>
      %add3A_2325 = vector.broadcast %and3A_2322 : i32 to vector<16xi32>
      %add3A_2326 = arith.addi %broadcast_in_dim3A_2324, %add3A_2325 : vector<16xi32>
      %gather3A_2327 = arith.constant 31 : i32
      %gather3A_2328 = arith.constant 0 : i32
      %gather3A_2329 = arith.constant 0 : i32
      %gather3A_2330 = tpu.memref_slice %arg6[%gather3A_2327, %gather3A_2328, %gather3A_2329] : memref<32x16x128xf32, #tpu.memory_space<vmem>> -> memref<1x16x128xf32, #tpu.memory_space<vmem>>
      %gather3A_2331 = tpu.memref_squeeze %gather3A_2330 : memref<1x16x128xf32, #tpu.memory_space<vmem>> -> memref<16x128xf32, #tpu.memory_space<vmem>>
      %gather3A_2332 = tpu.vector_load_idx %gather3A_2331[%iota3A, %add3A_2326] : memref<16x128xf32, #tpu.memory_space<vmem>>[vector<16xi32>, vector<16xi32>], vector<16xf32>,
      %jit3A_2333 = arith.constant 16 : i32
      %eq3A_2334 = arith.constant 0 : i32
      %eq3A_2335 = arith.cmpi eq, %jit3A_2333, %eq3A_2334 : i32
      %jit3A_2336 = arith.constant 1 : i32
      %select_n3A_2337 = arith.select %eq3A_2335, %jit3A_2336, %jit3A_2333 : i32
      %rem3A_2338 = arith.remsi %add3A_1744, %select_n3A_2337 : i32
      %ne3A_2339 = arith.constant 0 : i32
      %ne3A_2340 = arith.cmpi ne, %rem3A_2338, %ne3A_2339 : i32
      %lt3A_2341 = arith.constant 0 : i32
      %lt3A_2342 = arith.cmpi slt, %rem3A_2338, %lt3A_2341 : i32
      %lt3A_2343 = arith.constant 0 : i32
      %lt3A_2344 = arith.cmpi slt, %select_n3A_2337, %lt3A_2343 : i32
      %ne3A_2345 = arith.xori %lt3A_2342, %lt3A_2344 : i1
      %and3A_2346 = arith.andi %ne3A_2345, %ne3A_2340 : i1
      %add3A_2347 = arith.addi %rem3A_2338, %select_n3A_2337 : i32
      %select_n3A_2348 = arith.select %and3A_2346, %add3A_2347, %rem3A_2338 : i32
      %mul3A_2349 = arith.constant 16 : i32
      %mul3A_2350 = arith.muli %select_n3A_2348, %mul3A_2349 : i32
      %add3A_2351 = arith.constant 15 : i32
      %add3A_2352 = arith.addi %mul3A_2350, %add3A_2351 : i32
      %mul3A_2353 = arith.constant 16 : i32
      %mul3A_2354 = arith.muli %add3A_2352, %mul3A_2353 : i32
      %swap3A_2355 = arith.index_cast %mul3A_2354 : i32 to index
      %swap3A_2356 = tpu.vector_load %arg7[%swap3A_2355] {strides = array<i32>} : memref<4096xf32, #tpu.memory_space<vmem>>, vector<16xf32>,
      tpu.vector_store %arg7[%swap3A_2355], %gather3A_2332 {strides = array<i32>} : memref<4096xf32, #tpu.memory_space<vmem>>, vector<16xf32>,
      %eq3A_2357 = arith.constant 7 : i32
      %eq3A_2358 = arith.cmpi eq, %scan3A_328, %eq3A_2357 : i32
      %convert_element_type3A_2359 = arith.extui %eq3A_2358 : i1 to i32
      %cond3A_2360 = arith.constant 0 : i32
      %cond3A_2361 = arith.cmpi ne, %convert_element_type3A_2359, %cond3A_2360 : i32
      scf.if %cond3A_2361 {
        %mul3A_2362 = arith.constant 16 : i32
        %mul3A_2363 = arith.muli %mul3A_2, %mul3A_2362 : i32
        "tpu.region"() ({
          %run_scoped3A = tpu.sem_alloc : memref<!tpu.dma_semaphore, #tpu.memory_space<semaphore_mem>>
          %dma_start3A_2364 = tpu.memref_slice %arg4[%mul3A_2363] : memref<262144xf32, #tpu.memory_space<hbm>> -> memref<4096xf32, #tpu.memory_space<hbm>>
          %dma_start3A_2365 = tpu.memref_slice %arg4[%mul3A_2363] : memref<262144xf32, #tpu.memory_space<hbm>> -> memref<4096xf32, #tpu.memory_space<hbm>>
          tpu.enqueue_dma source(%arg7 : memref<4096xf32, #tpu.memory_space<vmem>>) target(%dma_start3A_2365 : memref<4096xf32, #tpu.memory_space<hbm>>) target_semaphore(%run_scoped3A : memref<!tpu.dma_semaphore, #tpu.memory_space<semaphore_mem>>)
          %dma_wait3A_2366 = tpu.memref_slice %arg4[%mul3A_2363] : memref<262144xf32, #tpu.memory_space<hbm>> -> memref<4096xf32, #tpu.memory_space<hbm>>
          %dma_wait3A_2367 = tpu.memref_slice %arg4[%mul3A_2363] : memref<262144xf32, #tpu.memory_space<hbm>> -> memref<4096xf32, #tpu.memory_space<hbm>>
          tpu.wait_dma2 semaphore(%run_scoped3A : memref<!tpu.dma_semaphore, #tpu.memory_space<semaphore_mem>>) src(%arg7 : memref<4096xf32, #tpu.memory_space<vmem>>) dst(%dma_wait3A_2367 : memref<4096xf32, #tpu.memory_space<hbm>>)
          tpu.yield
        }) : () -> ()
      } else {
      }
    }
    %scan3A_323 = arith.constant 16 : i32
    %add3A_324 = arith.constant 256 : i32
    %add3A_325 = arith.addi %mul3A_2, %add3A_324 : i32
    %mul3A_326 = arith.constant 16 : i32
    %mul3A_327 = arith.muli %add3A_325, %mul3A_326 : i32
    "tpu.region"() ({
      %run_scoped3A = tpu.sem_alloc : memref<!tpu.dma_semaphore, #tpu.memory_space<semaphore_mem>>
      %dma_start3A_328 = tpu.memref_slice %arg4[%mul3A_327] : memref<262144xf32, #tpu.memory_space<hbm>> -> memref<4096xf32, #tpu.memory_space<hbm>>
      %dma_start3A_329 = tpu.memref_slice %arg4[%mul3A_327] : memref<262144xf32, #tpu.memory_space<hbm>> -> memref<4096xf32, #tpu.memory_space<hbm>>
      tpu.enqueue_dma source(%arg7 : memref<4096xf32, #tpu.memory_space<vmem>>) target(%dma_start3A_329 : memref<4096xf32, #tpu.memory_space<hbm>>) target_semaphore(%run_scoped3A : memref<!tpu.dma_semaphore, #tpu.memory_space<semaphore_mem>>)
      %dma_wait3A = tpu.memref_slice %arg4[%mul3A_327] : memref<262144xf32, #tpu.memory_space<hbm>> -> memref<4096xf32, #tpu.memory_space<hbm>>
      %dma_wait3A_330 = tpu.memref_slice %arg4[%mul3A_327] : memref<262144xf32, #tpu.memory_space<hbm>> -> memref<4096xf32, #tpu.memory_space<hbm>>
      tpu.wait_dma2 semaphore(%run_scoped3A : memref<!tpu.dma_semaphore, #tpu.memory_space<semaphore_mem>>) src(%arg7 : memref<4096xf32, #tpu.memory_space<vmem>>) dst(%dma_wait3A_330 : memref<4096xf32, #tpu.memory_space<hbm>>)
      tpu.yield
    }) : () -> ()
    return
  }
}

module attributes {stable_mosaic.version = 14 : i64} {
  func.func @_tc_mean(%arg0: memref<32x16xf32, #tpu.memory_space<vmem>>, %arg1: memref<1x1xf32, #tpu.memory_space<smem>>) attributes {dimension_semantics = [], scalar_prefetch = 0 : i64, scratch_operands = 0 : i64, tpu.core_type = #tpu.core_type<tc>} {
    %get3A = arith.constant 0 : index
    %get3A_0 = arith.constant 0 : index
    %get3A_1 = vector.load %arg0[%get3A, %get3A_0] : memref<32x16xf32, #tpu.memory_space<vmem>>, vector<32x16xf32>
    %reduce_sum3A = vector.shape_cast %get3A_1 : vector<32x16xf32> to vector<1x32x16xf32>
    %reduce_sum3A_2 = arith.constant dense<0.000000e+00> : vector<1xf32>
    %reduce_sum3A_3 = vector.multi_reduction <add>, %reduce_sum3A, %reduce_sum3A_2 [1, 2] : vector<1x32x16xf32> to vector<1xf32>
    %reduce_sum3A_4 = vector.shape_cast %reduce_sum3A_3 : vector<1xf32> to vector<1x1x1xf32>
    %reduce_sum3A_5 = vector.extract %reduce_sum3A_4[0, 0, 0] : f32 from vector<1x1x1xf32>
    %mul3A = arith.constant 6.10351563E-5 : f32
    %mul3A_6 = arith.mulf %reduce_sum3A_5, %mul3A : f32
    %swap3A = arith.constant 0 : index
    %swap3A_7 = arith.constant 0 : index
    %swap3A_8 = memref.load %arg1[%swap3A, %swap3A_7] : memref<1x1xf32, #tpu.memory_space<smem>>
    memref.store %mul3A_6, %arg1[%swap3A, %swap3A_7] : memref<1x1xf32, #tpu.memory_space<smem>>
    return
  }
}

</mosaic_0001>

<sc_bundles>
// kernel: kernel.5.cloned.1.call-start
scs
__scs_entry_jumppad:
0x0: {  	(pc) =	sbr.rel $0x88, $3  }
0x1: {  	(tag) =	ssettag $0x0;
	lr =	simm.s32 $0x1  }
0x2: {  	[smem:$0x3F9C] =	sst lr;
	_ =	strace $0xD0000000  }
0x3: {  	_ = 	snop  }
0x4: {  	_ = 	snop  }
0x5: {  	_ = 	snop  }
0x6: {  	_ = 	snop  }
0x7: {  	_ = 	snop  }
__scs_overlays_trampoline_lowered:
0x8: {  	[smem:$0x3FAB] =	sst s0  }
0x9: {  	[smem:$0x3FAC] =	sst s1  }
0xa: {  	[smem:$0x3FAD] =	sst s2  }
0xb: {  	[smem:$0x3FAE] =	sst s3  }
0xc: {  	[smem:$0x3FAF] =	sst s4  }
0xd: {  	[smem:$0x3FB0] =	sst s5  }
0xe: {  	[smem:$0x3FB1] =	sst s6  }
0xf: {  	[smem:$0x3FB2] =	sst s7  }
0x10: {  	[smem:$0x3FB3] =	sst s8  }
0x11: {  	[smem:$0x3FB4] =	sst s9;
	s0 =	simm.s32 @!p0 $0x0  }
0x12: {  	s1 =	sld [smem:$0x3F9A];
	s0 =	simm.s32 @p0 $0x1  }
0x13: {  	[smem:$0x3FB5] =	sst s0;
	s0 =	simm.s32 @!p1 $0x0  }
0x14: {  	s2 =	sld [smem:$0x3F99];
	s0 =	simm.s32 @p1 $0x1  }
0x15: {  	[smem:$0x3FB6] =	sst s0;
	s0 =	simm.s32 @!p2 $0x0  }
0x16: {  	s3 =	sld [smem:$0x3FDB];
	s0 =	simm.s32 @p2 $0x1  }
0x17: {  	s4 =	simm.s32 $0x1BF5;
	[smem:$0x3FB8] =	sst s0  }
0x18: {  	s0 =	sld [smem:$0x3F9B];
	_ =	swait.ge [sflag:s4], $0x0  }
0x19: {  	s7 =	sld [smem:$0x3F9C]  }
0x1a: {  	s8 =	sadd.s32 $0xFFFFE003, lr  }
0x1b: {  	s9 =	sadd.s32 $0xFFFFFEF7, lr;
	s5 =	simm.s32 $0xFFFFFFFF;
	p2 =	slt.u32 s8, $0xFFFFF086  }
0x1c: {  	p1 =	slt.u32 s9, $0xF7A;
	s5 =	simm.s32 @!p2 $0x0  }
0x1d: {  	s5 =	simm.s32 @p1 $0x1;
	p0 =	seq.s32 s7, s2  }
0x1e: {  	s7 =	smul.u32 @!p0 $0xF7A, s2;
	p2 =	seq.s32 @!p0 s5, $0x0  }
0x1f: {  	s9 =	smul.u32 $0xF7A, s1;
	s8 =	simm.s32 @!p0 $0x1BF5;
	p2 =	por !p2, p0  }
0x20: {  	[sflag:s8] =	ssyncset.s32 @!p0 $0xFFFFF086;
	s6 =	sadd.s32 @!p0 s3, s7;
	s7 =	simm.s32 @!p0 $0x108  }
0x21: {  	s3 =	sadd.s32 s3, s9;
	s6 =	sadd.s32 @!p0 $0x88, s6;
	s7 =	simm.s32 @p2 $0x1082  }
0x22: {  	[simem:s7], [sflag:s8] =	dma.local @!p0 [hbm:s6], $0xF7A  }
0x23: {  	s9 =	sor.u32 $0xD0000000, s2;
	s6 =	simm.s32 $0x108;
	_ =	swait.ge @!p0 [sflag:s8], $0x0  }
0x24: {  	s3 =	sadd.s32 $0x88, s3;
	s6 =	simm.s32 @!p1 $0x1082;
	[sflag:s4] =	ssyncset.s32 $0xFFFFF086  }
0x25: {  	[simem:s6], [sflag:s4] =	dma.local [hbm:s3], $0xF7A  }
0x26: {  	[smem:$0x3F9C] =	sst s1;
	(tag) =	ssettag s2;
	_ =	strace s9  }
0x27: {  	s1 =	sld [smem:$0x3FAC]  }
0x28: {  	s2 =	sld [smem:$0x3FAD]  }
0x29: {  	s4 =	sld [smem:$0x3FAF]  }
0x2a: {  	p0 =	seq.s32 s5, $0x0;
	s5 =	sld [smem:$0x3FB0]  }
0x2b: {  	s6 =	sld [smem:$0x3FB1]  }
0x2c: {  	s7 =	sld [smem:$0x3FB2]  }
0x2d: {  	s3 =	simm.s32 $0x108;
	s8 =	sld [smem:$0x3FB3]  }
0x2e: {  	s3 =	simm.s32 @!p0 $0x1082;
	s9 =	sld [smem:$0x3FB4]  }
0x2f: {  	lr =	sadd.s32 s0, s3;
	s0 =	sld [smem:$0x3FAB]  }
0x30: {  	s3 =	sld [smem:$0x3FAE]  }
0x31: {  	[smem:$0x3FB7] =	sst s10  }
0x32: {  	s10 =	sld [smem:$0x3FB5];
	_ =	sdelay $0x3  }
0x33: {  	p0 =	seq.s32 s10, $0x1;
	s10 =	sld [smem:$0x3FB7];
	_ =	sdelay $0x3  }
0x34: {  	[smem:$0x3FB7] =	sst s10  }
0x35: {  	s10 =	sld [smem:$0x3FB6];
	_ =	sdelay $0x3  }
0x36: {  	p1 =	seq.s32 s10, $0x1;
	s10 =	sld [smem:$0x3FB7];
	_ =	sdelay $0x3  }
0x37: {  	[smem:$0x3FB7] =	sst s10  }
0x38: {  	s10 =	sld [smem:$0x3FB8]  }
0x39: {  	_ = 	snop;
	(pc) =	sbr.ind lr, $3  }
0x3a: {  	_ = 	snop  }
0x3b: {  	_ = 	snop  }
0x3c: {  	p2 =	seq.s32 s10, $0x1;
	s10 =	sld [smem:$0x3FB7]  }
0x3d: {  	_ =	shalt  }
0x3e: {  	_ =	shalt  }
0x3f: {  	_ =	shalt  }
0x40: {  	_ =	shalt  }
0x41: {  	_ =	shalt  }
0x42: {  	_ =	shalt  }
0x43: {  	_ =	shalt  }
0x44: {  	_ =	shalt  }
0x45: {  	_ =	shalt  }
0x46: {  	_ =	shalt  }
0x47: {  	_ =	shalt  }
0x48: {  	_ =	shalt  }
0x49: {  	_ =	shalt  }
0x4a: {  	_ =	shalt  }
0x4b: {  	_ =	shalt  }
0x4c: {  	_ =	shalt  }
0x4d: {  	_ =	shalt  }
0x4e: {  	_ =	shalt  }
0x4f: {  	_ =	shalt  }
0x50: {  	_ =	shalt  }
0x51: {  	_ =	shalt  }
0x52: {  	_ =	shalt  }
0x53: {  	_ =	shalt  }
0x54: {  	_ =	shalt  }
0x55: {  	_ =	shalt  }
0x56: {  	_ =	shalt  }
0x57: {  	_ =	shalt  }
0x58: {  	_ =	shalt  }
0x59: {  	_ =	shalt  }
0x5a: {  	_ =	shalt  }
0x5b: {  	_ =	shalt  }
0x5c: {  	_ =	shalt  }
0x5d: {  	_ =	shalt  }
0x5e: {  	_ =	shalt  }
0x5f: {  	_ =	shalt  }
0x60: {  	_ =	shalt  }
0x61: {  	_ =	shalt  }
0x62: {  	_ =	shalt  }
0x63: {  	_ =	shalt  }
0x64: {  	_ =	shalt  }
0x65: {  	_ =	shalt  }
0x66: {  	_ =	shalt  }
0x67: {  	_ =	shalt  }
0x68: {  	_ =	shalt  }
0x69: {  	_ =	shalt  }
0x6a: {  	_ =	shalt  }
0x6b: {  	_ =	shalt  }
0x6c: {  	_ =	shalt  }
0x6d: {  	_ =	shalt  }
0x6e: {  	_ =	shalt  }
0x6f: {  	_ =	shalt  }
0x70: {  	_ =	shalt  }
0x71: {  	_ =	shalt  }
0x72: {  	_ =	shalt  }
0x73: {  	_ =	shalt  }
0x74: {  	_ =	shalt  }
0x75: {  	_ =	shalt  }
0x76: {  	_ =	shalt  }
0x77: {  	_ =	shalt  }
0x78: {  	_ =	shalt  }
0x79: {  	_ =	shalt  }
0x7a: {  	_ =	shalt  }
0x7b: {  	_ =	shalt  }
0x7c: {  	_ =	shalt  }
0x7d: {  	_ =	shalt  }
0x7e: {  	_ =	shalt  }
0x7f: {  	_ =	shalt  }
0x80: {  	_ =	shalt  }
0x81: {  	_ =	shalt  }
0x82: {  	_ =	shalt  }
0x83: {  	_ =	shalt  }
0x84: {  	_ =	shalt  }
0x85: {  	_ =	shalt  }
0x86: {  	_ =	shalt  }
0x87: {  	_ =	shalt  }
.Lfunc_end0:
.L_simem_size_0:
called_computation_lowered:
.L_overlay_start_0:
0x88: {  	s2 =	sld [smem:$0x3FD9]  }
0x89: {  	s3 =	sld [smem:$0x3FFE];
	_ =	sdelay $0x1  }
0x8a: {  	s1 =	srdreg.scid  }
0x8b: {  	s0 =	sand.u32 $0x1, s1  }
0x8c: {  	s17 =	sshll.u32 s0, $0xA;
	s2 =	sadd.s32 s3, s2  }
0x8d: {  	s2 =	sadd.s32 s2, s17  }
0x8e: {  	[smem:$0x3FC3] =	sst s2  }
0x8f: {  	_ = 	snop  }
0x90: {  	s2 =	sld [smem:$0x3FC9]  }
0x91: {  	s18 =	sld [smem:$0x3FC6];
	(tm) =	ssettm $0x1  }
0x92: {  	s4 =	sld [smem:$0x3FFB];
	_ =	sdelay $0x3  }
0x93: {  	_ =	strace s4  }
0x94: {  	s4 =	sld [smem:$0x3FFC];
	_ =	sdelay $0x3  }
0x95: {  	_ =	strace s4  }
0x96: {  	s4 =	sld [smem:$0x3FFD];
	_ =	sdelay $0x3  }
0x97: {  	_ =	strace s4  }
0x98: {  	_ =	strace $0x8FFFFFFF  }
0x99: {  	s19 =	sld [smem:$0x3FDB];
	_ =	sdelay $0x1  }
0x9a: {  	s5 =	simm.s32 $_scs_section_size  }
0x9b: {  	s6 =	simm.s32 $_size__tile_overlayer_lowered;
	s7 =	simm.s32 $_tile_overlayer_lowered  }
0x9c: {  	s22 =	simm.s32 $0x1BFF;
	s21 =	sshll.u32 s7, $0x1;
	s4 =	sadd.s32 s5, s19  }
0x9d: {  	s8 =	simm.s32 $0x0;
	s20 =	sshll.u32 s6, $0x1;
	s6 =	sadd.s32 s21, s4  }
0x9e: {  	[timem:s8], [sflag:s22] =	dma.local [hbm:s6], s20  }
0x9f: {  	_ =	swait.ge [sflag:s22], s20  }
0xa0: {  	s5 =	ssub.s32 $0x0, s20;
	[sflag:s22] =	ssyncset.done $0x0  }
0xa1: {  	[sflag:s22] =	ssyncadd.s32 s5;
	_ =	sdelay $0x1  }
0xa2: {  	s23 =	simm.s32 $0x1B8B  }
0xa3: {  	_ =	swait.ge [sflag:s23], $0x1  }
0xa4: {  	[sflag:s23] =	ssyncset.done $0x0  }
0xa5: {  	s25 =	simm.s32 $0x1B8E;
	s24 =	sld [smem:$0x3FFE];
	[sflag:s23] =	ssyncadd.s32 $0xFFFFFFFF  }
0xa6: {  	s26 =	simm.s32 $execute0_lowered;
	[smem:$0x3FD2] =	sst s25  }
0xa7: {  	s6 =	sshll.u32 s26, $0x1;
	_ =	strace $0x80000046;
	[dreg:$0x1] =	wrdreg $0xFFFFFFFF  }
0xa8: {  	s28 =	simm.s32 $_size_execute0_lowered;
	s4 =	sadd.s32 s4, s6;
	[dreg:$0x0] =	wrdreg $0x0  }
0xa9: {  	s6 =	sshll.u32 s28, $0x1;
	[dreg:$0x2] =	wrdreg s4  }
0xaa: {  	[dreg:$0x3] =	wrdreg s6  }
0xab: {  	[dreg:$0x4] =	wrdreg $0xC0  }
0xac: {  	_ =	task [dreg:s8], $0x5FFFF  }
0xad: {  	[dreg:$0x1] =	wrdreg $0xFFFFFFFF  }
0xae: {  	[dreg:$0x0] =	wrdreg $0x60  }
0xaf: {  	[dreg:$0x2] =	wrdreg s2  }
0xb0: {  	[dreg:$0x3] =	wrdreg s18  }
0xb1: {  	[dreg:$0x4] =	wrdreg s24  }
0xb2: {  	[dreg:$0x5] =	wrdreg $0x9  }
0xb3: {  	_ =	task.clear_ibuf [dreg:s8], $0x6FFFF;
	_ =	strace $0x90000046  }
0xb4: {  	s29 =	simm.s32 $0x9;
	_ =	strace $0x80000048  }
0xb5: {  	_ =	swait.ge [sflag:s29], $0x1  }
0xb6: {  	[sflag:s29] =	ssyncadd.s32 $0xFFFFFFFF  }
0xb7: {  	_ =	strace $0x90000048  }
0xb8: {  	_ =	sfence  }
0xb9: {  	s30 =	sld [smem:$0x0];
	_ =	sdelay $0x2  }
0xba: {  	s31 =	sshll.u32 s1, $0xD;
	s1 =	sshrl.u32 s1, $0x2  }
0xbb: {  	s3 =	sand.u32 $0x4000, s31;
	s1 =	sadd.s32 s1, s30  }
0xbc: {  	s0 =	sor.u32 s3, s0;
	s1 =	sshll.u32 s1, $0x11  }
0xbd: {  	s0 =	sor.u32 s1, s0  }
0xbe: {  	s0 =	sadd.s32 $0x8F2B, s0  }
0xbf: {  	[sflag:s0] =	ssyncadd.remote.s32 $0x1  }
0xc0: {  	_ =	sfence.sel $0xFFFF  }
0xc1: {  	[dreg:$0x0] =	wrdreg $0xFFFFFFFF;
	(pc) =	sbr.abs _section_cstart, $3  }
0xc2: {  	[dreg:$0x1] =	wrdreg $0xFFFFFFFF  }
0xc3: {  	_ =	task.clear_ibuf [dreg:s8], $0x2FFFF;
	_ =	strace $0x9FFFFFFF  }
0xc4: {  	(tm) =	ssettm $0x7FFFFFFF  }
0xc5: {  	_ =	shalt  }
tec
execute0_lowered:
.L_overlay_start_1:
0x0: {  	(tag) =	ssettag $0x1  }
0x1: {  	s0 =	rddreg [dreg:$0x0]  }
0x2: {  	s1 =	rddreg [dreg:$0x1]  }
0x3: {  	s2 =	rddreg [dreg:$0x2]  }
0x4: {  	s17 =	simm.s32 $0x0;
	s3 =	srdreg.scid;
	s4 =	stileid.u32  }
0x5: {  	s19 =	simm.s32 $0x3;
	s9 =	simm.s32 $0x7A1400;
	s22 =	simm.s32 $0x6200  }
0x6: {  	s23 =	simm.s32 $0x6A00;
	s24 =	simm.s32 $0x7200;
	s28 =	simm.s32 $0x8200  }
0x7: {  	s29 =	simm.s32 $0x8A00;
	s30 =	simm.s32 $0x9200;
	s31 =	simm.s32 $0x9A00  }
0x8: {  	s7 =	simm.s32 $0xCA00;
	s8 =	simm.s32 $0xD200;
	s10 =	simm.s32 $0xDA00  }
0x9: {  	s11 =	simm.s32 $0xE200;
	s12 =	simm.s32 $0xEA00;
	s13 =	simm.s32 $0xF200  }
0xa: {  	s14 =	simm.s32 $0xFA00;
	s15 =	simm.s32 $0x1;
	s16 =	simm.s32 $0x2  }
0xb: {  	s20 =	simm.s32 $0x0;
	s3 =	sand.u32 $0x1, s3;
	s4 =	sshll.u32 s4, $0x1  }
0xc: {  	[smem:$0x7FF] =	sst s17;
	s4 =	sor.u32 s3, s4;
	s3 =	ssub.s32 $0x2, s3  }
0xd: {  	_ =	strace $0x80000047;
	s5 =	sshll.u32 s4, $0xA;
	s6 =	sshrl.u32 s3, $0x1  }
0xe: {  	s4 =	sshll.u32 s4, $0x6;
	s2 =	sadd.s32 s5, s2;
	s3 =	ssub.s32 s3, s6  }
.Ltmp0:
0xf: {  	s0 =	sadd.s32 s0, s4;
	s4 =	simm.s32 $0xBA00;
	(pc) =	sbr.rel .LBB2_1-.Ltmp0, $4  }
0x10: {  	s6 =	simm.s32 $0xC200;
	[dreg:$0x4] =	wrdreg s0;
	s5 =	sadd.s32 $0xA00, s2  }
0x11: {  	s25 =	sadd.s32 $0xC00, s2;
	s26 =	smax.u32 s3, $0x1;
	s0 =	simm.s32 $0xA200  }
0x12: {  	v0 =	vlaneseq.u32;
	s2 =	simm.s32 $0xAA00;
	s3 =	simm.s32 $0xB200;
	[dreg:$0x5] =	wrdreg s25  }
0x13: {  	v0 =	vmul.u32 $0x80, v0;
	[dreg:$0x6] =	wrdreg s26;
	s25 =	simm.s32 $0x7A00;
	s26 =	simm.s32 $0x400  }
.LBB2_5:
0x14: {  	s17 =	simm.s32 $0x0;
	s18 =	rddreg [dreg:$0x5];
	s19 =	simm.s32 $0x10200  }
0x15: {  	[hbm4b:s18+s17] =	stream.linear.scatter [tilespmem:s19], [sflag:$0x3], $0x1000, $0x38;
	[tilespmem:$0x11200] =	vst v63  }
0x16: {  	s19 =	simm.s32 $0x3  }
0x17: {  	_ =	swait.ge [sflag:s19], $0x1000  }
0x18: {  	s20 =	rddreg [dreg:$0x7]  }
0x19: {  	s21 =	rddreg [dreg:$0x6];
	s20 =	sadd.s32 $0x1, s20  }
0x1a: {  	p0 =	sne.s32 s20, s21  }
.Ltmp1:
0x1b: {  	_ = 	snop;
	(pc) =	sbr.rel @!p0 .LBB2_6-.Ltmp1, $3  }
0x1c: {  	_ =	sdelay $0x1  }
0x1d: {  	[sflag:s19] =	ssyncset.done $0x0  }
0x1e: {  	[sflag:s19] =	ssyncadd.s32 $0xFFFFF000  }
.LBB2_1:
0x1f: {  	[dreg:$0x7] =	wrdreg s20  }
0x20: {  	s18 =	rddreg [dreg:$0x4]  }
0x21: {  	[tilespmem:s17], [sflag:$0x3] =	stream.linear.gather [hbm4b:s18+s17], $0x200, $0x38;
	[tilespmem:$0x11200] =	vst v63  }
0x22: {  	_ =	swait.ge [sflag:s19], $0x200  }
0x23: {  	[sflag:s19] =	ssyncset.done $0x0  }
0x24: {  	[sflag:s19] =	ssyncadd.s32 $0xFFFFFE00  }
0x25: {  	v1 =	vld [tilespmem:$0x0];
	_ =	sdelay $0x4  }
0x26: {  	(v2sf) =	vpush v1, $0x0  }
0x27: {  	(v2sf) =	vpush v1, $0x1;
	_ =	sdelay $0x5  }
0x28: {  	(v2sf) =	vpush v1, $0x2;
	_ =	sdelay $0x1  }
0x29: {  	(v2sf) =	vpush v1, $0x3;
	_ =	sdelay $0x5  }
0x2a: {  	s18 =	spop (v2sf);
	(v2sf) =	vpush v1, $0x4  }
0x2b: {  	s20 =	spop (v2sf);
	(v2sf) =	vpush v1, $0x5;
	_ =	sdelay $0x4  }
0x2c: {  	s17 =	sand.u32 $0xFFFFF80, s18  }
0x2d: {  	s19 =	simm.s32 $0x200;
	s17 =	sadd.s32 s1, s17;
	s18 =	spop (v2sf);
	(v2sf) =	vpush v1, $0x6  }
0x2e: {  	[tilespmem:s19], [sflag:$0x1] =	stream.strided.gather [hbm4b:s17+s26], $0x800, s9, s26, $0x38;
	[tilespmem:$0x11200] =	vst v63  }
0x2f: {  	s17 =	sand.u32 $0xFFFFF80, s20;
	s20 =	spop (v2sf);
	(v2sf) =	vpush v1, $0x7  }
0x30: {  	s21 =	simm.s32 $0xA00;
	s17 =	sadd.s32 s1, s17  }
0x31: {  	[tilespmem:s21], [sflag:$0x1] =	stream.strided.gather [hbm4b:s17+s26], $0x800, s9, s26, $0x38;
	[tilespmem:$0x11200] =	vst v63  }
0x32: {  	s17 =	sand.u32 $0xFFFFF80, s18  }
0x33: {  	s19 =	simm.s32 $0x1200;
	s17 =	sadd.s32 s1, s17  }
0x34: {  	[tilespmem:s19], [sflag:$0x1] =	stream.strided.gather [hbm4b:s17+s26], $0x800, s9, s26, $0x38;
	[tilespmem:$0x11200] =	vst v63  }
0x35: {  	s17 =	sand.u32 $0xFFFFF80, s20;
	s18 =	spop (v2sf);
	(v2sf) =	vpush v1, $0x8  }
0x36: {  	s21 =	simm.s32 $0x1A00;
	s17 =	sadd.s32 s1, s17;
	s20 =	spop (v2sf);
	(v2sf) =	vpush v1, $0x9  }
0x37: {  	[tilespmem:s21], [sflag:$0x1] =	stream.strided.gather [hbm4b:s17+s26], $0x800, s9, s26, $0x38;
	[tilespmem:$0x11200] =	vst v63  }
0x38: {  	s17 =	sand.u32 $0xFFFFF80, s18  }
0x39: {  	s19 =	simm.s32 $0x2200;
	s17 =	sadd.s32 s1, s17  }
0x3a: {  	[tilespmem:s19], [sflag:$0x1] =	stream.strided.gather [hbm4b:s17+s26], $0x800, s9, s26, $0x38;
	[tilespmem:$0x11200] =	vst v63  }
0x3b: {  	(v2sf) =	vpush v1, $0xA;
	s17 =	sand.u32 $0xFFFFF80, s20  }
0x3c: {  	s21 =	simm.s32 $0x2A00;
	s18 =	spop (v2sf);
	s17 =	sadd.s32 s1, s17  }
0x3d: {  	(v2sf) =	vpush v1, $0xB;
	[tilespmem:s21], [sflag:$0x1] =	stream.strided.gather [hbm4b:s17+s26], $0x800, s9, s26, $0x38;
	[tilespmem:$0x11200] =	vst v63  }
0x3e: {  	s20 =	spop (v2sf);
	(v2sf) =	vpush v1, $0xC;
	s17 =	sand.u32 $0xFFFFF80, s18  }
0x3f: {  	s19 =	simm.s32 $0x3200;
	s17 =	sadd.s32 s1, s17  }
0x40: {  	[tilespmem:s19], [sflag:$0x1] =	stream.strided.gather [hbm4b:s17+s26], $0x800, s9, s26, $0x38;
	[tilespmem:$0x11200] =	vst v63  }
0x41: {  	s17 =	sand.u32 $0xFFFFF80, s20  }
0x42: {  	s21 =	simm.s32 $0x3A00;
	s17 =	sadd.s32 s1, s17  }
0x43: {  	[tilespmem:s21], [sflag:$0x1] =	stream.strided.gather [hbm4b:s17+s26], $0x800, s9, s26, $0x38;
	[tilespmem:$0x11200] =	vst v63  }
0x44: {  	s18 =	spop (v2sf);
	(v2sf) =	vpush v1, $0xD  }
0x45: {  	s20 =	spop (v2sf);
	(v2sf) =	vpush v1, $0xE  }
0x46: {  	s17 =	sand.u32 $0xFFFFF80, s18  }
0x47: {  	s19 =	simm.s32 $0x4200;
	s17 =	sadd.s32 s1, s17  }
0x48: {  	[tilespmem:s19], [sflag:$0x1] =	stream.strided.gather [hbm4b:s17+s26], $0x800, s9, s26, $0x38;
	[tilespmem:$0x11200] =	vst v63  }
0x49: {  	s17 =	sand.u32 $0xFFFFF80, s20  }
0x4a: {  	s21 =	simm.s32 $0x4A00;
	s19 =	spop (v2sf);
	(v2sf) =	vpush v1, $0xF;
	s17 =	sadd.s32 s1, s17  }
0x4b: {  	[tilespmem:s21], [sflag:$0x1] =	stream.strided.gather [hbm4b:s17+s26], $0x800, s9, s26, $0x38;
	[tilespmem:$0x11200] =	vst v63  }
0x4c: {  	s20 =	spop (v2sf);
	s17 =	sand.u32 $0xFFFFF80, s19;
	s21 =	simm.s32 $0x5200  }
0x4d: {  	s19 =	sand.u32 $0xFFFFF80, s20;
	s20 =	spop (v2sf);
	s17 =	sadd.s32 s1, s17  }
0x4e: {  	[tilespmem:s21], [sflag:$0x1] =	stream.strided.gather [hbm4b:s17+s26], $0x800, s9, s26, $0x38;
	[tilespmem:$0x11200] =	vst v63  }
0x4f: {  	s20 =	sand.u32 $0xFFFFF80, s20;
	s17 =	sadd.s32 s1, s19;
	s21 =	simm.s32 $0x5A00  }
0x50: {  	[tilespmem:s21], [sflag:$0x1] =	stream.strided.gather [hbm4b:s17+s26], $0x800, s9, s26, $0x38;
	[tilespmem:$0x11200] =	vst v63  }
0x51: {  	s17 =	sadd.s32 s1, s20  }
0x52: {  	[tilespmem:s22], [sflag:$0x1] =	stream.strided.gather [hbm4b:s17+s26], $0x800, s9, s26, $0x38;
	[tilespmem:$0x11200] =	vst v63  }
0x53: {  	s21 =	spop (v2sf)  }
0x54: {  	s18 =	sand.u32 $0xFFFFF80, s21;
	s19 =	spop (v2sf)  }
0x55: {  	s17 =	sadd.s32 s1, s18;
	s20 =	sand.u32 $0xFFFFF80, s19  }
0x56: {  	[tilespmem:s23], [sflag:$0x1] =	stream.strided.gather [hbm4b:s17+s26], $0x800, s9, s26, $0x38;
	[tilespmem:$0x11200] =	vst v63  }
0x57: {  	s17 =	sadd.s32 s1, s20  }
0x58: {  	[tilespmem:s24], [sflag:$0x1] =	stream.strided.gather [hbm4b:s17+s26], $0x800, s9, s26, $0x38;
	[tilespmem:$0x11200] =	vst v63  }
.Ltmp2:
0x59: {  	s21 =	spop (v2sf);
	(pc) =	sbr.rel .LBB2_2-.Ltmp2, $4  }
0x5a: {  	s17 =	sand.u32 $0xFFFFF80, s21  }
0x5b: {  	s17 =	sadd.s32 s1, s17  }
0x5c: {  	[tilespmem:s25], [sflag:$0x1] =	stream.strided.gather [hbm4b:s17+s26], $0x800, s9, s26, $0x38;
	[tilespmem:$0x11200] =	vst v63  }
0x5d: {  	s18 =	simm.s32 $0x400;
	s17 =	simm.s32 $0x10  }
.LBB2_4:
0x5e: {  	_ =	swait.ge [sflag:s16], $0x800  }
0x5f: {  	[sflag:s16] =	ssyncset.done $0x0  }
0x60: {  	[sflag:s16] =	ssyncadd.s32 $0xFFFFF800  }
0x61: {  	_ =	swait.ge [sflag:s16], $0x800  }
0x62: {  	[sflag:s16] =	ssyncset.done $0x0  }
0x63: {  	[sflag:s16] =	ssyncadd.s32 $0xFFFFF800  }
0x64: {  	_ =	swait.ge [sflag:s16], $0x800  }
0x65: {  	[sflag:s16] =	ssyncset.done $0x0  }
0x66: {  	[sflag:s16] =	ssyncadd.s32 $0xFFFFF800  }
0x67: {  	_ =	swait.ge [sflag:s16], $0x800  }
0x68: {  	[sflag:s16] =	ssyncset.done $0x0  }
0x69: {  	[sflag:s16] =	ssyncadd.s32 $0xFFFFF800  }
0x6a: {  	_ =	swait.ge [sflag:s16], $0x800  }
0x6b: {  	[sflag:s16] =	ssyncset.done $0x0  }
0x6c: {  	[sflag:s16] =	ssyncadd.s32 $0xFFFFF800  }
0x6d: {  	_ =	swait.ge [sflag:s16], $0x800  }
0x6e: {  	[sflag:s16] =	ssyncset.done $0x0  }
0x6f: {  	[sflag:s16] =	ssyncadd.s32 $0xFFFFF800  }
0x70: {  	_ =	swait.ge [sflag:s16], $0x800  }
0x71: {  	[sflag:s16] =	ssyncset.done $0x0  }
0x72: {  	[sflag:s16] =	ssyncadd.s32 $0xFFFFF800  }
0x73: {  	_ =	swait.ge [sflag:s16], $0x800  }
0x74: {  	[sflag:s16] =	ssyncset.done $0x0  }
0x75: {  	[sflag:s16] =	ssyncadd.s32 $0xFFFFF800  }
0x76: {  	_ =	swait.ge [sflag:s16], $0x800  }
0x77: {  	[sflag:s16] =	ssyncset.done $0x0  }
0x78: {  	[sflag:s16] =	ssyncadd.s32 $0xFFFFF800  }
0x79: {  	_ =	swait.ge [sflag:s16], $0x800  }
0x7a: {  	[sflag:s16] =	ssyncset.done $0x0  }
0x7b: {  	[sflag:s16] =	ssyncadd.s32 $0xFFFFF800  }
0x7c: {  	_ =	swait.ge [sflag:s16], $0x800  }
0x7d: {  	[sflag:s16] =	ssyncset.done $0x0  }
0x7e: {  	[sflag:s16] =	ssyncadd.s32 $0xFFFFF800  }
0x7f: {  	_ =	swait.ge [sflag:s16], $0x800  }
0x80: {  	[sflag:s16] =	ssyncset.done $0x0  }
0x81: {  	[sflag:s16] =	ssyncadd.s32 $0xFFFFF800  }
0x82: {  	_ =	swait.ge [sflag:s16], $0x800  }
0x83: {  	[sflag:s16] =	ssyncset.done $0x0  }
0x84: {  	[sflag:s16] =	ssyncadd.s32 $0xFFFFF800  }
0x85: {  	_ =	swait.ge [sflag:s16], $0x800  }
0x86: {  	[sflag:s16] =	ssyncset.done $0x0  }
0x87: {  	[sflag:s16] =	ssyncadd.s32 $0xFFFFF800  }
0x88: {  	_ =	swait.ge [sflag:s16], $0x800  }
0x89: {  	[sflag:s16] =	ssyncset.done $0x0  }
0x8a: {  	[sflag:s16] =	ssyncadd.s32 $0xFFFFF800  }
0x8b: {  	_ =	swait.ge [sflag:s16], $0x800  }
0x8c: {  	[sflag:s16] =	ssyncset.done $0x0  }
0x8d: {  	[sflag:s16] =	ssyncadd.s32 $0xFFFFF800  }
0x8e: {  	v1 =	vld [tilespmem:s17+$0x0];
	_ =	sdelay $0x4  }
0x8f: {  	(v2sf) =	vpush v1, $0x0;
	_ =	sdelay $0x5  }
0x90: {  	(v2sf) =	vpush v1, $0x1;
	_ =	sdelay $0x5  }
0x91: {  	(v2sf) =	vpush v1, $0x2;
	_ =	sdelay $0x2  }
0x92: {  	s19 =	spop (v2sf)  }
0x93: {  	s19 =	sand.u32 $0x7F, s19  }
0x94: {  	v2 =	vor.u32 s19, v0  }
0x95: {  	(v2sf) =	vpush v1, $0x3;
	_ =	sdelay $0x2  }
0x96: {  	s21 =	spop (v2sf)  }
0x97: {  	s19 =	sand.u32 $0x7F, s21;
	v2 =	vld.idx.msk [tilespmem:v2+s28+$0x0], $0xffff  }
0x98: {  	v3 =	vor.u32 s19, v0  }
0x99: {  	(v2sf) =	vpush v1, $0x4  }
0x9a: {  	s20 =	sshrl.u32 s18, $0x2  }
0x9b: {  	s19 =	sand.u32 $0xF00, s20  }
0x9c: {  	s20 =	spop (v2sf);
	[tilespmem:s19+$0x10200] =	vst v2  }
0x9d: {  	s20 =	sand.u32 $0x7F, s20;
	v2 =	vld.idx.msk [tilespmem:v3+s29+$0x0], $0xffff  }
0x9e: {  	v3 =	vor.u32 s20, v0  }
0x9f: {  	(v2sf) =	vpush v1, $0x5;
	_ =	sdelay $0x2  }
0xa0: {  	s21 =	spop (v2sf);
	[tilespmem:s19+$0x10210] =	vst v2  }
0xa1: {  	s20 =	sand.u32 $0x7F, s21;
	v2 =	vld.idx.msk [tilespmem:v3+s30+$0x0], $0xffff  }
0xa2: {  	v3 =	vor.u32 s20, v0  }
0xa3: {  	(v2sf) =	vpush v1, $0x6;
	_ =	sdelay $0x2  }
0xa4: {  	s21 =	spop (v2sf);
	[tilespmem:s19+$0x10220] =	vst v2  }
0xa5: {  	s20 =	sand.u32 $0x7F, s21;
	v2 =	vld.idx.msk [tilespmem:v3+s31+$0x0], $0xffff  }
0xa6: {  	v3 =	vor.u32 s20, v0  }
0xa7: {  	(v2sf) =	vpush v1, $0x7;
	_ =	sdelay $0x2  }
0xa8: {  	s21 =	spop (v2sf);
	[tilespmem:s19+$0x10230] =	vst v2  }
0xa9: {  	s20 =	sand.u32 $0x7F, s21;
	v2 =	vld.idx.msk [tilespmem:v3+s0+$0x0], $0xffff  }
0xaa: {  	v3 =	vor.u32 s20, v0  }
0xab: {  	(v2sf) =	vpush v1, $0x8;
	_ =	sdelay $0x2  }
0xac: {  	s21 =	spop (v2sf);
	[tilespmem:s19+$0x10240] =	vst v2  }
0xad: {  	s20 =	sand.u32 $0x7F, s21;
	v2 =	vld.idx.msk [tilespmem:v3+s2+$0x0], $0xffff  }
0xae: {  	v3 =	vor.u32 s20, v0  }
0xaf: {  	(v2sf) =	vpush v1, $0x9;
	_ =	sdelay $0x2  }
0xb0: {  	s21 =	spop (v2sf);
	[tilespmem:s19+$0x10250] =	vst v2  }
0xb1: {  	s20 =	sand.u32 $0x7F, s21;
	v2 =	vld.idx.msk [tilespmem:v3+s3+$0x0], $0xffff  }
0xb2: {  	v3 =	vor.u32 s20, v0  }
0xb3: {  	(v2sf) =	vpush v1, $0xA;
	_ =	sdelay $0x2  }
0xb4: {  	s21 =	spop (v2sf);
	[tilespmem:s19+$0x10260] =	vst v2  }
0xb5: {  	s20 =	sand.u32 $0x7F, s21;
	v2 =	vld.idx.msk [tilespmem:v3+s4+$0x0], $0xffff  }
0xb6: {  	v3 =	vor.u32 s20, v0  }
0xb7: {  	(v2sf) =	vpush v1, $0xB;
	_ =	sdelay $0x2  }
0xb8: {  	s21 =	spop (v2sf);
	[tilespmem:s19+$0x10270] =	vst v2  }
0xb9: {  	s20 =	sand.u32 $0x7F, s21;
	v2 =	vld.idx.msk [tilespmem:v3+s6+$0x0], $0xffff  }
0xba: {  	v3 =	vor.u32 s20, v0  }
0xbb: {  	(v2sf) =	vpush v1, $0xC;
	_ =	sdelay $0x2  }
0xbc: {  	s21 =	spop (v2sf);
	[tilespmem:s19+$0x10280] =	vst v2  }
0xbd: {  	s20 =	sand.u32 $0x7F, s21;
	v2 =	vld.idx.msk [tilespmem:v3+s7+$0x0], $0xffff  }
0xbe: {  	v3 =	vor.u32 s20, v0  }
0xbf: {  	(v2sf) =	vpush v1, $0xD;
	_ =	sdelay $0x2  }
0xc0: {  	s21 =	spop (v2sf);
	[tilespmem:s19+$0x10290] =	vst v2  }
0xc1: {  	s20 =	sand.u32 $0x7F, s21;
	v2 =	vld.idx.msk [tilespmem:v3+s8+$0x0], $0xffff  }
0xc2: {  	v3 =	vor.u32 s20, v0  }
0xc3: {  	(v2sf) =	vpush v1, $0xE;
	_ =	sdelay $0x2  }
0xc4: {  	s21 =	spop (v2sf);
	[tilespmem:s19+$0x102A0] =	vst v2  }
0xc5: {  	s20 =	sand.u32 $0x7F, s21;
	v2 =	vld.idx.msk [tilespmem:v3+s10+$0x0], $0xffff  }
0xc6: {  	v3 =	vor.u32 s20, v0  }
0xc7: {  	(v2sf) =	vpush v1, $0xF;
	_ =	sdelay $0x2  }
0xc8: {  	s21 =	spop (v2sf);
	[tilespmem:s19+$0x102B0] =	vst v2  }
0xc9: {  	s20 =	sand.u32 $0x7F, s21;
	v1 =	vld.idx.msk [tilespmem:v3+s11+$0x0], $0xffff  }
0xca: {  	v2 =	vor.u32 s20, v0;
	_ =	sdelay $0x3  }
0xcb: {  	s21 =	spop (v2sf);
	[tilespmem:s19+$0x102C0] =	vst v1  }
0xcc: {  	s20 =	sand.u32 $0x7F, s21;
	v1 =	vld.idx.msk [tilespmem:v2+s12+$0x0], $0xffff  }
0xcd: {  	v2 =	vor.u32 s20, v0;
	_ =	sdelay $0x3  }
0xce: {  	s21 =	spop (v2sf);
	[tilespmem:s19+$0x102D0] =	vst v1  }
0xcf: {  	s20 =	sand.u32 $0x7F, s21;
	v1 =	vld.idx.msk [tilespmem:v2+s13+$0x0], $0xffff  }
0xd0: {  	v2 =	vor.u32 s20, v0;
	_ =	sdelay $0x3  }
0xd1: {  	[tilespmem:s19+$0x102E0] =	vst v1  }
0xd2: {  	v1 =	vld.idx.msk [tilespmem:v2+s14+$0x0], $0xffff;
	_ =	sdelay $0x3  }
0xd3: {  	p0 =	sne.s32 s18, $0x3C00;
	s18 =	sadd.s32 $0x800, s18  }
0xd4: {  	p1 =	sne.s32 s18, $0x8400;
	s20 =	simm.s32 @!p0 $0x10200;
	[tilespmem:s19+$0x102F0] =	vst v1;
	s19 =	simm.s32 @!p0 $0x0  }
0xd5: {  	[hbm4b:s5+s19] =	stream.linear.scatter @!p0 [tilespmem:s20], [sflag:$0x3], $0x1000, $0x38;
	[tilespmem:$0x11200] =	vst v63  }
.Ltmp3:
0xd6: {  	_ = 	snop;
	(pc) =	sbr.rel @!p1 .LBB2_5-.Ltmp3, $4  }
0xd7: {  	s19 =	simm.s32 @!p0 $0x3  }
0xd8: {  	_ =	swait.ge @!p0 [sflag:s19], $0x1000  }
0xd9: {  	[sflag:s19] =	ssyncset.done @!p0 $0x0  }
0xda: {  	s17 =	sadd.s32 $0x20, s17;
	[sflag:s19] =	ssyncadd.s32 @!p0 $0xFFFFF000  }
.LBB2_2:
0xdb: {  	v1 =	vld [tilespmem:s17+$0x0];
	_ =	sdelay $0x4  }
0xdc: {  	(v2sf) =	vpush v1, $0x0;
	_ =	sdelay $0x1  }
0xdd: {  	(v2sf) =	vpush v1, $0x1;
	_ =	sdelay $0x2  }
0xde: {  	(v2sf) =	vpush v1, $0x2;
	_ =	sdelay $0x3  }
0xdf: {  	(v2sf) =	vpush v1, $0x3;
	_ =	sdelay $0x4  }
0xe0: {  	(v2sf) =	vpush v1, $0x4  }
0xe1: {  	s19 =	spop (v2sf);
	(v2sf) =	vpush v1, $0x5;
	_ =	sdelay $0x1  }
0xe2: {  	s20 =	spop (v2sf);
	(v2sf) =	vpush v1, $0x6;
	_ =	sdelay $0x2  }
0xe3: {  	s19 =	sand.u32 $0xFFFFF80, s19;
	s21 =	spop (v2sf);
	(v2sf) =	vpush v1, $0x7  }
0xe4: {  	s19 =	sadd.s32 s1, s19  }
0xe5: {  	[tilespmem:s28], [sflag:$0x2] =	stream.strided.gather [hbm4b:s19+s26], $0x800, s9, s26, $0x38;
	[tilespmem:$0x11200] =	vst v63  }
0xe6: {  	s19 =	sand.u32 $0xFFFFF80, s20  }
0xe7: {  	s20 =	spop (v2sf);
	s19 =	sadd.s32 s1, s19  }
0xe8: {  	(v2sf) =	vpush v1, $0x8;
	[tilespmem:s29], [sflag:$0x2] =	stream.strided.gather [hbm4b:s19+s26], $0x800, s9, s26, $0x38;
	[tilespmem:$0x11200] =	vst v63  }
0xe9: {  	s19 =	sand.u32 $0xFFFFF80, s21  }
0xea: {  	s19 =	sadd.s32 s1, s19  }
0xeb: {  	[tilespmem:s30], [sflag:$0x2] =	stream.strided.gather [hbm4b:s19+s26], $0x800, s9, s26, $0x38;
	[tilespmem:$0x11200] =	vst v63  }
0xec: {  	s19 =	sand.u32 $0xFFFFF80, s20;
	s20 =	spop (v2sf)  }
0xed: {  	s19 =	sadd.s32 s1, s19;
	s21 =	sand.u32 $0xFFFFF80, s20;
	s20 =	spop (v2sf);
	(v2sf) =	vpush v1, $0x9  }
0xee: {  	[tilespmem:s31], [sflag:$0x2] =	stream.strided.gather [hbm4b:s19+s26], $0x800, s9, s26, $0x38;
	[tilespmem:$0x11200] =	vst v63  }
0xef: {  	s19 =	sadd.s32 s1, s21;
	s21 =	spop (v2sf);
	(v2sf) =	vpush v1, $0xA;
	_ =	sdelay $0x1  }
0xf0: {  	[tilespmem:s0], [sflag:$0x2] =	stream.strided.gather [hbm4b:s19+s26], $0x800, s9, s26, $0x38;
	[tilespmem:$0x11200] =	vst v63  }
0xf1: {  	s19 =	sand.u32 $0xFFFFF80, s20;
	s20 =	spop (v2sf);
	(v2sf) =	vpush v1, $0xB;
	_ =	sdelay $0x2  }
0xf2: {  	s19 =	sadd.s32 s1, s19  }
0xf3: {  	[tilespmem:s2], [sflag:$0x2] =	stream.strided.gather [hbm4b:s19+s26], $0x800, s9, s26, $0x38;
	[tilespmem:$0x11200] =	vst v63  }
0xf4: {  	s19 =	sand.u32 $0xFFFFF80, s21;
	s21 =	spop (v2sf);
	(v2sf) =	vpush v1, $0xC;
	_ =	sdelay $0x1  }
0xf5: {  	s19 =	sadd.s32 s1, s19  }
0xf6: {  	[tilespmem:s3], [sflag:$0x2] =	stream.strided.gather [hbm4b:s19+s26], $0x800, s9, s26, $0x38;
	[tilespmem:$0x11200] =	vst v63  }
0xf7: {  	s19 =	sand.u32 $0xFFFFF80, s20  }
0xf8: {  	s21 =	sand.u32 $0xFFFFF80, s21;
	s19 =	sadd.s32 s1, s19;
	s20 =	spop (v2sf);
	(v2sf) =	vpush v1, $0xD  }
0xf9: {  	[tilespmem:s4], [sflag:$0x2] =	stream.strided.gather [hbm4b:s19+s26], $0x800, s9, s26, $0x38;
	[tilespmem:$0x11200] =	vst v63  }
0xfa: {  	s19 =	sadd.s32 s1, s21;
	s21 =	spop (v2sf);
	(v2sf) =	vpush v1, $0xE  }
0xfb: {  	[tilespmem:s6], [sflag:$0x2] =	stream.strided.gather [hbm4b:s19+s26], $0x800, s9, s26, $0x38;
	[tilespmem:$0x11200] =	vst v63  }
0xfc: {  	s19 =	sand.u32 $0xFFFFF80, s20  }
0xfd: {  	s19 =	sadd.s32 s1, s19;
	s20 =	spop (v2sf);
	(v2sf) =	vpush v1, $0xF  }
0xfe: {  	[tilespmem:s7], [sflag:$0x2] =	stream.strided.gather [hbm4b:s19+s26], $0x800, s9, s26, $0x38;
	[tilespmem:$0x11200] =	vst v63  }
0xff: {  	s19 =	sand.u32 $0xFFFFF80, s21  }
0x100: {  	s19 =	sadd.s32 s1, s19  }
0x101: {  	[tilespmem:s8], [sflag:$0x2] =	stream.strided.gather [hbm4b:s19+s26], $0x800, s9, s26, $0x38;
	[tilespmem:$0x11200] =	vst v63  }
0x102: {  	s21 =	spop (v2sf);
	s19 =	sand.u32 $0xFFFFF80, s20  }
0x103: {  	s20 =	sand.u32 $0xFFFFF80, s21;
	s19 =	sadd.s32 s1, s19  }
0x104: {  	[tilespmem:s10], [sflag:$0x2] =	stream.strided.gather [hbm4b:s19+s26], $0x800, s9, s26, $0x38;
	[tilespmem:$0x11200] =	vst v63  }
0x105: {  	s19 =	sadd.s32 s1, s20  }
0x106: {  	[tilespmem:s11], [sflag:$0x2] =	stream.strided.gather [hbm4b:s19+s26], $0x800, s9, s26, $0x38;
	[tilespmem:$0x11200] =	vst v63  }
0x107: {  	s21 =	spop (v2sf)  }
0x108: {  	s19 =	sand.u32 $0xFFFFF80, s21  }
0x109: {  	s20 =	spop (v2sf);
	s19 =	sadd.s32 s1, s19  }
0x10a: {  	[tilespmem:s12], [sflag:$0x2] =	stream.strided.gather [hbm4b:s19+s26], $0x800, s9, s26, $0x38;
	[tilespmem:$0x11200] =	vst v63  }
0x10b: {  	s19 =	sand.u32 $0xFFFFF80, s20  }
0x10c: {  	s21 =	spop (v2sf);
	s19 =	sadd.s32 s1, s19  }
0x10d: {  	[tilespmem:s13], [sflag:$0x2] =	stream.strided.gather [hbm4b:s19+s26], $0x800, s9, s26, $0x38;
	[tilespmem:$0x11200] =	vst v63  }
0x10e: {  	s19 =	sand.u32 $0xFFFFF80, s21  }
0x10f: {  	s19 =	sadd.s32 s1, s19  }
0x110: {  	[tilespmem:s14], [sflag:$0x2] =	stream.strided.gather [hbm4b:s19+s26], $0x800, s9, s26, $0x38;
	[tilespmem:$0x11200] =	vst v63  }
0x111: {  	_ =	swait.ge [sflag:s15], $0x800  }
0x112: {  	[sflag:s15] =	ssyncset.done $0x0  }
0x113: {  	[sflag:s15] =	ssyncadd.s32 $0xFFFFF800  }
0x114: {  	_ =	swait.ge [sflag:s15], $0x800  }
0x115: {  	[sflag:s15] =	ssyncset.done $0x0  }
0x116: {  	[sflag:s15] =	ssyncadd.s32 $0xFFFFF800  }
0x117: {  	_ =	swait.ge [sflag:s15], $0x800  }
0x118: {  	[sflag:s15] =	ssyncset.done $0x0  }
0x119: {  	[sflag:s15] =	ssyncadd.s32 $0xFFFFF800  }
0x11a: {  	_ =	swait.ge [sflag:s15], $0x800  }
0x11b: {  	[sflag:s15] =	ssyncset.done $0x0  }
0x11c: {  	[sflag:s15] =	ssyncadd.s32 $0xFFFFF800  }
0x11d: {  	_ =	swait.ge [sflag:s15], $0x800  }
0x11e: {  	[sflag:s15] =	ssyncset.done $0x0  }
0x11f: {  	[sflag:s15] =	ssyncadd.s32 $0xFFFFF800  }
0x120: {  	_ =	swait.ge [sflag:s15], $0x800  }
0x121: {  	[sflag:s15] =	ssyncset.done $0x0  }
0x122: {  	[sflag:s15] =	ssyncadd.s32 $0xFFFFF800  }
0x123: {  	_ =	swait.ge [sflag:s15], $0x800  }
0x124: {  	[sflag:s15] =	ssyncset.done $0x0  }
0x125: {  	[sflag:s15] =	ssyncadd.s32 $0xFFFFF800  }
0x126: {  	_ =	swait.ge [sflag:s15], $0x800  }
0x127: {  	[sflag:s15] =	ssyncset.done $0x0  }
0x128: {  	[sflag:s15] =	ssyncadd.s32 $0xFFFFF800  }
0x129: {  	_ =	swait.ge [sflag:s15], $0x800  }
0x12a: {  	[sflag:s15] =	ssyncset.done $0x0  }
0x12b: {  	[sflag:s15] =	ssyncadd.s32 $0xFFFFF800  }
0x12c: {  	_ =	swait.ge [sflag:s15], $0x800  }
0x12d: {  	[sflag:s15] =	ssyncset.done $0x0  }
0x12e: {  	[sflag:s15] =	ssyncadd.s32 $0xFFFFF800  }
0x12f: {  	_ =	swait.ge [sflag:s15], $0x800  }
0x130: {  	[sflag:s15] =	ssyncset.done $0x0  }
0x131: {  	[sflag:s15] =	ssyncadd.s32 $0xFFFFF800  }
0x132: {  	_ =	swait.ge [sflag:s15], $0x800  }
0x133: {  	[sflag:s15] =	ssyncset.done $0x0  }
0x134: {  	[sflag:s15] =	ssyncadd.s32 $0xFFFFF800  }
0x135: {  	_ =	swait.ge [sflag:s15], $0x800  }
0x136: {  	[sflag:s15] =	ssyncset.done $0x0  }
0x137: {  	[sflag:s15] =	ssyncadd.s32 $0xFFFFF800  }
0x138: {  	_ =	swait.ge [sflag:s15], $0x800  }
0x139: {  	[sflag:s15] =	ssyncset.done $0x0  }
0x13a: {  	[sflag:s15] =	ssyncadd.s32 $0xFFFFF800  }
0x13b: {  	_ =	swait.ge [sflag:s15], $0x800  }
0x13c: {  	[sflag:s15] =	ssyncset.done $0x0  }
0x13d: {  	[sflag:s15] =	ssyncadd.s32 $0xFFFFF800  }
0x13e: {  	_ =	swait.ge [sflag:s15], $0x800  }
0x13f: {  	[sflag:s15] =	ssyncset.done $0x0  }
0x140: {  	[sflag:s15] =	ssyncadd.s32 $0xFFFFF800  }
0x141: {  	v1 =	vld [tilespmem:s17+$0xFFFFFFF0];
	_ =	sdelay $0x4  }
0x142: {  	(v2sf) =	vpush v1, $0x0;
	_ =	sdelay $0x5  }
0x143: {  	(v2sf) =	vpush v1, $0x1;
	_ =	sdelay $0x5  }
0x144: {  	(v2sf) =	vpush v1, $0x2;
	_ =	sdelay $0x2  }
0x145: {  	s20 =	spop (v2sf)  }
0x146: {  	s19 =	sand.u32 $0x7F, s20  }
0x147: {  	v2 =	vor.u32 s19, v0  }
0x148: {  	(v2sf) =	vpush v1, $0x3;
	_ =	sdelay $0x2  }
0x149: {  	s21 =	simm.s32 $0x200;
	s19 =	spop (v2sf)  }
0x14a: {  	s19 =	sand.u32 $0x7F, s19;
	v2 =	vld.idx.msk [tilespmem:v2+s21+$0x0], $0xffff  }
0x14b: {  	v3 =	vor.u32 s19, v0  }
0x14c: {  	s20 =	sadd.s32 $0xFFFFFC00, s18;
	(v2sf) =	vpush v1, $0x4  }
0x14d: {  	s19 =	sand.u32 $0x3800, s20  }
0x14e: {  	s19 =	sshrl.u32 s19, $0x2  }
0x14f: {  	s20 =	spop (v2sf);
	s21 =	simm.s32 $0xA00;
	[tilespmem:s19+$0x10200] =	vst v2  }
0x150: {  	s20 =	sand.u32 $0x7F, s20;
	v2 =	vld.idx.msk [tilespmem:v3+s21+$0x0], $0xffff  }
0x151: {  	v3 =	vor.u32 s20, v0  }
0x152: {  	(v2sf) =	vpush v1, $0x5;
	_ =	sdelay $0x2  }
0x153: {  	s21 =	simm.s32 $0x1200;
	s20 =	spop (v2sf);
	[tilespmem:s19+$0x10210] =	vst v2  }
0x154: {  	s20 =	sand.u32 $0x7F, s20;
	v2 =	vld.idx.msk [tilespmem:v3+s21+$0x0], $0xffff  }
0x155: {  	v3 =	vor.u32 s20, v0  }
0x156: {  	(v2sf) =	vpush v1, $0x6;
	_ =	sdelay $0x2  }
0x157: {  	s20 =	spop (v2sf);
	s21 =	simm.s32 $0x1A00;
	[tilespmem:s19+$0x10220] =	vst v2  }
0x158: {  	s20 =	sand.u32 $0x7F, s20;
	v2 =	vld.idx.msk [tilespmem:v3+s21+$0x0], $0xffff  }
0x159: {  	v3 =	vor.u32 s20, v0  }
0x15a: {  	(v2sf) =	vpush v1, $0x7;
	_ =	sdelay $0x2  }
0x15b: {  	s20 =	spop (v2sf);
	s21 =	simm.s32 $0x2200;
	[tilespmem:s19+$0x10230] =	vst v2  }
0x15c: {  	s20 =	sand.u32 $0x7F, s20;
	v2 =	vld.idx.msk [tilespmem:v3+s21+$0x0], $0xffff  }
0x15d: {  	v3 =	vor.u32 s20, v0  }
0x15e: {  	(v2sf) =	vpush v1, $0x8;
	_ =	sdelay $0x2  }
0x15f: {  	s20 =	spop (v2sf);
	s21 =	simm.s32 $0x2A00;
	[tilespmem:s19+$0x10240] =	vst v2  }
0x160: {  	s20 =	sand.u32 $0x7F, s20;
	v2 =	vld.idx.msk [tilespmem:v3+s21+$0x0], $0xffff  }
0x161: {  	v3 =	vor.u32 s20, v0  }
0x162: {  	(v2sf) =	vpush v1, $0x9;
	_ =	sdelay $0x2  }
0x163: {  	s20 =	spop (v2sf);
	s21 =	simm.s32 $0x3200;
	[tilespmem:s19+$0x10250] =	vst v2  }
0x164: {  	s20 =	sand.u32 $0x7F, s20;
	v2 =	vld.idx.msk [tilespmem:v3+s21+$0x0], $0xffff  }
0x165: {  	v3 =	vor.u32 s20, v0  }
0x166: {  	(v2sf) =	vpush v1, $0xA;
	_ =	sdelay $0x2  }
0x167: {  	s20 =	spop (v2sf);
	s21 =	simm.s32 $0x3A00;
	[tilespmem:s19+$0x10260] =	vst v2  }
0x168: {  	s20 =	sand.u32 $0x7F, s20;
	v2 =	vld.idx.msk [tilespmem:v3+s21+$0x0], $0xffff  }
0x169: {  	v3 =	vor.u32 s20, v0  }
0x16a: {  	(v2sf) =	vpush v1, $0xB;
	_ =	sdelay $0x2  }
0x16b: {  	s20 =	spop (v2sf);
	s21 =	simm.s32 $0x4200;
	[tilespmem:s19+$0x10270] =	vst v2  }
0x16c: {  	s20 =	sand.u32 $0x7F, s20;
	v2 =	vld.idx.msk [tilespmem:v3+s21+$0x0], $0xffff  }
0x16d: {  	v3 =	vor.u32 s20, v0  }
0x16e: {  	(v2sf) =	vpush v1, $0xC;
	_ =	sdelay $0x2  }
0x16f: {  	s20 =	spop (v2sf);
	s21 =	simm.s32 $0x4A00;
	[tilespmem:s19+$0x10280] =	vst v2  }
0x170: {  	s20 =	sand.u32 $0x7F, s20;
	v2 =	vld.idx.msk [tilespmem:v3+s21+$0x0], $0xffff  }
0x171: {  	v3 =	vor.u32 s20, v0  }
0x172: {  	(v2sf) =	vpush v1, $0xD;
	_ =	sdelay $0x2  }
0x173: {  	s20 =	spop (v2sf);
	s21 =	simm.s32 $0x5200;
	[tilespmem:s19+$0x10290] =	vst v2  }
0x174: {  	s20 =	sand.u32 $0x7F, s20;
	v2 =	vld.idx.msk [tilespmem:v3+s21+$0x0], $0xffff  }
0x175: {  	v3 =	vor.u32 s20, v0  }
0x176: {  	(v2sf) =	vpush v1, $0xE;
	_ =	sdelay $0x2  }
0x177: {  	s20 =	spop (v2sf);
	s21 =	simm.s32 $0x5A00;
	[tilespmem:s19+$0x102A0] =	vst v2  }
0x178: {  	s20 =	sand.u32 $0x7F, s20;
	v2 =	vld.idx.msk [tilespmem:v3+s21+$0x0], $0xffff  }
0x179: {  	v3 =	vor.u32 s20, v0  }
0x17a: {  	(v2sf) =	vpush v1, $0xF;
	_ =	sdelay $0x2  }
0x17b: {  	s21 =	spop (v2sf);
	[tilespmem:s19+$0x102B0] =	vst v2  }
0x17c: {  	s20 =	sand.u32 $0x7F, s21;
	v1 =	vld.idx.msk [tilespmem:v3+s22+$0x0], $0xffff  }
0x17d: {  	v2 =	vor.u32 s20, v0;
	_ =	sdelay $0x3  }
0x17e: {  	s21 =	spop (v2sf);
	[tilespmem:s19+$0x102C0] =	vst v1  }
0x17f: {  	s20 =	sand.u32 $0x7F, s21;
	v1 =	vld.idx.msk [tilespmem:v2+s23+$0x0], $0xffff  }
0x180: {  	v2 =	vor.u32 s20, v0;
	_ =	sdelay $0x3  }
0x181: {  	s21 =	spop (v2sf);
	[tilespmem:s19+$0x102D0] =	vst v1  }
0x182: {  	s20 =	sand.u32 $0x7F, s21;
	v1 =	vld.idx.msk [tilespmem:v2+s24+$0x0], $0xffff  }
0x183: {  	v2 =	vor.u32 s20, v0;
	_ =	sdelay $0x3  }
0x184: {  	[tilespmem:s19+$0x102E0] =	vst v1  }
0x185: {  	p0 =	seq.s32 s18, $0x7C00;
	v1 =	vld.idx.msk [tilespmem:v2+s25+$0x0], $0xffff  }
.Ltmp4:
0x186: {  	_ = 	snop;
	(pc) =	sbr.rel @p0 .LBB2_4-.Ltmp4, $2  }
0x187: {  	_ =	sdelay $0x2  }
0x188: {  	[tilespmem:s19+$0x102F0] =	vst v1  }
0x189: {  	v1 =	vld [tilespmem:s17+$0x10];
	_ =	sdelay $0x4  }
0x18a: {  	(v2sf) =	vpush v1, $0x0;
	_ =	sdelay $0x3  }
0x18b: {  	(v2sf) =	vpush v1, $0x1;
	_ =	sdelay $0x1  }
0x18c: {  	(v2sf) =	vpush v1, $0x2;
	_ =	sdelay $0x2  }
0x18d: {  	(v2sf) =	vpush v1, $0x3;
	_ =	sdelay $0x5  }
0x18e: {  	s19 =	spop (v2sf);
	(v2sf) =	vpush v1, $0x4  }
0x18f: {  	s19 =	sand.u32 $0xFFFFF80, s19  }
0x190: {  	s20 =	simm.s32 $0x200;
	s19 =	sadd.s32 s1, s19  }
0x191: {  	[tilespmem:s20], [sflag:$0x1] =	stream.strided.gather [hbm4b:s19+s26], $0x800, s9, s26, $0x38;
	[tilespmem:$0x11200] =	vst v63  }
0x192: {  	s20 =	spop (v2sf);
	(v2sf) =	vpush v1, $0x5;
	_ =	sdelay $0x1  }
0x193: {  	s19 =	sand.u32 $0xFFFFF80, s20;
	s20 =	spop (v2sf);
	(v2sf) =	vpush v1, $0x6  }
0x194: {  	s21 =	simm.s32 $0xA00;
	s19 =	sadd.s32 s1, s19  }
0x195: {  	[tilespmem:s21], [sflag:$0x1] =	stream.strided.gather [hbm4b:s19+s26], $0x800, s9, s26, $0x38;
	[tilespmem:$0x11200] =	vst v63  }
0x196: {  	s19 =	sand.u32 $0xFFFFF80, s20;
	s20 =	spop (v2sf);
	(v2sf) =	vpush v1, $0x7;
	_ =	sdelay $0x3  }
0x197: {  	s21 =	simm.s32 $0x1200;
	s19 =	sadd.s32 s1, s19  }
0x198: {  	[tilespmem:s21], [sflag:$0x1] =	stream.strided.gather [hbm4b:s19+s26], $0x800, s9, s26, $0x38;
	[tilespmem:$0x11200] =	vst v63  }
0x199: {  	s19 =	sand.u32 $0xFFFFF80, s20;
	s20 =	spop (v2sf);
	(v2sf) =	vpush v1, $0x8  }
0x19a: {  	s21 =	simm.s32 $0x1A00;
	s19 =	sadd.s32 s1, s19  }
0x19b: {  	[tilespmem:s21], [sflag:$0x1] =	stream.strided.gather [hbm4b:s19+s26], $0x800, s9, s26, $0x38;
	[tilespmem:$0x11200] =	vst v63  }
0x19c: {  	s19 =	sand.u32 $0xFFFFF80, s20  }
0x19d: {  	s21 =	simm.s32 $0x2200;
	s19 =	sadd.s32 s1, s19;
	s20 =	spop (v2sf);
	(v2sf) =	vpush v1, $0x9  }
0x19e: {  	[tilespmem:s21], [sflag:$0x1] =	stream.strided.gather [hbm4b:s19+s26], $0x800, s9, s26, $0x38;
	[tilespmem:$0x11200] =	vst v63  }
0x19f: {  	s19 =	sand.u32 $0xFFFFF80, s20;
	s20 =	spop (v2sf);
	(v2sf) =	vpush v1, $0xA  }
0x1a0: {  	s21 =	simm.s32 $0x2A00;
	s19 =	sadd.s32 s1, s19  }
0x1a1: {  	[tilespmem:s21], [sflag:$0x1] =	stream.strided.gather [hbm4b:s19+s26], $0x800, s9, s26, $0x38;
	[tilespmem:$0x11200] =	vst v63  }
0x1a2: {  	s19 =	sand.u32 $0xFFFFF80, s20;
	s20 =	spop (v2sf);
	(v2sf) =	vpush v1, $0xB;
	_ =	sdelay $0x3  }
0x1a3: {  	s21 =	simm.s32 $0x3200;
	s19 =	sadd.s32 s1, s19  }
0x1a4: {  	[tilespmem:s21], [sflag:$0x1] =	stream.strided.gather [hbm4b:s19+s26], $0x800, s9, s26, $0x38;
	[tilespmem:$0x11200] =	vst v63  }
0x1a5: {  	s19 =	sand.u32 $0xFFFFF80, s20;
	s20 =	spop (v2sf);
	(v2sf) =	vpush v1, $0xC  }
0x1a6: {  	s21 =	simm.s32 $0x3A00;
	s19 =	sadd.s32 s1, s19  }
0x1a7: {  	[tilespmem:s21], [sflag:$0x1] =	stream.strided.gather [hbm4b:s19+s26], $0x800, s9, s26, $0x38;
	[tilespmem:$0x11200] =	vst v63  }
0x1a8: {  	s19 =	sand.u32 $0xFFFFF80, s20  }
0x1a9: {  	s21 =	simm.s32 $0x4200;
	s19 =	sadd.s32 s1, s19;
	s20 =	spop (v2sf);
	(v2sf) =	vpush v1, $0xD  }
0x1aa: {  	[tilespmem:s21], [sflag:$0x1] =	stream.strided.gather [hbm4b:s19+s26], $0x800, s9, s26, $0x38;
	[tilespmem:$0x11200] =	vst v63  }
0x1ab: {  	s19 =	sand.u32 $0xFFFFF80, s20;
	s20 =	spop (v2sf);
	(v2sf) =	vpush v1, $0xE  }
0x1ac: {  	s21 =	simm.s32 $0x4A00;
	s19 =	sadd.s32 s1, s19  }
0x1ad: {  	[tilespmem:s21], [sflag:$0x1] =	stream.strided.gather [hbm4b:s19+s26], $0x800, s9, s26, $0x38;
	[tilespmem:$0x11200] =	vst v63  }
0x1ae: {  	s19 =	sand.u32 $0xFFFFF80, s20;
	s20 =	spop (v2sf);
	(v2sf) =	vpush v1, $0xF  }
0x1af: {  	s21 =	simm.s32 $0x5200;
	s19 =	sadd.s32 s1, s19  }
0x1b0: {  	[tilespmem:s21], [sflag:$0x1] =	stream.strided.gather [hbm4b:s19+s26], $0x800, s9, s26, $0x38;
	[tilespmem:$0x11200] =	vst v63  }
0x1b1: {  	s19 =	sand.u32 $0xFFFFF80, s20  }
0x1b2: {  	s21 =	simm.s32 $0x5A00;
	s19 =	sadd.s32 s1, s19  }
0x1b3: {  	[tilespmem:s21], [sflag:$0x1] =	stream.strided.gather [hbm4b:s19+s26], $0x800, s9, s26, $0x38;
	[tilespmem:$0x11200] =	vst v63  }
0x1b4: {  	s20 =	spop (v2sf)  }
0x1b5: {  	s19 =	sand.u32 $0xFFFFF80, s20  }
0x1b6: {  	s19 =	sadd.s32 s1, s19  }
0x1b7: {  	[tilespmem:s22], [sflag:$0x1] =	stream.strided.gather [hbm4b:s19+s26], $0x800, s9, s26, $0x38;
	[tilespmem:$0x11200] =	vst v63  }
0x1b8: {  	s21 =	spop (v2sf)  }
0x1b9: {  	s19 =	sand.u32 $0xFFFFF80, s21  }
0x1ba: {  	s20 =	spop (v2sf);
	s19 =	sadd.s32 s1, s19  }
0x1bb: {  	[tilespmem:s23], [sflag:$0x1] =	stream.strided.gather [hbm4b:s19+s26], $0x800, s9, s26, $0x38;
	[tilespmem:$0x11200] =	vst v63  }
0x1bc: {  	s19 =	sand.u32 $0xFFFFF80, s20  }
.Ltmp5:
0x1bd: {  	s21 =	spop (v2sf);
	s19 =	sadd.s32 s1, s19;
	(pc) =	sbr.rel .LBB2_4-.Ltmp5, $4  }
0x1be: {  	[tilespmem:s24], [sflag:$0x1] =	stream.strided.gather [hbm4b:s19+s26], $0x800, s9, s26, $0x38;
	[tilespmem:$0x11200] =	vst v63  }
0x1bf: {  	s19 =	sand.u32 $0xFFFFF80, s21  }
0x1c0: {  	s19 =	sadd.s32 s1, s19  }
0x1c1: {  	[tilespmem:s25], [sflag:$0x1] =	stream.strided.gather [hbm4b:s19+s26], $0x800, s9, s26, $0x38;
	[tilespmem:$0x11200] =	vst v63  }
.LBB2_6:
0x1c2: {  	_ =	sfence.sel $0x180000  }
0x1c3: {  	[bflag:$0x0] =	sbarrier.arrive $0xFFFF  }
0x1c4: {  	_ =	strace $0x90000047  }
0x1c5: {  	s0 =	stileid.u32;
	[bflag:$0x2] =	sbarrier.arrive $0xFFFF  }
0x1c6: {  	p0 =	sne.s32 s0, $0x0;
	s0 =	rddreg [dreg:$0x3]  }
0x1c7: {  	s0 =	sadd.s32 @!p0 $0x100000, s0  }
0x1c8: {  	[sflag:s0] =	ssyncadd.tile.s32 @!p0 $0x1;
	_ =	shalt  }
.Lfunc_end2:
_tile_overlayer_lowered:
.L_overlay_start_2:
0x1c9: {  	(tag) =	ssettag $0x2  }
0x1ca: {  	s0 =	rddreg [dreg:$0x0];
	s2 =	stileid.u32  }
0x1cb: {  	s1 =	rddreg [dreg:$0x1];
	p0 =	sne.s32 s2, $0x0  }
0x1cc: {  	s3 =	rddreg [dreg:$0x2];
	[bflag:$0x3] =	sbarrier.arrive $0xFFFF;
	s2 =	simm.s32 @!p0 $0x1C03  }
0x1cd: {  	[timem:s3], [sflag:s2] =	dma.local @!p0 [hbm:s0], s1  }
0x1ce: {  	s0 =	simm.s32 @!p0 $0x3  }
0x1cf: {  	_ =	swait.ge @!p0 [sflag:s0], s1  }
0x1d0: {  	s1 =	ssub.s32 @!p0 $0x0, s1;
	[sflag:s0] =	ssyncset.done @!p0 $0x0  }
0x1d1: {  	[sflag:s0] =	ssyncadd.s32 @!p0 s1  }
0x1d2: {  	[bflag:$0x3] =	sbarrier.arrive $0xFFFF  }
0x1d3: {  	_ =	shalt  }

// kernel: kernel.8.cloned.1.call-start
scs
__scs_entry_jumppad:
0x0: {  	(pc) =	sbr.rel $0x88, $3  }
0x1: {  	(tag) =	ssettag $0x0;
	lr =	simm.s32 $0x1  }
0x2: {  	[smem:$0x3F9C] =	sst lr;
	_ =	strace $0xD0000000  }
0x3: {  	_ = 	snop  }
0x4: {  	_ = 	snop  }
0x5: {  	_ = 	snop  }
0x6: {  	_ = 	snop  }
0x7: {  	_ = 	snop  }
__scs_overlays_trampoline_lowered:
0x8: {  	[smem:$0x3FAB] =	sst s0  }
0x9: {  	[smem:$0x3FAC] =	sst s1  }
0xa: {  	[smem:$0x3FAD] =	sst s2  }
0xb: {  	[smem:$0x3FAE] =	sst s3  }
0xc: {  	[smem:$0x3FAF] =	sst s4  }
0xd: {  	[smem:$0x3FB0] =	sst s5  }
0xe: {  	[smem:$0x3FB1] =	sst s6  }
0xf: {  	[smem:$0x3FB2] =	sst s7  }
0x10: {  	[smem:$0x3FB3] =	sst s8  }
0x11: {  	[smem:$0x3FB4] =	sst s9;
	s0 =	simm.s32 @!p0 $0x0  }
0x12: {  	s1 =	sld [smem:$0x3F9A];
	s0 =	simm.s32 @p0 $0x1  }
0x13: {  	[smem:$0x3FB5] =	sst s0;
	s0 =	simm.s32 @!p1 $0x0  }
0x14: {  	s2 =	sld [smem:$0x3F99];
	s0 =	simm.s32 @p1 $0x1  }
0x15: {  	[smem:$0x3FB6] =	sst s0;
	s0 =	simm.s32 @!p2 $0x0  }
0x16: {  	s3 =	sld [smem:$0x3FDB];
	s0 =	simm.s32 @p2 $0x1  }
0x17: {  	s4 =	simm.s32 $0x1BF5;
	[smem:$0x3FB8] =	sst s0  }
0x18: {  	s0 =	sld [smem:$0x3F9B];
	_ =	swait.ge [sflag:s4], $0x0  }
0x19: {  	s7 =	sld [smem:$0x3F9C]  }
0x1a: {  	s8 =	sadd.s32 $0xFFFFE003, lr  }
0x1b: {  	s9 =	sadd.s32 $0xFFFFFEF7, lr;
	s5 =	simm.s32 $0xFFFFFFFF;
	p2 =	slt.u32 s8, $0xFFFFF086  }
0x1c: {  	p1 =	slt.u32 s9, $0xF7A;
	s5 =	simm.s32 @!p2 $0x0  }
0x1d: {  	s5 =	simm.s32 @p1 $0x1;
	p0 =	seq.s32 s7, s2  }
0x1e: {  	s7 =	smul.u32 @!p0 $0xF7A, s2;
	p2 =	seq.s32 @!p0 s5, $0x0  }
0x1f: {  	s9 =	smul.u32 $0xF7A, s1;
	s8 =	simm.s32 @!p0 $0x1BF5;
	p2 =	por !p2, p0  }
0x20: {  	[sflag:s8] =	ssyncset.s32 @!p0 $0xFFFFF086;
	s6 =	sadd.s32 @!p0 s3, s7;
	s7 =	simm.s32 @!p0 $0x108  }
0x21: {  	s3 =	sadd.s32 s3, s9;
	s6 =	sadd.s32 @!p0 $0x88, s6;
	s7 =	simm.s32 @p2 $0x1082  }
0x22: {  	[simem:s7], [sflag:s8] =	dma.local @!p0 [hbm:s6], $0xF7A  }
0x23: {  	s9 =	sor.u32 $0xD0000000, s2;
	s6 =	simm.s32 $0x108;
	_ =	swait.ge @!p0 [sflag:s8], $0x0  }
0x24: {  	s3 =	sadd.s32 $0x88, s3;
	s6 =	simm.s32 @!p1 $0x1082;
	[sflag:s4] =	ssyncset.s32 $0xFFFFF086  }
0x25: {  	[simem:s6], [sflag:s4] =	dma.local [hbm:s3], $0xF7A  }
0x26: {  	[smem:$0x3F9C] =	sst s1;
	(tag) =	ssettag s2;
	_ =	strace s9  }
0x27: {  	s1 =	sld [smem:$0x3FAC]  }
0x28: {  	s2 =	sld [smem:$0x3FAD]  }
0x29: {  	s4 =	sld [smem:$0x3FAF]  }
0x2a: {  	p0 =	seq.s32 s5, $0x0;
	s5 =	sld [smem:$0x3FB0]  }
0x2b: {  	s6 =	sld [smem:$0x3FB1]  }
0x2c: {  	s7 =	sld [smem:$0x3FB2]  }
0x2d: {  	s3 =	simm.s32 $0x108;
	s8 =	sld [smem:$0x3FB3]  }
0x2e: {  	s3 =	simm.s32 @!p0 $0x1082;
	s9 =	sld [smem:$0x3FB4]  }
0x2f: {  	lr =	sadd.s32 s0, s3;
	s0 =	sld [smem:$0x3FAB]  }
0x30: {  	s3 =	sld [smem:$0x3FAE]  }
0x31: {  	[smem:$0x3FB7] =	sst s10  }
0x32: {  	s10 =	sld [smem:$0x3FB5];
	_ =	sdelay $0x3  }
0x33: {  	p0 =	seq.s32 s10, $0x1;
	s10 =	sld [smem:$0x3FB7];
	_ =	sdelay $0x3  }
0x34: {  	[smem:$0x3FB7] =	sst s10  }
0x35: {  	s10 =	sld [smem:$0x3FB6];
	_ =	sdelay $0x3  }
0x36: {  	p1 =	seq.s32 s10, $0x1;
	s10 =	sld [smem:$0x3FB7];
	_ =	sdelay $0x3  }
0x37: {  	[smem:$0x3FB7] =	sst s10  }
0x38: {  	s10 =	sld [smem:$0x3FB8]  }
0x39: {  	_ = 	snop;
	(pc) =	sbr.ind lr, $3  }
0x3a: {  	_ = 	snop  }
0x3b: {  	_ = 	snop  }
0x3c: {  	p2 =	seq.s32 s10, $0x1;
	s10 =	sld [smem:$0x3FB7]  }
0x3d: {  	_ =	shalt  }
0x3e: {  	_ =	shalt  }
0x3f: {  	_ =	shalt  }
0x40: {  	_ =	shalt  }
0x41: {  	_ =	shalt  }
0x42: {  	_ =	shalt  }
0x43: {  	_ =	shalt  }
0x44: {  	_ =	shalt  }
0x45: {  	_ =	shalt  }
0x46: {  	_ =	shalt  }
0x47: {  	_ =	shalt  }
0x48: {  	_ =	shalt  }
0x49: {  	_ =	shalt  }
0x4a: {  	_ =	shalt  }
0x4b: {  	_ =	shalt  }
0x4c: {  	_ =	shalt  }
0x4d: {  	_ =	shalt  }
0x4e: {  	_ =	shalt  }
0x4f: {  	_ =	shalt  }
0x50: {  	_ =	shalt  }
0x51: {  	_ =	shalt  }
0x52: {  	_ =	shalt  }
0x53: {  	_ =	shalt  }
0x54: {  	_ =	shalt  }
0x55: {  	_ =	shalt  }
0x56: {  	_ =	shalt  }
0x57: {  	_ =	shalt  }
0x58: {  	_ =	shalt  }
0x59: {  	_ =	shalt  }
0x5a: {  	_ =	shalt  }
0x5b: {  	_ =	shalt  }
0x5c: {  	_ =	shalt  }
0x5d: {  	_ =	shalt  }
0x5e: {  	_ =	shalt  }
0x5f: {  	_ =	shalt  }
0x60: {  	_ =	shalt  }
0x61: {  	_ =	shalt  }
0x62: {  	_ =	shalt  }
0x63: {  	_ =	shalt  }
0x64: {  	_ =	shalt  }
0x65: {  	_ =	shalt  }
0x66: {  	_ =	shalt  }
0x67: {  	_ =	shalt  }
0x68: {  	_ =	shalt  }
0x69: {  	_ =	shalt  }
0x6a: {  	_ =	shalt  }
0x6b: {  	_ =	shalt  }
0x6c: {  	_ =	shalt  }
0x6d: {  	_ =	shalt  }
0x6e: {  	_ =	shalt  }
0x6f: {  	_ =	shalt  }
0x70: {  	_ =	shalt  }
0x71: {  	_ =	shalt  }
0x72: {  	_ =	shalt  }
0x73: {  	_ =	shalt  }
0x74: {  	_ =	shalt  }
0x75: {  	_ =	shalt  }
0x76: {  	_ =	shalt  }
0x77: {  	_ =	shalt  }
0x78: {  	_ =	shalt  }
0x79: {  	_ =	shalt  }
0x7a: {  	_ =	shalt  }
0x7b: {  	_ =	shalt  }
0x7c: {  	_ =	shalt  }
0x7d: {  	_ =	shalt  }
0x7e: {  	_ =	shalt  }
0x7f: {  	_ =	shalt  }
0x80: {  	_ =	shalt  }
0x81: {  	_ =	shalt  }
0x82: {  	_ =	shalt  }
0x83: {  	_ =	shalt  }
0x84: {  	_ =	shalt  }
0x85: {  	_ =	shalt  }
0x86: {  	_ =	shalt  }
0x87: {  	_ =	shalt  }
.Lfunc_end0:
.L_simem_size_0:
called_computation.1_lowered:
.L_overlay_start_0:
0x88: {  	s2 =	sld [smem:$0x3FD9]  }
0x89: {  	s3 =	sld [smem:$0x3FFE];
	_ =	sdelay $0x1  }
0x8a: {  	s1 =	srdreg.scid  }
0x8b: {  	s0 =	sand.u32 $0x1, s1  }
0x8c: {  	s17 =	sshll.u32 s0, $0xA;
	s2 =	sadd.s32 s3, s2  }
0x8d: {  	s2 =	sadd.s32 s2, s17  }
0x8e: {  	[smem:$0x3FC3] =	sst s2  }
0x8f: {  	_ = 	snop  }
0x90: {  	s2 =	sld [smem:$0x3FC8]  }
0x91: {  	s18 =	sld [smem:$0x3FC7];
	(tm) =	ssettm $0x1  }
0x92: {  	s4 =	sld [smem:$0x3FFB];
	_ =	sdelay $0x3  }
0x93: {  	_ =	strace s4  }
0x94: {  	s4 =	sld [smem:$0x3FFC];
	_ =	sdelay $0x3  }
0x95: {  	_ =	strace s4  }
0x96: {  	s4 =	sld [smem:$0x3FFD];
	_ =	sdelay $0x3  }
0x97: {  	_ =	strace s4  }
0x98: {  	_ =	strace $0x8FFFFFFF  }
0x99: {  	s19 =	sld [smem:$0x3FDB];
	_ =	sdelay $0x1  }
0x9a: {  	s5 =	simm.s32 $_scs_section_size  }
0x9b: {  	s6 =	simm.s32 $_size__tile_overlayer_lowered;
	s7 =	simm.s32 $_tile_overlayer_lowered  }
0x9c: {  	s22 =	simm.s32 $0x1BFF;
	s21 =	sshll.u32 s7, $0x1;
	s4 =	sadd.s32 s5, s19  }
0x9d: {  	s8 =	simm.s32 $0x0;
	s20 =	sshll.u32 s6, $0x1;
	s6 =	sadd.s32 s21, s4  }
0x9e: {  	[timem:s8], [sflag:s22] =	dma.local [hbm:s6], s20  }
0x9f: {  	_ =	swait.ge [sflag:s22], s20  }
0xa0: {  	s5 =	ssub.s32 $0x0, s20;
	[sflag:s22] =	ssyncset.done $0x0  }
0xa1: {  	[sflag:s22] =	ssyncadd.s32 s5;
	_ =	sdelay $0x1  }
0xa2: {  	s23 =	simm.s32 $0x1B8B  }
0xa3: {  	_ =	swait.ge [sflag:s23], $0x1  }
0xa4: {  	[sflag:s23] =	ssyncset.done $0x0  }
0xa5: {  	s25 =	simm.s32 $0x1B8E;
	s24 =	sld [smem:$0x3FFE];
	[sflag:s23] =	ssyncadd.s32 $0xFFFFFFFF  }
0xa6: {  	s26 =	simm.s32 $execute0_lowered;
	[smem:$0x3FD2] =	sst s25  }
0xa7: {  	s6 =	sshll.u32 s26, $0x1;
	_ =	strace $0x80000049;
	[dreg:$0x1] =	wrdreg $0xFFFFFFFF  }
0xa8: {  	s28 =	simm.s32 $_size_execute0_lowered;
	s4 =	sadd.s32 s4, s6;
	[dreg:$0x0] =	wrdreg $0x0  }
0xa9: {  	s6 =	sshll.u32 s28, $0x1;
	[dreg:$0x2] =	wrdreg s4  }
0xaa: {  	[dreg:$0x3] =	wrdreg s6  }
0xab: {  	[dreg:$0x4] =	wrdreg $0xC0  }
0xac: {  	_ =	task [dreg:s8], $0x5FFFF  }
0xad: {  	[dreg:$0x1] =	wrdreg $0xFFFFFFFF  }
0xae: {  	[dreg:$0x0] =	wrdreg $0x60  }
0xaf: {  	[dreg:$0x2] =	wrdreg s2  }
0xb0: {  	[dreg:$0x3] =	wrdreg s18  }
0xb1: {  	[dreg:$0x4] =	wrdreg s24  }
0xb2: {  	[dreg:$0x5] =	wrdreg $0x9  }
0xb3: {  	_ =	task.clear_ibuf [dreg:s8], $0x6FFFF;
	_ =	strace $0x90000049  }
0xb4: {  	s29 =	simm.s32 $0x9;
	_ =	strace $0x8000004B  }
0xb5: {  	_ =	swait.ge [sflag:s29], $0x1  }
0xb6: {  	[sflag:s29] =	ssyncadd.s32 $0xFFFFFFFF  }
0xb7: {  	_ =	strace $0x9000004B  }
0xb8: {  	_ =	sfence  }
0xb9: {  	s30 =	sld [smem:$0x0];
	_ =	sdelay $0x2  }
0xba: {  	s31 =	sshll.u32 s1, $0xD;
	s1 =	sshrl.u32 s1, $0x2  }
0xbb: {  	s3 =	sand.u32 $0x4000, s31;
	s1 =	sadd.s32 s1, s30  }
0xbc: {  	s0 =	sor.u32 s3, s0;
	s1 =	sshll.u32 s1, $0x11  }
0xbd: {  	s0 =	sor.u32 s1, s0  }
0xbe: {  	s0 =	sadd.s32 $0x8F2B, s0  }
0xbf: {  	[sflag:s0] =	ssyncadd.remote.s32 $0x1  }
0xc0: {  	_ =	sfence.sel $0xFFFF  }
0xc1: {  	[dreg:$0x0] =	wrdreg $0xFFFFFFFF;
	(pc) =	sbr.abs _section_cstart, $3  }
0xc2: {  	[dreg:$0x1] =	wrdreg $0xFFFFFFFF  }
0xc3: {  	_ =	task.clear_ibuf [dreg:s8], $0x2FFFF;
	_ =	strace $0x9FFFFFFF  }
0xc4: {  	(tm) =	ssettm $0x7FFFFFFF  }
0xc5: {  	_ =	shalt  }
tec
execute0_lowered:
.L_overlay_start_1:
0x0: {  	(tag) =	ssettag $0x1  }
0x1: {  	s4 =	rddreg [dreg:$0x0]  }
0x2: {  	s5 =	rddreg [dreg:$0x1]  }
0x3: {  	s6 =	rddreg [dreg:$0x2]  }
0x4: {  	s0 =	rddreg [dreg:$0x3];
	s3 =	srdreg.scid;
	s2 =	simm.s32 $0x0  }
0x5: {  	s1 =	stileid.u32;
	s12 =	simm.s32 $0x80;
	[smem:$0x7FF] =	sst s2  }
0x6: {  	v0 =	vimm.f32 $9.000000000e+00;
	s13 =	simm.s32 $0x2400;
	s14 =	simm.s32 $0x3400;
	_ =	strace $0x8000004A  }
0x7: {  	s15 =	simm.s32 $0x2C00;
	s16 =	simm.s32 $0x280;
	s17 =	simm.s32 $0x3C00;
	(erf) = vrcp.f32 v0  }
0x8: {  	s18 =	simm.s32 $0x1;
	s19 =	simm.s32 $0x100;
	s20 =	simm.s32 $0x300  }
0x9: {  	vm0 =	vmmov $0x1;
	vm1 =	vmmov $0x3;
	s21 =	simm.s32 $0x180;
	s22 =	simm.s32 $0x380;
	s23 =	simm.s32 $0x4400  }
0xa: {  	vm2 =	vmmov $0x7;
	vm3 =	vmmov $0xf;
	s24 =	simm.s32 $0x0;
	v3 =	vimm.s32 $0x0;
	s3 =	sand.u32 $0x1, s3;
	s7 =	sshll.u32 s1, $0x1  }
0xb: {  	vm4 =	vmmov $0x1f;
	vm5 =	vmmov $0x3f;
	v3 =	vsel vm0, $0xFFFFFFFF, v3;
	s7 =	sor.u32 s3, s7;
	s9 =	ssub.s32 $0x2, s3;
	s3 =	sadd.s32 $0x18F400, s6  }
0xc: {  	vm6 =	vmmov $0x7f;
	vm7 =	vmmov $0xff;
	[tilespmem:$0x1FFD0] =	vst v3;
	v3 =	vimm.s32 $0x0;
	s8 =	sshll.u32 s7, $0xA;
	s10 =	sshll.u32 s7, $0x1;
	s11 =	sshrl.u32 s9, $0x1  }
0xd: {  	vm8 =	vmmov $0x1ff;
	vm9 =	vmmov $0x3ff;
	s31 =	sshll.u32 s7, $0x6;
	v3 =	vsel vm1, $0xFFFFFFFF, v3;
	s8 =	sadd.s32 s8, s6;
	s10 =	sadd.s32 s10, s6  }
0xe: {  	vm10 =	vmmov $0x7ff;
	vm11 =	vmmov $0xfff;
	s9 =	ssub.s32 s9, s11;
	s4 =	sadd.s32 s4, s31;
	s5 =	sadd.s32 s5, s31;
	[tilespmem:$0x1FFE0] =	vst v3;
	v3 =	vimm.s32 $0x0  }
0xf: {  	vm12 =	vmmov $0x1fff;
	vm13 =	vmmov $0x3fff;
	s11 =	simm.s32 $0x400;
	s6 =	sadd.s32 $0xA00, s8;
	s7 =	sadd.s32 $0x8A00, s10;
	v3 =	vsel vm2, $0xFFFFFFFF, v3  }
0x10: {  	vm14 =	vmmov $0x7fff;
	v2 =	vimm.f32 $0.0e+00;
	v0 =	vimm.s32 $0xF;
	s8 =	smax.u32 s9, $0x1;
	s9 =	simm.s32 $0x2;
	s10 =	simm.s32 $0x200;
	[tilespmem:$0x1FFF0] =	vst v3;
	v1 =	vpop (erf)  }
.LBB2_1:
0x11: {  	[tilespmem:s2], [sflag:$0x2] =	stream.linear.gather [hbm4b:s4+s2], $0x200, $0x38;
	[tilespmem:$0x4410] =	vst v63  }
0x12: {  	_ =	swait.ge [sflag:s9], $0x200  }
0x13: {  	[sflag:s9] =	ssyncset.done $0x0  }
0x14: {  	[sflag:s9] =	ssyncadd.s32 $0xFFFFFE00  }
0x15: {  	[tilespmem:s10], [sflag:$0x2] =	stream.linear.gather [hbm4b:s5+s2], $0x200, $0x38;
	[tilespmem:$0x4410] =	vst v63  }
0x16: {  	_ =	swait.ge [sflag:s9], $0x200  }
0x17: {  	[sflag:s9] =	ssyncset.done $0x0  }
0x18: {  	[sflag:s9] =	ssyncadd.s32 $0xFFFFFE00  }
0x19: {  	[tilespmem:s11], [sflag:$0x1] =	stream.linear.gather [hbm4b:s6+s2], $0x2000, $0x38;
	[tilespmem:$0x4410] =	vst v63  }
0x1a: {  	_ = 	snop  }
0x1b: {  	[tilespmem:s13], [sflag:$0x1] =	stream.indirect.gather [hbm4b:s3+s12], $0x10, s2, s12, $0xb8;
	[tilespmem:$0x4410] =	vst v63  }
0x1c: {  	_ = 	snop  }
0x1d: {  	[tilespmem:s14], [sflag:$0x1] =	stream.indirect.gather [hbm4b:s3+s12], $0x10, s10, s12, $0xb8;
	[tilespmem:$0x4410] =	vst v63  }
0x1e: {  	_ = 	snop  }
0x1f: {  	[tilespmem:s15], [sflag:$0x1] =	stream.indirect.gather [hbm4b:s3+s12], $0x10, s12, s12, $0xb8;
	[tilespmem:$0x4410] =	vst v63  }
0x20: {  	_ = 	snop  }
0x21: {  	[tilespmem:s17], [sflag:$0x1] =	stream.indirect.gather [hbm4b:s3+s12], $0x10, s16, s12, $0xb8;
	[tilespmem:$0x4410] =	vst v63  }
0x22: {  	_ =	swait.ge [sflag:s18], $0x2000  }
0x23: {  	[sflag:s18] =	ssyncset.done $0x0  }
0x24: {  	[sflag:s18] =	ssyncadd.s32 $0xFFFFE000  }
0x25: {  	_ =	swait.ge [sflag:s18], $0x800  }
0x26: {  	[sflag:s18] =	ssyncset.done $0x0  }
0x27: {  	[sflag:s18] =	ssyncadd.s32 $0xFFFFF800  }
0x28: {  	_ =	swait.ge [sflag:s18], $0x800  }
0x29: {  	[sflag:s18] =	ssyncset.done $0x0  }
0x2a: {  	[sflag:s18] =	ssyncadd.s32 $0xFFFFF800  }
0x2b: {  	_ =	swait.ge [sflag:s18], $0x800  }
0x2c: {  	[sflag:s18] =	ssyncset.done $0x0  }
0x2d: {  	[sflag:s18] =	ssyncadd.s32 $0xFFFFF800  }
0x2e: {  	_ =	swait.ge [sflag:s18], $0x800  }
0x2f: {  	[sflag:s18] =	ssyncset.done $0x0  }
0x30: {  	s25 =	simm.s32 $0x0;
	[sflag:s18] =	ssyncadd.s32 $0xFFFFF800  }
0x31: {  	v3 =	vld [tilespmem:s25+$0x24F0]  }
0x32: {  	v4 =	vld [tilespmem:s25+$0x34F0]  }
0x33: {  	v5 =	vld [tilespmem:s25+$0x4F0]  }
0x34: {  	v6 =	vld [tilespmem:s25+$0x4E0]  }
0x35: {  	v7 =	vld [tilespmem:s25+$0x24E0]  }
0x36: {  	v8 =	vld [tilespmem:s25+$0x34E0]  }
0x37: {  	v9 =	vld [tilespmem:s25+$0x4C0]  }
0x38: {  	v10 =	vld [tilespmem:s25+$0x24C0]  }
0x39: {  	v11 =	vld [tilespmem:s25+$0x34C0]  }
0x3a: {  	v12 =	vld [tilespmem:s25+$0x24B0]  }
0x3b: {  	v13 =	vld [tilespmem:s25+$0x34B0]  }
0x3c: {  	v14 =	vld [tilespmem:s25+$0x2490]  }
0x3d: {  	v15 =	vld [tilespmem:s25+$0x3490]  }
0x3e: {  	v16 =	vld [tilespmem:s25+$0x4B0]  }
0x3f: {  	v18 =	vld [tilespmem:s25+$0x490]  }
0x40: {  	v19 =	vld [tilespmem:s25+$0x2480]  }
0x41: {  	v20 =	vld [tilespmem:s25+$0x3480]  }
0x42: {  	v21 =	vld [tilespmem:s25+$0x480]  }
0x43: {  	v22 =	vld [tilespmem:s25+$0x2460]  }
0x44: {  	v23 =	vld [tilespmem:s25+$0x3460]  }
0x45: {  	v24 =	vld [tilespmem:s25+$0x460]  }
0x46: {  	v25 =	vld [tilespmem:s25+$0x2450]  }
0x47: {  	v26 =	vld [tilespmem:s25+$0x3450]  }
0x48: {  	v27 =	vld [tilespmem:s25+$0x450]  }
0x49: {  	v28 =	vld [tilespmem:s25+$0x2430]  }
0x4a: {  	v29 =	vld [tilespmem:s25+$0x3430]  }
0x4b: {  	v30 =	vld [tilespmem:s25+$0x430]  }
0x4c: {  	v31 =	vld [tilespmem:s25+$0x2420]  }
0x4d: {  	v3 =	vsub.f32 v3, v4;
	v4 =	vld [tilespmem:s25+$0x3420]  }
0x4e: {  	v7 =	vsub.f32 v7, v8;
	v8 =	vld [tilespmem:s25+$0x420]  }
0x4f: {  	v3 =	vmul.f32 v3, v5;
	v5 =	vsub.f32 v10, v11;
	v10 =	vld [tilespmem:s25+$0x2400]  }
0x50: {  	v6 =	vmul.f32 v7, v6;
	v7 =	vsub.f32 v12, v13;
	v11 =	vld [tilespmem:s25+$0x3400]  }
0x51: {  	v12 =	vld [tilespmem:s25+$0x2410];
	(xrf2) =	vadd.scan.msk.f32 $0xffff, v3;
	v3 =	vmul.f32 v5, v9;
	v5 =	vsub.f32 v14, v15  }
0x52: {  	v13 =	vld [tilespmem:s25+$0x3410];
	(xrf2) =	vadd.scan.msk.f32 $0xffff, v6;
	v6 =	vmul.f32 v7, v16;
	v7 =	vsub.f32 v19, v20  }
0x53: {  	v9 =	vld [tilespmem:s25+$0x400];
	(xrf2) =	vadd.scan.msk.f32 $0xffff, v3;
	v3 =	vmul.f32 v5, v18;
	v5 =	vsub.f32 v22, v23  }
0x54: {  	v14 =	vld [tilespmem:s25+$0x2440];
	(xrf2) =	vadd.scan.msk.f32 $0xffff, v6;
	v6 =	vmul.f32 v7, v21;
	v7 =	vsub.f32 v25, v26  }
0x55: {  	v15 =	vld [tilespmem:s25+$0x410];
	v4 =	vsub.f32 v31, v4;
	(xrf2) =	vadd.scan.msk.f32 $0xffff, v3;
	v3 =	vmul.f32 v5, v24;
	v5 =	vsub.f32 v28, v29  }
0x56: {  	(xrf2) =	vadd.scan.msk.f32 $0xffff, v6;
	v6 =	vmul.f32 v7, v27;
	v7 =	vld [tilespmem:s25+$0x3440]  }
0x57: {  	v4 =	vmul.f32 v4, v8;
	v8 =	vld [tilespmem:s25+$0x440];
	(xrf2) =	vadd.scan.msk.f32 $0xffff, v3;
	v3 =	vmul.f32 v5, v30;
	v5 =	vsub.f32 v10, v11  }
0x58: {  	v10 =	vld [tilespmem:s25+$0x2470];
	(xrf2) =	vadd.scan.msk.f32 $0xffff, v6  }
0x59: {  	(xrf2) =	vadd.scan.msk.f32 $0xffff, v3;
	v3 =	vmul.f32 v5, v9;
	v5 =	vld [tilespmem:s25+$0x3470]  }
0x5a: {  	v6 =	vsub.f32 v12, v13;
	(xrf2) =	vadd.scan.msk.f32 $0xffff, v4  }
0x5b: {  	v9, _, _ =	vpop (xrf2);
	(xrf2) =	vadd.scan.msk.f32 $0xffff, v3;
	v3 =	vsub.f32 v14, v7;
	v7 =	vld [tilespmem:s25+$0x470]  }
0x5c: {  	v4 =	vmul.f32 v6, v15  }
0x5d: {  	v12 =	vld [tilespmem:s25+$0x34A0];
	v11, _, _ =	vpop (xrf2);
	v3 =	vmul.f32 v3, v8  }
0x5e: {  	v6 =	vld [tilespmem:s25+$0x24A0];
	(xrf2) =	vadd.scan.msk.f32 $0xffff, v4;
	v13, _, _ =	vpop (xrf2);
	v5 =	vsub.f32 v10, v5  }
0x5f: {  	v15 =	vld [tilespmem:s25+$0x34D0];
	v8, _, _ =	vpop (xrf2)  }
0x60: {  	v10 =	vld [tilespmem:s25+$0x4A0];
	v14, _, _ =	vpop (xrf2);
	v5 =	vmul.f32 v5, v7  }
0x61: {  	v4 =	vld [tilespmem:s25+$0x24D0];
	(xrf2) =	vadd.scan.msk.f32 $0xffff, v3;
	v3, _, _ =	vpop (xrf2)  }
0x62: {  	v7, _, _ =	vpop (xrf2)  }
0x63: {  	v17 =	vld [tilespmem:s25+$0x4D0];
	v6 =	vsub.f32 v6, v12;
	v12, _, _ =	vpop (xrf2)  }
0x64: {  	(xrf2) =	vadd.scan.msk.f32 $0xffff, v5;
	v5, _, _ =	vpop (xrf2)  }
0x65: {  	v6 =	vmul.f32 v6, v10;
	v10, _, _ =	vpop (xrf2)  }
0x66: {  	v4 =	vsub.f32 v4, v15;
	v15, _, _ =	vpop (xrf2)  }
0x67: {  	s26 =	simm.s32 $0x100;
	v15 =	vperm.xlane v15, v0  }
0x68: {  	v48 =	vld [tilespmem:s26+$0x34C0];
	v4 =	vmul.f32 v4, v17;
	v17, _, _ =	vpop (xrf2)  }
0x69: {  	v49 =	vld [tilespmem:s26+$0x24B0];
	(xrf2) =	vadd.scan.msk.f32 $0xffff, v6;
	v17 =	vperm.xlane v17, v0  }
0x6a: {  	v50 =	vld [tilespmem:s26+$0x4B0];
	v10 =	vperm.xlane v10, v0  }
0x6b: {  	v51 =	vld [tilespmem:s26+$0x2480];
	(xrf2) =	vadd.scan.msk.f32 $0xffff, v4;
	v4 =	vsel vm0, v15, v17;
	v15, _, _ =	vpop (xrf2)  }
0x6c: {  	v52 =	vld [tilespmem:s26+$0x2460];
	v4 =	vsel vm1, v4, v10;
	v10 =	vperm.xlane v15, v0  }
0x6d: {  	v53 =	vld [tilespmem:s26+$0x2430];
	v5 =	vperm.xlane v5, v0  }
0x6e: {  	v54 =	vld [tilespmem:s26+$0x3430]  }
0x6f: {  	v55 =	vld [tilespmem:s26+$0x430];
	v4 =	vsel vm2, v4, v5;
	v5 =	vperm.xlane v12, v0  }
0x70: {  	v32 =	vld [tilespmem:s26+$0x2420];
	v7 =	vperm.xlane v7, v0;
	v4 =	vsel vm3, v4, v10;
	v10, _, _ =	vpop (xrf2)  }
0x71: {  	v16 =	vld [tilespmem:s26+$0x24F0];
	v5 =	vsel vm4, v4, v5;
	v10 =	vperm.xlane v10, v0  }
0x72: {  	v19 =	vld [tilespmem:s26+$0x4F0];
	v3 =	vperm.xlane v3, v0;
	v5 =	vsel vm5, v5, v7  }
0x73: {  	v18 =	vld [tilespmem:s26+$0x34F0];
	v5 =	vsel vm6, v5, v10;
	v10 =	vperm.xlane v14, v0;
	v14, _, _ =	vpop (xrf2)  }
0x74: {  	v22 =	vld [tilespmem:s26+$0x34E0];
	v3 =	vsel vm7, v5, v3;
	v5 =	vperm.xlane v14, v0  }
0x75: {  	v21 =	vld [tilespmem:s26+$0x24E0];
	v8 =	vperm.xlane v8, v0;
	v3 =	vsel vm8, v3, v10  }
0x76: {  	v23 =	vld [tilespmem:s26+$0x24C0];
	v3 =	vsel vm9, v3, v5;
	v5 =	vperm.xlane v13, v0;
	v13, _, _ =	vpop (xrf2)  }
0x77: {  	v33 =	vld [tilespmem:s26+$0x420];
	v3 =	vsel vm10, v3, v8;
	v8 =	vperm.xlane v13, v0  }
0x78: {  	v20 =	vld [tilespmem:s26+$0x4E0];
	v3 =	vsel vm11, v3, v5;
	v5 =	vperm.xlane v11, v0  }
0x79: {  	v16 =	vsub.f32 v16, v18;
	v18 =	vld [tilespmem:s26+$0x2400];
	v3 =	vsel vm12, v3, v8;
	v8 =	vperm.xlane v9, v0  }
0x7a: {  	v21 =	vsub.f32 v21, v22;
	v22 =	vld [tilespmem:s26+$0x3400];
	v3 =	vsel vm13, v3, v5  }
0x7b: {  	v16 =	vmul.f32 v16, v19;
	v19 =	vsub.f32 v23, v48;
	v23 =	vld [tilespmem:s26+$0x400];
	v3 =	vsel vm14, v3, v8  }
0x7c: {  	v6 =	vld [tilespmem:s26+$0x4C0];
	v3 =	vsub.f32 $0.0e+00, v3  }
0x7d: {  	v17 =	vld [tilespmem:s26+$0x34B0]  }
0x7e: {  	v15 =	vld [tilespmem:s26+$0x2490];
	v3 =	vmul.f32 $1.442695020e+00, v3  }
0x7f: {  	v12 =	vld [tilespmem:s26+$0x3490]  }
0x80: {  	v7 =	vld [tilespmem:s26+$0x490];
	(erf) = vpow2.f32 v3  }
0x81: {  	v14 =	vld [tilespmem:s26+$0x3480]  }
0x82: {  	v10 =	vld [tilespmem:s26+$0x480]  }
0x83: {  	v13 =	vld [tilespmem:s26+$0x3460]  }
0x84: {  	v11 =	vld [tilespmem:s26+$0x460]  }
0x85: {  	v9 =	vld [tilespmem:s26+$0x2450]  }
0x86: {  	v20 =	vmul.f32 v21, v20;
	v17 =	vsub.f32 v49, v17;
	v5 =	vld [tilespmem:s26+$0x3450]  }
0x87: {  	(xrf2) =	vadd.scan.msk.f32 $0xffff, v16;
	v6 =	vmul.f32 v19, v6;
	v8 =	vld [tilespmem:s26+$0x450]  }
0x88: {  	(xrf2) =	vadd.scan.msk.f32 $0xffff, v20;
	v12 =	vsub.f32 v15, v12;
	v15 =	vmul.f32 v17, v50;
	v3 =	vld [tilespmem:s26+$0x3420]  }
0x89: {  	v21 =	vld [tilespmem:s26+$0x2410];
	(xrf2) =	vadd.scan.msk.f32 $0xffff, v6;
	v6 =	vsub.f32 v51, v14;
	v19 =	vpop (erf)  }
0x8a: {  	v16 =	vld [tilespmem:s26+$0x3410];
	(xrf2) =	vadd.scan.msk.f32 $0xffff, v15;
	v7 =	vmul.f32 v12, v7;
	v12 =	vsub.f32 v52, v13;
	v15 =	vadd.f32 $1.000000000e+00, v19  }
0x8b: {  	v17 =	vld [tilespmem:s26+$0x2440];
	v6 =	vmul.f32 v6, v10;
	v5 =	vsub.f32 v9, v5  }
0x8c: {  	(xrf2) =	vadd.scan.msk.f32 $0xffff, v7;
	v14 =	vld [tilespmem:s26+$0x410];
	v10 =	vsub.f32 v53, v54;
	v7 =	vmul.f32 v12, v11;
	(erf) = vrcp.f32 v15  }
0x8d: {  	v13 =	vld [tilespmem:s26+$0x3440];
	(xrf2) =	vadd.scan.msk.f32 $0xffff, v6;
	v5 =	vmul.f32 v5, v8;
	v3 =	vsub.f32 v32, v3  }
0x8e: {  	v6 =	vld [tilespmem:s26+$0x3470];
	(xrf2) =	vadd.scan.msk.f32 $0xffff, v7;
	v7 =	vmul.f32 v10, v55;
	v8 =	vsub.f32 v18, v22  }
0x8f: {  	v11 =	vld [tilespmem:s26+$0x440];
	(xrf2) =	vadd.scan.msk.f32 $0xffff, v5;
	v3 =	vmul.f32 v3, v33  }
0x90: {  	v12 =	vld [tilespmem:s26+$0x470];
	v5 =	vsub.f32 v21, v16;
	(xrf2) =	vadd.scan.msk.f32 $0xffff, v7;
	v7 =	vmul.f32 v8, v23  }
0x91: {  	v9 =	vld [tilespmem:s26+$0x2470];
	v15, _, _ =	vpop (xrf2);
	(xrf2) =	vadd.scan.msk.f32 $0xffff, v3  }
0x92: {  	v10 =	vld [tilespmem:s26+$0x24A0];
	v3 =	vmul.f32 v5, v14;
	v14, _, _ =	vpop (xrf2);
	(xrf2) =	vadd.scan.msk.f32 $0xffff, v7;
	v7 =	vsub.f32 v17, v13  }
0x93: {  	v8 =	vld [tilespmem:s26+$0x34A0]  }
0x94: {  	v5 =	vld [tilespmem:s26+$0x24D0];
	v16, _, _ =	vpop (xrf2);
	(xrf2) =	vadd.scan.msk.f32 $0xffff, v3;
	v3 =	vmul.f32 v7, v11  }
0x95: {  	v17 =	vld [tilespmem:s26+$0x34D0];
	v11 =	vpop (erf)  }
0x96: {  	s25 =	simm.s32 $0x200;
	v6 =	vsub.f32 v9, v6;
	v13 =	vld [tilespmem:s26+$0x4A0];
	v18, _, _ =	vpop (xrf2);
	(xrf2) =	vadd.scan.msk.f32 $0xffff, v3;
	v3 =	vadd.f32 $1.000000010e-10, v11  }
0x97: {  	v57 =	vld [tilespmem:s25+$0x4C0];
	v19, _, _ =	vpop (xrf2)  }
0x98: {  	v60 =	vld [tilespmem:s25+$0x34C0];
	v6 =	vmul.f32 v6, v12;
	v11, _, _ =	vpop (xrf2);
	v23 =	vand.u32 $0x7FFFFF, v3  }
0x99: {  	v4 =	vld [tilespmem:s26+$0x4D0];
	v8 =	vsub.f32 v10, v8;
	v21, _, _ =	vpop (xrf2)  }
0x9a: {  	v9 =	vld [tilespmem:s25+$0x34F0];
	(xrf2) =	vadd.scan.msk.f32 $0xffff, v6;
	v5 =	vsub.f32 v5, v17;
	v56, _, _ =	vpop (xrf2);
	v10 =	vor.u32 $0x3F800000, v23  }
0x9b: {  	v7 =	vld [tilespmem:s25+$0x24F0];
	v8 =	vmul.f32 v8, v13;
	v58 =	vmul.f32 $5.000000000e-01, v10;
	v23, _, _ =	vpop (xrf2)  }
0x9c: {  	v20 =	vld [tilespmem:s25+$0x4F0];
	vm15 =	vgt.f32 v10, $1.414213540e+00;
	v59, _, _ =	vpop (xrf2)  }
0x9d: {  	v22 =	vld [tilespmem:s25+$0x24E0];
	v10 =	vsel vm15, v58, v10;
	(xrf2) =	vadd.scan.msk.f32 $0xffff, v8;
	v17, _, _ =	vpop (xrf2)  }
0x9e: {  	v6 =	vld [tilespmem:s25+$0x34E0];
	v4 =	vmul.f32 v5, v4;
	v26 =	vadd.f32 $1.000000000e+00, v10;
	v5, _, _ =	vpop (xrf2)  }
0x9f: {  	v13 =	vld [tilespmem:s25+$0x24C0];
	v17 =	vperm.xlane v17, v0;
	v5 =	vperm.xlane v5, v0  }
0xa0: {  	v12 =	vld [tilespmem:s25+$0x4E0];
	v7 =	vsub.f32 v7, v9;
	v27 =	vperm.xlane v59, v0;
	(xrf2) =	vadd.scan.msk.f32 $0xffff, v4;
	(erf) = vrcp.f32 v26  }
0xa1: {  	v61 =	vld [tilespmem:s25+$0x34B0];
	v9, _, _ =	vpop (xrf2);
	v4 =	vsel vm0, v17, v5;
	v5 =	vperm.xlane v23, v0  }
0xa2: {  	v20 =	vmul.f32 v7, v20;
	v8 =	vld [tilespmem:s25+$0x24B0];
	v9 =	vperm.xlane v9, v0;
	v4 =	vsel vm1, v4, v27  }
0xa3: {  	v6 =	vsub.f32 v22, v6;
	v4 =	vsel vm2, v4, v5;
	v5 =	vperm.xlane v56, v0  }
0xa4: {  	v13 =	vsub.f32 v13, v60;
	v23 =	vld [tilespmem:s25+$0x4B0];
	v4 =	vsel vm3, v4, v9;
	v9 =	vperm.xlane v21, v0;
	v21, _, _ =	vpop (xrf2)  }
0xa5: {  	v62 =	vld [tilespmem:s25+$0x2490];
	v6 =	vmul.f32 v6, v12;
	v4 =	vsel vm4, v4, v5;
	v5 =	vperm.xlane v21, v0  }
0xa6: {  	v7 =	vld [tilespmem:s25+$0x4D0];
	v12 =	vmul.f32 v13, v57;
	v4 =	vsel vm5, v4, v9;
	v9 =	vperm.xlane v11, v0  }
0xa7: {  	v17 =	vld [tilespmem:s25+$0x3490];
	v8 =	vsub.f32 v8, v61;
	v4 =	vsel vm6, v4, v5;
	v5 =	vperm.xlane v19, v0;
	v19, _, _ =	vpop (xrf2)  }
0xa8: {  	v22 =	vld [tilespmem:s25+$0x490];
	v10 =	vadd.f32 $-1.000000000e+00, v10;
	(xrf2) =	vadd.scan.msk.f32 $0xffff, v20;
	v4 =	vsel vm7, v4, v9;
	v19 =	vperm.xlane v19, v0  }
0xa9: {  	v18 =	vperm.xlane v18, v0;
	v21 =	vld [tilespmem:s25+$0x2480];
	v63 =	vpop (erf);
	(xrf2) =	vadd.scan.msk.f32 $0xffff, v6;
	v6 =	vmul.f32 v8, v23;
	v5 =	vsel vm8, v4, v5  }
0xaa: {  	v11 =	vld [tilespmem:s25+$0x3480];
	v4 =	vmul.f32 v63, v10;
	(xrf2) =	vadd.scan.msk.f32 $0xffff, v12;
	v10 =	vperm.xlane v16, v0;
	v12, _, _ =	vpop (xrf2);
	v5 =	vsel vm9, v5, v19  }
0xab: {  	v13 =	vld [tilespmem:s25+$0x480];
	v12 =	vperm.xlane v12, v0;
	v18 =	vsel vm10, v5, v18  }
0xac: {  	v17 =	vsub.f32 v62, v17;
	v20 =	vld [tilespmem:s25+$0x3460];
	(xrf2) =	vadd.scan.msk.f32 $0xffff, v6;
	v6 =	vsel vm11, v18, v10;
	v10 =	vperm.xlane v14, v0  }
0xad: {  	v9 =	vld [tilespmem:s25+$0x2460];
	v5 =	vmul.f32 v4, v4;
	v6 =	vsel vm12, v6, v12;
	v12 =	vperm.xlane v15, v0  }
0xae: {  	v8 =	vld [tilespmem:s25+$0x460];
	v16 =	vmul.f32 v17, v22;
	v6 =	vsel vm13, v6, v10  }
0xaf: {  	v17 =	vld [tilespmem:s25+$0x2450];
	v11 =	vsub.f32 v21, v11;
	v14 =	vmul.f32 v5, v1;
	v6 =	vsel vm14, v6, v12  }
0xb0: {  	v19 =	vld [tilespmem:s25+$0x3450]  }
0xb1: {  	(xrf2) =	vadd.scan.msk.f32 $0xffff, v16;
	v16 =	vld [tilespmem:s25+$0x450];
	v11 =	vmul.f32 v11, v13;
	v12 =	vadd.f32 $1.428571490e-01, v14;
	v14 =	vsub.f32 $0.0e+00, v6  }
0xb2: {  	v18 =	vld [tilespmem:s25+$0x2430];
	v15 =	vsub.f32 v9, v20;
	v6, _, _ =	vpop (xrf2)  }
0xb3: {  	v10 =	vld [tilespmem:s25+$0x3430];
	v13 =	vmul.f32 $1.442695020e+00, v14;
	v9, _, _ =	vpop (xrf2);
	(xrf2) =	vadd.scan.msk.f32 $0xffff, v11  }
0xb4: {  	v22 =	vld [tilespmem:s25+$0x430];
	v8 =	vmul.f32 v15, v8  }
0xb5: {  	v21 =	vld [tilespmem:s25+$0x2420];
	v17 =	vsub.f32 v17, v19;
	v12 =	vmul.f32 v12, v5;
	(erf) = vpow2.f32 v13  }
0xb6: {  	v20 =	vld [tilespmem:s25+$0x3420];
	(xrf2) =	vadd.scan.msk.f32 $0xffff, v8  }
0xb7: {  	v15 =	vld [tilespmem:s25+$0x2400];
	v13 =	vmul.f32 v17, v16  }
0xb8: {  	v14 =	vld [tilespmem:s25+$0x420];
	v10 =	vsub.f32 v18, v10;
	v23 =	vadd.f32 $2.000000030e-01, v12;
	v11, _, _ =	vpop (xrf2)  }
0xb9: {  	v18 =	vld [tilespmem:s25+$0x3400];
	v12, _, _ =	vpop (xrf2);
	(xrf2) =	vadd.scan.msk.f32 $0xffff, v13  }
0xba: {  	v16 =	vld [tilespmem:s25+$0x400];
	v19 =	vmul.f32 v10, v22;
	v8 =	vmul.f32 v23, v5  }
0xbb: {  	s26 =	simm.s32 $0xC00;
	v20 =	vsub.f32 v21, v20;
	v17 =	vld [tilespmem:s25+$0x2410];
	v10 =	vshra.s32 v3, $0x17;
	v3 =	vimm.f32 $0.0e+00;
	v13, _, _ =	vpop (xrf2)  }
.LBB2_2:
0xbc: {  	p0 =	sne.s32 s26, $0x3C00;
	v21 =	vld [tilespmem:s25+$0x3410];
	(xrf2) =	vadd.scan.msk.f32 $0xffff, v19;
	v10 =	vadd.s32 $0xFFFFFF81, v10;
	v8 =	vadd.f32 $3.333333430e-01, v8  }
0xbd: {  	v14 =	vmul.f32 v20, v14;
	v19 =	vld [tilespmem:s25+$0x2440];
	v20, _, _ =	vpop (xrf2);
	v10 =	vcvt.s32.f32 v10  }
0xbe: {  	v23 =	vsel vm15, $0x3F800000, v2;
	v15 =	vsub.f32 v15, v18;
	v18 =	vld [tilespmem:s25+$0x410];
	v22 =	vpop (erf);
	v5 =	vmul.f32 v8, v5  }
0xbf: {  	v8 =	vld [tilespmem:s25+$0x3440];
	(xrf2) =	vadd.scan.msk.f32 $0xffff, v14;
	v14 =	vadd.f32 $1.000000000e+00, v22;
	v10 =	vadd.f32 v10, v23  }
0xc0: {  	v4 =	vadd.f32 v4, v4;
	v15 =	vmul.f32 v15, v16;
	v16 =	vld [tilespmem:s25+$0x2470];
	v22, _, _ =	vpop (xrf2);
	v5 =	vadd.f32 $1.000000000e+00, v5  }
0xc1: {  	v23 =	vsub.f32 v17, v21;
	v21 =	vld [tilespmem:s25+$0x440];
	(erf) = vrcp.f32 v14  }
0xc2: {  	v14 =	vld [tilespmem:s25+$0x3470];
	(xrf2) =	vadd.scan.msk.f32 $0xffff, v15;
	v4 =	vmul.f32 v5, v4;
	v5 =	vmul.f32 $6.931471820e-01, v10  }
0xc3: {  	v10 =	vmul.f32 v23, v18;
	v15 =	vld [tilespmem:s25+$0x24A0];
	v17, _, _ =	vpop (xrf2)  }
0xc4: {  	v8 =	vsub.f32 v19, v8;
	v18 =	vld [tilespmem:s25+$0x470];
	v4 =	vadd.f32 v4, v5  }
0xc5: {  	v5 =	vld [tilespmem:s25+$0x34A0];
	(xrf2) =	vadd.scan.msk.f32 $0xffff, v10  }
0xc6: {  	v8 =	vmul.f32 v8, v21;
	v19 =	vld [tilespmem:s25+$0x24D0];
	v21, _, _ =	vpop (xrf2);
	v4 =	vsub.f32 $0.0e+00, v4  }
0xc7: {  	v24 =	vsub.f32 v16, v14;
	v14 =	vld [tilespmem:s25+$0x4A0]  }
0xc8: {  	v16 =	vld [tilespmem:s25+$0x34D0];
	s25 =	sshra.s32 s26, $0x2;
	(xrf2) =	vadd.scan.msk.f32 $0xffff, v8;
	v3 =	vadd.f32 v4, v3  }
0xc9: {  	v4 =	vld [tilespmem:s25+$0x24F0];
	v8 =	vmul.f32 v24, v18;
	v18, _, _ =	vpop (xrf2)  }
0xca: {  	v23 =	vld [tilespmem:s25+$0x34F0];
	v5 =	vsub.f32 v15, v5;
	v10 =	vpop (erf)  }
0xcb: {  	v15 =	vld [tilespmem:s25+$0x4F0];
	(xrf2) =	vadd.scan.msk.f32 $0xffff, v8;
	v10 =	vadd.f32 $1.000000010e-10, v10  }
0xcc: {  	v8 =	vld [tilespmem:s25+$0x4E0];
	v5 =	vmul.f32 v5, v14;
	v14, _, _ =	vpop (xrf2)  }
0xcd: {  	v24 =	vld [tilespmem:s25+$0x24E0];
	v26 =	vsub.f32 v19, v16;
	v19 =	vand.u32 $0x7FFFFF, v10  }
0xce: {  	v25 =	vld [tilespmem:s25+$0x34E0];
	(xrf2) =	vadd.scan.msk.f32 $0xffff, v5;
	v5 =	vor.u32 $0x3F800000, v19  }
0xcf: {  	v19 =	vld [tilespmem:s25+$0x4C0];
	v4 =	vsub.f32 v4, v23;
	v7 =	vmul.f32 v26, v7;
	v16, _, _ =	vpop (xrf2);
	v23 =	vmul.f32 $5.000000000e-01, v5  }
0xd0: {  	v14 =	vperm.xlane v14, v0;
	vm15 =	vgt.f32 v5, $1.414213540e+00;
	v26 =	vld [tilespmem:s25+$0x24C0];
	v28 =	vperm.xlane v16, v0  }
0xd1: {  	v27 =	vld [tilespmem:s25+$0x34C0];
	v4 =	vmul.f32 v4, v15;
	v15 =	vperm.xlane v18, v0;
	(xrf2) =	vadd.scan.msk.f32 $0xffff, v7;
	v5 =	vsel vm15, v23, v5  }
0xd2: {  	v18 =	vld [tilespmem:s25+$0x24B0];
	v7 =	vsel vm0, v14, v28;
	v14 =	vperm.xlane v21, v0;
	v16, _, _ =	vpop (xrf2);
	v21 =	vadd.f32 $1.000000000e+00, v5  }
0xd3: {  	v23 =	vld [tilespmem:s25+$0x34B0];
	v24 =	vsub.f32 v24, v25;
	v7 =	vsel vm1, v7, v15;
	v15 =	vperm.xlane v16, v0  }
0xd4: {  	v16 =	vld [tilespmem:s25+$0x2490];
	(xrf2) =	vadd.scan.msk.f32 $0xffff, v4;
	v4 =	vsel vm2, v7, v14;
	v7 =	vperm.xlane v17, v0;
	(erf) = vrcp.f32 v21  }
0xd5: {  	v14 =	vld [tilespmem:s25+$0x3490];
	v8 =	vmul.f32 v24, v8;
	v4 =	vsel vm3, v4, v15;
	v15 =	vperm.xlane v22, v0;
	v17, _, _ =	vpop (xrf2)  }
0xd6: {  	v21 =	vld [tilespmem:s25+$0x4B0];
	v22 =	vsub.f32 v26, v27;
	v4 =	vsel vm4, v4, v7;
	v24 =	vperm.xlane v17, v0  }
0xd7: {  	v7 =	vld [tilespmem:s25+$0x4D0];
	(xrf2) =	vadd.scan.msk.f32 $0xffff, v8;
	v4 =	vsel vm5, v4, v15;
	v8 =	vperm.xlane v20, v0  }
0xd8: {  	v13 =	vperm.xlane v13, v0;
	v15 =	vld [tilespmem:s25+$0x490];
	v19 =	vmul.f32 v22, v19;
	v4 =	vsel vm6, v4, v24;
	v17, _, _ =	vpop (xrf2)  }
0xd9: {  	v18 =	vsub.f32 v18, v23;
	v20 =	vld [tilespmem:s25+$0x2480];
	v4 =	vsel vm7, v4, v8;
	v8 =	vperm.xlane v17, v0  }
0xda: {  	v12 =	vperm.xlane v12, v0;
	v17 =	vld [tilespmem:s25+$0x3480];
	v14 =	vsub.f32 v16, v14;
	(xrf2) =	vadd.scan.msk.f32 $0xffff, v19;
	v4 =	vsel vm8, v4, v13  }
0xdb: {  	v13 =	vld [tilespmem:s25+$0x480];
	v16 =	vmul.f32 v18, v21;
	v4 =	vsel vm9, v4, v8;
	v8 =	vperm.xlane v11, v0;
	v11, _, _ =	vpop (xrf2)  }
0xdc: {  	v5 =	vadd.f32 $-1.000000000e+00, v5;
	v18 =	vld [tilespmem:s25+$0x2460];
	v4 =	vsel vm10, v4, v12;
	v11 =	vperm.xlane v11, v0  }
0xdd: {  	v12 =	vld [tilespmem:s25+$0x3460];
	v14 =	vmul.f32 v14, v15;
	(xrf2) =	vadd.scan.msk.f32 $0xffff, v16;
	v4 =	vsel vm11, v4, v8;
	v8 =	vperm.xlane v9, v0;
	v9 =	vpop (erf)  }
0xde: {  	v16 =	vperm.xlane v6, v0;
	v15 =	vld [tilespmem:s25+$0x460];
	v11 =	vsel vm12, v4, v11;
	v6, _, _ =	vpop (xrf2);
	v4 =	vmul.f32 v9, v5  }
0xdf: {  	v19 =	vld [tilespmem:s25+$0x2450];
	v17 =	vsub.f32 v20, v17;
	v5 =	vsel vm13, v11, v8  }
0xe0: {  	v8 =	vld [tilespmem:s25+$0x3450];
	(xrf2) =	vadd.scan.msk.f32 $0xffff, v14;
	v11 =	vsel vm14, v5, v16;
	v5 =	vmul.f32 v4, v4  }
0xe1: {  	v16 =	vld [tilespmem:s25+$0x450];
	v13 =	vmul.f32 v17, v13;
	v9, _, _ =	vpop (xrf2);
	v21 =	vsub.f32 $0.0e+00, v11  }
0xe2: {  	v17 =	vld [tilespmem:s25+$0x2430];
	v12 =	vsub.f32 v18, v12;
	v14 =	vmul.f32 v5, v1  }
0xe3: {  	v18 =	vld [tilespmem:s25+$0x3430];
	(xrf2) =	vadd.scan.msk.f32 $0xffff, v13;
	v13 =	vmul.f32 $1.442695020e+00, v21  }
0xe4: {  	v20 =	vld [tilespmem:s25+$0x430];
	v15 =	vmul.f32 v12, v15;
	v11, _, _ =	vpop (xrf2);
	v14 =	vadd.f32 $1.428571490e-01, v14  }
0xe5: {  	v21 =	vld [tilespmem:s25+$0x2420];
	v8 =	vsub.f32 v19, v8;
	(erf) = vpow2.f32 v13  }
0xe6: {  	v22 =	vld [tilespmem:s25+$0x3420];
	(xrf2) =	vadd.scan.msk.f32 $0xffff, v15;
	v13 =	vmul.f32 v14, v5  }
.Ltmp0:
0xe7: {  	v14 =	vld [tilespmem:s25+$0x420];
	v8 =	vmul.f32 v8, v16;
	v12, _, _ =	vpop (xrf2);
	(pc) =	sbr.rel @p0 .LBB2_2-.Ltmp0, $4  }
0xe8: {  	v15 =	vld [tilespmem:s25+$0x2400];
	v17 =	vsub.f32 v17, v18;
	v23 =	vadd.f32 $2.000000030e-01, v13  }
0xe9: {  	v18 =	vld [tilespmem:s25+$0x3400];
	(xrf2) =	vadd.scan.msk.f32 $0xffff, v8  }
0xea: {  	v16 =	vld [tilespmem:s25+$0x400];
	v19 =	vmul.f32 v17, v20;
	v13, _, _ =	vpop (xrf2);
	v8 =	vmul.f32 v23, v5  }
0xeb: {  	s26 =	sadd.s32 $0x400, s26;
	v10 =	vshra.s32 v10, $0x17;
	v17 =	vld [tilespmem:s25+$0x2410];
	v20 =	vsub.f32 v21, v22  }
0xec: {  	v21 =	vld [tilespmem:s25+$0x3410]  }
0xed: {  	v22 =	vld [tilespmem:s25+$0x2440]  }
0xee: {  	v23 =	vld [tilespmem:s25+$0x410]  }
0xef: {  	v24 =	vld [tilespmem:s25+$0x3440]  }
0xf0: {  	v14 =	vmul.f32 v20, v14;
	v20 =	vld [tilespmem:s25+$0x440];
	v15 =	vsub.f32 v15, v18  }
0xf1: {  	v18 =	vld [tilespmem:s25+$0x2470]  }
0xf2: {  	v15 =	vmul.f32 v15, v16;
	v16 =	vld [tilespmem:s25+$0x3470];
	v17 =	vsub.f32 v17, v21  }
0xf3: {  	(xrf2) =	vadd.scan.msk.f32 $0xffff, v19;
	v19 =	vld [tilespmem:s25+$0x470]  }
0xf4: {  	(xrf2) =	vadd.scan.msk.f32 $0xffff, v14;
	v21 =	vld [tilespmem:s25+$0x34A0];
	v14 =	vmul.f32 v17, v23  }
0xf5: {  	(xrf2) =	vadd.scan.msk.f32 $0xffff, v15;
	v15 =	vsub.f32 v22, v24;
	v22 =	vld [tilespmem:s25+$0x34D0]  }
0xf6: {  	v17 =	vld [tilespmem:s25+$0x24A0];
	(xrf2) =	vadd.scan.msk.f32 $0xffff, v14  }
0xf7: {  	v14 =	vmul.f32 v15, v20;
	v15 =	vld [tilespmem:s25+$0x24D0];
	v16 =	vsub.f32 v18, v16;
	_ =	sdelay $0x1  }
0xf8: {  	v18 =	vld [tilespmem:s25+$0x4A0];
	v20, _, _ =	vpop (xrf2);
	(xrf2) =	vadd.scan.msk.f32 $0xffff, v14;
	v16 =	vmul.f32 v16, v19  }
0xf9: {  	v19, _, _ =	vpop (xrf2)  }
0xfa: {  	v17 =	vsub.f32 v17, v21;
	v21, _, _ =	vpop (xrf2)  }
0xfb: {  	v14 =	vpop (erf);
	(xrf2) =	vadd.scan.msk.f32 $0xffff, v16;
	v15 =	vsub.f32 v15, v22  }
0xfc: {  	v16, _, _ =	vpop (xrf2)  }
0xfd: {  	v17 =	vmul.f32 v17, v18;
	v18, _, _ =	vpop (xrf2)  }
0xfe: {  	v22, _, _ =	vpop (xrf2)  }
0xff: {  	v14 =	vadd.f32 $1.000000000e+00, v14;
	v7 =	vmul.f32 v15, v7;
	v15, _, _ =	vpop (xrf2)  }
0x100: {  	(xrf2) =	vadd.scan.msk.f32 $0xffff, v17;
	v17 =	vperm.xlane v22, v0;
	v15 =	vperm.xlane v15, v0  }
0x101: {  	(erf) = vrcp.f32 v14;
	v14 =	vperm.xlane v18, v0  }
0x102: {  	(xrf2) =	vadd.scan.msk.f32 $0xffff, v7;
	v7 =	vsel vm0, v17, v15;
	v15 =	vperm.xlane v16, v0;
	v16, _, _ =	vpop (xrf2)  }
0x103: {  	v7 =	vsel vm1, v7, v14;
	v14 =	vperm.xlane v16, v0  }
0x104: {  	v7 =	vsel vm2, v7, v15;
	v15 =	vperm.xlane v21, v0  }
0x105: {  	v16, _, _ =	vpop (xrf2);
	v7 =	vsel vm3, v7, v14  }
0x106: {  	v7 =	vsel vm4, v7, v15;
	v15 =	vperm.xlane v16, v0  }
0x107: {  	v14 =	vperm.xlane v19, v0;
	_ =	sdelay $0x1  }
0x108: {  	v7 =	vsel vm5, v7, v14;
	v14 =	vperm.xlane v20, v0  }
0x109: {  	v7 =	vsel vm6, v7, v15;
	v15, _, _ =	vpop (xrf2)  }
0x10a: {  	v7 =	vsel vm7, v7, v14;
	v14 =	vperm.xlane v15, v0  }
0x10b: {  	v13 =	vperm.xlane v13, v0;
	_ =	sdelay $0x1  }
0x10c: {  	v12 =	vperm.xlane v12, v0;
	v13 =	vsel vm8, v7, v13;
	v15 =	vpop (erf)  }
0x10d: {  	v11 =	vperm.xlane v11, v0;
	v7 =	vadd.f32 $1.000000010e-10, v15;
	v13 =	vsel vm9, v13, v14;
	v14, _, _ =	vpop (xrf2)  }
0x10e: {  	v12 =	vsel vm10, v13, v12;
	v13 =	vperm.xlane v14, v0  }
0x10f: {  	v9 =	vperm.xlane v9, v0;
	v11 =	vsel vm11, v12, v11;
	v14 =	vand.u32 $0x7FFFFF, v7  }
0x110: {  	v12 =	vor.u32 $0x3F800000, v14;
	v11 =	vsel vm12, v11, v13  }
0x111: {  	vm1 =	vgt.f32 v12, $1.414213540e+00;
	v9 =	vsel vm13, v11, v9;
	v11 =	vimm.s32 $0x0  }
0x112: {  	v6 =	vperm.xlane v6, v0;
	v11 =	vsel vm1, $0xFFFFFFFF, v11  }
0x113: {  	[tilespmem:$0x1FFB0] =	vst v11  }
0x114: {  	v6 =	vsel vm14, v9, v6;
	v9 =	vld [tilespmem:$0x1FFB0];
	_ =	sdelay $0x4  }
0x115: {  	vm1 =	vnez.u8 v9;
	v9 =	vld [tilespmem:$0x1FFE0];
	_ =	sdelay $0x1  }
0x116: {  	v13 =	vmul.f32 $5.000000000e-01, v12;
	_ =	sdelay $0x1  }
0x117: {  	v6 =	vsub.f32 $0.0e+00, v6;
	v13 =	vsel vm1, v13, v12  }
0x118: {  	vm1 =	vnez.u8 v9;
	v9 =	vadd.f32 $1.000000000e+00, v13  }
0x119: {  	v6 =	vmul.f32 $1.442695020e+00, v6  }
0x11a: {  	(erf) = vrcp.f32 v9  }
0x11b: {  	(erf) = vpow2.f32 v6;
	_ =	sdelay $0x7  }
0x11c: {  	v12 =	vpop (erf)  }
0x11d: {  	v6 =	vpop (erf)  }
0x11e: {  	v6 =	vadd.f32 $1.000000000e+00, v6;
	_ =	sdelay $0x1  }
0x11f: {  	(erf) = vrcp.f32 v6;
	_ =	sdelay $0x8  }
0x120: {  	v6 =	vpop (erf)  }
0x121: {  	v6 =	vadd.f32 $1.000000010e-10, v6;
	_ =	sdelay $0x1  }
0x122: {  	v9 =	vand.u32 $0x7FFFFF, v6  }
0x123: {  	v9 =	vor.u32 $0x3F800000, v9  }
0x124: {  	v14 =	vimm.s32 $0x0;
	vm0 =	vgt.f32 v9, $1.414213540e+00  }
0x125: {  	v14 =	vsel vm0, $0xFFFFFFFF, v14  }
0x126: {  	[tilespmem:$0x1FFC0] =	vst v14  }
0x127: {  	v14 =	vld [tilespmem:$0x1FFC0];
	_ =	sdelay $0x3  }
0x128: {  	v11 =	vmul.f32 $5.000000000e-01, v9  }
0x129: {  	vm0 =	vnez.u8 v14  }
0x12a: {  	v11 =	vsel vm0, v11, v9  }
0x12b: {  	v9 =	vadd.f32 $1.000000000e+00, v11;
	_ =	sdelay $0x1  }
0x12c: {  	(erf) = vrcp.f32 v9;
	_ =	sdelay $0x2  }
0x12d: {  	[tilespmem:s13], [sflag:$0x1] =	stream.indirect.gather [hbm4b:s3+s12], $0x10, s19, s12, $0xb8;
	[tilespmem:$0x4410] =	vst v63  }
0x12e: {  	_ = 	snop  }
0x12f: {  	[tilespmem:s14], [sflag:$0x1] =	stream.indirect.gather [hbm4b:s3+s12], $0x10, s20, s12, $0xb8;
	[tilespmem:$0x4410] =	vst v63  }
0x130: {  	_ = 	snop  }
0x131: {  	[tilespmem:s15], [sflag:$0x1] =	stream.indirect.gather [hbm4b:s3+s12], $0x10, s21, s12, $0xb8;
	[tilespmem:$0x4410] =	vst v63  }
0x132: {  	_ = 	snop  }
0x133: {  	[tilespmem:s17], [sflag:$0x1] =	stream.indirect.gather [hbm4b:s3+s12], $0x10, s22, s12, $0xb8;
	v9 =	vpop (erf);
	[tilespmem:$0x4410] =	vst v63  }
0x134: {  	_ =	swait.ge [sflag:s18], $0x800  }
0x135: {  	[sflag:s18] =	ssyncset.done $0x0  }
0x136: {  	[sflag:s18] =	ssyncadd.s32 $0xFFFFF800  }
0x137: {  	_ =	swait.ge [sflag:s18], $0x800  }
0x138: {  	[sflag:s18] =	ssyncset.done $0x0  }
0x139: {  	[sflag:s18] =	ssyncadd.s32 $0xFFFFF800  }
0x13a: {  	_ =	swait.ge [sflag:s18], $0x800  }
0x13b: {  	[sflag:s18] =	ssyncset.done $0x0  }
0x13c: {  	[sflag:s18] =	ssyncadd.s32 $0xFFFFF800  }
0x13d: {  	_ =	swait.ge [sflag:s18], $0x800  }
0x13e: {  	[sflag:s18] =	ssyncset.done $0x0  }
0x13f: {  	s31 =	simm.s32 $0x80;
	v59 =	vld [tilespmem:$0x1FFD0];
	[sflag:s18] =	ssyncadd.s32 $0xFFFFF800  }
0x140: {  	v14 =	vld [tilespmem:s31+$0x2470]  }
0x141: {  	v15 =	vld [tilespmem:s31+$0x3470]  }
0x142: {  	v16 =	vld [tilespmem:s31+$0x1470]  }
0x143: {  	v17 =	vld [tilespmem:s31+$0x1460]  }
0x144: {  	v18 =	vld [tilespmem:s31+$0x2460]  }
0x145: {  	v19 =	vld [tilespmem:s31+$0x3460]  }
0x146: {  	v20 =	vld [tilespmem:s31+$0x1440]  }
0x147: {  	v21 =	vld [tilespmem:s31+$0x2440]  }
0x148: {  	v22 =	vld [tilespmem:s31+$0x3440]  }
0x149: {  	v23 =	vld [tilespmem:s31+$0x2430]  }
0x14a: {  	v46 =	vld [tilespmem:s31+$0x3430]  }
0x14b: {  	v25 =	vld [tilespmem:s31+$0x2410]  }
0x14c: {  	v26 =	vld [tilespmem:s31+$0x3410]  }
0x14d: {  	v27 =	vld [tilespmem:s31+$0x1430]  }
0x14e: {  	v28 =	vld [tilespmem:s31+$0x1450]  }
0x14f: {  	v29 =	vld [tilespmem:s31+$0x1410]  }
0x150: {  	v30 =	vld [tilespmem:s31+$0x2400]  }
0x151: {  	v31 =	vld [tilespmem:s31+$0x3400]  }
0x152: {  	v32 =	vld [tilespmem:s31+$0x1400]  }
0x153: {  	v33 =	vld [tilespmem:s31+$0x23E0]  }
0x154: {  	v34 =	vld [tilespmem:s31+$0x33E0]  }
0x155: {  	v35 =	vld [tilespmem:s31+$0x13E0]  }
0x156: {  	v36 =	vld [tilespmem:s31+$0x23D0]  }
0x157: {  	v37 =	vld [tilespmem:s31+$0x33D0]  }
0x158: {  	v38 =	vld [tilespmem:s31+$0x13D0]  }
0x159: {  	v39 =	vld [tilespmem:s31+$0x23B0]  }
0x15a: {  	v40 =	vld [tilespmem:s31+$0x33B0]  }
0x15b: {  	v41 =	vld [tilespmem:s31+$0x13B0]  }
0x15c: {  	v42 =	vld [tilespmem:s31+$0x23A0]  }
0x15d: {  	v43 =	vld [tilespmem:s31+$0x33A0]  }
0x15e: {  	v47 =	vld [tilespmem:s31+$0x23C0]  }
0x15f: {  	v48 =	vld [tilespmem:s31+$0x1390];
	v14 =	vsub.f32 v14, v15  }
0x160: {  	v49 =	vld [tilespmem:s31+$0x33C0];
	v18 =	vsub.f32 v18, v19  }
0x161: {  	v15 =	vld [tilespmem:s31+$0x13A0];
	v14 =	vmul.f32 v14, v16;
	v16 =	vsub.f32 v21, v22  }
0x162: {  	v19 =	vld [tilespmem:s31+$0x2380];
	v17 =	vmul.f32 v18, v17;
	v18 =	vsub.f32 v23, v46  }
0x163: {  	v21 =	vld [tilespmem:s31+$0x3380];
	(xrf2) =	vadd.scan.msk.f32 $0xffff, v14;
	v14 =	vmul.f32 v16, v20;
	v16 =	vsub.f32 v25, v26  }
0x164: {  	v23 =	vld [tilespmem:s31+$0x3390];
	(xrf2) =	vadd.scan.msk.f32 $0xffff, v17;
	v17 =	vmul.f32 v18, v27;
	v18 =	vsub.f32 v30, v31  }
0x165: {  	v20 =	vld [tilespmem:s31+$0x2390];
	(xrf2) =	vadd.scan.msk.f32 $0xffff, v14;
	v14 =	vmul.f32 v16, v29;
	v16 =	vsub.f32 v33, v34  }
0x166: {  	v22 =	vld [tilespmem:s31+$0x1380];
	(xrf2) =	vadd.scan.msk.f32 $0xffff, v17;
	v17 =	vmul.f32 v18, v32;
	v18 =	vsub.f32 v36, v37  }
0x167: {  	v50 =	vld [tilespmem:s31+$0x23F0];
	(xrf2) =	vadd.scan.msk.f32 $0xffff, v14;
	v14 =	vmul.f32 v16, v35;
	v16 =	vsub.f32 v39, v40  }
0x168: {  	v52 =	vld [tilespmem:s31+$0x3450];
	(xrf2) =	vadd.scan.msk.f32 $0xffff, v17;
	v17 =	vmul.f32 v18, v38;
	v18 =	vsub.f32 v42, v43  }
0x169: {  	(xrf2) =	vadd.scan.msk.f32 $0xffff, v14;
	v14 =	vmul.f32 v16, v41;
	v16 =	vsub.f32 v19, v21;
	v19 =	vld [tilespmem:s31+$0x13C0]  }
0x16a: {  	s26 =	simm.s32 $0x180;
	(xrf2) =	vadd.scan.msk.f32 $0xffff, v17;
	v15 =	vmul.f32 v18, v15;
	v17 =	vsub.f32 v20, v23;
	v18 =	vld [tilespmem:s31+$0x33F0]  }
0x16b: {  	v63 =	vld [tilespmem:s26+$0x3410];
	(xrf2) =	vadd.scan.msk.f32 $0xffff, v14;
	v14 =	vmul.f32 v16, v22  }
0x16c: {  	(xrf2) =	vadd.scan.msk.f32 $0xffff, v15;
	v15 =	vmul.f32 v17, v48;
	v17 =	vld [tilespmem:s31+$0x13F0]  }
0x16d: {  	v8 =	vadd.f32 $3.333333430e-01, v8;
	v21 =	vld [tilespmem:s31+$0x3420];
	v20, _, _ =	vpop (xrf2);
	(xrf2) =	vadd.scan.msk.f32 $0xffff, v14;
	v14 =	vsub.f32 v47, v49  }
0x16e: {  	v16 =	vld [tilespmem:s31+$0x2420];
	v22, _, _ =	vpop (xrf2);
	(xrf2) =	vadd.scan.msk.f32 $0xffff, v15  }
0x16f: {  	v5 =	vmul.f32 v8, v5;
	v8 =	vld [tilespmem:s26+$0x23A0];
	v23, _, _ =	vpop (xrf2);
	v14 =	vmul.f32 v14, v19;
	v18 =	vsub.f32 v50, v18  }
0x170: {  	v19 =	vld [tilespmem:s31+$0x1420];
	v51, _, _ =	vpop (xrf2)  }
0x171: {  	v15 =	vld [tilespmem:s31+$0x2450];
	v53, _, _ =	vpop (xrf2);
	(xrf2) =	vadd.scan.msk.f32 $0xffff, v14;
	v14 =	vmul.f32 v18, v17  }
0x172: {  	vm0 =	vnez.u8 v59;
	v59 =	vld [tilespmem:s26+$0x13A0];
	v54, _, _ =	vpop (xrf2)  }
0x173: {  	v25 =	vld [tilespmem:s26+$0x3460];
	v16 =	vsub.f32 v16, v21;
	v18, _, _ =	vpop (xrf2)  }
0x174: {  	v27 =	vld [tilespmem:s26+$0x2470];
	(xrf2) =	vadd.scan.msk.f32 $0xffff, v14;
	v55, _, _ =	vpop (xrf2)  }
0x175: {  	v31 =	vld [tilespmem:s26+$0x1460];
	v16 =	vmul.f32 v16, v19;
	v14, _, _ =	vpop (xrf2)  }
0x176: {  	v34 =	vld [tilespmem:s26+$0x2440];
	v15 =	vsub.f32 v15, v52;
	v56, _, _ =	vpop (xrf2)  }
0x177: {  	v29 =	vld [tilespmem:s26+$0x1410];
	(xrf2) =	vadd.scan.msk.f32 $0xffff, v16;
	v57, _, _ =	vpop (xrf2)  }
0x178: {  	v36 =	vld [tilespmem:s26+$0x3430];
	v15 =	vmul.f32 v15, v28;
	v58, _, _ =	vpop (xrf2)  }
0x179: {  	v37 =	vld [tilespmem:s26+$0x1430];
	v33 =	vperm.xlane v57, v0;
	v28 =	vperm.xlane v58, v0  }
0x17a: {  	v35 =	vld [tilespmem:s26+$0x3440];
	v32 =	vperm.xlane v56, v0;
	(xrf2) =	vadd.scan.msk.f32 $0xffff, v15  }
0x17b: {  	v39 =	vld [tilespmem:s26+$0x33C0];
	v14 =	vperm.xlane v14, v0;
	v28 =	vsel vm0, v33, v28;
	v60, _, _ =	vpop (xrf2)  }
0x17c: {  	v38 =	vld [tilespmem:s26+$0x2400];
	v28 =	vsel vm1, v28, v32;
	v61 =	vperm.xlane v60, v0  }
0x17d: {  	v48 =	vld [tilespmem:s26+$0x3400];
	v62 =	vperm.xlane v55, v0;
	v14 =	vsel vm2, v28, v14  }
0x17e: {  	v49 =	vld [tilespmem:s26+$0x1400];
	v18 =	vperm.xlane v18, v0;
	v44, _, _ =	vpop (xrf2);
	v14 =	vsel vm3, v14, v61  }
0x17f: {  	v21 =	vld [tilespmem:s26+$0x1470];
	v32 =	vperm.xlane v44, v0;
	v28 =	vsel vm4, v14, v62  }
0x180: {  	v17 =	vld [tilespmem:s26+$0x3470];
	v45 =	vperm.xlane v54, v0;
	v18 =	vsel vm5, v28, v18  }
0x181: {  	v24 =	vperm.xlane v51, v0;
	v51 =	vld [tilespmem:s26+$0x23E0];
	v26 =	vperm.xlane v53, v0;
	v46, _, _ =	vpop (xrf2);
	v18 =	vsel vm6, v18, v32  }
0x182: {  	v53 =	vld [tilespmem:s26+$0x33E0];
	v47 =	vperm.xlane v46, v0;
	v18 =	vsel vm7, v18, v45  }
0x183: {  	v54 =	vld [tilespmem:s26+$0x23D0];
	v18 =	vsel vm8, v18, v26  }
0x184: {  	v4 =	vadd.f32 v4, v4;
	v23 =	vperm.xlane v23, v0;
	v19 =	vld [tilespmem:s26+$0x2460];
	v50, _, _ =	vpop (xrf2);
	v18 =	vsel vm9, v18, v47  }
0x185: {  	v5 =	vadd.f32 $1.000000000e+00, v5;
	v55 =	vld [tilespmem:s26+$0x23B0];
	v52 =	vperm.xlane v50, v0;
	v18 =	vsel vm10, v18, v24  }
0x186: {  	v13 =	vadd.f32 $-1.000000000e+00, v13;
	v22 =	vperm.xlane v22, v0;
	v16 =	vld [tilespmem:s26+$0x1440];
	v18 =	vsel vm11, v18, v23  }
0x187: {  	v20 =	vperm.xlane v20, v0;
	v17 =	vsub.f32 v27, v17;
	v15 =	vld [tilespmem:s26+$0x2430];
	v18 =	vsel vm12, v18, v52  }
0x188: {  	v4 =	vmul.f32 v5, v4;
	v12 =	vmul.f32 v12, v13;
	v56 =	vld [tilespmem:s26+$0x33B0];
	v13 =	vsel vm13, v18, v22  }
0x189: {  	v5 =	vmul.f32 v17, v21;
	v17 =	vld [tilespmem:s26+$0x3380];
	v19 =	vsub.f32 v19, v25;
	v13 =	vsel vm14, v13, v20  }
0x18a: {  	v58 =	vld [tilespmem:s26+$0x13B0];
	v13 =	vsub.f32 $0.0e+00, v13  }
0x18b: {  	v33 =	vld [tilespmem:s26+$0x2410];
	v19 =	vmul.f32 v19, v31  }
0x18c: {  	v10 =	vadd.s32 $0xFFFFFF81, v10;
	v60 =	vld [tilespmem:s26+$0x2380];
	v22 =	vmul.f32 v12, v12;
	v13 =	vmul.f32 $1.442695020e+00, v13  }
0x18d: {  	v10 =	vcvt.s32.f32 v10;
	(xrf2) =	vadd.scan.msk.f32 $0xffff, v5;
	v15 =	vsub.f32 v15, v36;
	v36 =	vld [tilespmem:$0x1FFB0]  }
0x18e: {  	(xrf2) =	vadd.scan.msk.f32 $0xffff, v19;
	v19 =	vld [tilespmem:s26+$0x23C0];
	v44 =	vsel vm15, $0x3F800000, v2;
	v57 =	vmul.f32 v22, v1;
	(erf) = vpow2.f32 v13  }
0x18f: {  	v7 =	vshra.s32 v7, $0x17;
	v10 =	vadd.f32 v10, v44;
	v62 =	vld [tilespmem:s26+$0x1380]  }
0x190: {  	v7 =	vadd.s32 $0xFFFFFF81, v7;
	v61 =	vsub.f32 v34, v35;
	v23 =	vld [tilespmem:s26+$0x13E0];
	v42 =	vadd.f32 $1.428571490e-01, v57  }
0x191: {  	v7 =	vcvt.s32.f32 v7;
	v10 =	vmul.f32 $6.931471820e-01, v10;
	v18 =	vld [tilespmem:s26+$0x33D0]  }
0x192: {  	v30 =	vsub.f32 v33, v63;
	v16 =	vmul.f32 v61, v16;
	v20 =	vld [tilespmem:s26+$0x13D0];
	v42 =	vmul.f32 v42, v22  }
0x193: {  	v11 =	vadd.f32 $-1.000000000e+00, v11;
	v4 =	vadd.f32 v4, v10;
	v10 =	vmul.f32 v15, v37;
	v13 =	vld [tilespmem:s26+$0x33A0]  }
0x194: {  	v63 =	vld [tilespmem:s26+$0x2390];
	(xrf2) =	vadd.scan.msk.f32 $0xffff, v16;
	v16 =	vsub.f32 v38, v48;
	v15 =	vmul.f32 v30, v29;
	v21 =	vadd.f32 $2.000000030e-01, v42  }
0x195: {  	v9 =	vmul.f32 v9, v11;
	vm0 =	vnez.u8 v36;
	v37 =	vld [tilespmem:s26+$0x1390];
	(xrf2) =	vadd.scan.msk.f32 $0xffff, v10;
	v10 =	vsub.f32 v51, v53  }
0x196: {  	(xrf2) =	vadd.scan.msk.f32 $0xffff, v15;
	v15 =	vmul.f32 v16, v49;
	v16 =	vsub.f32 v54, v18;
	v5 =	vmul.f32 v21, v22;
	v21 =	vld [tilespmem:s26+$0x3390]  }
0x197: {  	v11 =	vsub.f32 v55, v56;
	v35 =	vsel vm0, $0x3F800000, v2;
	v51 =	vld [tilespmem:$0x1FFC0];
	v10 =	vmul.f32 v10, v23;
	v38 =	vpop (erf)  }
0x198: {  	(xrf2) =	vadd.scan.msk.f32 $0xffff, v15;
	v23 =	vld [tilespmem:s26+$0x13C0];
	v15 =	vmul.f32 v16, v20;
	v8 =	vsub.f32 v8, v13;
	v18 =	vadd.f32 $1.000000000e+00, v38  }
0x199: {  	(xrf2) =	vadd.scan.msk.f32 $0xffff, v10;
	v10 =	vmul.f32 v11, v58;
	v11 =	vsub.f32 v60, v17;
	v17 =	vld [tilespmem:s26+$0x2420];
	v16 =	vmul.f32 v9, v9  }
0x19a: {  	v42 =	vld [tilespmem:s26+$0x23F0];
	(xrf2) =	vadd.scan.msk.f32 $0xffff, v15;
	v5 =	vadd.f32 $3.333333430e-01, v5;
	v8 =	vmul.f32 v8, v59;
	(erf) = vrcp.f32 v18  }
0x19b: {  	(xrf2) =	vadd.scan.msk.f32 $0xffff, v10;
	v10 =	vmul.f32 v11, v62;
	v11 =	vld [tilespmem:s26+$0x3420];
	v15 =	vsub.f32 v63, v21;
	v21 =	vmul.f32 v16, v1  }
0x19c: {  	v20 =	vsub.f32 $0.0e+00, v4;
	v4, _, _ =	vpop (xrf2);
	v13 =	vld [tilespmem:s26+$0x33F0];
	v5 =	vmul.f32 v5, v22;
	v22 =	vadd.f32 v7, v35;
	(xrf2) =	vadd.scan.msk.f32 $0xffff, v8  }
0x19d: {  	v7, _, _ =	vpop (xrf2);
	(xrf2) =	vadd.scan.msk.f32 $0xffff, v10;
	v10 =	vsub.f32 v19, v39;
	v19 =	vld [tilespmem:s26+$0x1420];
	v8 =	vmul.f32 v15, v37;
	v21 =	vadd.f32 $1.428571490e-01, v21  }
0x19e: {  	v6 =	vshra.s32 v6, $0x17;
	v18 =	vld [tilespmem:s26+$0x13F0]  }
0x19f: {  	v12 =	vadd.f32 v12, v12;
	v43, _, _ =	vpop (xrf2);
	v15 =	vld [tilespmem:s26+$0x2450];
	v10 =	vmul.f32 v10, v23;
	(xrf2) =	vadd.scan.msk.f32 $0xffff, v8;
	v21 =	vmul.f32 v21, v16  }
0x1a0: {  	v6 =	vadd.s32 $0xFFFFFF81, v6;
	v3 =	vadd.f32 v20, v3;
	v5 =	vadd.f32 $1.000000000e+00, v5;
	v44, _, _ =	vpop (xrf2);
	v8 =	vld [tilespmem:s26+$0x3450]  }
0x1a1: {  	v6 =	vcvt.s32.f32 v6;
	v52 =	vld [tilespmem:$0x1FFD0];
	v13 =	vsub.f32 v42, v13;
	v20, _, _ =	vpop (xrf2);
	v21 =	vadd.f32 $2.000000030e-01, v21  }
0x1a2: {  	s25 =	simm.s32 $0x280;
	v14 =	vld [tilespmem:s26+$0x1450];
	v5 =	vmul.f32 v5, v12;
	v12 =	vmul.f32 $6.931471820e-01, v22;
	v46, _, _ =	vpop (xrf2);
	(xrf2) =	vadd.scan.msk.f32 $0xffff, v10  }
0x1a3: {  	v55 =	vld [tilespmem:s25+$0x3440];
	vm0 =	vnez.u8 v51;
	v11 =	vsub.f32 v17, v11;
	v13 =	vmul.f32 v13, v18;
	v10 =	vpop (erf)  }
0x1a4: {  	v56 =	vld [tilespmem:s25+$0x3430];
	v48, _, _ =	vpop (xrf2);
	v47 =	vadd.f32 v5, v12;
	v5 =	vmul.f32 v21, v16;
	v12 =	vadd.f32 $1.000000010e-10, v10  }
0x1a5: {  	v49 =	vld [tilespmem:s25+$0x3460];
	v32 =	vsel vm0, $0x3F800000, v2;
	v11 =	vmul.f32 v11, v19;
	v8 =	vsub.f32 v15, v8;
	v21, _, _ =	vpop (xrf2);
	(xrf2) =	vadd.scan.msk.f32 $0xffff, v13  }
0x1a6: {  	vm0 =	vnez.u8 v52;
	v18 =	vld [tilespmem:s25+$0x2460];
	v5 =	vadd.f32 $3.333333430e-01, v5;
	v50, _, _ =	vpop (xrf2);
	v17 =	vand.u32 $0x7FFFFF, v12  }
0x1a7: {  	v6 =	vadd.f32 v6, v32;
	v54 =	vld [tilespmem:s25+$0x2440];
	v8 =	vmul.f32 v8, v14;
	v53, _, _ =	vpop (xrf2);
	v13 =	vor.u32 $0x3F800000, v17  }
0x1a8: {  	v9 =	vadd.f32 v9, v9;
	v23 =	vld [tilespmem:s25+$0x2470];
	v5 =	vmul.f32 v5, v16;
	v16, _, _ =	vpop (xrf2);
	v19 =	vmul.f32 $5.000000000e-01, v13  }
0x1a9: {  	v22 =	vld [tilespmem:s25+$0x3470];
	v21 =	vperm.xlane v21, v0;
	(xrf2) =	vadd.scan.msk.f32 $0xffff, v11;
	v11, _, _ =	vpop (xrf2);
	v16 =	vperm.xlane v16, v0;
	vm15 =	vgt.f32 v13, $1.414213540e+00  }
0x1aa: {  	v10 =	vld [tilespmem:s25+$0x1460];
	v5 =	vadd.f32 $1.000000000e+00, v5;
	v11 =	vperm.xlane v11, v0;
	v13 =	vsel vm15, v19, v13  }
0x1ab: {  	v45 =	vld [tilespmem:s25+$0x1470];
	v14 =	vperm.xlane v53, v0;
	v18 =	vsub.f32 v18, v49;
	v19 =	vadd.f32 $1.000000000e+00, v13  }
0x1ac: {  	v15 =	vld [tilespmem:s25+$0x2430];
	v58, _, _ =	vpop (xrf2);
	v9 =	vmul.f32 v5, v9;
	v11 =	vsel vm0, v16, v11;
	v16 =	vperm.xlane v50, v0  }
0x1ad: {  	(xrf2) =	vadd.scan.msk.f32 $0xffff, v8;
	v17 =	vld [tilespmem:s25+$0x1440];
	v8 =	vperm.xlane v58, v0;
	v5 =	vsel vm1, v11, v14;
	(erf) = vrcp.f32 v19  }
0x1ae: {  	v14 =	vsub.f32 v23, v22;
	v23 =	vsub.f32 v54, v55;
	v16 =	vsel vm2, v5, v16  }
0x1af: {  	v10 =	vmul.f32 v18, v10;
	v8 =	vsel vm3, v16, v8;
	v16 =	vperm.xlane v48, v0;
	v59, _, _ =	vpop (xrf2)  }
0x1b0: {  	v61 =	vld [tilespmem:s25+$0x23E0];
	v14 =	vmul.f32 v14, v45;
	v8 =	vsel vm4, v8, v21;
	v18 =	vperm.xlane v59, v0  }
0x1b1: {  	v27 =	vperm.xlane v46, v0;
	v15 =	vsub.f32 v15, v56;
	v11 =	vld [tilespmem:s25+$0x1430];
	v8 =	vsel vm5, v8, v16  }
0x1b2: {  	v57 =	vld [tilespmem:s25+$0x2410];
	v17 =	vmul.f32 v23, v17;
	(xrf2) =	vadd.scan.msk.f32 $0xffff, v14;
	v8 =	vsel vm6, v8, v18;
	v18 =	vperm.xlane v20, v0  }
0x1b3: {  	v19 =	vld [tilespmem:s25+$0x3410];
	(xrf2) =	vadd.scan.msk.f32 $0xffff, v10;
	v8 =	vsel vm7, v8, v27  }
0x1b4: {  	v6 =	vmul.f32 $6.931471820e-01, v6;
	v22 =	vld [tilespmem:s25+$0x1410];
	v20, _, _ =	vpop (xrf2);
	(xrf2) =	vadd.scan.msk.f32 $0xffff, v17;
	v17 =	vsel vm8, v8, v18  }
0x1b5: {  	v4 =	vperm.xlane v4, v0;
	v13 =	vadd.f32 $-1.000000000e+00, v13;
	v21 =	vld [tilespmem:s25+$0x2400];
	v14 =	vperm.xlane v20, v0  }
0x1b6: {  	v16 =	vld [tilespmem:s25+$0x3400];
	v10 =	vperm.xlane v44, v0;
	v11 =	vmul.f32 v15, v11;
	v15 =	vpop (erf)  }
0x1b7: {  	v62 =	vld [tilespmem:s25+$0x13E0];
	v14 =	vsel vm9, v17, v14;
	v17, _, _ =	vpop (xrf2);
	v8 =	vmul.f32 v15, v13;
	v15 =	vperm.xlane v43, v0  }
0x1b8: {  	v23 =	vld [tilespmem:s25+$0x1400];
	v19 =	vsub.f32 v57, v19;
	v14 =	vsel vm10, v14, v10;
	v17 =	vperm.xlane v17, v0  }
0x1b9: {  	v7 =	vperm.xlane v7, v0;
	v6 =	vadd.f32 v9, v6;
	v20 =	vld [tilespmem:s25+$0x33E0];
	v9 =	vsel vm11, v14, v15  }
0x1ba: {  	v63 =	vld [tilespmem:s25+$0x13B0];
	v18 =	vmul.f32 v19, v22;
	v10 =	vmul.f32 v8, v8;
	v9 =	vsel vm12, v9, v17  }
0x1bb: {  	(xrf2) =	vadd.scan.msk.f32 $0xffff, v11;
	v11 =	vld [tilespmem:s25+$0x33D0];
	v22 =	vsub.f32 $0.0e+00, v6;
	v6 =	vsel vm13, v9, v7;
	v7 =	vsub.f32 v21, v16  }
0x1bc: {  	v13 =	vld [tilespmem:s25+$0x23D0];
	v14 =	vmul.f32 v10, v1;
	v4 =	vsel vm14, v6, v4  }
0x1bd: {  	v19 =	vld [tilespmem:s25+$0x23B0];
	(xrf2) =	vadd.scan.msk.f32 $0xffff, v18;
	v9 =	vsub.f32 $0.0e+00, v4;
	v7 =	vmul.f32 v7, v23  }
0x1be: {  	v18 =	vld [tilespmem:s25+$0x13D0];
	v15 =	vsub.f32 v61, v20;
	v6 =	vadd.f32 $1.428571490e-01, v14  }
0x1bf: {  	v17 =	vld [tilespmem:s25+$0x33B0];
	v9 =	vmul.f32 $1.442695020e+00, v9;
	(xrf2) =	vadd.scan.msk.f32 $0xffff, v7  }
0x1c0: {  	v5 =	vld [tilespmem:s25+$0x1450];
	v16 =	vmul.f32 v15, v62  }
0x1c1: {  	v20 =	vld [tilespmem:s25+$0x33A0];
	v11 =	vsub.f32 v13, v11;
	v4, _, _ =	vpop (xrf2);
	(erf) = vpow2.f32 v9  }
0x1c2: {  	v21 =	vld [tilespmem:s25+$0x23A0];
	v13 =	vmul.f32 v6, v10;
	v6, _, _ =	vpop (xrf2);
	(xrf2) =	vadd.scan.msk.f32 $0xffff, v16  }
0x1c3: {  	v60 =	vsub.f32 $0.0e+00, v47;
	v15 =	vld [tilespmem:s25+$0x2380];
	v11 =	vmul.f32 v11, v18  }
0x1c4: {  	v14 =	vld [tilespmem:s25+$0x13A0];
	v17 =	vsub.f32 v19, v17;
	v13 =	vadd.f32 $2.000000030e-01, v13  }
0x1c5: {  	v3 =	vadd.f32 v60, v3;
	v18 =	vld [tilespmem:s25+$0x3380];
	v7, _, _ =	vpop (xrf2);
	(xrf2) =	vadd.scan.msk.f32 $0xffff, v11  }
0x1c6: {  	v16 =	vld [tilespmem:s25+$0x1380];
	v19 =	vmul.f32 v17, v63;
	v9, _, _ =	vpop (xrf2);
	v13 =	vmul.f32 v13, v10  }
0x1c7: {  	s26 =	simm.s32 $0xE00;
	v12 =	vshra.s32 v12, $0x17;
	v3 =	vadd.f32 v22, v3;
	v20 =	vsub.f32 v21, v20;
	v17 =	vld [tilespmem:s25+$0x2390];
	v11, _, _ =	vpop (xrf2)  }
.LBB2_4:
0x1c8: {  	p0 =	sne.s32 s26, $0x3E00;
	v21 =	vld [tilespmem:s25+$0x3390];
	(xrf2) =	vadd.scan.msk.f32 $0xffff, v19;
	v12 =	vadd.s32 $0xFFFFFF81, v12;
	v13 =	vadd.f32 $3.333333430e-01, v13  }
0x1c9: {  	v14 =	vmul.f32 v20, v14;
	v19 =	vld [tilespmem:s25+$0x23C0];
	v20, _, _ =	vpop (xrf2);
	v12 =	vcvt.s32.f32 v12  }
0x1ca: {  	v23 =	vsel vm15, $0x3F800000, v2;
	v15 =	vsub.f32 v15, v18;
	v18 =	vld [tilespmem:s25+$0x1390];
	v22 =	vpop (erf);
	v10 =	vmul.f32 v13, v10  }
0x1cb: {  	v13 =	vld [tilespmem:s25+$0x33C0];
	(xrf2) =	vadd.scan.msk.f32 $0xffff, v14;
	v14 =	vadd.f32 $1.000000000e+00, v22;
	v12 =	vadd.f32 v12, v23  }
0x1cc: {  	v8 =	vadd.f32 v8, v8;
	v15 =	vmul.f32 v15, v16;
	v16 =	vld [tilespmem:s25+$0x23F0];
	v22, _, _ =	vpop (xrf2);
	v10 =	vadd.f32 $1.000000000e+00, v10  }
0x1cd: {  	v23 =	vsub.f32 v17, v21;
	v21 =	vld [tilespmem:s25+$0x13C0];
	(erf) = vrcp.f32 v14  }
0x1ce: {  	v14 =	vld [tilespmem:s25+$0x33F0];
	(xrf2) =	vadd.scan.msk.f32 $0xffff, v15;
	v8 =	vmul.f32 v10, v8;
	v10 =	vmul.f32 $6.931471820e-01, v12  }
0x1cf: {  	v12 =	vmul.f32 v23, v18;
	v15 =	vld [tilespmem:s25+$0x2420];
	v17, _, _ =	vpop (xrf2)  }
0x1d0: {  	v13 =	vsub.f32 v19, v13;
	v18 =	vld [tilespmem:s25+$0x13F0];
	v8 =	vadd.f32 v8, v10  }
0x1d1: {  	v10 =	vld [tilespmem:s25+$0x3420];
	(xrf2) =	vadd.scan.msk.f32 $0xffff, v12  }
0x1d2: {  	v12 =	vmul.f32 v13, v21;
	v13 =	vld [tilespmem:s25+$0x2450];
	v19, _, _ =	vpop (xrf2);
	v8 =	vsub.f32 $0.0e+00, v8  }
0x1d3: {  	v23 =	vsub.f32 v16, v14;
	v16 =	vld [tilespmem:s25+$0x1420]  }
0x1d4: {  	v21 =	vld [tilespmem:s25+$0x3450];
	s25 =	sshra.s32 s26, $0x2;
	(xrf2) =	vadd.scan.msk.f32 $0xffff, v12;
	v3 =	vadd.f32 v8, v3  }
0x1d5: {  	v8 =	vld [tilespmem:s25+$0x2470];
	v12 =	vmul.f32 v23, v18;
	v14, _, _ =	vpop (xrf2)  }
0x1d6: {  	v18 =	vld [tilespmem:s25+$0x3470];
	v10 =	vsub.f32 v15, v10;
	v15 =	vpop (erf)  }
0x1d7: {  	v23 =	vld [tilespmem:s25+$0x1470];
	(xrf2) =	vadd.scan.msk.f32 $0xffff, v12;
	v12 =	vadd.f32 $1.000000010e-10, v15  }
0x1d8: {  	v15 =	vld [tilespmem:s25+$0x1460];
	v10 =	vmul.f32 v10, v16;
	v16, _, _ =	vpop (xrf2)  }
0x1d9: {  	v24 =	vld [tilespmem:s25+$0x2460];
	v26 =	vsub.f32 v13, v21;
	v21 =	vand.u32 $0x7FFFFF, v12  }
0x1da: {  	v25 =	vld [tilespmem:s25+$0x3460];
	(xrf2) =	vadd.scan.msk.f32 $0xffff, v10;
	v10 =	vor.u32 $0x3F800000, v21  }
0x1db: {  	v21 =	vld [tilespmem:s25+$0x1440];
	v8 =	vsub.f32 v8, v18;
	v5 =	vmul.f32 v26, v5;
	v13, _, _ =	vpop (xrf2);
	v18 =	vmul.f32 $5.000000000e-01, v10  }
0x1dc: {  	v28 =	vperm.xlane v16, v0;
	vm15 =	vgt.f32 v10, $1.414213540e+00;
	v26 =	vld [tilespmem:s25+$0x2440];
	v13 =	vperm.xlane v13, v0  }
0x1dd: {  	v14 =	vperm.xlane v14, v0;
	v27 =	vld [tilespmem:s25+$0x3440];
	v8 =	vmul.f32 v8, v23;
	(xrf2) =	vadd.scan.msk.f32 $0xffff, v5;
	v10 =	vsel vm15, v18, v10  }
0x1de: {  	v18 =	vld [tilespmem:s25+$0x2430];
	v5 =	vsel vm0, v28, v13;
	v13 =	vperm.xlane v19, v0;
	v16, _, _ =	vpop (xrf2);
	v19 =	vadd.f32 $1.000000000e+00, v10  }
0x1df: {  	v23 =	vld [tilespmem:s25+$0x3430];
	v24 =	vsub.f32 v24, v25;
	v5 =	vsel vm1, v5, v14;
	v14 =	vperm.xlane v16, v0  }
0x1e0: {  	v16 =	vld [tilespmem:s25+$0x2410];
	(xrf2) =	vadd.scan.msk.f32 $0xffff, v8;
	v5 =	vsel vm2, v5, v13;
	v8 =	vperm.xlane v17, v0;
	(erf) = vrcp.f32 v19  }
0x1e1: {  	v13 =	vld [tilespmem:s25+$0x3410];
	v15 =	vmul.f32 v24, v15;
	v5 =	vsel vm3, v5, v14;
	v14 =	vperm.xlane v22, v0;
	v17, _, _ =	vpop (xrf2)  }
0x1e2: {  	v19 =	vld [tilespmem:s25+$0x1430];
	v22 =	vsub.f32 v26, v27;
	v8 =	vsel vm4, v5, v8;
	v24 =	vperm.xlane v17, v0  }
0x1e3: {  	v5 =	vld [tilespmem:s25+$0x1450];
	(xrf2) =	vadd.scan.msk.f32 $0xffff, v15;
	v8 =	vsel vm5, v8, v14;
	v14 =	vperm.xlane v20, v0  }
0x1e4: {  	v11 =	vperm.xlane v11, v0;
	v15 =	vld [tilespmem:s25+$0x1410];
	v20 =	vmul.f32 v22, v21;
	v8 =	vsel vm6, v8, v24;
	v17, _, _ =	vpop (xrf2)  }
0x1e5: {  	v18 =	vsub.f32 v18, v23;
	v21 =	vld [tilespmem:s25+$0x2400];
	v8 =	vsel vm7, v8, v14;
	v22 =	vperm.xlane v17, v0  }
0x1e6: {  	v9 =	vperm.xlane v9, v0;
	v17 =	vld [tilespmem:s25+$0x3400];
	v13 =	vsub.f32 v16, v13;
	(xrf2) =	vadd.scan.msk.f32 $0xffff, v20;
	v8 =	vsel vm8, v8, v11  }
0x1e7: {  	v7 =	vperm.xlane v7, v0;
	v11 =	vld [tilespmem:s25+$0x1400];
	v16 =	vmul.f32 v18, v19;
	v20 =	vsel vm9, v8, v22;
	v14, _, _ =	vpop (xrf2)  }
0x1e8: {  	v10 =	vadd.f32 $-1.000000000e+00, v10;
	v18 =	vld [tilespmem:s25+$0x23E0];
	v19 =	vsel vm10, v20, v9;
	v9 =	vperm.xlane v14, v0  }
0x1e9: {  	v6 =	vperm.xlane v6, v0;
	v14 =	vld [tilespmem:s25+$0x33E0];
	v13 =	vmul.f32 v13, v15;
	(xrf2) =	vadd.scan.msk.f32 $0xffff, v16;
	v7 =	vsel vm11, v19, v7;
	v8 =	vpop (erf)  }
0x1ea: {  	v15 =	vld [tilespmem:s25+$0x13E0];
	v7 =	vsel vm12, v7, v9;
	v9 =	vperm.xlane v4, v0;
	v4, _, _ =	vpop (xrf2);
	v8 =	vmul.f32 v8, v10  }
0x1eb: {  	v16 =	vld [tilespmem:s25+$0x23D0];
	v17 =	vsub.f32 v21, v17;
	v20 =	vsel vm13, v7, v6  }
0x1ec: {  	v19 =	vld [tilespmem:s25+$0x33D0];
	(xrf2) =	vadd.scan.msk.f32 $0xffff, v13;
	v7 =	vsel vm14, v20, v9;
	v10 =	vmul.f32 v8, v8  }
0x1ed: {  	v9 =	vld [tilespmem:s25+$0x13D0];
	v11 =	vmul.f32 v17, v11;
	v6, _, _ =	vpop (xrf2);
	v21 =	vsub.f32 $0.0e+00, v7  }
0x1ee: {  	v13 =	vld [tilespmem:s25+$0x23B0];
	v14 =	vsub.f32 v18, v14;
	v17 =	vmul.f32 v10, v1  }
0x1ef: {  	v18 =	vld [tilespmem:s25+$0x33B0];
	(xrf2) =	vadd.scan.msk.f32 $0xffff, v11;
	v11 =	vmul.f32 $1.442695020e+00, v21  }
0x1f0: {  	v20 =	vld [tilespmem:s25+$0x13B0];
	v14 =	vmul.f32 v14, v15;
	v7, _, _ =	vpop (xrf2);
	v15 =	vadd.f32 $1.428571490e-01, v17  }
0x1f1: {  	v21 =	vld [tilespmem:s25+$0x23A0];
	v16 =	vsub.f32 v16, v19;
	(erf) = vpow2.f32 v11  }
0x1f2: {  	v22 =	vld [tilespmem:s25+$0x33A0];
	(xrf2) =	vadd.scan.msk.f32 $0xffff, v14;
	v11 =	vmul.f32 v15, v10  }
.Ltmp1:
0x1f3: {  	v14 =	vld [tilespmem:s25+$0x13A0];
	v16 =	vmul.f32 v16, v9;
	v9, _, _ =	vpop (xrf2);
	(pc) =	sbr.rel @p0 .LBB2_4-.Ltmp1, $4  }
0x1f4: {  	v15 =	vld [tilespmem:s25+$0x2380];
	v13 =	vsub.f32 v13, v18;
	v17 =	vadd.f32 $2.000000030e-01, v11  }
0x1f5: {  	v18 =	vld [tilespmem:s25+$0x3380];
	(xrf2) =	vadd.scan.msk.f32 $0xffff, v16  }
0x1f6: {  	v16 =	vld [tilespmem:s25+$0x1380];
	v19 =	vmul.f32 v13, v20;
	v11, _, _ =	vpop (xrf2);
	v13 =	vmul.f32 v17, v10  }
0x1f7: {  	s26 =	sadd.s32 $0x400, s26;
	v12 =	vshra.s32 v12, $0x17;
	v17 =	vld [tilespmem:s25+$0x2390];
	v20 =	vsub.f32 v21, v22  }
0x1f8: {  	v21 =	vld [tilespmem:s25+$0x3390]  }
0x1f9: {  	v22 =	vld [tilespmem:s25+$0x23C0]  }
0x1fa: {  	v23 =	vld [tilespmem:s25+$0x1390]  }
0x1fb: {  	v24 =	vld [tilespmem:s25+$0x33C0]  }
0x1fc: {  	v43 =	vld [tilespmem:s25+$0x23F0];
	v15 =	vsub.f32 v15, v18  }
0x1fd: {  	v44 =	vld [tilespmem:s25+$0x13C0];
	v14 =	vmul.f32 v20, v14;
	v17 =	vsub.f32 v17, v21  }
0x1fe: {  	(xrf2) =	vadd.scan.msk.f32 $0xffff, v19;
	v46 =	vld [tilespmem:s25+$0x33F0];
	v45 =	vmul.f32 v15, v16  }
0x1ff: {  	v48 =	vld [tilespmem:s25+$0x2420];
	(xrf2) =	vadd.scan.msk.f32 $0xffff, v14;
	v47 =	vmul.f32 v17, v23  }
0x200: {  	v50 =	vld [tilespmem:s25+$0x13F0];
	v49 =	vsub.f32 v22, v24;
	(xrf2) =	vadd.scan.msk.f32 $0xffff, v45  }
0x201: {  	v51 =	vld [tilespmem:s25+$0x3420];
	(xrf2) =	vadd.scan.msk.f32 $0xffff, v47  }
0x202: {  	v52 =	vld [tilespmem:s25+$0x2450];
	v14 =	vmul.f32 v49, v44  }
0x203: {  	v53 =	vld [tilespmem:s25+$0x1420];
	v15 =	vsub.f32 v43, v46  }
0x204: {  	v55 =	vld [tilespmem:s25+$0x3450];
	v54, _, _ =	vpop (xrf2);
	(xrf2) =	vadd.scan.msk.f32 $0xffff, v14  }
0x205: {  	v60 =	vpop (erf);
	v15 =	vmul.f32 v15, v50  }
0x206: {  	v56, _, _ =	vpop (xrf2);
	v17 =	vsub.f32 v48, v51  }
0x207: {  	v57, _, _ =	vpop (xrf2);
	(xrf2) =	vadd.scan.msk.f32 $0xffff, v15  }
0x208: {  	v17 =	vmul.f32 v17, v53;
	v58, _, _ =	vpop (xrf2)  }
0x209: {  	v62 =	vadd.f32 $1.000000000e+00, v60;
	v16 =	vsub.f32 v52, v55;
	v59, _, _ =	vpop (xrf2)  }
0x20a: {  	(xrf2) =	vadd.scan.msk.f32 $0xffff, v17;
	v61, _, _ =	vpop (xrf2)  }
0x20b: {  	(erf) = vrcp.f32 v62;
	v5 =	vmul.f32 v16, v5;
	v63, _, _ =	vpop (xrf2)  }
0x20c: {  	v22 =	vperm.xlane v61, v0;
	v16 =	vperm.xlane v63, v0  }
0x20d: {  	(xrf2) =	vadd.scan.msk.f32 $0xffff, v5;
	v15 =	vperm.xlane v59, v0  }
0x20e: {  	v24 =	vperm.xlane v58, v0;
	v25, _, _ =	vpop (xrf2);
	v23 =	vsel vm0, v22, v16  }
0x20f: {  	v26 =	vperm.xlane v25, v0;
	v5 =	vsel vm1, v23, v15  }
0x210: {  	v27 =	vperm.xlane v57, v0;
	v5 =	vsel vm2, v5, v24  }
0x211: {  	v14 =	vperm.xlane v56, v0;
	v28, _, _ =	vpop (xrf2);
	v5 =	vsel vm3, v5, v26  }
0x212: {  	v15 =	vperm.xlane v28, v0;
	v5 =	vsel vm4, v5, v27  }
0x213: {  	v29 =	vperm.xlane v54, v0;
	v5 =	vsel vm5, v5, v14  }
0x214: {  	v11 =	vperm.xlane v11, v0;
	v30, _, _ =	vpop (xrf2);
	v5 =	vsel vm6, v5, v15  }
0x215: {  	v32 =	vpop (erf);
	v31 =	vperm.xlane v30, v0;
	v5 =	vsel vm7, v5, v29  }
0x216: {  	v9 =	vperm.xlane v9, v0;
	v33 =	vadd.f32 $1.000000010e-10, v32;
	v5 =	vsel vm8, v5, v11  }
0x217: {  	v7 =	vperm.xlane v7, v0;
	v34, _, _ =	vpop (xrf2);
	v5 =	vsel vm9, v5, v31  }
0x218: {  	v36 =	vand.u32 $0x7FFFFF, v33;
	v35 =	vperm.xlane v34, v0;
	v5 =	vsel vm10, v5, v9  }
0x219: {  	v6 =	vperm.xlane v6, v0;
	v37 =	vor.u32 $0x3F800000, v36;
	v5 =	vsel vm11, v5, v7  }
0x21a: {  	v39 =	vimm.s32 $0x0;
	vm2 =	vgt.f32 v37, $1.414213540e+00;
	v5 =	vsel vm12, v5, v35  }
0x21b: {  	v5 =	vsel vm13, v5, v6;
	v6 =	vsel vm2, $0xFFFFFFFF, v39  }
0x21c: {  	[tilespmem:$0x1FF90] =	vst v6  }
0x21d: {  	v40 =	vld [tilespmem:$0x1FF90];
	_ =	sdelay $0x2  }
0x21e: {  	v4 =	vperm.xlane v4, v0  }
0x21f: {  	v38 =	vmul.f32 $5.000000000e-01, v37  }
0x220: {  	v4 =	vsel vm14, v5, v4;
	vm2 =	vnez.u8 v40  }
0x221: {  	v4 =	vsub.f32 $0.0e+00, v4;
	v5 =	vsel vm2, v38, v37  }
0x222: {  	v41 =	vadd.f32 $1.000000000e+00, v5  }
0x223: {  	v4 =	vmul.f32 $1.442695020e+00, v4  }
0x224: {  	(erf) = vrcp.f32 v41  }
0x225: {  	(erf) = vpow2.f32 v4;
	_ =	sdelay $0x7  }
0x226: {  	v42 =	vpop (erf)  }
0x227: {  	v43 =	vpop (erf)  }
0x228: {  	v6 =	vadd.f32 $1.000000000e+00, v43;
	_ =	sdelay $0x1  }
0x229: {  	(erf) = vrcp.f32 v6;
	_ =	sdelay $0x8  }
0x22a: {  	v6 =	vpop (erf)  }
0x22b: {  	v6 =	vadd.f32 $1.000000010e-10, v6;
	_ =	sdelay $0x1  }
0x22c: {  	v44 =	vand.u32 $0x7FFFFF, v6  }
0x22d: {  	v7 =	vor.u32 $0x3F800000, v44  }
0x22e: {  	v45 =	vmul.f32 $5.000000000e-01, v7  }
0x22f: {  	vm2 =	vgt.f32 v7, $1.414213540e+00  }
0x230: {  	v7 =	vsel vm2, v45, v7  }
0x231: {  	v9 =	vadd.f32 $1.000000000e+00, v7;
	_ =	sdelay $0x1  }
0x232: {  	(erf) = vrcp.f32 v9;
	_ =	sdelay $0x5  }
0x233: {  	v5 =	vadd.f32 $-1.000000000e+00, v5;
	_ =	sdelay $0x1  }
0x234: {  	v4 =	vmul.f32 v42, v5;
	v47 =	vadd.f32 $-1.000000000e+00, v7  }
0x235: {  	v9 =	vpop (erf)  }
0x236: {  	v48 =	vmul.f32 v4, v4;
	v5 =	vmul.f32 v9, v47;
	_ =	sdelay $0x1  }
0x237: {  	v49 =	vmul.f32 v48, v1;
	v50 =	vmul.f32 v5, v5  }
0x238: {  	v13 =	vadd.f32 $3.333333430e-01, v13;
	v12 =	vadd.s32 $0xFFFFFF81, v12  }
0x239: {  	v8 =	vadd.f32 v8, v8;
	v9 =	vadd.f32 $1.428571490e-01, v49;
	v51 =	vmul.f32 v50, v1  }
0x23a: {  	v12 =	vcvt.s32.f32 v12;
	v10 =	vmul.f32 v13, v10;
	v46 =	vimm.s32 $0x0  }
0x23b: {  	v52 =	vsel vm15, $0x3F800000, v2;
	v9 =	vmul.f32 v9, v48;
	v15 =	vadd.f32 $1.428571490e-01, v51  }
0x23c: {  	v10 =	vadd.f32 $1.000000000e+00, v10;
	v12 =	vadd.f32 v12, v52;
	v14 =	vsel vm2, $0xFFFFFFFF, v46  }
0x23d: {  	v54 =	vld [tilespmem:$0x1FF90];
	[tilespmem:$0x1FFA0] =	vst v14;
	v9 =	vadd.f32 $2.000000030e-01, v9;
	v15 =	vmul.f32 v15, v50  }
0x23e: {  	v8 =	vmul.f32 v10, v8;
	v56 =	vmul.f32 $6.931471820e-01, v12;
	v11 =	vshra.s32 v33, $0x17;
	v60 =	vld [tilespmem:$0x1FFA0]  }
0x23f: {  	v11 =	vadd.s32 $0xFFFFFF81, v11;
	v9 =	vmul.f32 v9, v48;
	v53 =	vadd.f32 $2.000000030e-01, v15  }
0x240: {  	v8 =	vadd.f32 v8, v56;
	v58 =	vcvt.s32.f32 v11  }
0x241: {  	v6 =	vshra.s32 v6, $0x17;
	v9 =	vadd.f32 $3.333333430e-01, v9;
	v57 =	vmul.f32 v53, v50  }
0x242: {  	v4 =	vadd.f32 v4, v4;
	v6 =	vadd.s32 $0xFFFFFF81, v6;
	vm2 =	vnez.u8 v54  }
0x243: {  	vm15 =	vnez.u8 v60;
	v7 =	vmul.f32 v9, v48;
	v59 =	vadd.f32 $3.333333430e-01, v57  }
0x244: {  	v6 =	vcvt.s32.f32 v6;
	v12 =	vsel vm15, $0x3F800000, v2;
	v15 =	vsel vm2, $0x3F800000, v2  }
0x245: {  	v9 =	vadd.f32 v58, v15;
	v7 =	vadd.f32 $1.000000000e+00, v7;
	v11 =	vmul.f32 v59, v50  }
0x246: {  	v6 =	vadd.f32 v6, v12;
	v5 =	vadd.f32 v5, v5  }
0x247: {  	v61 =	vmul.f32 $6.931471820e-01, v9;
	v4 =	vmul.f32 v7, v4;
	v62 =	vadd.f32 $1.000000000e+00, v11  }
0x248: {  	v8 =	vsub.f32 $0.0e+00, v8  }
0x249: {  	v6 =	vmul.f32 $6.931471820e-01, v6;
	v4 =	vadd.f32 v4, v61;
	v5 =	vmul.f32 v62, v5  }
0x24a: {  	v3 =	vadd.f32 v8, v3  }
0x24b: {  	v4 =	vsub.f32 $0.0e+00, v4;
	v5 =	vadd.f32 v5, v6;
	_ =	sdelay $0x1  }
0x24c: {  	v3 =	vadd.f32 v4, v3;
	v63 =	vsub.f32 $0.0e+00, v5;
	_ =	sdelay $0x1  }
0x24d: {  	s24 =	sadd.s32 $0x1, s24;
	v3 =	vadd.f32 v63, v3  }
0x24e: {  	p0 =	sne.s32 s24, s8;
	v55 =	vld [tilespmem:$0x1FFF0]  }
.Ltmp2:
0x24f: {  	[tilespmem:$0x4400] =	vst v3;
	(pc) =	sbr.rel @p0 .LBB2_1-.Ltmp2, $4  }
0x250: {  	[hbm4b:s7+s2] =	stream.linear.scatter [tilespmem:s23], [sflag:$0x2], $0x10, $0x38;
	[tilespmem:$0x4410] =	vst v63  }
0x251: {  	_ =	swait.ge [sflag:s9], $0x10  }
0x252: {  	[sflag:s9] =	ssyncset.done $0x0  }
0x253: {  	vm2 =	vnez.u8 v55;
	[sflag:s9] =	ssyncadd.s32 $0xFFFFFFF0  }
0x254: {  	_ =	sfence.sel $0x180000  }
0x255: {  	[bflag:$0x0] =	sbarrier.arrive $0xFFFF  }
0x256: {  	p0 =	sne.s32 s1, $0x0;
	_ =	strace $0x9000004A  }
0x257: {  	s0 =	sadd.s32 @!p0 $0x100000, s0;
	[bflag:$0x2] =	sbarrier.arrive $0xFFFF  }
0x258: {  	[sflag:s0] =	ssyncadd.tile.s32 @!p0 $0x1;
	_ =	shalt  }
.Lfunc_end2:
_tile_overlayer_lowered:
.L_overlay_start_2:
0x259: {  	(tag) =	ssettag $0x2  }
0x25a: {  	s0 =	rddreg [dreg:$0x0];
	s2 =	stileid.u32  }
0x25b: {  	s1 =	rddreg [dreg:$0x1];
	p0 =	sne.s32 s2, $0x0  }
0x25c: {  	s3 =	rddreg [dreg:$0x2];
	[bflag:$0x3] =	sbarrier.arrive $0xFFFF;
	s2 =	simm.s32 @!p0 $0x1C02  }
0x25d: {  	[timem:s3], [sflag:s2] =	dma.local @!p0 [hbm:s0], s1  }
0x25e: {  	s0 =	simm.s32 @!p0 $0x2  }
0x25f: {  	_ =	swait.ge @!p0 [sflag:s0], s1  }
0x260: {  	s1 =	ssub.s32 @!p0 $0x0, s1;
	[sflag:s0] =	ssyncset.done @!p0 $0x0  }
0x261: {  	[sflag:s0] =	ssyncadd.s32 @!p0 s1  }
0x262: {  	[bflag:$0x3] =	sbarrier.arrive $0xFFFF  }
0x263: {  	_ =	shalt  }

</sc_bundles>
